<compile_context>
chip_gen: v7x
topology: tpu7x:2x2x1
jax: 0.10.2.dev20260603
libtpu: 0.0.44.dev20260713+nightly
codegen_flags: <defaults>
</compile_context>

<pallas_src>
import jax
import jax.numpy as jnp
from jax import lax
from jax.experimental import pallas as pl
from jax.experimental.pallas import tpu as pltpu
from jax.experimental.pallas import tpu_sc as plsc

B, T, N, C = 64, 12, 10000, 3
TIMES = 288
DAYS = 7
F = 64
NC, NS, L = 2, 16, 16
NW = NC * NS
B_PER_W = B // NW
FQ = 4
XCH = 2560
TOD_STRIDE = F + 1
DOW_STRIDE = DAYS * F + 1


def _body(x_hbm, tod_hbm, dow_hbm, out_hbm,
          slab_v, pidx_v, dowr_v, fus_v, bufa_v, bufb_v, sem_a, sem_b):
    wid = lax.axis_index("s") * NC + lax.axis_index("c")
    iota = lax.broadcasted_iota(jnp.int32, (L,), 0)

    pltpu.sync_copy(dow_hbm, slab_v.at[pl.ds(0, DAYS * F)])

    @plsc.parallel_loop(0, L, step=1)
    def _(l):
        for i in range(DAYS * F // L):
            dowr_v[pl.ds(l * DOW_STRIDE + L * i, L)] = (
                slab_v[pl.ds(L * i, L)])

    lane_off = DOW_STRIDE * iota
    fus_state = jnp.int32(-2)

    for rb in range(B_PER_W):
        b = wid * B_PER_W + rb

        dminmax0 = (jnp.int32(DAYS), jnp.int32(-1))
        for tok0 in range(0, N, XCH):
            tok = min(XCH, N - tok0)
            pltpu.sync_copy(x_hbm.at[b, 0, pl.ds(3 * tok0, 3 * tok)],
                            slab_v.at[pl.ds(0, 3 * tok)])

            def idx_body_c(i, dmm, tok0=tok0):
                n0 = i * L
                base = 3 * n0 + 3 * iota
                v1 = plsc.load_gather(slab_v, [base + 1])
                v2 = plsc.load_gather(slab_v, [base + 2])
                k65 = (v1 * TIMES).astype(jnp.int32) * TOD_STRIDE
                d = v2.astype(jnp.int32)
                pidx_v[pl.ds(tok0 + n0, L)] = k65 | ((d * F) << 16)
                return (jnp.minimum(dmm[0], jnp.min(d)),
                        jnp.maximum(dmm[1], jnp.max(d)))

            dminmax0 = lax.fori_loop(0, tok // L, idx_body_c, dminmax0)

        dmin, dmax = dminmax0

        uniform_d = dmin == dmax

        want = jnp.where(uniform_d, dmin, jnp.int32(-1))
        rebuild = fus_state != want
        fus_state = want

        @pl.when(rebuild)
        def _():
            pltpu.sync_copy(tod_hbm, fus_v.at[pl.ds(0, TIMES * F)])

            def restride_body(kk, _):
                k = TIMES - 1 - kk
                for i in range(F // L):
                    off = (F - L) - L * i
                    fus_v[pl.ds(k * TOD_STRIDE + off, L)] = (
                        fus_v[pl.ds(k * F + off, L)])
                return 0

            lax.fori_loop(0, TIMES, restride_body, 0)

            @pl.when(uniform_d)
            def _():
                d0 = dmin * F

                @plsc.parallel_loop(0, TIMES, step=1, unroll=4)
                def _(kk):
                    for i in range(F // L):
                        fus_v[pl.ds(kk * TOD_STRIDE + L * i, L)] = (
                            fus_v[pl.ds(kk * TOD_STRIDE + L * i, L)]
                            + dowr_v[pl.ds(d0 + L * i, L)])

        def compute_pair(f0, buf):
            @pl.when(uniform_d)
            def _():
                @plsc.parallel_loop(0, N, step=L, unroll=5)
                def _(n0):
                    k = pidx_v[pl.ds(n0, L)] & 0xFFFF
                    for j in range(4):
                        buf[j, pl.ds(n0, L)] = (
                            plsc.load_gather(fus_v, [k + (f0 + j)]))

            @pl.when(jnp.logical_not(uniform_d))
            def _():
                @plsc.parallel_loop(0, N, step=L, unroll=5)
                def _(n0):
                    p = pidx_v[pl.ds(n0, L)]
                    k = p & 0xFFFF
                    d = lane_off + (p >> 16)
                    for j in range(4):
                        buf[j, pl.ds(n0, L)] = (
                            plsc.load_gather(fus_v, [k + (f0 + j)])
                            + plsc.load_gather(dowr_v, [d + (f0 + j)]))

        def quad_body(cc, _):
            f0 = 2 * FQ * cc
            row0 = b * F + f0

            @pl.when(cc > 0)
            def _():
                pltpu.make_async_copy(
                    bufa_v, out_hbm.at[pl.ds(0, 4)], sem_a).wait()

            compute_pair(f0, bufa_v)
            pltpu.async_copy(bufa_v, out_hbm.at[pl.ds(row0, 4)], sem_a)

            @pl.when(cc > 0)
            def _():
                pltpu.make_async_copy(
                    bufb_v, out_hbm.at[pl.ds(0, 4)], sem_b).wait()

            compute_pair(f0 + 4, bufb_v)
            pltpu.async_copy(bufb_v, out_hbm.at[pl.ds(row0 + 4, 4)], sem_b)
            return 0

        lax.fori_loop(0, F // (2 * FQ), quad_body, 0)
        pltpu.make_async_copy(bufa_v, out_hbm.at[pl.ds(0, 4)], sem_a).wait()
        pltpu.make_async_copy(bufb_v, out_hbm.at[pl.ds(0, 4)], sem_b).wait()


def kernel(x, time_of_day, day_of_week):
    mesh = plsc.VectorSubcoreMesh(core_axis_name="c", subcore_axis_name="s",
                                  num_cores=NC, num_subcores=NS)
    out = pl.kernel(
        _body,
        out_type=jax.ShapeDtypeStruct((B * F, N), jnp.float32),
        mesh=mesh,
        compiler_params=pltpu.CompilerParams(needs_layout_passes=False),
        scratch_types=[
            pltpu.VMEM((3 * XCH,), jnp.float32),
            pltpu.VMEM((N,), jnp.int32),
            pltpu.VMEM((L * DOW_STRIDE,), jnp.float32),
            pltpu.VMEM((TIMES * TOD_STRIDE,), jnp.float32),
            pltpu.VMEM((4, N), jnp.float32),
            pltpu.VMEM((4, N), jnp.float32),
            pltpu.SemaphoreType.DMA,
            pltpu.SemaphoreType.DMA,
        ],
    )(x[:, -1].reshape(B, 1, N * C),
      time_of_day.reshape(-1), day_of_week.reshape(-1))
    return out.reshape(B, F, N, 1)

# --- scband reference (transcript-rebuilt; emitter-appended) ---
"""Pipeline reference for scband-temporal-embedding-35287451304375 (READ-ONLY COPY).

The authoritative reference and input builder live on the scoring server;
editing this copy changes nothing except your own understanding.
"""

import jax, jax.numpy as jnp
import numpy as np

TIMES = 288
FEATURES = 64
B, T, N, C = 64, 12, 10000, 3

def _xavier_uniform(key, shape):
    fan_in, fan_out = shape[0], shape[1]
    bound = float(np.sqrt(6.0 / (fan_in + fan_out)))
    return jax.random.uniform(key, shape, dtype=jnp.float32, minval=-bound, maxval=bound)

def setup_inputs(seed: int = 0) -> dict:
    key = jax.random.key(seed)
    k1, k2, k3 = jax.random.split(key, 3)
    x = jax.random.uniform(k1, (B, T, N, C), dtype=jnp.float32)
    time_of_day = _xavier_uniform(k2, (TIMES, FEATURES))
    day_of_week = _xavier_uniform(k3, (7, FEATURES))
    return {"x": x, "time_of_day": time_of_day, "day_of_week": day_of_week}

def reference(x, time_of_day, day_of_week):
    times = time_of_day.shape[0]
    day_emb = x[..., 1]                                   # [B, T, N]
    tod_idx = (day_emb[:, -1, :] * times).astype(jnp.int32)  # [B, N], trunc like torch LongTensor cast
    tod = jnp.take(time_of_day, tod_idx, axis=0)          # [B, N, F]
    tod = jnp.transpose(tod, (0, 2, 1))[..., None]        # [B, F, N, 1]
    week_emb = x[..., 2]                                  # [B, T, N]
    dow_idx = week_emb[:, -1, :].astype(jnp.int32)        # [B, N]
    dow = jnp.take(day_of_week, dow_idx, axis=0)          # [B, N, F]
    dow = jnp.transpose(dow, (0, 2, 1))[..., None]        # [B, F, N, 1]
    temp_emb = tod + dow
    return temp_emb

if __name__ == "__main__":
    import jax
    _d = setup_inputs()
    print(jax.jit(kernel)(*tuple(_d.values())))

</pallas_src>

<mosaic_0001>
#map = affine_map<(d0, d1) -> (0, 0, 0)>
#map1 = affine_map<(d0, d1) -> (0)>
#map2 = affine_map<(d0, d1) -> (0, 0)>
module attributes {stable_mosaic.version = 14 : i64} {
  func.func @_body(%arg0: i32, %arg1: i32, %arg2: memref<64x1x30000xf32, #tpu.memory_space<hbm>>, %arg3: memref<18432xf32, #tpu.memory_space<hbm>>, %arg4: memref<448xf32, #tpu.memory_space<hbm>>, %arg5: memref<4096x10000xf32, #tpu.memory_space<hbm>>, %arg6: memref<7680xf32, #tpu.memory_space<vmem>>, %arg7: memref<10000xi32, #tpu.memory_space<vmem>>, %arg8: memref<7184xf32, #tpu.memory_space<vmem>>, %arg9: memref<18720xf32, #tpu.memory_space<vmem>>, %arg10: memref<4x10000xf32, #tpu.memory_space<vmem>>, %arg11: memref<4x10000xf32, #tpu.memory_space<vmem>>, %arg12: memref<!tpu.dma_semaphore, #tpu.memory_space<semaphore_mem>>, %arg13: memref<!tpu.dma_semaphore, #tpu.memory_space<semaphore_mem>>) attributes {dimension_semantics = [#tpu.dimension_semantics<core_parallel>, #tpu.dimension_semantics<subcore_parallel>], iteration_bounds = array<i64: 2, 16>, scalar_prefetch = 0 : i64, scratch_operands = 8 : i64, tpu.core_type = #tpu.core_type<sc_vector_subcore>, window_params = [{transform_indices = #map}, {transform_indices = #map1}, {transform_indices = #map1}, {transform_indices = #map2}]} {
    %mul3A = arith.constant 2 : i32
    %mul3A_0 = arith.muli %arg1, %mul3A : i32
    %add3A = arith.addi %mul3A_0, %arg0 : i32
    %iota3A = tpu.iota {dimensions = array<i32: 0>} : vector<16xi32>
    "tpu.region"() ({
      %run_scoped3A_118 = tpu.sem_alloc : memref<!tpu.dma_semaphore, #tpu.memory_space<semaphore_mem>>
      %dma_start3A = arith.constant 0 : i32
      %dma_start3A_119 = tpu.memref_slice %arg6[%dma_start3A] : memref<7680xf32, #tpu.memory_space<vmem>> -> memref<448xf32, #tpu.memory_space<vmem>>
      %dma_start3A_120 = arith.constant 0 : i32
      %dma_start3A_121 = tpu.memref_slice %arg6[%dma_start3A_120] : memref<7680xf32, #tpu.memory_space<vmem>> -> memref<448xf32, #tpu.memory_space<vmem>>
      tpu.enqueue_dma source(%arg4 : memref<448xf32, #tpu.memory_space<hbm>>) target(%dma_start3A_121 : memref<448xf32, #tpu.memory_space<vmem>>) target_semaphore(%run_scoped3A_118 : memref<!tpu.dma_semaphore, #tpu.memory_space<semaphore_mem>>)
      %dma_wait3A_122 = arith.constant 0 : i32
      %dma_wait3A_123 = tpu.memref_slice %arg6[%dma_wait3A_122] : memref<7680xf32, #tpu.memory_space<vmem>> -> memref<448xf32, #tpu.memory_space<vmem>>
      %dma_wait3A_124 = arith.constant 0 : i32
      %dma_wait3A_125 = tpu.memref_slice %arg6[%dma_wait3A_124] : memref<7680xf32, #tpu.memory_space<vmem>> -> memref<448xf32, #tpu.memory_space<vmem>>
      tpu.wait_dma2 semaphore(%run_scoped3A_118 : memref<!tpu.dma_semaphore, #tpu.memory_space<semaphore_mem>>) src(%arg4 : memref<448xf32, #tpu.memory_space<hbm>>) dst(%dma_wait3A_125 : memref<448xf32, #tpu.memory_space<vmem>>)
      tpu.yield
    }) : () -> ()
    %parallel_loop3A = arith.constant 0 : i32
    %parallel_loop3A_1 = arith.constant 16 : i32
    %parallel_loop3A_2 = arith.constant 1 : i32
    scf.for %parallel_loop3A_118 = %parallel_loop3A to %parallel_loop3A_1 step %parallel_loop3A_2  : i32 {
      %parallel_loop3A_119 = arith.constant 0 : index
      %parallel_loop3A_120 = tpu.vector_load %arg6[%parallel_loop3A_119] {strides = array<i32>} : memref<7680xf32, #tpu.memory_space<vmem>>, vector<16xf32>,
      %parallel_loop3A_121 = arith.constant 449 : i32
      %parallel_loop3A_122 = arith.muli %parallel_loop3A_118, %parallel_loop3A_121 : i32
      %parallel_loop3A_123 = arith.constant 0 : i32
      %parallel_loop3A_124 = arith.addi %parallel_loop3A_122, %parallel_loop3A_123 : i32
      %parallel_loop3A_125 = arith.index_cast %parallel_loop3A_124 : i32 to index
      %parallel_loop3A_126 = tpu.vector_load %arg8[%parallel_loop3A_125] {strides = array<i32>} : memref<7184xf32, #tpu.memory_space<vmem>>, vector<16xf32>,
      tpu.vector_store %arg8[%parallel_loop3A_125], %parallel_loop3A_120 {strides = array<i32>} : memref<7184xf32, #tpu.memory_space<vmem>>, vector<16xf32>,
      %parallel_loop3A_127 = arith.constant 16 : index
      %parallel_loop3A_128 = tpu.vector_load %arg6[%parallel_loop3A_127] {strides = array<i32>} : memref<7680xf32, #tpu.memory_space<vmem>>, vector<16xf32>,
      %parallel_loop3A_129 = arith.constant 449 : i32
      %parallel_loop3A_130 = arith.muli %parallel_loop3A_118, %parallel_loop3A_129 : i32
      %parallel_loop3A_131 = arith.constant 16 : i32
      %parallel_loop3A_132 = arith.addi %parallel_loop3A_130, %parallel_loop3A_131 : i32
      %parallel_loop3A_133 = arith.index_cast %parallel_loop3A_132 : i32 to index
      %parallel_loop3A_134 = tpu.vector_load %arg8[%parallel_loop3A_133] {strides = array<i32>} : memref<7184xf32, #tpu.memory_space<vmem>>, vector<16xf32>,
      tpu.vector_store %arg8[%parallel_loop3A_133], %parallel_loop3A_128 {strides = array<i32>} : memref<7184xf32, #tpu.memory_space<vmem>>, vector<16xf32>,
      %parallel_loop3A_135 = arith.constant 32 : index
      %parallel_loop3A_136 = tpu.vector_load %arg6[%parallel_loop3A_135] {strides = array<i32>} : memref<7680xf32, #tpu.memory_space<vmem>>, vector<16xf32>,
      %parallel_loop3A_137 = arith.constant 449 : i32
      %parallel_loop3A_138 = arith.muli %parallel_loop3A_118, %parallel_loop3A_137 : i32
      %parallel_loop3A_139 = arith.constant 32 : i32
      %parallel_loop3A_140 = arith.addi %parallel_loop3A_138, %parallel_loop3A_139 : i32
      %parallel_loop3A_141 = arith.index_cast %parallel_loop3A_140 : i32 to index
      %parallel_loop3A_142 = tpu.vector_load %arg8[%parallel_loop3A_141] {strides = array<i32>} : memref<7184xf32, #tpu.memory_space<vmem>>, vector<16xf32>,
      tpu.vector_store %arg8[%parallel_loop3A_141], %parallel_loop3A_136 {strides = array<i32>} : memref<7184xf32, #tpu.memory_space<vmem>>, vector<16xf32>,
      %parallel_loop3A_143 = arith.constant 48 : index
      %parallel_loop3A_144 = tpu.vector_load %arg6[%parallel_loop3A_143] {strides = array<i32>} : memref<7680xf32, #tpu.memory_space<vmem>>, vector<16xf32>,
      %parallel_loop3A_145 = arith.constant 449 : i32
      %parallel_loop3A_146 = arith.muli %parallel_loop3A_118, %parallel_loop3A_145 : i32
      %parallel_loop3A_147 = arith.constant 48 : i32
      %parallel_loop3A_148 = arith.addi %parallel_loop3A_146, %parallel_loop3A_147 : i32
      %parallel_loop3A_149 = arith.index_cast %parallel_loop3A_148 : i32 to index
      %parallel_loop3A_150 = tpu.vector_load %arg8[%parallel_loop3A_149] {strides = array<i32>} : memref<7184xf32, #tpu.memory_space<vmem>>, vector<16xf32>,
      tpu.vector_store %arg8[%parallel_loop3A_149], %parallel_loop3A_144 {strides = array<i32>} : memref<7184xf32, #tpu.memory_space<vmem>>, vector<16xf32>,
      %parallel_loop3A_151 = arith.constant 64 : index
      %parallel_loop3A_152 = tpu.vector_load %arg6[%parallel_loop3A_151] {strides = array<i32>} : memref<7680xf32, #tpu.memory_space<vmem>>, vector<16xf32>,
      %parallel_loop3A_153 = arith.constant 449 : i32
      %parallel_loop3A_154 = arith.muli %parallel_loop3A_118, %parallel_loop3A_153 : i32
      %parallel_loop3A_155 = arith.constant 64 : i32
      %parallel_loop3A_156 = arith.addi %parallel_loop3A_154, %parallel_loop3A_155 : i32
      %parallel_loop3A_157 = arith.index_cast %parallel_loop3A_156 : i32 to index
      %parallel_loop3A_158 = tpu.vector_load %arg8[%parallel_loop3A_157] {strides = array<i32>} : memref<7184xf32, #tpu.memory_space<vmem>>, vector<16xf32>,
      tpu.vector_store %arg8[%parallel_loop3A_157], %parallel_loop3A_152 {strides = array<i32>} : memref<7184xf32, #tpu.memory_space<vmem>>, vector<16xf32>,
      %parallel_loop3A_159 = arith.constant 80 : index
      %parallel_loop3A_160 = tpu.vector_load %arg6[%parallel_loop3A_159] {strides = array<i32>} : memref<7680xf32, #tpu.memory_space<vmem>>, vector<16xf32>,
      %parallel_loop3A_161 = arith.constant 449 : i32
      %parallel_loop3A_162 = arith.muli %parallel_loop3A_118, %parallel_loop3A_161 : i32
      %parallel_loop3A_163 = arith.constant 80 : i32
      %parallel_loop3A_164 = arith.addi %parallel_loop3A_162, %parallel_loop3A_163 : i32
      %parallel_loop3A_165 = arith.index_cast %parallel_loop3A_164 : i32 to index
      %parallel_loop3A_166 = tpu.vector_load %arg8[%parallel_loop3A_165] {strides = array<i32>} : memref<7184xf32, #tpu.memory_space<vmem>>, vector<16xf32>,
      tpu.vector_store %arg8[%parallel_loop3A_165], %parallel_loop3A_160 {strides = array<i32>} : memref<7184xf32, #tpu.memory_space<vmem>>, vector<16xf32>,
      %parallel_loop3A_167 = arith.constant 96 : index
      %parallel_loop3A_168 = tpu.vector_load %arg6[%parallel_loop3A_167] {strides = array<i32>} : memref<7680xf32, #tpu.memory_space<vmem>>, vector<16xf32>,
      %parallel_loop3A_169 = arith.constant 449 : i32
      %parallel_loop3A_170 = arith.muli %parallel_loop3A_118, %parallel_loop3A_169 : i32
      %parallel_loop3A_171 = arith.constant 96 : i32
      %parallel_loop3A_172 = arith.addi %parallel_loop3A_170, %parallel_loop3A_171 : i32
      %parallel_loop3A_173 = arith.index_cast %parallel_loop3A_172 : i32 to index
      %parallel_loop3A_174 = tpu.vector_load %arg8[%parallel_loop3A_173] {strides = array<i32>} : memref<7184xf32, #tpu.memory_space<vmem>>, vector<16xf32>,
      tpu.vector_store %arg8[%parallel_loop3A_173], %parallel_loop3A_168 {strides = array<i32>} : memref<7184xf32, #tpu.memory_space<vmem>>, vector<16xf32>,
      %parallel_loop3A_175 = arith.constant 112 : index
      %parallel_loop3A_176 = tpu.vector_load %arg6[%parallel_loop3A_175] {strides = array<i32>} : memref<7680xf32, #tpu.memory_space<vmem>>, vector<16xf32>,
      %parallel_loop3A_177 = arith.constant 449 : i32
      %parallel_loop3A_178 = arith.muli %parallel_loop3A_118, %parallel_loop3A_177 : i32
      %parallel_loop3A_179 = arith.constant 112 : i32
      %parallel_loop3A_180 = arith.addi %parallel_loop3A_178, %parallel_loop3A_179 : i32
      %parallel_loop3A_181 = arith.index_cast %parallel_loop3A_180 : i32 to index
      %parallel_loop3A_182 = tpu.vector_load %arg8[%parallel_loop3A_181] {strides = array<i32>} : memref<7184xf32, #tpu.memory_space<vmem>>, vector<16xf32>,
      tpu.vector_store %arg8[%parallel_loop3A_181], %parallel_loop3A_176 {strides = array<i32>} : memref<7184xf32, #tpu.memory_space<vmem>>, vector<16xf32>,
      %parallel_loop3A_183 = arith.constant 128 : index
      %parallel_loop3A_184 = tpu.vector_load %arg6[%parallel_loop3A_183] {strides = array<i32>} : memref<7680xf32, #tpu.memory_space<vmem>>, vector<16xf32>,
      %parallel_loop3A_185 = arith.constant 449 : i32
      %parallel_loop3A_186 = arith.muli %parallel_loop3A_118, %parallel_loop3A_185 : i32
      %parallel_loop3A_187 = arith.constant 128 : i32
      %parallel_loop3A_188 = arith.addi %parallel_loop3A_186, %parallel_loop3A_187 : i32
      %parallel_loop3A_189 = arith.index_cast %parallel_loop3A_188 : i32 to index
      %parallel_loop3A_190 = tpu.vector_load %arg8[%parallel_loop3A_189] {strides = array<i32>} : memref<7184xf32, #tpu.memory_space<vmem>>, vector<16xf32>,
      tpu.vector_store %arg8[%parallel_loop3A_189], %parallel_loop3A_184 {strides = array<i32>} : memref<7184xf32, #tpu.memory_space<vmem>>, vector<16xf32>,
      %parallel_loop3A_191 = arith.constant 144 : index
      %parallel_loop3A_192 = tpu.vector_load %arg6[%parallel_loop3A_191] {strides = array<i32>} : memref<7680xf32, #tpu.memory_space<vmem>>, vector<16xf32>,
      %parallel_loop3A_193 = arith.constant 449 : i32
      %parallel_loop3A_194 = arith.muli %parallel_loop3A_118, %parallel_loop3A_193 : i32
      %parallel_loop3A_195 = arith.constant 144 : i32
      %parallel_loop3A_196 = arith.addi %parallel_loop3A_194, %parallel_loop3A_195 : i32
      %parallel_loop3A_197 = arith.index_cast %parallel_loop3A_196 : i32 to index
      %parallel_loop3A_198 = tpu.vector_load %arg8[%parallel_loop3A_197] {strides = array<i32>} : memref<7184xf32, #tpu.memory_space<vmem>>, vector<16xf32>,
      tpu.vector_store %arg8[%parallel_loop3A_197], %parallel_loop3A_192 {strides = array<i32>} : memref<7184xf32, #tpu.memory_space<vmem>>, vector<16xf32>,
      %parallel_loop3A_199 = arith.constant 160 : index
      %parallel_loop3A_200 = tpu.vector_load %arg6[%parallel_loop3A_199] {strides = array<i32>} : memref<7680xf32, #tpu.memory_space<vmem>>, vector<16xf32>,
      %parallel_loop3A_201 = arith.constant 449 : i32
      %parallel_loop3A_202 = arith.muli %parallel_loop3A_118, %parallel_loop3A_201 : i32
      %parallel_loop3A_203 = arith.constant 160 : i32
      %parallel_loop3A_204 = arith.addi %parallel_loop3A_202, %parallel_loop3A_203 : i32
      %parallel_loop3A_205 = arith.index_cast %parallel_loop3A_204 : i32 to index
      %parallel_loop3A_206 = tpu.vector_load %arg8[%parallel_loop3A_205] {strides = array<i32>} : memref<7184xf32, #tpu.memory_space<vmem>>, vector<16xf32>,
      tpu.vector_store %arg8[%parallel_loop3A_205], %parallel_loop3A_200 {strides = array<i32>} : memref<7184xf32, #tpu.memory_space<vmem>>, vector<16xf32>,
      %parallel_loop3A_207 = arith.constant 176 : index
      %parallel_loop3A_208 = tpu.vector_load %arg6[%parallel_loop3A_207] {strides = array<i32>} : memref<7680xf32, #tpu.memory_space<vmem>>, vector<16xf32>,
      %parallel_loop3A_209 = arith.constant 449 : i32
      %parallel_loop3A_210 = arith.muli %parallel_loop3A_118, %parallel_loop3A_209 : i32
      %parallel_loop3A_211 = arith.constant 176 : i32
      %parallel_loop3A_212 = arith.addi %parallel_loop3A_210, %parallel_loop3A_211 : i32
      %parallel_loop3A_213 = arith.index_cast %parallel_loop3A_212 : i32 to index
      %parallel_loop3A_214 = tpu.vector_load %arg8[%parallel_loop3A_213] {strides = array<i32>} : memref<7184xf32, #tpu.memory_space<vmem>>, vector<16xf32>,
      tpu.vector_store %arg8[%parallel_loop3A_213], %parallel_loop3A_208 {strides = array<i32>} : memref<7184xf32, #tpu.memory_space<vmem>>, vector<16xf32>,
      %parallel_loop3A_215 = arith.constant 192 : index
      %parallel_loop3A_216 = tpu.vector_load %arg6[%parallel_loop3A_215] {strides = array<i32>} : memref<7680xf32, #tpu.memory_space<vmem>>, vector<16xf32>,
      %parallel_loop3A_217 = arith.constant 449 : i32
      %parallel_loop3A_218 = arith.muli %parallel_loop3A_118, %parallel_loop3A_217 : i32
      %parallel_loop3A_219 = arith.constant 192 : i32
      %parallel_loop3A_220 = arith.addi %parallel_loop3A_218, %parallel_loop3A_219 : i32
      %parallel_loop3A_221 = arith.index_cast %parallel_loop3A_220 : i32 to index
      %parallel_loop3A_222 = tpu.vector_load %arg8[%parallel_loop3A_221] {strides = array<i32>} : memref<7184xf32, #tpu.memory_space<vmem>>, vector<16xf32>,
      tpu.vector_store %arg8[%parallel_loop3A_221], %parallel_loop3A_216 {strides = array<i32>} : memref<7184xf32, #tpu.memory_space<vmem>>, vector<16xf32>,
      %parallel_loop3A_223 = arith.constant 208 : index
      %parallel_loop3A_224 = tpu.vector_load %arg6[%parallel_loop3A_223] {strides = array<i32>} : memref<7680xf32, #tpu.memory_space<vmem>>, vector<16xf32>,
      %parallel_loop3A_225 = arith.constant 449 : i32
      %parallel_loop3A_226 = arith.muli %parallel_loop3A_118, %parallel_loop3A_225 : i32
      %parallel_loop3A_227 = arith.constant 208 : i32
      %parallel_loop3A_228 = arith.addi %parallel_loop3A_226, %parallel_loop3A_227 : i32
      %parallel_loop3A_229 = arith.index_cast %parallel_loop3A_228 : i32 to index
      %parallel_loop3A_230 = tpu.vector_load %arg8[%parallel_loop3A_229] {strides = array<i32>} : memref<7184xf32, #tpu.memory_space<vmem>>, vector<16xf32>,
      tpu.vector_store %arg8[%parallel_loop3A_229], %parallel_loop3A_224 {strides = array<i32>} : memref<7184xf32, #tpu.memory_space<vmem>>, vector<16xf32>,
      %parallel_loop3A_231 = arith.constant 224 : index
      %parallel_loop3A_232 = tpu.vector_load %arg6[%parallel_loop3A_231] {strides = array<i32>} : memref<7680xf32, #tpu.memory_space<vmem>>, vector<16xf32>,
      %parallel_loop3A_233 = arith.constant 449 : i32
      %parallel_loop3A_234 = arith.muli %parallel_loop3A_118, %parallel_loop3A_233 : i32
      %parallel_loop3A_235 = arith.constant 224 : i32
      %parallel_loop3A_236 = arith.addi %parallel_loop3A_234, %parallel_loop3A_235 : i32
      %parallel_loop3A_237 = arith.index_cast %parallel_loop3A_236 : i32 to index
      %parallel_loop3A_238 = tpu.vector_load %arg8[%parallel_loop3A_237] {strides = array<i32>} : memref<7184xf32, #tpu.memory_space<vmem>>, vector<16xf32>,
      tpu.vector_store %arg8[%parallel_loop3A_237], %parallel_loop3A_232 {strides = array<i32>} : memref<7184xf32, #tpu.memory_space<vmem>>, vector<16xf32>,
      %parallel_loop3A_239 = arith.constant 240 : index
      %parallel_loop3A_240 = tpu.vector_load %arg6[%parallel_loop3A_239] {strides = array<i32>} : memref<7680xf32, #tpu.memory_space<vmem>>, vector<16xf32>,
      %parallel_loop3A_241 = arith.constant 449 : i32
      %parallel_loop3A_242 = arith.muli %parallel_loop3A_118, %parallel_loop3A_241 : i32
      %parallel_loop3A_243 = arith.constant 240 : i32
      %parallel_loop3A_244 = arith.addi %parallel_loop3A_242, %parallel_loop3A_243 : i32
      %parallel_loop3A_245 = arith.index_cast %parallel_loop3A_244 : i32 to index
      %parallel_loop3A_246 = tpu.vector_load %arg8[%parallel_loop3A_245] {strides = array<i32>} : memref<7184xf32, #tpu.memory_space<vmem>>, vector<16xf32>,
      tpu.vector_store %arg8[%parallel_loop3A_245], %parallel_loop3A_240 {strides = array<i32>} : memref<7184xf32, #tpu.memory_space<vmem>>, vector<16xf32>,
      %parallel_loop3A_247 = arith.constant 256 : index
      %parallel_loop3A_248 = tpu.vector_load %arg6[%parallel_loop3A_247] {strides = array<i32>} : memref<7680xf32, #tpu.memory_space<vmem>>, vector<16xf32>,
      %parallel_loop3A_249 = arith.constant 449 : i32
      %parallel_loop3A_250 = arith.muli %parallel_loop3A_118, %parallel_loop3A_249 : i32
      %parallel_loop3A_251 = arith.constant 256 : i32
      %parallel_loop3A_252 = arith.addi %parallel_loop3A_250, %parallel_loop3A_251 : i32
      %parallel_loop3A_253 = arith.index_cast %parallel_loop3A_252 : i32 to index
      %parallel_loop3A_254 = tpu.vector_load %arg8[%parallel_loop3A_253] {strides = array<i32>} : memref<7184xf32, #tpu.memory_space<vmem>>, vector<16xf32>,
      tpu.vector_store %arg8[%parallel_loop3A_253], %parallel_loop3A_248 {strides = array<i32>} : memref<7184xf32, #tpu.memory_space<vmem>>, vector<16xf32>,
      %parallel_loop3A_255 = arith.constant 272 : index
      %parallel_loop3A_256 = tpu.vector_load %arg6[%parallel_loop3A_255] {strides = array<i32>} : memref<7680xf32, #tpu.memory_space<vmem>>, vector<16xf32>,
      %parallel_loop3A_257 = arith.constant 449 : i32
      %parallel_loop3A_258 = arith.muli %parallel_loop3A_118, %parallel_loop3A_257 : i32
      %parallel_loop3A_259 = arith.constant 272 : i32
      %parallel_loop3A_260 = arith.addi %parallel_loop3A_258, %parallel_loop3A_259 : i32
      %parallel_loop3A_261 = arith.index_cast %parallel_loop3A_260 : i32 to index
      %parallel_loop3A_262 = tpu.vector_load %arg8[%parallel_loop3A_261] {strides = array<i32>} : memref<7184xf32, #tpu.memory_space<vmem>>, vector<16xf32>,
      tpu.vector_store %arg8[%parallel_loop3A_261], %parallel_loop3A_256 {strides = array<i32>} : memref<7184xf32, #tpu.memory_space<vmem>>, vector<16xf32>,
      %parallel_loop3A_263 = arith.constant 288 : index
      %parallel_loop3A_264 = tpu.vector_load %arg6[%parallel_loop3A_263] {strides = array<i32>} : memref<7680xf32, #tpu.memory_space<vmem>>, vector<16xf32>,
      %parallel_loop3A_265 = arith.constant 449 : i32
      %parallel_loop3A_266 = arith.muli %parallel_loop3A_118, %parallel_loop3A_265 : i32
      %parallel_loop3A_267 = arith.constant 288 : i32
      %parallel_loop3A_268 = arith.addi %parallel_loop3A_266, %parallel_loop3A_267 : i32
      %parallel_loop3A_269 = arith.index_cast %parallel_loop3A_268 : i32 to index
      %parallel_loop3A_270 = tpu.vector_load %arg8[%parallel_loop3A_269] {strides = array<i32>} : memref<7184xf32, #tpu.memory_space<vmem>>, vector<16xf32>,
      tpu.vector_store %arg8[%parallel_loop3A_269], %parallel_loop3A_264 {strides = array<i32>} : memref<7184xf32, #tpu.memory_space<vmem>>, vector<16xf32>,
      %parallel_loop3A_271 = arith.constant 304 : index
      %parallel_loop3A_272 = tpu.vector_load %arg6[%parallel_loop3A_271] {strides = array<i32>} : memref<7680xf32, #tpu.memory_space<vmem>>, vector<16xf32>,
      %parallel_loop3A_273 = arith.constant 449 : i32
      %parallel_loop3A_274 = arith.muli %parallel_loop3A_118, %parallel_loop3A_273 : i32
      %parallel_loop3A_275 = arith.constant 304 : i32
      %parallel_loop3A_276 = arith.addi %parallel_loop3A_274, %parallel_loop3A_275 : i32
      %parallel_loop3A_277 = arith.index_cast %parallel_loop3A_276 : i32 to index
      %parallel_loop3A_278 = tpu.vector_load %arg8[%parallel_loop3A_277] {strides = array<i32>} : memref<7184xf32, #tpu.memory_space<vmem>>, vector<16xf32>,
      tpu.vector_store %arg8[%parallel_loop3A_277], %parallel_loop3A_272 {strides = array<i32>} : memref<7184xf32, #tpu.memory_space<vmem>>, vector<16xf32>,
      %parallel_loop3A_279 = arith.constant 320 : index
      %parallel_loop3A_280 = tpu.vector_load %arg6[%parallel_loop3A_279] {strides = array<i32>} : memref<7680xf32, #tpu.memory_space<vmem>>, vector<16xf32>,
      %parallel_loop3A_281 = arith.constant 449 : i32
      %parallel_loop3A_282 = arith.muli %parallel_loop3A_118, %parallel_loop3A_281 : i32
      %parallel_loop3A_283 = arith.constant 320 : i32
      %parallel_loop3A_284 = arith.addi %parallel_loop3A_282, %parallel_loop3A_283 : i32
      %parallel_loop3A_285 = arith.index_cast %parallel_loop3A_284 : i32 to index
      %parallel_loop3A_286 = tpu.vector_load %arg8[%parallel_loop3A_285] {strides = array<i32>} : memref<7184xf32, #tpu.memory_space<vmem>>, vector<16xf32>,
      tpu.vector_store %arg8[%parallel_loop3A_285], %parallel_loop3A_280 {strides = array<i32>} : memref<7184xf32, #tpu.memory_space<vmem>>, vector<16xf32>,
      %parallel_loop3A_287 = arith.constant 336 : index
      %parallel_loop3A_288 = tpu.vector_load %arg6[%parallel_loop3A_287] {strides = array<i32>} : memref<7680xf32, #tpu.memory_space<vmem>>, vector<16xf32>,
      %parallel_loop3A_289 = arith.constant 449 : i32
      %parallel_loop3A_290 = arith.muli %parallel_loop3A_118, %parallel_loop3A_289 : i32
      %parallel_loop3A_291 = arith.constant 336 : i32
      %parallel_loop3A_292 = arith.addi %parallel_loop3A_290, %parallel_loop3A_291 : i32
      %parallel_loop3A_293 = arith.index_cast %parallel_loop3A_292 : i32 to index
      %parallel_loop3A_294 = tpu.vector_load %arg8[%parallel_loop3A_293] {strides = array<i32>} : memref<7184xf32, #tpu.memory_space<vmem>>, vector<16xf32>,
      tpu.vector_store %arg8[%parallel_loop3A_293], %parallel_loop3A_288 {strides = array<i32>} : memref<7184xf32, #tpu.memory_space<vmem>>, vector<16xf32>,
      %parallel_loop3A_295 = arith.constant 352 : index
      %parallel_loop3A_296 = tpu.vector_load %arg6[%parallel_loop3A_295] {strides = array<i32>} : memref<7680xf32, #tpu.memory_space<vmem>>, vector<16xf32>,
      %parallel_loop3A_297 = arith.constant 449 : i32
      %parallel_loop3A_298 = arith.muli %parallel_loop3A_118, %parallel_loop3A_297 : i32
      %parallel_loop3A_299 = arith.constant 352 : i32
      %parallel_loop3A_300 = arith.addi %parallel_loop3A_298, %parallel_loop3A_299 : i32
      %parallel_loop3A_301 = arith.index_cast %parallel_loop3A_300 : i32 to index
      %parallel_loop3A_302 = tpu.vector_load %arg8[%parallel_loop3A_301] {strides = array<i32>} : memref<7184xf32, #tpu.memory_space<vmem>>, vector<16xf32>,
      tpu.vector_store %arg8[%parallel_loop3A_301], %parallel_loop3A_296 {strides = array<i32>} : memref<7184xf32, #tpu.memory_space<vmem>>, vector<16xf32>,
      %parallel_loop3A_303 = arith.constant 368 : index
      %parallel_loop3A_304 = tpu.vector_load %arg6[%parallel_loop3A_303] {strides = array<i32>} : memref<7680xf32, #tpu.memory_space<vmem>>, vector<16xf32>,
      %parallel_loop3A_305 = arith.constant 449 : i32
      %parallel_loop3A_306 = arith.muli %parallel_loop3A_118, %parallel_loop3A_305 : i32
      %parallel_loop3A_307 = arith.constant 368 : i32
      %parallel_loop3A_308 = arith.addi %parallel_loop3A_306, %parallel_loop3A_307 : i32
      %parallel_loop3A_309 = arith.index_cast %parallel_loop3A_308 : i32 to index
      %parallel_loop3A_310 = tpu.vector_load %arg8[%parallel_loop3A_309] {strides = array<i32>} : memref<7184xf32, #tpu.memory_space<vmem>>, vector<16xf32>,
      tpu.vector_store %arg8[%parallel_loop3A_309], %parallel_loop3A_304 {strides = array<i32>} : memref<7184xf32, #tpu.memory_space<vmem>>, vector<16xf32>,
      %parallel_loop3A_311 = arith.constant 384 : index
      %parallel_loop3A_312 = tpu.vector_load %arg6[%parallel_loop3A_311] {strides = array<i32>} : memref<7680xf32, #tpu.memory_space<vmem>>, vector<16xf32>,
      %parallel_loop3A_313 = arith.constant 449 : i32
      %parallel_loop3A_314 = arith.muli %parallel_loop3A_118, %parallel_loop3A_313 : i32
      %parallel_loop3A_315 = arith.constant 384 : i32
      %parallel_loop3A_316 = arith.addi %parallel_loop3A_314, %parallel_loop3A_315 : i32
      %parallel_loop3A_317 = arith.index_cast %parallel_loop3A_316 : i32 to index
      %parallel_loop3A_318 = tpu.vector_load %arg8[%parallel_loop3A_317] {strides = array<i32>} : memref<7184xf32, #tpu.memory_space<vmem>>, vector<16xf32>,
      tpu.vector_store %arg8[%parallel_loop3A_317], %parallel_loop3A_312 {strides = array<i32>} : memref<7184xf32, #tpu.memory_space<vmem>>, vector<16xf32>,
      %parallel_loop3A_319 = arith.constant 400 : index
      %parallel_loop3A_320 = tpu.vector_load %arg6[%parallel_loop3A_319] {strides = array<i32>} : memref<7680xf32, #tpu.memory_space<vmem>>, vector<16xf32>,
      %parallel_loop3A_321 = arith.constant 449 : i32
      %parallel_loop3A_322 = arith.muli %parallel_loop3A_118, %parallel_loop3A_321 : i32
      %parallel_loop3A_323 = arith.constant 400 : i32
      %parallel_loop3A_324 = arith.addi %parallel_loop3A_322, %parallel_loop3A_323 : i32
      %parallel_loop3A_325 = arith.index_cast %parallel_loop3A_324 : i32 to index
      %parallel_loop3A_326 = tpu.vector_load %arg8[%parallel_loop3A_325] {strides = array<i32>} : memref<7184xf32, #tpu.memory_space<vmem>>, vector<16xf32>,
      tpu.vector_store %arg8[%parallel_loop3A_325], %parallel_loop3A_320 {strides = array<i32>} : memref<7184xf32, #tpu.memory_space<vmem>>, vector<16xf32>,
      %parallel_loop3A_327 = arith.constant 416 : index
      %parallel_loop3A_328 = tpu.vector_load %arg6[%parallel_loop3A_327] {strides = array<i32>} : memref<7680xf32, #tpu.memory_space<vmem>>, vector<16xf32>,
      %parallel_loop3A_329 = arith.constant 449 : i32
      %parallel_loop3A_330 = arith.muli %parallel_loop3A_118, %parallel_loop3A_329 : i32
      %parallel_loop3A_331 = arith.constant 416 : i32
      %parallel_loop3A_332 = arith.addi %parallel_loop3A_330, %parallel_loop3A_331 : i32
      %parallel_loop3A_333 = arith.index_cast %parallel_loop3A_332 : i32 to index
      %parallel_loop3A_334 = tpu.vector_load %arg8[%parallel_loop3A_333] {strides = array<i32>} : memref<7184xf32, #tpu.memory_space<vmem>>, vector<16xf32>,
      tpu.vector_store %arg8[%parallel_loop3A_333], %parallel_loop3A_328 {strides = array<i32>} : memref<7184xf32, #tpu.memory_space<vmem>>, vector<16xf32>,
      %parallel_loop3A_335 = arith.constant 432 : index
      %parallel_loop3A_336 = tpu.vector_load %arg6[%parallel_loop3A_335] {strides = array<i32>} : memref<7680xf32, #tpu.memory_space<vmem>>, vector<16xf32>,
      %parallel_loop3A_337 = arith.constant 449 : i32
      %parallel_loop3A_338 = arith.muli %parallel_loop3A_118, %parallel_loop3A_337 : i32
      %parallel_loop3A_339 = arith.constant 432 : i32
      %parallel_loop3A_340 = arith.addi %parallel_loop3A_338, %parallel_loop3A_339 : i32
      %parallel_loop3A_341 = arith.index_cast %parallel_loop3A_340 : i32 to index
      %parallel_loop3A_342 = tpu.vector_load %arg8[%parallel_loop3A_341] {strides = array<i32>} : memref<7184xf32, #tpu.memory_space<vmem>>, vector<16xf32>,
      tpu.vector_store %arg8[%parallel_loop3A_341], %parallel_loop3A_336 {strides = array<i32>} : memref<7184xf32, #tpu.memory_space<vmem>>, vector<16xf32>,
    } {sc.loop_unroll_factor = 1 : i64, sc.parallel_access}
    %mul3A_3 = arith.constant 449 : i32
    %mul3A_4 = vector.broadcast %mul3A_3 : i32 to vector<16xi32>
    %mul3A_5 = arith.muli %mul3A_4, %iota3A : vector<16xi32>
    %mul3A_6 = arith.constant 2 : i32
    %mul3A_7 = arith.muli %add3A, %mul3A_6 : i32
    %add3A_8 = arith.constant 0 : i32
    %add3A_9 = arith.addi %mul3A_7, %add3A_8 : i32
    %run_scoped3A = arith.constant 0 : i32
    "tpu.region"() ({
      %run_scoped3A_118 = tpu.sem_alloc : memref<!tpu.dma_semaphore, #tpu.memory_space<semaphore_mem>>
      %dma_start3A = arith.constant 0 : i32
      %dma_start3A_119 = tpu.memref_slice %arg6[%dma_start3A] : memref<7680xf32, #tpu.memory_space<vmem>> -> memref<7680xf32, #tpu.memory_space<vmem>>
      %dma_start3A_120 = arith.constant 0 : i32
      %dma_start3A_121 = tpu.memref_slice %arg2[%add3A_9, %run_scoped3A, %dma_start3A_120] : memref<64x1x30000xf32, #tpu.memory_space<hbm>> -> memref<1x1x7680xf32, #tpu.memory_space<hbm>>
      %dma_start3A_122 = tpu.memref_squeeze %dma_start3A_121 : memref<1x1x7680xf32, #tpu.memory_space<hbm>> -> memref<7680xf32, #tpu.memory_space<hbm>>
      %dma_start3A_123 = arith.constant 0 : i32
      %dma_start3A_124 = tpu.memref_slice %arg6[%dma_start3A_123] : memref<7680xf32, #tpu.memory_space<vmem>> -> memref<7680xf32, #tpu.memory_space<vmem>>
      %dma_start3A_125 = arith.constant 0 : i32
      %dma_start3A_126 = tpu.memref_slice %arg2[%add3A_9, %run_scoped3A, %dma_start3A_125] : memref<64x1x30000xf32, #tpu.memory_space<hbm>> -> memref<1x1x7680xf32, #tpu.memory_space<hbm>>
      %dma_start3A_127 = tpu.memref_squeeze %dma_start3A_126 : memref<1x1x7680xf32, #tpu.memory_space<hbm>> -> memref<7680xf32, #tpu.memory_space<hbm>>
      tpu.enqueue_dma source(%dma_start3A_127 : memref<7680xf32, #tpu.memory_space<hbm>>) target(%dma_start3A_124 : memref<7680xf32, #tpu.memory_space<vmem>>) target_semaphore(%run_scoped3A_118 : memref<!tpu.dma_semaphore, #tpu.memory_space<semaphore_mem>>)
      %dma_wait3A_128 = arith.constant 0 : i32
      %dma_wait3A_129 = tpu.memref_slice %arg6[%dma_wait3A_128] : memref<7680xf32, #tpu.memory_space<vmem>> -> memref<7680xf32, #tpu.memory_space<vmem>>
      %dma_wait3A_130 = arith.constant 0 : i32
      %dma_wait3A_131 = tpu.memref_slice %arg2[%add3A_9, %run_scoped3A, %dma_wait3A_130] : memref<64x1x30000xf32, #tpu.memory_space<hbm>> -> memref<1x1x7680xf32, #tpu.memory_space<hbm>>
      %dma_wait3A_132 = tpu.memref_squeeze %dma_wait3A_131 : memref<1x1x7680xf32, #tpu.memory_space<hbm>> -> memref<7680xf32, #tpu.memory_space<hbm>>
      %dma_wait3A_133 = arith.constant 0 : i32
      %dma_wait3A_134 = tpu.memref_slice %arg6[%dma_wait3A_133] : memref<7680xf32, #tpu.memory_space<vmem>> -> memref<7680xf32, #tpu.memory_space<vmem>>
      %dma_wait3A_135 = arith.constant 0 : i32
      %dma_wait3A_136 = tpu.memref_slice %arg2[%add3A_9, %run_scoped3A, %dma_wait3A_135] : memref<64x1x30000xf32, #tpu.memory_space<hbm>> -> memref<1x1x7680xf32, #tpu.memory_space<hbm>>
      %dma_wait3A_137 = tpu.memref_squeeze %dma_wait3A_136 : memref<1x1x7680xf32, #tpu.memory_space<hbm>> -> memref<7680xf32, #tpu.memory_space<hbm>>
      tpu.wait_dma2 semaphore(%run_scoped3A_118 : memref<!tpu.dma_semaphore, #tpu.memory_space<semaphore_mem>>) src(%dma_wait3A_137 : memref<7680xf32, #tpu.memory_space<hbm>>) dst(%dma_wait3A_134 : memref<7680xf32, #tpu.memory_space<vmem>>)
      tpu.yield
    }) : () -> ()
    %scan3A = arith.constant 7 : i32
    %scan3A_10 = arith.constant -1 : i32
    %scan3A_11 = arith.constant 0 : i32
    %scan3A_12 = arith.constant 160 : i32
    %scan3A_13 = arith.addi %scan3A_11, %scan3A_12 : i32
    %scan3A_14 = arith.constant 1 : i32
    %scan3A_15:2 = scf.for %scan3A_118 = %scan3A_11 to %scan3A_13 step %scan3A_14 iter_args(%scan3A_119 = %scan3A, %scan3A_120 = %scan3A_10) -> (i32, i32)  : i32 {
      %mul3A_121 = arith.constant 16 : i32
      %mul3A_122 = arith.muli %scan3A_118, %mul3A_121 : i32
      %mul3A_123 = arith.constant 3 : i32
      %mul3A_124 = arith.muli %mul3A_123, %mul3A_122 : i32
      %mul3A_125 = arith.constant 3 : i32
      %mul3A_126 = vector.broadcast %mul3A_125 : i32 to vector<16xi32>
      %mul3A_127 = arith.muli %mul3A_126, %iota3A : vector<16xi32>
      %add3A_128 = vector.broadcast %mul3A_124 : i32 to vector<16xi32>
      %add3A_129 = arith.addi %add3A_128, %mul3A_127 : vector<16xi32>
      %add3A_130 = arith.constant 1 : i32
      %add3A_131 = vector.broadcast %add3A_130 : i32 to vector<16xi32>
      %add3A_132 = arith.addi %add3A_129, %add3A_131 : vector<16xi32>
      %gather3A = tpu.vector_load_idx %arg6[%add3A_132] : memref<7680xf32, #tpu.memory_space<vmem>>[vector<16xi32>], vector<16xf32>,
      %add3A_133 = arith.constant 2 : i32
      %add3A_134 = vector.broadcast %add3A_133 : i32 to vector<16xi32>
      %add3A_135 = arith.addi %add3A_129, %add3A_134 : vector<16xi32>
      %gather3A_136 = tpu.vector_load_idx %arg6[%add3A_135] : memref<7680xf32, #tpu.memory_space<vmem>>[vector<16xi32>], vector<16xf32>,
      %mul3A_137 = arith.constant 2.880000e+02 : f32
      %mul3A_138 = vector.broadcast %mul3A_137 : f32 to vector<16xf32>
      %mul3A_139 = arith.mulf %gather3A, %mul3A_138 : vector<16xf32>
      %convert_element_type3A_140 = arith.fptosi %mul3A_139 : vector<16xf32> to vector<16xi32>
      %mul3A_141 = arith.constant 65 : i32
      %mul3A_142 = vector.broadcast %mul3A_141 : i32 to vector<16xi32>
      %mul3A_143 = arith.muli %convert_element_type3A_140, %mul3A_142 : vector<16xi32>
      %convert_element_type3A_144 = arith.fptosi %gather3A_136 : vector<16xf32> to vector<16xi32>
      %mul3A_145 = arith.constant 64 : i32
      %mul3A_146 = vector.broadcast %mul3A_145 : i32 to vector<16xi32>
      %mul3A_147 = arith.muli %convert_element_type3A_144, %mul3A_146 : vector<16xi32>
      %shift_left3A = arith.constant 16 : i32
      %shift_left3A_148 = vector.broadcast %shift_left3A : i32 to vector<16xi32>
      %shift_left3A_149 = arith.shli %mul3A_147, %shift_left3A_148 : vector<16xi32>
      %or3A = arith.ori %mul3A_143, %shift_left3A_149 : vector<16xi32>
      %add3A_150 = arith.constant 0 : i32
      %add3A_151 = arith.addi %add3A_150, %mul3A_122 : i32
      %swap3A = arith.index_cast %add3A_151 : i32 to index
      %swap3A_152 = tpu.vector_load %arg7[%swap3A] {strides = array<i32>} : memref<10000xi32, #tpu.memory_space<vmem>>, vector<16xi32>,
      tpu.vector_store %arg7[%swap3A], %or3A {strides = array<i32>} : memref<10000xi32, #tpu.memory_space<vmem>>, vector<16xi32>,
      %reduce_min3A = arith.constant true
      %reduce_min3A_153 = vector.broadcast %reduce_min3A : i1 to vector<16xi1>
      %reduce_min3A_154 = arith.constant -2147483648 : i32
      %reduce_min3A_155 = vector.broadcast %reduce_min3A_154 : i32 to vector<16xi32>
      %reduce_min3A_156 = arith.xori %convert_element_type3A_144, %reduce_min3A_155 : vector<16xi32>
      %reduce_min3A_157 = tpu.scan <min>, %reduce_min3A_156 masked %reduce_min3A_153 : vector<16xi32>, vector<16xi1> -> vector<16xi32>
      %reduce_min3A_158 = arith.xori %reduce_min3A_157, %reduce_min3A_155 : vector<16xi32>
      %reduce_min3A_159 = vector.extract %reduce_min3A_158[15] : i32 from vector<16xi32>
      %min3A = arith.minsi %scan3A_119, %reduce_min3A_159 : i32
      %reduce_max3A = arith.constant true
      %reduce_max3A_160 = vector.broadcast %reduce_max3A : i1 to vector<16xi1>
      %reduce_max3A_161 = arith.constant -2147483648 : i32
      %reduce_max3A_162 = vector.broadcast %reduce_max3A_161 : i32 to vector<16xi32>
      %reduce_max3A_163 = arith.xori %convert_element_type3A_144, %reduce_max3A_162 : vector<16xi32>
      %reduce_max3A_164 = tpu.scan <max>, %reduce_max3A_163 masked %reduce_max3A_160 : vector<16xi32>, vector<16xi1> -> vector<16xi32>
      %reduce_max3A_165 = arith.xori %reduce_max3A_164, %reduce_max3A_162 : vector<16xi32>
      %reduce_max3A_166 = vector.extract %reduce_max3A_165[15] : i32 from vector<16xi32>
      %max3A = arith.maxsi %scan3A_120, %reduce_max3A_166 : i32
      scf.yield %min3A, %max3A : i32, i32
    }
    %scan3A_16 = arith.constant 160 : i32
    %run_scoped3A_17 = arith.constant 0 : i32
    "tpu.region"() ({
      %run_scoped3A_118 = tpu.sem_alloc : memref<!tpu.dma_semaphore, #tpu.memory_space<semaphore_mem>>
      %dma_start3A = arith.constant 0 : i32
      %dma_start3A_119 = tpu.memref_slice %arg6[%dma_start3A] : memref<7680xf32, #tpu.memory_space<vmem>> -> memref<7680xf32, #tpu.memory_space<vmem>>
      %dma_start3A_120 = arith.constant 7680 : i32
      %dma_start3A_121 = tpu.memref_slice %arg2[%add3A_9, %run_scoped3A_17, %dma_start3A_120] : memref<64x1x30000xf32, #tpu.memory_space<hbm>> -> memref<1x1x7680xf32, #tpu.memory_space<hbm>>
      %dma_start3A_122 = tpu.memref_squeeze %dma_start3A_121 : memref<1x1x7680xf32, #tpu.memory_space<hbm>> -> memref<7680xf32, #tpu.memory_space<hbm>>
      %dma_start3A_123 = arith.constant 0 : i32
      %dma_start3A_124 = tpu.memref_slice %arg6[%dma_start3A_123] : memref<7680xf32, #tpu.memory_space<vmem>> -> memref<7680xf32, #tpu.memory_space<vmem>>
      %dma_start3A_125 = arith.constant 7680 : i32
      %dma_start3A_126 = tpu.memref_slice %arg2[%add3A_9, %run_scoped3A_17, %dma_start3A_125] : memref<64x1x30000xf32, #tpu.memory_space<hbm>> -> memref<1x1x7680xf32, #tpu.memory_space<hbm>>
      %dma_start3A_127 = tpu.memref_squeeze %dma_start3A_126 : memref<1x1x7680xf32, #tpu.memory_space<hbm>> -> memref<7680xf32, #tpu.memory_space<hbm>>
      tpu.enqueue_dma source(%dma_start3A_127 : memref<7680xf32, #tpu.memory_space<hbm>>) target(%dma_start3A_124 : memref<7680xf32, #tpu.memory_space<vmem>>) target_semaphore(%run_scoped3A_118 : memref<!tpu.dma_semaphore, #tpu.memory_space<semaphore_mem>>)
      %dma_wait3A_128 = arith.constant 0 : i32
      %dma_wait3A_129 = tpu.memref_slice %arg6[%dma_wait3A_128] : memref<7680xf32, #tpu.memory_space<vmem>> -> memref<7680xf32, #tpu.memory_space<vmem>>
      %dma_wait3A_130 = arith.constant 7680 : i32
      %dma_wait3A_131 = tpu.memref_slice %arg2[%add3A_9, %run_scoped3A_17, %dma_wait3A_130] : memref<64x1x30000xf32, #tpu.memory_space<hbm>> -> memref<1x1x7680xf32, #tpu.memory_space<hbm>>
      %dma_wait3A_132 = tpu.memref_squeeze %dma_wait3A_131 : memref<1x1x7680xf32, #tpu.memory_space<hbm>> -> memref<7680xf32, #tpu.memory_space<hbm>>
      %dma_wait3A_133 = arith.constant 0 : i32
      %dma_wait3A_134 = tpu.memref_slice %arg6[%dma_wait3A_133] : memref<7680xf32, #tpu.memory_space<vmem>> -> memref<7680xf32, #tpu.memory_space<vmem>>
      %dma_wait3A_135 = arith.constant 7680 : i32
      %dma_wait3A_136 = tpu.memref_slice %arg2[%add3A_9, %run_scoped3A_17, %dma_wait3A_135] : memref<64x1x30000xf32, #tpu.memory_space<hbm>> -> memref<1x1x7680xf32, #tpu.memory_space<hbm>>
      %dma_wait3A_137 = tpu.memref_squeeze %dma_wait3A_136 : memref<1x1x7680xf32, #tpu.memory_space<hbm>> -> memref<7680xf32, #tpu.memory_space<hbm>>
      tpu.wait_dma2 semaphore(%run_scoped3A_118 : memref<!tpu.dma_semaphore, #tpu.memory_space<semaphore_mem>>) src(%dma_wait3A_137 : memref<7680xf32, #tpu.memory_space<hbm>>) dst(%dma_wait3A_134 : memref<7680xf32, #tpu.memory_space<vmem>>)
      tpu.yield
    }) : () -> ()
    %scan3A_18 = arith.constant 0 : i32
    %scan3A_19 = arith.constant 160 : i32
    %scan3A_20 = arith.addi %scan3A_18, %scan3A_19 : i32
    %scan3A_21 = arith.constant 1 : i32
    %scan3A_22:2 = scf.for %scan3A_118 = %scan3A_18 to %scan3A_20 step %scan3A_21 iter_args(%scan3A_119 = %scan3A_15#0, %scan3A_120 = %scan3A_15#1) -> (i32, i32)  : i32 {
      %mul3A_121 = arith.constant 16 : i32
      %mul3A_122 = arith.muli %scan3A_118, %mul3A_121 : i32
      %mul3A_123 = arith.constant 3 : i32
      %mul3A_124 = arith.muli %mul3A_123, %mul3A_122 : i32
      %mul3A_125 = arith.constant 3 : i32
      %mul3A_126 = vector.broadcast %mul3A_125 : i32 to vector<16xi32>
      %mul3A_127 = arith.muli %mul3A_126, %iota3A : vector<16xi32>
      %add3A_128 = vector.broadcast %mul3A_124 : i32 to vector<16xi32>
      %add3A_129 = arith.addi %add3A_128, %mul3A_127 : vector<16xi32>
      %add3A_130 = arith.constant 1 : i32
      %add3A_131 = vector.broadcast %add3A_130 : i32 to vector<16xi32>
      %add3A_132 = arith.addi %add3A_129, %add3A_131 : vector<16xi32>
      %gather3A = tpu.vector_load_idx %arg6[%add3A_132] : memref<7680xf32, #tpu.memory_space<vmem>>[vector<16xi32>], vector<16xf32>,
      %add3A_133 = arith.constant 2 : i32
      %add3A_134 = vector.broadcast %add3A_133 : i32 to vector<16xi32>
      %add3A_135 = arith.addi %add3A_129, %add3A_134 : vector<16xi32>
      %gather3A_136 = tpu.vector_load_idx %arg6[%add3A_135] : memref<7680xf32, #tpu.memory_space<vmem>>[vector<16xi32>], vector<16xf32>,
      %mul3A_137 = arith.constant 2.880000e+02 : f32
      %mul3A_138 = vector.broadcast %mul3A_137 : f32 to vector<16xf32>
      %mul3A_139 = arith.mulf %gather3A, %mul3A_138 : vector<16xf32>
      %convert_element_type3A_140 = arith.fptosi %mul3A_139 : vector<16xf32> to vector<16xi32>
      %mul3A_141 = arith.constant 65 : i32
      %mul3A_142 = vector.broadcast %mul3A_141 : i32 to vector<16xi32>
      %mul3A_143 = arith.muli %convert_element_type3A_140, %mul3A_142 : vector<16xi32>
      %convert_element_type3A_144 = arith.fptosi %gather3A_136 : vector<16xf32> to vector<16xi32>
      %mul3A_145 = arith.constant 64 : i32
      %mul3A_146 = vector.broadcast %mul3A_145 : i32 to vector<16xi32>
      %mul3A_147 = arith.muli %convert_element_type3A_144, %mul3A_146 : vector<16xi32>
      %shift_left3A = arith.constant 16 : i32
      %shift_left3A_148 = vector.broadcast %shift_left3A : i32 to vector<16xi32>
      %shift_left3A_149 = arith.shli %mul3A_147, %shift_left3A_148 : vector<16xi32>
      %or3A = arith.ori %mul3A_143, %shift_left3A_149 : vector<16xi32>
      %add3A_150 = arith.constant 2560 : i32
      %add3A_151 = arith.addi %add3A_150, %mul3A_122 : i32
      %swap3A = arith.index_cast %add3A_151 : i32 to index
      %swap3A_152 = tpu.vector_load %arg7[%swap3A] {strides = array<i32>} : memref<10000xi32, #tpu.memory_space<vmem>>, vector<16xi32>,
      tpu.vector_store %arg7[%swap3A], %or3A {strides = array<i32>} : memref<10000xi32, #tpu.memory_space<vmem>>, vector<16xi32>,
      %reduce_min3A = arith.constant true
      %reduce_min3A_153 = vector.broadcast %reduce_min3A : i1 to vector<16xi1>
      %reduce_min3A_154 = arith.constant -2147483648 : i32
      %reduce_min3A_155 = vector.broadcast %reduce_min3A_154 : i32 to vector<16xi32>
      %reduce_min3A_156 = arith.xori %convert_element_type3A_144, %reduce_min3A_155 : vector<16xi32>
      %reduce_min3A_157 = tpu.scan <min>, %reduce_min3A_156 masked %reduce_min3A_153 : vector<16xi32>, vector<16xi1> -> vector<16xi32>
      %reduce_min3A_158 = arith.xori %reduce_min3A_157, %reduce_min3A_155 : vector<16xi32>
      %reduce_min3A_159 = vector.extract %reduce_min3A_158[15] : i32 from vector<16xi32>
      %min3A = arith.minsi %scan3A_119, %reduce_min3A_159 : i32
      %reduce_max3A = arith.constant true
      %reduce_max3A_160 = vector.broadcast %reduce_max3A : i1 to vector<16xi1>
      %reduce_max3A_161 = arith.constant -2147483648 : i32
      %reduce_max3A_162 = vector.broadcast %reduce_max3A_161 : i32 to vector<16xi32>
      %reduce_max3A_163 = arith.xori %convert_element_type3A_144, %reduce_max3A_162 : vector<16xi32>
      %reduce_max3A_164 = tpu.scan <max>, %reduce_max3A_163 masked %reduce_max3A_160 : vector<16xi32>, vector<16xi1> -> vector<16xi32>
      %reduce_max3A_165 = arith.xori %reduce_max3A_164, %reduce_max3A_162 : vector<16xi32>
      %reduce_max3A_166 = vector.extract %reduce_max3A_165[15] : i32 from vector<16xi32>
      %max3A = arith.maxsi %scan3A_120, %reduce_max3A_166 : i32
      scf.yield %min3A, %max3A : i32, i32
    }
    %scan3A_23 = arith.constant 160 : i32
    %run_scoped3A_24 = arith.constant 0 : i32
    "tpu.region"() ({
      %run_scoped3A_118 = tpu.sem_alloc : memref<!tpu.dma_semaphore, #tpu.memory_space<semaphore_mem>>
      %dma_start3A = arith.constant 0 : i32
      %dma_start3A_119 = tpu.memref_slice %arg6[%dma_start3A] : memref<7680xf32, #tpu.memory_space<vmem>> -> memref<7680xf32, #tpu.memory_space<vmem>>
      %dma_start3A_120 = arith.constant 15360 : i32
      %dma_start3A_121 = tpu.memref_slice %arg2[%add3A_9, %run_scoped3A_24, %dma_start3A_120] : memref<64x1x30000xf32, #tpu.memory_space<hbm>> -> memref<1x1x7680xf32, #tpu.memory_space<hbm>>
      %dma_start3A_122 = tpu.memref_squeeze %dma_start3A_121 : memref<1x1x7680xf32, #tpu.memory_space<hbm>> -> memref<7680xf32, #tpu.memory_space<hbm>>
      %dma_start3A_123 = arith.constant 0 : i32
      %dma_start3A_124 = tpu.memref_slice %arg6[%dma_start3A_123] : memref<7680xf32, #tpu.memory_space<vmem>> -> memref<7680xf32, #tpu.memory_space<vmem>>
      %dma_start3A_125 = arith.constant 15360 : i32
      %dma_start3A_126 = tpu.memref_slice %arg2[%add3A_9, %run_scoped3A_24, %dma_start3A_125] : memref<64x1x30000xf32, #tpu.memory_space<hbm>> -> memref<1x1x7680xf32, #tpu.memory_space<hbm>>
      %dma_start3A_127 = tpu.memref_squeeze %dma_start3A_126 : memref<1x1x7680xf32, #tpu.memory_space<hbm>> -> memref<7680xf32, #tpu.memory_space<hbm>>
      tpu.enqueue_dma source(%dma_start3A_127 : memref<7680xf32, #tpu.memory_space<hbm>>) target(%dma_start3A_124 : memref<7680xf32, #tpu.memory_space<vmem>>) target_semaphore(%run_scoped3A_118 : memref<!tpu.dma_semaphore, #tpu.memory_space<semaphore_mem>>)
      %dma_wait3A_128 = arith.constant 0 : i32
      %dma_wait3A_129 = tpu.memref_slice %arg6[%dma_wait3A_128] : memref<7680xf32, #tpu.memory_space<vmem>> -> memref<7680xf32, #tpu.memory_space<vmem>>
      %dma_wait3A_130 = arith.constant 15360 : i32
      %dma_wait3A_131 = tpu.memref_slice %arg2[%add3A_9, %run_scoped3A_24, %dma_wait3A_130] : memref<64x1x30000xf32, #tpu.memory_space<hbm>> -> memref<1x1x7680xf32, #tpu.memory_space<hbm>>
      %dma_wait3A_132 = tpu.memref_squeeze %dma_wait3A_131 : memref<1x1x7680xf32, #tpu.memory_space<hbm>> -> memref<7680xf32, #tpu.memory_space<hbm>>
      %dma_wait3A_133 = arith.constant 0 : i32
      %dma_wait3A_134 = tpu.memref_slice %arg6[%dma_wait3A_133] : memref<7680xf32, #tpu.memory_space<vmem>> -> memref<7680xf32, #tpu.memory_space<vmem>>
      %dma_wait3A_135 = arith.constant 15360 : i32
      %dma_wait3A_136 = tpu.memref_slice %arg2[%add3A_9, %run_scoped3A_24, %dma_wait3A_135] : memref<64x1x30000xf32, #tpu.memory_space<hbm>> -> memref<1x1x7680xf32, #tpu.memory_space<hbm>>
      %dma_wait3A_137 = tpu.memref_squeeze %dma_wait3A_136 : memref<1x1x7680xf32, #tpu.memory_space<hbm>> -> memref<7680xf32, #tpu.memory_space<hbm>>
      tpu.wait_dma2 semaphore(%run_scoped3A_118 : memref<!tpu.dma_semaphore, #tpu.memory_space<semaphore_mem>>) src(%dma_wait3A_137 : memref<7680xf32, #tpu.memory_space<hbm>>) dst(%dma_wait3A_134 : memref<7680xf32, #tpu.memory_space<vmem>>)
      tpu.yield
    }) : () -> ()
    %scan3A_25 = arith.constant 0 : i32
    %scan3A_26 = arith.constant 160 : i32
    %scan3A_27 = arith.addi %scan3A_25, %scan3A_26 : i32
    %scan3A_28 = arith.constant 1 : i32
    %scan3A_29:2 = scf.for %scan3A_118 = %scan3A_25 to %scan3A_27 step %scan3A_28 iter_args(%scan3A_119 = %scan3A_22#0, %scan3A_120 = %scan3A_22#1) -> (i32, i32)  : i32 {
      %mul3A_121 = arith.constant 16 : i32
      %mul3A_122 = arith.muli %scan3A_118, %mul3A_121 : i32
      %mul3A_123 = arith.constant 3 : i32
      %mul3A_124 = arith.muli %mul3A_123, %mul3A_122 : i32
      %mul3A_125 = arith.constant 3 : i32
      %mul3A_126 = vector.broadcast %mul3A_125 : i32 to vector<16xi32>
      %mul3A_127 = arith.muli %mul3A_126, %iota3A : vector<16xi32>
      %add3A_128 = vector.broadcast %mul3A_124 : i32 to vector<16xi32>
      %add3A_129 = arith.addi %add3A_128, %mul3A_127 : vector<16xi32>
      %add3A_130 = arith.constant 1 : i32
      %add3A_131 = vector.broadcast %add3A_130 : i32 to vector<16xi32>
      %add3A_132 = arith.addi %add3A_129, %add3A_131 : vector<16xi32>
      %gather3A = tpu.vector_load_idx %arg6[%add3A_132] : memref<7680xf32, #tpu.memory_space<vmem>>[vector<16xi32>], vector<16xf32>,
      %add3A_133 = arith.constant 2 : i32
      %add3A_134 = vector.broadcast %add3A_133 : i32 to vector<16xi32>
      %add3A_135 = arith.addi %add3A_129, %add3A_134 : vector<16xi32>
      %gather3A_136 = tpu.vector_load_idx %arg6[%add3A_135] : memref<7680xf32, #tpu.memory_space<vmem>>[vector<16xi32>], vector<16xf32>,
      %mul3A_137 = arith.constant 2.880000e+02 : f32
      %mul3A_138 = vector.broadcast %mul3A_137 : f32 to vector<16xf32>
      %mul3A_139 = arith.mulf %gather3A, %mul3A_138 : vector<16xf32>
      %convert_element_type3A_140 = arith.fptosi %mul3A_139 : vector<16xf32> to vector<16xi32>
      %mul3A_141 = arith.constant 65 : i32
      %mul3A_142 = vector.broadcast %mul3A_141 : i32 to vector<16xi32>
      %mul3A_143 = arith.muli %convert_element_type3A_140, %mul3A_142 : vector<16xi32>
      %convert_element_type3A_144 = arith.fptosi %gather3A_136 : vector<16xf32> to vector<16xi32>
      %mul3A_145 = arith.constant 64 : i32
      %mul3A_146 = vector.broadcast %mul3A_145 : i32 to vector<16xi32>
      %mul3A_147 = arith.muli %convert_element_type3A_144, %mul3A_146 : vector<16xi32>
      %shift_left3A = arith.constant 16 : i32
      %shift_left3A_148 = vector.broadcast %shift_left3A : i32 to vector<16xi32>
      %shift_left3A_149 = arith.shli %mul3A_147, %shift_left3A_148 : vector<16xi32>
      %or3A = arith.ori %mul3A_143, %shift_left3A_149 : vector<16xi32>
      %add3A_150 = arith.constant 5120 : i32
      %add3A_151 = arith.addi %add3A_150, %mul3A_122 : i32
      %swap3A = arith.index_cast %add3A_151 : i32 to index
      %swap3A_152 = tpu.vector_load %arg7[%swap3A] {strides = array<i32>} : memref<10000xi32, #tpu.memory_space<vmem>>, vector<16xi32>,
      tpu.vector_store %arg7[%swap3A], %or3A {strides = array<i32>} : memref<10000xi32, #tpu.memory_space<vmem>>, vector<16xi32>,
      %reduce_min3A = arith.constant true
      %reduce_min3A_153 = vector.broadcast %reduce_min3A : i1 to vector<16xi1>
      %reduce_min3A_154 = arith.constant -2147483648 : i32
      %reduce_min3A_155 = vector.broadcast %reduce_min3A_154 : i32 to vector<16xi32>
      %reduce_min3A_156 = arith.xori %convert_element_type3A_144, %reduce_min3A_155 : vector<16xi32>
      %reduce_min3A_157 = tpu.scan <min>, %reduce_min3A_156 masked %reduce_min3A_153 : vector<16xi32>, vector<16xi1> -> vector<16xi32>
      %reduce_min3A_158 = arith.xori %reduce_min3A_157, %reduce_min3A_155 : vector<16xi32>
      %reduce_min3A_159 = vector.extract %reduce_min3A_158[15] : i32 from vector<16xi32>
      %min3A = arith.minsi %scan3A_119, %reduce_min3A_159 : i32
      %reduce_max3A = arith.constant true
      %reduce_max3A_160 = vector.broadcast %reduce_max3A : i1 to vector<16xi1>
      %reduce_max3A_161 = arith.constant -2147483648 : i32
      %reduce_max3A_162 = vector.broadcast %reduce_max3A_161 : i32 to vector<16xi32>
      %reduce_max3A_163 = arith.xori %convert_element_type3A_144, %reduce_max3A_162 : vector<16xi32>
      %reduce_max3A_164 = tpu.scan <max>, %reduce_max3A_163 masked %reduce_max3A_160 : vector<16xi32>, vector<16xi1> -> vector<16xi32>
      %reduce_max3A_165 = arith.xori %reduce_max3A_164, %reduce_max3A_162 : vector<16xi32>
      %reduce_max3A_166 = vector.extract %reduce_max3A_165[15] : i32 from vector<16xi32>
      %max3A = arith.maxsi %scan3A_120, %reduce_max3A_166 : i32
      scf.yield %min3A, %max3A : i32, i32
    }
    %scan3A_30 = arith.constant 160 : i32
    %run_scoped3A_31 = arith.constant 0 : i32
    "tpu.region"() ({
      %run_scoped3A_118 = tpu.sem_alloc : memref<!tpu.dma_semaphore, #tpu.memory_space<semaphore_mem>>
      %dma_start3A = arith.constant 0 : i32
      %dma_start3A_119 = tpu.memref_slice %arg6[%dma_start3A] : memref<7680xf32, #tpu.memory_space<vmem>> -> memref<6960xf32, #tpu.memory_space<vmem>>
      %dma_start3A_120 = arith.constant 23040 : i32
      %dma_start3A_121 = tpu.memref_slice %arg2[%add3A_9, %run_scoped3A_31, %dma_start3A_120] : memref<64x1x30000xf32, #tpu.memory_space<hbm>> -> memref<1x1x6960xf32, #tpu.memory_space<hbm>>
      %dma_start3A_122 = tpu.memref_squeeze %dma_start3A_121 : memref<1x1x6960xf32, #tpu.memory_space<hbm>> -> memref<6960xf32, #tpu.memory_space<hbm>>
      %dma_start3A_123 = arith.constant 0 : i32
      %dma_start3A_124 = tpu.memref_slice %arg6[%dma_start3A_123] : memref<7680xf32, #tpu.memory_space<vmem>> -> memref<6960xf32, #tpu.memory_space<vmem>>
      %dma_start3A_125 = arith.constant 23040 : i32
      %dma_start3A_126 = tpu.memref_slice %arg2[%add3A_9, %run_scoped3A_31, %dma_start3A_125] : memref<64x1x30000xf32, #tpu.memory_space<hbm>> -> memref<1x1x6960xf32, #tpu.memory_space<hbm>>
      %dma_start3A_127 = tpu.memref_squeeze %dma_start3A_126 : memref<1x1x6960xf32, #tpu.memory_space<hbm>> -> memref<6960xf32, #tpu.memory_space<hbm>>
      tpu.enqueue_dma source(%dma_start3A_127 : memref<6960xf32, #tpu.memory_space<hbm>>) target(%dma_start3A_124 : memref<6960xf32, #tpu.memory_space<vmem>>) target_semaphore(%run_scoped3A_118 : memref<!tpu.dma_semaphore, #tpu.memory_space<semaphore_mem>>)
      %dma_wait3A_128 = arith.constant 0 : i32
      %dma_wait3A_129 = tpu.memref_slice %arg6[%dma_wait3A_128] : memref<7680xf32, #tpu.memory_space<vmem>> -> memref<6960xf32, #tpu.memory_space<vmem>>
      %dma_wait3A_130 = arith.constant 23040 : i32
      %dma_wait3A_131 = tpu.memref_slice %arg2[%add3A_9, %run_scoped3A_31, %dma_wait3A_130] : memref<64x1x30000xf32, #tpu.memory_space<hbm>> -> memref<1x1x6960xf32, #tpu.memory_space<hbm>>
      %dma_wait3A_132 = tpu.memref_squeeze %dma_wait3A_131 : memref<1x1x6960xf32, #tpu.memory_space<hbm>> -> memref<6960xf32, #tpu.memory_space<hbm>>
      %dma_wait3A_133 = arith.constant 0 : i32
      %dma_wait3A_134 = tpu.memref_slice %arg6[%dma_wait3A_133] : memref<7680xf32, #tpu.memory_space<vmem>> -> memref<6960xf32, #tpu.memory_space<vmem>>
      %dma_wait3A_135 = arith.constant 23040 : i32
      %dma_wait3A_136 = tpu.memref_slice %arg2[%add3A_9, %run_scoped3A_31, %dma_wait3A_135] : memref<64x1x30000xf32, #tpu.memory_space<hbm>> -> memref<1x1x6960xf32, #tpu.memory_space<hbm>>
      %dma_wait3A_137 = tpu.memref_squeeze %dma_wait3A_136 : memref<1x1x6960xf32, #tpu.memory_space<hbm>> -> memref<6960xf32, #tpu.memory_space<hbm>>
      tpu.wait_dma2 semaphore(%run_scoped3A_118 : memref<!tpu.dma_semaphore, #tpu.memory_space<semaphore_mem>>) src(%dma_wait3A_137 : memref<6960xf32, #tpu.memory_space<hbm>>) dst(%dma_wait3A_134 : memref<6960xf32, #tpu.memory_space<vmem>>)
      tpu.yield
    }) : () -> ()
    %scan3A_32 = arith.constant 0 : i32
    %scan3A_33 = arith.constant 145 : i32
    %scan3A_34 = arith.addi %scan3A_32, %scan3A_33 : i32
    %scan3A_35 = arith.constant 1 : i32
    %scan3A_36:2 = scf.for %scan3A_118 = %scan3A_32 to %scan3A_34 step %scan3A_35 iter_args(%scan3A_119 = %scan3A_29#0, %scan3A_120 = %scan3A_29#1) -> (i32, i32)  : i32 {
      %mul3A_121 = arith.constant 16 : i32
      %mul3A_122 = arith.muli %scan3A_118, %mul3A_121 : i32
      %mul3A_123 = arith.constant 3 : i32
      %mul3A_124 = arith.muli %mul3A_123, %mul3A_122 : i32
      %mul3A_125 = arith.constant 3 : i32
      %mul3A_126 = vector.broadcast %mul3A_125 : i32 to vector<16xi32>
      %mul3A_127 = arith.muli %mul3A_126, %iota3A : vector<16xi32>
      %add3A_128 = vector.broadcast %mul3A_124 : i32 to vector<16xi32>
      %add3A_129 = arith.addi %add3A_128, %mul3A_127 : vector<16xi32>
      %add3A_130 = arith.constant 1 : i32
      %add3A_131 = vector.broadcast %add3A_130 : i32 to vector<16xi32>
      %add3A_132 = arith.addi %add3A_129, %add3A_131 : vector<16xi32>
      %gather3A = tpu.vector_load_idx %arg6[%add3A_132] : memref<7680xf32, #tpu.memory_space<vmem>>[vector<16xi32>], vector<16xf32>,
      %add3A_133 = arith.constant 2 : i32
      %add3A_134 = vector.broadcast %add3A_133 : i32 to vector<16xi32>
      %add3A_135 = arith.addi %add3A_129, %add3A_134 : vector<16xi32>
      %gather3A_136 = tpu.vector_load_idx %arg6[%add3A_135] : memref<7680xf32, #tpu.memory_space<vmem>>[vector<16xi32>], vector<16xf32>,
      %mul3A_137 = arith.constant 2.880000e+02 : f32
      %mul3A_138 = vector.broadcast %mul3A_137 : f32 to vector<16xf32>
      %mul3A_139 = arith.mulf %gather3A, %mul3A_138 : vector<16xf32>
      %convert_element_type3A_140 = arith.fptosi %mul3A_139 : vector<16xf32> to vector<16xi32>
      %mul3A_141 = arith.constant 65 : i32
      %mul3A_142 = vector.broadcast %mul3A_141 : i32 to vector<16xi32>
      %mul3A_143 = arith.muli %convert_element_type3A_140, %mul3A_142 : vector<16xi32>
      %convert_element_type3A_144 = arith.fptosi %gather3A_136 : vector<16xf32> to vector<16xi32>
      %mul3A_145 = arith.constant 64 : i32
      %mul3A_146 = vector.broadcast %mul3A_145 : i32 to vector<16xi32>
      %mul3A_147 = arith.muli %convert_element_type3A_144, %mul3A_146 : vector<16xi32>
      %shift_left3A = arith.constant 16 : i32
      %shift_left3A_148 = vector.broadcast %shift_left3A : i32 to vector<16xi32>
      %shift_left3A_149 = arith.shli %mul3A_147, %shift_left3A_148 : vector<16xi32>
      %or3A = arith.ori %mul3A_143, %shift_left3A_149 : vector<16xi32>
      %add3A_150 = arith.constant 7680 : i32
      %add3A_151 = arith.addi %add3A_150, %mul3A_122 : i32
      %swap3A = arith.index_cast %add3A_151 : i32 to index
      %swap3A_152 = tpu.vector_load %arg7[%swap3A] {strides = array<i32>} : memref<10000xi32, #tpu.memory_space<vmem>>, vector<16xi32>,
      tpu.vector_store %arg7[%swap3A], %or3A {strides = array<i32>} : memref<10000xi32, #tpu.memory_space<vmem>>, vector<16xi32>,
      %reduce_min3A = arith.constant true
      %reduce_min3A_153 = vector.broadcast %reduce_min3A : i1 to vector<16xi1>
      %reduce_min3A_154 = arith.constant -2147483648 : i32
      %reduce_min3A_155 = vector.broadcast %reduce_min3A_154 : i32 to vector<16xi32>
      %reduce_min3A_156 = arith.xori %convert_element_type3A_144, %reduce_min3A_155 : vector<16xi32>
      %reduce_min3A_157 = tpu.scan <min>, %reduce_min3A_156 masked %reduce_min3A_153 : vector<16xi32>, vector<16xi1> -> vector<16xi32>
      %reduce_min3A_158 = arith.xori %reduce_min3A_157, %reduce_min3A_155 : vector<16xi32>
      %reduce_min3A_159 = vector.extract %reduce_min3A_158[15] : i32 from vector<16xi32>
      %min3A = arith.minsi %scan3A_119, %reduce_min3A_159 : i32
      %reduce_max3A = arith.constant true
      %reduce_max3A_160 = vector.broadcast %reduce_max3A : i1 to vector<16xi1>
      %reduce_max3A_161 = arith.constant -2147483648 : i32
      %reduce_max3A_162 = vector.broadcast %reduce_max3A_161 : i32 to vector<16xi32>
      %reduce_max3A_163 = arith.xori %convert_element_type3A_144, %reduce_max3A_162 : vector<16xi32>
      %reduce_max3A_164 = tpu.scan <max>, %reduce_max3A_163 masked %reduce_max3A_160 : vector<16xi32>, vector<16xi1> -> vector<16xi32>
      %reduce_max3A_165 = arith.xori %reduce_max3A_164, %reduce_max3A_162 : vector<16xi32>
      %reduce_max3A_166 = vector.extract %reduce_max3A_165[15] : i32 from vector<16xi32>
      %max3A = arith.maxsi %scan3A_120, %reduce_max3A_166 : i32
      scf.yield %min3A, %max3A : i32, i32
    }
    %scan3A_37 = arith.constant 145 : i32
    %eq3A = arith.cmpi eq, %scan3A_36#0, %scan3A_36#1 : i32
    %jit3A = arith.constant -1 : i32
    %select_n3A = arith.select %eq3A, %scan3A_36#0, %jit3A : i32
    %ne3A = arith.constant -2 : i32
    %ne3A_38 = arith.cmpi ne, %ne3A, %select_n3A : i32
    %convert_element_type3A = arith.extui %ne3A_38 : i1 to i32
    %cond3A = arith.constant 0 : i32
    %cond3A_39 = arith.cmpi ne, %convert_element_type3A, %cond3A : i32
    scf.if %cond3A_39 {
      "tpu.region"() ({
        %run_scoped3A_128 = tpu.sem_alloc : memref<!tpu.dma_semaphore, #tpu.memory_space<semaphore_mem>>
        %dma_start3A = arith.constant 0 : i32
        %dma_start3A_129 = tpu.memref_slice %arg9[%dma_start3A] : memref<18720xf32, #tpu.memory_space<vmem>> -> memref<18432xf32, #tpu.memory_space<vmem>>
        %dma_start3A_130 = arith.constant 0 : i32
        %dma_start3A_131 = tpu.memref_slice %arg9[%dma_start3A_130] : memref<18720xf32, #tpu.memory_space<vmem>> -> memref<18432xf32, #tpu.memory_space<vmem>>
        tpu.enqueue_dma source(%arg3 : memref<18432xf32, #tpu.memory_space<hbm>>) target(%dma_start3A_131 : memref<18432xf32, #tpu.memory_space<vmem>>) target_semaphore(%run_scoped3A_128 : memref<!tpu.dma_semaphore, #tpu.memory_space<semaphore_mem>>)
        %dma_wait3A_132 = arith.constant 0 : i32
        %dma_wait3A_133 = tpu.memref_slice %arg9[%dma_wait3A_132] : memref<18720xf32, #tpu.memory_space<vmem>> -> memref<18432xf32, #tpu.memory_space<vmem>>
        %dma_wait3A_134 = arith.constant 0 : i32
        %dma_wait3A_135 = tpu.memref_slice %arg9[%dma_wait3A_134] : memref<18720xf32, #tpu.memory_space<vmem>> -> memref<18432xf32, #tpu.memory_space<vmem>>
        tpu.wait_dma2 semaphore(%run_scoped3A_128 : memref<!tpu.dma_semaphore, #tpu.memory_space<semaphore_mem>>) src(%arg3 : memref<18432xf32, #tpu.memory_space<hbm>>) dst(%dma_wait3A_135 : memref<18432xf32, #tpu.memory_space<vmem>>)
        tpu.yield
      }) : () -> ()
      %scan3A_118 = arith.constant 0 : i32
      %scan3A_119 = arith.constant 0 : i32
      %scan3A_120 = arith.constant 288 : i32
      %scan3A_121 = arith.addi %scan3A_119, %scan3A_120 : i32
      %scan3A_122 = arith.constant 1 : i32
      %scan3A_123 = scf.for %scan3A_128 = %scan3A_119 to %scan3A_121 step %scan3A_122 iter_args(%scan3A_129 = %scan3A_118) -> (i32)  : i32 {
        %sub3A = arith.constant 287 : i32
        %sub3A_130 = arith.subi %sub3A, %scan3A_128 : i32
        %mul3A_131 = arith.constant 64 : i32
        %mul3A_132 = arith.muli %sub3A_130, %mul3A_131 : i32
        %add3A_133 = arith.constant 48 : i32
        %add3A_134 = arith.addi %mul3A_132, %add3A_133 : i32
        %get3A = arith.index_cast %add3A_134 : i32 to index
        %get3A_135 = tpu.vector_load %arg9[%get3A] {strides = array<i32>} : memref<18720xf32, #tpu.memory_space<vmem>>, vector<16xf32>,
        %mul3A_136 = arith.constant 65 : i32
        %mul3A_137 = arith.muli %sub3A_130, %mul3A_136 : i32
        %add3A_138 = arith.constant 48 : i32
        %add3A_139 = arith.addi %mul3A_137, %add3A_138 : i32
        %swap3A = arith.index_cast %add3A_139 : i32 to index
        %swap3A_140 = tpu.vector_load %arg9[%swap3A] {strides = array<i32>} : memref<18720xf32, #tpu.memory_space<vmem>>, vector<16xf32>,
        tpu.vector_store %arg9[%swap3A], %get3A_135 {strides = array<i32>} : memref<18720xf32, #tpu.memory_space<vmem>>, vector<16xf32>,
        %mul3A_141 = arith.constant 64 : i32
        %mul3A_142 = arith.muli %sub3A_130, %mul3A_141 : i32
        %add3A_143 = arith.constant 32 : i32
        %add3A_144 = arith.addi %mul3A_142, %add3A_143 : i32
        %get3A_145 = arith.index_cast %add3A_144 : i32 to index
        %get3A_146 = tpu.vector_load %arg9[%get3A_145] {strides = array<i32>} : memref<18720xf32, #tpu.memory_space<vmem>>, vector<16xf32>,
        %mul3A_147 = arith.constant 65 : i32
        %mul3A_148 = arith.muli %sub3A_130, %mul3A_147 : i32
        %add3A_149 = arith.constant 32 : i32
        %add3A_150 = arith.addi %mul3A_148, %add3A_149 : i32
        %swap3A_151 = arith.index_cast %add3A_150 : i32 to index
        %swap3A_152 = tpu.vector_load %arg9[%swap3A_151] {strides = array<i32>} : memref<18720xf32, #tpu.memory_space<vmem>>, vector<16xf32>,
        tpu.vector_store %arg9[%swap3A_151], %get3A_146 {strides = array<i32>} : memref<18720xf32, #tpu.memory_space<vmem>>, vector<16xf32>,
        %mul3A_153 = arith.constant 64 : i32
        %mul3A_154 = arith.muli %sub3A_130, %mul3A_153 : i32
        %add3A_155 = arith.constant 16 : i32
        %add3A_156 = arith.addi %mul3A_154, %add3A_155 : i32
        %get3A_157 = arith.index_cast %add3A_156 : i32 to index
        %get3A_158 = tpu.vector_load %arg9[%get3A_157] {strides = array<i32>} : memref<18720xf32, #tpu.memory_space<vmem>>, vector<16xf32>,
        %mul3A_159 = arith.constant 65 : i32
        %mul3A_160 = arith.muli %sub3A_130, %mul3A_159 : i32
        %add3A_161 = arith.constant 16 : i32
        %add3A_162 = arith.addi %mul3A_160, %add3A_161 : i32
        %swap3A_163 = arith.index_cast %add3A_162 : i32 to index
        %swap3A_164 = tpu.vector_load %arg9[%swap3A_163] {strides = array<i32>} : memref<18720xf32, #tpu.memory_space<vmem>>, vector<16xf32>,
        tpu.vector_store %arg9[%swap3A_163], %get3A_158 {strides = array<i32>} : memref<18720xf32, #tpu.memory_space<vmem>>, vector<16xf32>,
        %mul3A_165 = arith.constant 64 : i32
        %mul3A_166 = arith.muli %sub3A_130, %mul3A_165 : i32
        %add3A_167 = arith.constant 0 : i32
        %add3A_168 = arith.addi %mul3A_166, %add3A_167 : i32
        %get3A_169 = arith.index_cast %add3A_168 : i32 to index
        %get3A_170 = tpu.vector_load %arg9[%get3A_169] {strides = array<i32>} : memref<18720xf32, #tpu.memory_space<vmem>>, vector<16xf32>,
        %mul3A_171 = arith.constant 65 : i32
        %mul3A_172 = arith.muli %sub3A_130, %mul3A_171 : i32
        %add3A_173 = arith.constant 0 : i32
        %add3A_174 = arith.addi %mul3A_172, %add3A_173 : i32
        %swap3A_175 = arith.index_cast %add3A_174 : i32 to index
        %swap3A_176 = tpu.vector_load %arg9[%swap3A_175] {strides = array<i32>} : memref<18720xf32, #tpu.memory_space<vmem>>, vector<16xf32>,
        tpu.vector_store %arg9[%swap3A_175], %get3A_170 {strides = array<i32>} : memref<18720xf32, #tpu.memory_space<vmem>>, vector<16xf32>,
        %scan3A_177 = arith.constant 0 : i32
        scf.yield %scan3A_177 : i32
      }
      %scan3A_124 = arith.constant 288 : i32
      %convert_element_type3A_125 = arith.extui %eq3A : i1 to i32
      %cond3A_126 = arith.constant 0 : i32
      %cond3A_127 = arith.cmpi ne, %convert_element_type3A_125, %cond3A_126 : i32
      scf.if %cond3A_127 {
        %mul3A_128 = arith.constant 64 : i32
        %mul3A_129 = arith.muli %scan3A_36#0, %mul3A_128 : i32
        %parallel_loop3A_130 = arith.constant 0 : i32
        %parallel_loop3A_131 = arith.constant 288 : i32
        %parallel_loop3A_132 = arith.constant 1 : i32
        scf.for %parallel_loop3A_133 = %parallel_loop3A_130 to %parallel_loop3A_131 step %parallel_loop3A_132  : i32 {
          %parallel_loop3A_134 = arith.constant 65 : i32
          %parallel_loop3A_135 = arith.muli %parallel_loop3A_133, %parallel_loop3A_134 : i32
          %parallel_loop3A_136 = arith.constant 0 : i32
          %parallel_loop3A_137 = arith.addi %parallel_loop3A_135, %parallel_loop3A_136 : i32
          %parallel_loop3A_138 = arith.index_cast %parallel_loop3A_137 : i32 to index
          %parallel_loop3A_139 = tpu.vector_load %arg9[%parallel_loop3A_138] {strides = array<i32>} : memref<18720xf32, #tpu.memory_space<vmem>>, vector<16xf32>,
          %parallel_loop3A_140 = arith.constant 0 : i32
          %parallel_loop3A_141 = arith.addi %mul3A_129, %parallel_loop3A_140 : i32
          %parallel_loop3A_142 = arith.index_cast %parallel_loop3A_141 : i32 to index
          %parallel_loop3A_143 = tpu.vector_load %arg8[%parallel_loop3A_142] {strides = array<i32>} : memref<7184xf32, #tpu.memory_space<vmem>>, vector<16xf32>,
          %parallel_loop3A_144 = arith.addf %parallel_loop3A_139, %parallel_loop3A_143 : vector<16xf32>
          %parallel_loop3A_145 = arith.constant 65 : i32
          %parallel_loop3A_146 = arith.muli %parallel_loop3A_133, %parallel_loop3A_145 : i32
          %parallel_loop3A_147 = arith.constant 0 : i32
          %parallel_loop3A_148 = arith.addi %parallel_loop3A_146, %parallel_loop3A_147 : i32
          %parallel_loop3A_149 = arith.index_cast %parallel_loop3A_148 : i32 to index
          %parallel_loop3A_150 = tpu.vector_load %arg9[%parallel_loop3A_149] {strides = array<i32>} : memref<18720xf32, #tpu.memory_space<vmem>>, vector<16xf32>,
          tpu.vector_store %arg9[%parallel_loop3A_149], %parallel_loop3A_144 {strides = array<i32>} : memref<18720xf32, #tpu.memory_space<vmem>>, vector<16xf32>,
          %parallel_loop3A_151 = arith.constant 65 : i32
          %parallel_loop3A_152 = arith.muli %parallel_loop3A_133, %parallel_loop3A_151 : i32
          %parallel_loop3A_153 = arith.constant 16 : i32
          %parallel_loop3A_154 = arith.addi %parallel_loop3A_152, %parallel_loop3A_153 : i32
          %parallel_loop3A_155 = arith.index_cast %parallel_loop3A_154 : i32 to index
          %parallel_loop3A_156 = tpu.vector_load %arg9[%parallel_loop3A_155] {strides = array<i32>} : memref<18720xf32, #tpu.memory_space<vmem>>, vector<16xf32>,
          %parallel_loop3A_157 = arith.constant 16 : i32
          %parallel_loop3A_158 = arith.addi %mul3A_129, %parallel_loop3A_157 : i32
          %parallel_loop3A_159 = arith.index_cast %parallel_loop3A_158 : i32 to index
          %parallel_loop3A_160 = tpu.vector_load %arg8[%parallel_loop3A_159] {strides = array<i32>} : memref<7184xf32, #tpu.memory_space<vmem>>, vector<16xf32>,
          %parallel_loop3A_161 = arith.addf %parallel_loop3A_156, %parallel_loop3A_160 : vector<16xf32>
          %parallel_loop3A_162 = arith.constant 65 : i32
          %parallel_loop3A_163 = arith.muli %parallel_loop3A_133, %parallel_loop3A_162 : i32
          %parallel_loop3A_164 = arith.constant 16 : i32
          %parallel_loop3A_165 = arith.addi %parallel_loop3A_163, %parallel_loop3A_164 : i32
          %parallel_loop3A_166 = arith.index_cast %parallel_loop3A_165 : i32 to index
          %parallel_loop3A_167 = tpu.vector_load %arg9[%parallel_loop3A_166] {strides = array<i32>} : memref<18720xf32, #tpu.memory_space<vmem>>, vector<16xf32>,
          tpu.vector_store %arg9[%parallel_loop3A_166], %parallel_loop3A_161 {strides = array<i32>} : memref<18720xf32, #tpu.memory_space<vmem>>, vector<16xf32>,
          %parallel_loop3A_168 = arith.constant 65 : i32
          %parallel_loop3A_169 = arith.muli %parallel_loop3A_133, %parallel_loop3A_168 : i32
          %parallel_loop3A_170 = arith.constant 32 : i32
          %parallel_loop3A_171 = arith.addi %parallel_loop3A_169, %parallel_loop3A_170 : i32
          %parallel_loop3A_172 = arith.index_cast %parallel_loop3A_171 : i32 to index
          %parallel_loop3A_173 = tpu.vector_load %arg9[%parallel_loop3A_172] {strides = array<i32>} : memref<18720xf32, #tpu.memory_space<vmem>>, vector<16xf32>,
          %parallel_loop3A_174 = arith.constant 32 : i32
          %parallel_loop3A_175 = arith.addi %mul3A_129, %parallel_loop3A_174 : i32
          %parallel_loop3A_176 = arith.index_cast %parallel_loop3A_175 : i32 to index
          %parallel_loop3A_177 = tpu.vector_load %arg8[%parallel_loop3A_176] {strides = array<i32>} : memref<7184xf32, #tpu.memory_space<vmem>>, vector<16xf32>,
          %parallel_loop3A_178 = arith.addf %parallel_loop3A_173, %parallel_loop3A_177 : vector<16xf32>
          %parallel_loop3A_179 = arith.constant 65 : i32
          %parallel_loop3A_180 = arith.muli %parallel_loop3A_133, %parallel_loop3A_179 : i32
          %parallel_loop3A_181 = arith.constant 32 : i32
          %parallel_loop3A_182 = arith.addi %parallel_loop3A_180, %parallel_loop3A_181 : i32
          %parallel_loop3A_183 = arith.index_cast %parallel_loop3A_182 : i32 to index
          %parallel_loop3A_184 = tpu.vector_load %arg9[%parallel_loop3A_183] {strides = array<i32>} : memref<18720xf32, #tpu.memory_space<vmem>>, vector<16xf32>,
          tpu.vector_store %arg9[%parallel_loop3A_183], %parallel_loop3A_178 {strides = array<i32>} : memref<18720xf32, #tpu.memory_space<vmem>>, vector<16xf32>,
          %parallel_loop3A_185 = arith.constant 65 : i32
          %parallel_loop3A_186 = arith.muli %parallel_loop3A_133, %parallel_loop3A_185 : i32
          %parallel_loop3A_187 = arith.constant 48 : i32
          %parallel_loop3A_188 = arith.addi %parallel_loop3A_186, %parallel_loop3A_187 : i32
          %parallel_loop3A_189 = arith.index_cast %parallel_loop3A_188 : i32 to index
          %parallel_loop3A_190 = tpu.vector_load %arg9[%parallel_loop3A_189] {strides = array<i32>} : memref<18720xf32, #tpu.memory_space<vmem>>, vector<16xf32>,
          %parallel_loop3A_191 = arith.constant 48 : i32
          %parallel_loop3A_192 = arith.addi %mul3A_129, %parallel_loop3A_191 : i32
          %parallel_loop3A_193 = arith.index_cast %parallel_loop3A_192 : i32 to index
          %parallel_loop3A_194 = tpu.vector_load %arg8[%parallel_loop3A_193] {strides = array<i32>} : memref<7184xf32, #tpu.memory_space<vmem>>, vector<16xf32>,
          %parallel_loop3A_195 = arith.addf %parallel_loop3A_190, %parallel_loop3A_194 : vector<16xf32>
          %parallel_loop3A_196 = arith.constant 65 : i32
          %parallel_loop3A_197 = arith.muli %parallel_loop3A_133, %parallel_loop3A_196 : i32
          %parallel_loop3A_198 = arith.constant 48 : i32
          %parallel_loop3A_199 = arith.addi %parallel_loop3A_197, %parallel_loop3A_198 : i32
          %parallel_loop3A_200 = arith.index_cast %parallel_loop3A_199 : i32 to index
          %parallel_loop3A_201 = tpu.vector_load %arg9[%parallel_loop3A_200] {strides = array<i32>} : memref<18720xf32, #tpu.memory_space<vmem>>, vector<16xf32>,
          tpu.vector_store %arg9[%parallel_loop3A_200], %parallel_loop3A_195 {strides = array<i32>} : memref<18720xf32, #tpu.memory_space<vmem>>, vector<16xf32>,
        } {sc.loop_unroll_factor = 4 : i64, sc.parallel_access}
      } else {
      }
    } else {
    }
    %scan3A_40 = arith.constant 0 : i32
    %scan3A_41 = arith.constant 0 : i32
    %scan3A_42 = arith.constant 8 : i32
    %scan3A_43 = arith.addi %scan3A_41, %scan3A_42 : i32
    %scan3A_44 = arith.constant 1 : i32
    %scan3A_45 = scf.for %scan3A_118 = %scan3A_41 to %scan3A_43 step %scan3A_44 iter_args(%scan3A_119 = %scan3A_40) -> (i32)  : i32 {
      %mul3A_120 = arith.constant 8 : i32
      %mul3A_121 = arith.muli %mul3A_120, %scan3A_118 : i32
      %mul3A_122 = arith.constant 64 : i32
      %mul3A_123 = arith.muli %add3A_9, %mul3A_122 : i32
      %add3A_124 = arith.addi %mul3A_123, %mul3A_121 : i32
      %gt3A = arith.constant 0 : i32
      %gt3A_125 = arith.cmpi sgt, %scan3A_118, %gt3A : i32
      %convert_element_type3A_126 = arith.extui %gt3A_125 : i1 to i32
      %cond3A_127 = arith.constant 0 : i32
      %cond3A_128 = arith.cmpi ne, %convert_element_type3A_126, %cond3A_127 : i32
      scf.if %cond3A_128 {
        %dma_wait3A_161 = arith.constant 0 : i32
        %dma_wait3A_162 = arith.constant 0 : i32
        %dma_wait3A_163 = tpu.memref_slice %arg5[%dma_wait3A_161, %dma_wait3A_162] : memref<4096x10000xf32, #tpu.memory_space<hbm>> -> memref<4x10000xf32, #tpu.memory_space<hbm>>
        %dma_wait3A_164 = arith.constant 0 : i32
        %dma_wait3A_165 = arith.constant 0 : i32
        %dma_wait3A_166 = tpu.memref_slice %arg5[%dma_wait3A_164, %dma_wait3A_165] : memref<4096x10000xf32, #tpu.memory_space<hbm>> -> memref<4x10000xf32, #tpu.memory_space<hbm>>
        tpu.wait_dma2 semaphore(%arg12 : memref<!tpu.dma_semaphore, #tpu.memory_space<semaphore_mem>>) src(%arg10 : memref<4x10000xf32, #tpu.memory_space<vmem>>) dst(%dma_wait3A_166 : memref<4x10000xf32, #tpu.memory_space<hbm>>)
      } else {
      }
      %convert_element_type3A_129 = arith.extui %eq3A : i1 to i32
      %cond3A_130 = arith.constant 0 : i32
      %cond3A_131 = arith.cmpi ne, %convert_element_type3A_129, %cond3A_130 : i32
      scf.if %cond3A_131 {
        %parallel_loop3A_161 = arith.constant 0 : i32
        %parallel_loop3A_162 = arith.constant 10000 : i32
        %parallel_loop3A_163 = arith.constant 16 : i32
        scf.for %parallel_loop3A_164 = %parallel_loop3A_161 to %parallel_loop3A_162 step %parallel_loop3A_163  : i32 {
          %parallel_loop3A_165 = arith.index_cast %parallel_loop3A_164 : i32 to index
          %parallel_loop3A_166 = tpu.vector_load %arg7[%parallel_loop3A_165] {strides = array<i32>} : memref<10000xi32, #tpu.memory_space<vmem>>, vector<16xi32>,
          %parallel_loop3A_167 = arith.constant 65535 : i32
          %parallel_loop3A_168 = vector.broadcast %parallel_loop3A_167 : i32 to vector<16xi32>
          %parallel_loop3A_169 = arith.andi %parallel_loop3A_166, %parallel_loop3A_168 : vector<16xi32>
          %parallel_loop3A_170 = arith.constant 0 : i32
          %parallel_loop3A_171 = arith.addi %mul3A_121, %parallel_loop3A_170 : i32
          %parallel_loop3A_172 = vector.broadcast %parallel_loop3A_171 : i32 to vector<16xi32>
          %parallel_loop3A_173 = arith.addi %parallel_loop3A_169, %parallel_loop3A_172 : vector<16xi32>
          %parallel_loop3A_174 = tpu.vector_load_idx %arg9[%parallel_loop3A_173] : memref<18720xf32, #tpu.memory_space<vmem>>[vector<16xi32>], vector<16xf32>,
          %parallel_loop3A_175 = arith.constant 0 : i32
          %parallel_loop3A_176 = arith.index_cast %parallel_loop3A_175 : i32 to index
          %parallel_loop3A_177 = arith.index_cast %parallel_loop3A_164 : i32 to index
          %parallel_loop3A_178 = tpu.vector_load %arg10[%parallel_loop3A_176, %parallel_loop3A_177] {strides = array<i32>} : memref<4x10000xf32, #tpu.memory_space<vmem>>, vector<16xf32>,
          tpu.vector_store %arg10[%parallel_loop3A_176, %parallel_loop3A_177], %parallel_loop3A_174 {strides = array<i32>} : memref<4x10000xf32, #tpu.memory_space<vmem>>, vector<16xf32>,
          %parallel_loop3A_179 = arith.constant 1 : i32
          %parallel_loop3A_180 = arith.addi %mul3A_121, %parallel_loop3A_179 : i32
          %parallel_loop3A_181 = vector.broadcast %parallel_loop3A_180 : i32 to vector<16xi32>
          %parallel_loop3A_182 = arith.addi %parallel_loop3A_169, %parallel_loop3A_181 : vector<16xi32>
          %parallel_loop3A_183 = tpu.vector_load_idx %arg9[%parallel_loop3A_182] : memref<18720xf32, #tpu.memory_space<vmem>>[vector<16xi32>], vector<16xf32>,
          %parallel_loop3A_184 = arith.constant 1 : i32
          %parallel_loop3A_185 = arith.index_cast %parallel_loop3A_184 : i32 to index
          %parallel_loop3A_186 = arith.index_cast %parallel_loop3A_164 : i32 to index
          %parallel_loop3A_187 = tpu.vector_load %arg10[%parallel_loop3A_185, %parallel_loop3A_186] {strides = array<i32>} : memref<4x10000xf32, #tpu.memory_space<vmem>>, vector<16xf32>,
          tpu.vector_store %arg10[%parallel_loop3A_185, %parallel_loop3A_186], %parallel_loop3A_183 {strides = array<i32>} : memref<4x10000xf32, #tpu.memory_space<vmem>>, vector<16xf32>,
          %parallel_loop3A_188 = arith.constant 2 : i32
          %parallel_loop3A_189 = arith.addi %mul3A_121, %parallel_loop3A_188 : i32
          %parallel_loop3A_190 = vector.broadcast %parallel_loop3A_189 : i32 to vector<16xi32>
          %parallel_loop3A_191 = arith.addi %parallel_loop3A_169, %parallel_loop3A_190 : vector<16xi32>
          %parallel_loop3A_192 = tpu.vector_load_idx %arg9[%parallel_loop3A_191] : memref<18720xf32, #tpu.memory_space<vmem>>[vector<16xi32>], vector<16xf32>,
          %parallel_loop3A_193 = arith.constant 2 : i32
          %parallel_loop3A_194 = arith.index_cast %parallel_loop3A_193 : i32 to index
          %parallel_loop3A_195 = arith.index_cast %parallel_loop3A_164 : i32 to index
          %parallel_loop3A_196 = tpu.vector_load %arg10[%parallel_loop3A_194, %parallel_loop3A_195] {strides = array<i32>} : memref<4x10000xf32, #tpu.memory_space<vmem>>, vector<16xf32>,
          tpu.vector_store %arg10[%parallel_loop3A_194, %parallel_loop3A_195], %parallel_loop3A_192 {strides = array<i32>} : memref<4x10000xf32, #tpu.memory_space<vmem>>, vector<16xf32>,
          %parallel_loop3A_197 = arith.constant 3 : i32
          %parallel_loop3A_198 = arith.addi %mul3A_121, %parallel_loop3A_197 : i32
          %parallel_loop3A_199 = vector.broadcast %parallel_loop3A_198 : i32 to vector<16xi32>
          %parallel_loop3A_200 = arith.addi %parallel_loop3A_169, %parallel_loop3A_199 : vector<16xi32>
          %parallel_loop3A_201 = tpu.vector_load_idx %arg9[%parallel_loop3A_200] : memref<18720xf32, #tpu.memory_space<vmem>>[vector<16xi32>], vector<16xf32>,
          %parallel_loop3A_202 = arith.constant 3 : i32
          %parallel_loop3A_203 = arith.index_cast %parallel_loop3A_202 : i32 to index
          %parallel_loop3A_204 = arith.index_cast %parallel_loop3A_164 : i32 to index
          %parallel_loop3A_205 = tpu.vector_load %arg10[%parallel_loop3A_203, %parallel_loop3A_204] {strides = array<i32>} : memref<4x10000xf32, #tpu.memory_space<vmem>>, vector<16xf32>,
          tpu.vector_store %arg10[%parallel_loop3A_203, %parallel_loop3A_204], %parallel_loop3A_201 {strides = array<i32>} : memref<4x10000xf32, #tpu.memory_space<vmem>>, vector<16xf32>,
        } {sc.loop_unroll_factor = 5 : i64, sc.parallel_access}
      } else {
      }
      %not3A = arith.constant true
      %not3A_132 = arith.xori %eq3A, %not3A : i1
      %convert_element_type3A_133 = arith.extui %not3A_132 : i1 to i32
      %cond3A_134 = arith.constant 0 : i32
      %cond3A_135 = arith.cmpi ne, %convert_element_type3A_133, %cond3A_134 : i32
      scf.if %cond3A_135 {
        %parallel_loop3A_161 = arith.constant 0 : i32
        %parallel_loop3A_162 = arith.constant 10000 : i32
        %parallel_loop3A_163 = arith.constant 16 : i32
        scf.for %parallel_loop3A_164 = %parallel_loop3A_161 to %parallel_loop3A_162 step %parallel_loop3A_163  : i32 {
          %parallel_loop3A_165 = arith.index_cast %parallel_loop3A_164 : i32 to index
          %parallel_loop3A_166 = tpu.vector_load %arg7[%parallel_loop3A_165] {strides = array<i32>} : memref<10000xi32, #tpu.memory_space<vmem>>, vector<16xi32>,
          %parallel_loop3A_167 = arith.constant 65535 : i32
          %parallel_loop3A_168 = vector.broadcast %parallel_loop3A_167 : i32 to vector<16xi32>
          %parallel_loop3A_169 = arith.andi %parallel_loop3A_166, %parallel_loop3A_168 : vector<16xi32>
          %parallel_loop3A_170 = arith.constant 16 : i32
          %parallel_loop3A_171 = vector.broadcast %parallel_loop3A_170 : i32 to vector<16xi32>
          %parallel_loop3A_172 = arith.shrsi %parallel_loop3A_166, %parallel_loop3A_171 : vector<16xi32>
          %parallel_loop3A_173 = arith.addi %mul3A_5, %parallel_loop3A_172 : vector<16xi32>
          %parallel_loop3A_174 = arith.constant 0 : i32
          %parallel_loop3A_175 = arith.addi %mul3A_121, %parallel_loop3A_174 : i32
          %parallel_loop3A_176 = vector.broadcast %parallel_loop3A_175 : i32 to vector<16xi32>
          %parallel_loop3A_177 = arith.addi %parallel_loop3A_169, %parallel_loop3A_176 : vector<16xi32>
          %parallel_loop3A_178 = tpu.vector_load_idx %arg9[%parallel_loop3A_177] : memref<18720xf32, #tpu.memory_space<vmem>>[vector<16xi32>], vector<16xf32>,
          %parallel_loop3A_179 = arith.constant 0 : i32
          %parallel_loop3A_180 = arith.addi %mul3A_121, %parallel_loop3A_179 : i32
          %parallel_loop3A_181 = vector.broadcast %parallel_loop3A_180 : i32 to vector<16xi32>
          %parallel_loop3A_182 = arith.addi %parallel_loop3A_173, %parallel_loop3A_181 : vector<16xi32>
          %parallel_loop3A_183 = tpu.vector_load_idx %arg8[%parallel_loop3A_182] : memref<7184xf32, #tpu.memory_space<vmem>>[vector<16xi32>], vector<16xf32>,
          %parallel_loop3A_184 = arith.addf %parallel_loop3A_178, %parallel_loop3A_183 : vector<16xf32>
          %parallel_loop3A_185 = arith.constant 0 : i32
          %parallel_loop3A_186 = arith.index_cast %parallel_loop3A_185 : i32 to index
          %parallel_loop3A_187 = arith.index_cast %parallel_loop3A_164 : i32 to index
          %parallel_loop3A_188 = tpu.vector_load %arg10[%parallel_loop3A_186, %parallel_loop3A_187] {strides = array<i32>} : memref<4x10000xf32, #tpu.memory_space<vmem>>, vector<16xf32>,
          tpu.vector_store %arg10[%parallel_loop3A_186, %parallel_loop3A_187], %parallel_loop3A_184 {strides = array<i32>} : memref<4x10000xf32, #tpu.memory_space<vmem>>, vector<16xf32>,
          %parallel_loop3A_189 = arith.constant 1 : i32
          %parallel_loop3A_190 = arith.addi %mul3A_121, %parallel_loop3A_189 : i32
          %parallel_loop3A_191 = vector.broadcast %parallel_loop3A_190 : i32 to vector<16xi32>
          %parallel_loop3A_192 = arith.addi %parallel_loop3A_169, %parallel_loop3A_191 : vector<16xi32>
          %parallel_loop3A_193 = tpu.vector_load_idx %arg9[%parallel_loop3A_192] : memref<18720xf32, #tpu.memory_space<vmem>>[vector<16xi32>], vector<16xf32>,
          %parallel_loop3A_194 = arith.constant 1 : i32
          %parallel_loop3A_195 = arith.addi %mul3A_121, %parallel_loop3A_194 : i32
          %parallel_loop3A_196 = vector.broadcast %parallel_loop3A_195 : i32 to vector<16xi32>
          %parallel_loop3A_197 = arith.addi %parallel_loop3A_173, %parallel_loop3A_196 : vector<16xi32>
          %parallel_loop3A_198 = tpu.vector_load_idx %arg8[%parallel_loop3A_197] : memref<7184xf32, #tpu.memory_space<vmem>>[vector<16xi32>], vector<16xf32>,
          %parallel_loop3A_199 = arith.addf %parallel_loop3A_193, %parallel_loop3A_198 : vector<16xf32>
          %parallel_loop3A_200 = arith.constant 1 : i32
          %parallel_loop3A_201 = arith.index_cast %parallel_loop3A_200 : i32 to index
          %parallel_loop3A_202 = arith.index_cast %parallel_loop3A_164 : i32 to index
          %parallel_loop3A_203 = tpu.vector_load %arg10[%parallel_loop3A_201, %parallel_loop3A_202] {strides = array<i32>} : memref<4x10000xf32, #tpu.memory_space<vmem>>, vector<16xf32>,
          tpu.vector_store %arg10[%parallel_loop3A_201, %parallel_loop3A_202], %parallel_loop3A_199 {strides = array<i32>} : memref<4x10000xf32, #tpu.memory_space<vmem>>, vector<16xf32>,
          %parallel_loop3A_204 = arith.constant 2 : i32
          %parallel_loop3A_205 = arith.addi %mul3A_121, %parallel_loop3A_204 : i32
          %parallel_loop3A_206 = vector.broadcast %parallel_loop3A_205 : i32 to vector<16xi32>
          %parallel_loop3A_207 = arith.addi %parallel_loop3A_169, %parallel_loop3A_206 : vector<16xi32>
          %parallel_loop3A_208 = tpu.vector_load_idx %arg9[%parallel_loop3A_207] : memref<18720xf32, #tpu.memory_space<vmem>>[vector<16xi32>], vector<16xf32>,
          %parallel_loop3A_209 = arith.constant 2 : i32
          %parallel_loop3A_210 = arith.addi %mul3A_121, %parallel_loop3A_209 : i32
          %parallel_loop3A_211 = vector.broadcast %parallel_loop3A_210 : i32 to vector<16xi32>
          %parallel_loop3A_212 = arith.addi %parallel_loop3A_173, %parallel_loop3A_211 : vector<16xi32>
          %parallel_loop3A_213 = tpu.vector_load_idx %arg8[%parallel_loop3A_212] : memref<7184xf32, #tpu.memory_space<vmem>>[vector<16xi32>], vector<16xf32>,
          %parallel_loop3A_214 = arith.addf %parallel_loop3A_208, %parallel_loop3A_213 : vector<16xf32>
          %parallel_loop3A_215 = arith.constant 2 : i32
          %parallel_loop3A_216 = arith.index_cast %parallel_loop3A_215 : i32 to index
          %parallel_loop3A_217 = arith.index_cast %parallel_loop3A_164 : i32 to index
          %parallel_loop3A_218 = tpu.vector_load %arg10[%parallel_loop3A_216, %parallel_loop3A_217] {strides = array<i32>} : memref<4x10000xf32, #tpu.memory_space<vmem>>, vector<16xf32>,
          tpu.vector_store %arg10[%parallel_loop3A_216, %parallel_loop3A_217], %parallel_loop3A_214 {strides = array<i32>} : memref<4x10000xf32, #tpu.memory_space<vmem>>, vector<16xf32>,
          %parallel_loop3A_219 = arith.constant 3 : i32
          %parallel_loop3A_220 = arith.addi %mul3A_121, %parallel_loop3A_219 : i32
          %parallel_loop3A_221 = vector.broadcast %parallel_loop3A_220 : i32 to vector<16xi32>
          %parallel_loop3A_222 = arith.addi %parallel_loop3A_169, %parallel_loop3A_221 : vector<16xi32>
          %parallel_loop3A_223 = tpu.vector_load_idx %arg9[%parallel_loop3A_222] : memref<18720xf32, #tpu.memory_space<vmem>>[vector<16xi32>], vector<16xf32>,
          %parallel_loop3A_224 = arith.constant 3 : i32
          %parallel_loop3A_225 = arith.addi %mul3A_121, %parallel_loop3A_224 : i32
          %parallel_loop3A_226 = vector.broadcast %parallel_loop3A_225 : i32 to vector<16xi32>
          %parallel_loop3A_227 = arith.addi %parallel_loop3A_173, %parallel_loop3A_226 : vector<16xi32>
          %parallel_loop3A_228 = tpu.vector_load_idx %arg8[%parallel_loop3A_227] : memref<7184xf32, #tpu.memory_space<vmem>>[vector<16xi32>], vector<16xf32>,
          %parallel_loop3A_229 = arith.addf %parallel_loop3A_223, %parallel_loop3A_228 : vector<16xf32>
          %parallel_loop3A_230 = arith.constant 3 : i32
          %parallel_loop3A_231 = arith.index_cast %parallel_loop3A_230 : i32 to index
          %parallel_loop3A_232 = arith.index_cast %parallel_loop3A_164 : i32 to index
          %parallel_loop3A_233 = tpu.vector_load %arg10[%parallel_loop3A_231, %parallel_loop3A_232] {strides = array<i32>} : memref<4x10000xf32, #tpu.memory_space<vmem>>, vector<16xf32>,
          tpu.vector_store %arg10[%parallel_loop3A_231, %parallel_loop3A_232], %parallel_loop3A_229 {strides = array<i32>} : memref<4x10000xf32, #tpu.memory_space<vmem>>, vector<16xf32>,
        } {sc.loop_unroll_factor = 5 : i64, sc.parallel_access}
      } else {
      }
      %dma_start3A = arith.constant 0 : i32
      %dma_start3A_136 = tpu.memref_slice %arg5[%add3A_124, %dma_start3A] : memref<4096x10000xf32, #tpu.memory_space<hbm>> -> memref<4x10000xf32, #tpu.memory_space<hbm>>
      %dma_start3A_137 = arith.constant 0 : i32
      %dma_start3A_138 = tpu.memref_slice %arg5[%add3A_124, %dma_start3A_137] : memref<4096x10000xf32, #tpu.memory_space<hbm>> -> memref<4x10000xf32, #tpu.memory_space<hbm>>
      tpu.enqueue_dma source(%arg10 : memref<4x10000xf32, #tpu.memory_space<vmem>>) target(%dma_start3A_138 : memref<4x10000xf32, #tpu.memory_space<hbm>>) target_semaphore(%arg12 : memref<!tpu.dma_semaphore, #tpu.memory_space<semaphore_mem>>)
      %gt3A_139 = arith.constant 0 : i32
      %gt3A_140 = arith.cmpi sgt, %scan3A_118, %gt3A_139 : i32
      %convert_element_type3A_141 = arith.extui %gt3A_140 : i1 to i32
      %cond3A_142 = arith.constant 0 : i32
      %cond3A_143 = arith.cmpi ne, %convert_element_type3A_141, %cond3A_142 : i32
      scf.if %cond3A_143 {
        %dma_wait3A_161 = arith.constant 0 : i32
        %dma_wait3A_162 = arith.constant 0 : i32
        %dma_wait3A_163 = tpu.memref_slice %arg5[%dma_wait3A_161, %dma_wait3A_162] : memref<4096x10000xf32, #tpu.memory_space<hbm>> -> memref<4x10000xf32, #tpu.memory_space<hbm>>
        %dma_wait3A_164 = arith.constant 0 : i32
        %dma_wait3A_165 = arith.constant 0 : i32
        %dma_wait3A_166 = tpu.memref_slice %arg5[%dma_wait3A_164, %dma_wait3A_165] : memref<4096x10000xf32, #tpu.memory_space<hbm>> -> memref<4x10000xf32, #tpu.memory_space<hbm>>
        tpu.wait_dma2 semaphore(%arg13 : memref<!tpu.dma_semaphore, #tpu.memory_space<semaphore_mem>>) src(%arg11 : memref<4x10000xf32, #tpu.memory_space<vmem>>) dst(%dma_wait3A_166 : memref<4x10000xf32, #tpu.memory_space<hbm>>)
      } else {
      }
      %add3A_144 = arith.constant 4 : i32
      %add3A_145 = arith.addi %mul3A_121, %add3A_144 : i32
      %convert_element_type3A_146 = arith.extui %eq3A : i1 to i32
      %cond3A_147 = arith.constant 0 : i32
      %cond3A_148 = arith.cmpi ne, %convert_element_type3A_146, %cond3A_147 : i32
      scf.if %cond3A_148 {
        %parallel_loop3A_161 = arith.constant 0 : i32
        %parallel_loop3A_162 = arith.constant 10000 : i32
        %parallel_loop3A_163 = arith.constant 16 : i32
        scf.for %parallel_loop3A_164 = %parallel_loop3A_161 to %parallel_loop3A_162 step %parallel_loop3A_163  : i32 {
          %parallel_loop3A_165 = arith.index_cast %parallel_loop3A_164 : i32 to index
          %parallel_loop3A_166 = tpu.vector_load %arg7[%parallel_loop3A_165] {strides = array<i32>} : memref<10000xi32, #tpu.memory_space<vmem>>, vector<16xi32>,
          %parallel_loop3A_167 = arith.constant 65535 : i32
          %parallel_loop3A_168 = vector.broadcast %parallel_loop3A_167 : i32 to vector<16xi32>
          %parallel_loop3A_169 = arith.andi %parallel_loop3A_166, %parallel_loop3A_168 : vector<16xi32>
          %parallel_loop3A_170 = arith.constant 0 : i32
          %parallel_loop3A_171 = arith.addi %add3A_145, %parallel_loop3A_170 : i32
          %parallel_loop3A_172 = vector.broadcast %parallel_loop3A_171 : i32 to vector<16xi32>
          %parallel_loop3A_173 = arith.addi %parallel_loop3A_169, %parallel_loop3A_172 : vector<16xi32>
          %parallel_loop3A_174 = tpu.vector_load_idx %arg9[%parallel_loop3A_173] : memref<18720xf32, #tpu.memory_space<vmem>>[vector<16xi32>], vector<16xf32>,
          %parallel_loop3A_175 = arith.constant 0 : i32
          %parallel_loop3A_176 = arith.index_cast %parallel_loop3A_175 : i32 to index
          %parallel_loop3A_177 = arith.index_cast %parallel_loop3A_164 : i32 to index
          %parallel_loop3A_178 = tpu.vector_load %arg11[%parallel_loop3A_176, %parallel_loop3A_177] {strides = array<i32>} : memref<4x10000xf32, #tpu.memory_space<vmem>>, vector<16xf32>,
          tpu.vector_store %arg11[%parallel_loop3A_176, %parallel_loop3A_177], %parallel_loop3A_174 {strides = array<i32>} : memref<4x10000xf32, #tpu.memory_space<vmem>>, vector<16xf32>,
          %parallel_loop3A_179 = arith.constant 1 : i32
          %parallel_loop3A_180 = arith.addi %add3A_145, %parallel_loop3A_179 : i32
          %parallel_loop3A_181 = vector.broadcast %parallel_loop3A_180 : i32 to vector<16xi32>
          %parallel_loop3A_182 = arith.addi %parallel_loop3A_169, %parallel_loop3A_181 : vector<16xi32>
          %parallel_loop3A_183 = tpu.vector_load_idx %arg9[%parallel_loop3A_182] : memref<18720xf32, #tpu.memory_space<vmem>>[vector<16xi32>], vector<16xf32>,
          %parallel_loop3A_184 = arith.constant 1 : i32
          %parallel_loop3A_185 = arith.index_cast %parallel_loop3A_184 : i32 to index
          %parallel_loop3A_186 = arith.index_cast %parallel_loop3A_164 : i32 to index
          %parallel_loop3A_187 = tpu.vector_load %arg11[%parallel_loop3A_185, %parallel_loop3A_186] {strides = array<i32>} : memref<4x10000xf32, #tpu.memory_space<vmem>>, vector<16xf32>,
          tpu.vector_store %arg11[%parallel_loop3A_185, %parallel_loop3A_186], %parallel_loop3A_183 {strides = array<i32>} : memref<4x10000xf32, #tpu.memory_space<vmem>>, vector<16xf32>,
          %parallel_loop3A_188 = arith.constant 2 : i32
          %parallel_loop3A_189 = arith.addi %add3A_145, %parallel_loop3A_188 : i32
          %parallel_loop3A_190 = vector.broadcast %parallel_loop3A_189 : i32 to vector<16xi32>
          %parallel_loop3A_191 = arith.addi %parallel_loop3A_169, %parallel_loop3A_190 : vector<16xi32>
          %parallel_loop3A_192 = tpu.vector_load_idx %arg9[%parallel_loop3A_191] : memref<18720xf32, #tpu.memory_space<vmem>>[vector<16xi32>], vector<16xf32>,
          %parallel_loop3A_193 = arith.constant 2 : i32
          %parallel_loop3A_194 = arith.index_cast %parallel_loop3A_193 : i32 to index
          %parallel_loop3A_195 = arith.index_cast %parallel_loop3A_164 : i32 to index
          %parallel_loop3A_196 = tpu.vector_load %arg11[%parallel_loop3A_194, %parallel_loop3A_195] {strides = array<i32>} : memref<4x10000xf32, #tpu.memory_space<vmem>>, vector<16xf32>,
          tpu.vector_store %arg11[%parallel_loop3A_194, %parallel_loop3A_195], %parallel_loop3A_192 {strides = array<i32>} : memref<4x10000xf32, #tpu.memory_space<vmem>>, vector<16xf32>,
          %parallel_loop3A_197 = arith.constant 3 : i32
          %parallel_loop3A_198 = arith.addi %add3A_145, %parallel_loop3A_197 : i32
          %parallel_loop3A_199 = vector.broadcast %parallel_loop3A_198 : i32 to vector<16xi32>
          %parallel_loop3A_200 = arith.addi %parallel_loop3A_169, %parallel_loop3A_199 : vector<16xi32>
          %parallel_loop3A_201 = tpu.vector_load_idx %arg9[%parallel_loop3A_200] : memref<18720xf32, #tpu.memory_space<vmem>>[vector<16xi32>], vector<16xf32>,
          %parallel_loop3A_202 = arith.constant 3 : i32
          %parallel_loop3A_203 = arith.index_cast %parallel_loop3A_202 : i32 to index
          %parallel_loop3A_204 = arith.index_cast %parallel_loop3A_164 : i32 to index
          %parallel_loop3A_205 = tpu.vector_load %arg11[%parallel_loop3A_203, %parallel_loop3A_204] {strides = array<i32>} : memref<4x10000xf32, #tpu.memory_space<vmem>>, vector<16xf32>,
          tpu.vector_store %arg11[%parallel_loop3A_203, %parallel_loop3A_204], %parallel_loop3A_201 {strides = array<i32>} : memref<4x10000xf32, #tpu.memory_space<vmem>>, vector<16xf32>,
        } {sc.loop_unroll_factor = 5 : i64, sc.parallel_access}
      } else {
      }
      %not3A_149 = arith.constant true
      %not3A_150 = arith.xori %eq3A, %not3A_149 : i1
      %convert_element_type3A_151 = arith.extui %not3A_150 : i1 to i32
      %cond3A_152 = arith.constant 0 : i32
      %cond3A_153 = arith.cmpi ne, %convert_element_type3A_151, %cond3A_152 : i32
      scf.if %cond3A_153 {
        %parallel_loop3A_161 = arith.constant 0 : i32
        %parallel_loop3A_162 = arith.constant 10000 : i32
        %parallel_loop3A_163 = arith.constant 16 : i32
        scf.for %parallel_loop3A_164 = %parallel_loop3A_161 to %parallel_loop3A_162 step %parallel_loop3A_163  : i32 {
          %parallel_loop3A_165 = arith.index_cast %parallel_loop3A_164 : i32 to index
          %parallel_loop3A_166 = tpu.vector_load %arg7[%parallel_loop3A_165] {strides = array<i32>} : memref<10000xi32, #tpu.memory_space<vmem>>, vector<16xi32>,
          %parallel_loop3A_167 = arith.constant 65535 : i32
          %parallel_loop3A_168 = vector.broadcast %parallel_loop3A_167 : i32 to vector<16xi32>
          %parallel_loop3A_169 = arith.andi %parallel_loop3A_166, %parallel_loop3A_168 : vector<16xi32>
          %parallel_loop3A_170 = arith.constant 16 : i32
          %parallel_loop3A_171 = vector.broadcast %parallel_loop3A_170 : i32 to vector<16xi32>
          %parallel_loop3A_172 = arith.shrsi %parallel_loop3A_166, %parallel_loop3A_171 : vector<16xi32>
          %parallel_loop3A_173 = arith.addi %mul3A_5, %parallel_loop3A_172 : vector<16xi32>
          %parallel_loop3A_174 = arith.constant 0 : i32
          %parallel_loop3A_175 = arith.addi %add3A_145, %parallel_loop3A_174 : i32
          %parallel_loop3A_176 = vector.broadcast %parallel_loop3A_175 : i32 to vector<16xi32>
          %parallel_loop3A_177 = arith.addi %parallel_loop3A_169, %parallel_loop3A_176 : vector<16xi32>
          %parallel_loop3A_178 = tpu.vector_load_idx %arg9[%parallel_loop3A_177] : memref<18720xf32, #tpu.memory_space<vmem>>[vector<16xi32>], vector<16xf32>,
          %parallel_loop3A_179 = arith.constant 0 : i32
          %parallel_loop3A_180 = arith.addi %add3A_145, %parallel_loop3A_179 : i32
          %parallel_loop3A_181 = vector.broadcast %parallel_loop3A_180 : i32 to vector<16xi32>
          %parallel_loop3A_182 = arith.addi %parallel_loop3A_173, %parallel_loop3A_181 : vector<16xi32>
          %parallel_loop3A_183 = tpu.vector_load_idx %arg8[%parallel_loop3A_182] : memref<7184xf32, #tpu.memory_space<vmem>>[vector<16xi32>], vector<16xf32>,
          %parallel_loop3A_184 = arith.addf %parallel_loop3A_178, %parallel_loop3A_183 : vector<16xf32>
          %parallel_loop3A_185 = arith.constant 0 : i32
          %parallel_loop3A_186 = arith.index_cast %parallel_loop3A_185 : i32 to index
          %parallel_loop3A_187 = arith.index_cast %parallel_loop3A_164 : i32 to index
          %parallel_loop3A_188 = tpu.vector_load %arg11[%parallel_loop3A_186, %parallel_loop3A_187] {strides = array<i32>} : memref<4x10000xf32, #tpu.memory_space<vmem>>, vector<16xf32>,
          tpu.vector_store %arg11[%parallel_loop3A_186, %parallel_loop3A_187], %parallel_loop3A_184 {strides = array<i32>} : memref<4x10000xf32, #tpu.memory_space<vmem>>, vector<16xf32>,
          %parallel_loop3A_189 = arith.constant 1 : i32
          %parallel_loop3A_190 = arith.addi %add3A_145, %parallel_loop3A_189 : i32
          %parallel_loop3A_191 = vector.broadcast %parallel_loop3A_190 : i32 to vector<16xi32>
          %parallel_loop3A_192 = arith.addi %parallel_loop3A_169, %parallel_loop3A_191 : vector<16xi32>
          %parallel_loop3A_193 = tpu.vector_load_idx %arg9[%parallel_loop3A_192] : memref<18720xf32, #tpu.memory_space<vmem>>[vector<16xi32>], vector<16xf32>,
          %parallel_loop3A_194 = arith.constant 1 : i32
          %parallel_loop3A_195 = arith.addi %add3A_145, %parallel_loop3A_194 : i32
          %parallel_loop3A_196 = vector.broadcast %parallel_loop3A_195 : i32 to vector<16xi32>
          %parallel_loop3A_197 = arith.addi %parallel_loop3A_173, %parallel_loop3A_196 : vector<16xi32>
          %parallel_loop3A_198 = tpu.vector_load_idx %arg8[%parallel_loop3A_197] : memref<7184xf32, #tpu.memory_space<vmem>>[vector<16xi32>], vector<16xf32>,
          %parallel_loop3A_199 = arith.addf %parallel_loop3A_193, %parallel_loop3A_198 : vector<16xf32>
          %parallel_loop3A_200 = arith.constant 1 : i32
          %parallel_loop3A_201 = arith.index_cast %parallel_loop3A_200 : i32 to index
          %parallel_loop3A_202 = arith.index_cast %parallel_loop3A_164 : i32 to index
          %parallel_loop3A_203 = tpu.vector_load %arg11[%parallel_loop3A_201, %parallel_loop3A_202] {strides = array<i32>} : memref<4x10000xf32, #tpu.memory_space<vmem>>, vector<16xf32>,
          tpu.vector_store %arg11[%parallel_loop3A_201, %parallel_loop3A_202], %parallel_loop3A_199 {strides = array<i32>} : memref<4x10000xf32, #tpu.memory_space<vmem>>, vector<16xf32>,
          %parallel_loop3A_204 = arith.constant 2 : i32
          %parallel_loop3A_205 = arith.addi %add3A_145, %parallel_loop3A_204 : i32
          %parallel_loop3A_206 = vector.broadcast %parallel_loop3A_205 : i32 to vector<16xi32>
          %parallel_loop3A_207 = arith.addi %parallel_loop3A_169, %parallel_loop3A_206 : vector<16xi32>
          %parallel_loop3A_208 = tpu.vector_load_idx %arg9[%parallel_loop3A_207] : memref<18720xf32, #tpu.memory_space<vmem>>[vector<16xi32>], vector<16xf32>,
          %parallel_loop3A_209 = arith.constant 2 : i32
          %parallel_loop3A_210 = arith.addi %add3A_145, %parallel_loop3A_209 : i32
          %parallel_loop3A_211 = vector.broadcast %parallel_loop3A_210 : i32 to vector<16xi32>
          %parallel_loop3A_212 = arith.addi %parallel_loop3A_173, %parallel_loop3A_211 : vector<16xi32>
          %parallel_loop3A_213 = tpu.vector_load_idx %arg8[%parallel_loop3A_212] : memref<7184xf32, #tpu.memory_space<vmem>>[vector<16xi32>], vector<16xf32>,
          %parallel_loop3A_214 = arith.addf %parallel_loop3A_208, %parallel_loop3A_213 : vector<16xf32>
          %parallel_loop3A_215 = arith.constant 2 : i32
          %parallel_loop3A_216 = arith.index_cast %parallel_loop3A_215 : i32 to index
          %parallel_loop3A_217 = arith.index_cast %parallel_loop3A_164 : i32 to index
          %parallel_loop3A_218 = tpu.vector_load %arg11[%parallel_loop3A_216, %parallel_loop3A_217] {strides = array<i32>} : memref<4x10000xf32, #tpu.memory_space<vmem>>, vector<16xf32>,
          tpu.vector_store %arg11[%parallel_loop3A_216, %parallel_loop3A_217], %parallel_loop3A_214 {strides = array<i32>} : memref<4x10000xf32, #tpu.memory_space<vmem>>, vector<16xf32>,
          %parallel_loop3A_219 = arith.constant 3 : i32
          %parallel_loop3A_220 = arith.addi %add3A_145, %parallel_loop3A_219 : i32
          %parallel_loop3A_221 = vector.broadcast %parallel_loop3A_220 : i32 to vector<16xi32>
          %parallel_loop3A_222 = arith.addi %parallel_loop3A_169, %parallel_loop3A_221 : vector<16xi32>
          %parallel_loop3A_223 = tpu.vector_load_idx %arg9[%parallel_loop3A_222] : memref<18720xf32, #tpu.memory_space<vmem>>[vector<16xi32>], vector<16xf32>,
          %parallel_loop3A_224 = arith.constant 3 : i32
          %parallel_loop3A_225 = arith.addi %add3A_145, %parallel_loop3A_224 : i32
          %parallel_loop3A_226 = vector.broadcast %parallel_loop3A_225 : i32 to vector<16xi32>
          %parallel_loop3A_227 = arith.addi %parallel_loop3A_173, %parallel_loop3A_226 : vector<16xi32>
          %parallel_loop3A_228 = tpu.vector_load_idx %arg8[%parallel_loop3A_227] : memref<7184xf32, #tpu.memory_space<vmem>>[vector<16xi32>], vector<16xf32>,
          %parallel_loop3A_229 = arith.addf %parallel_loop3A_223, %parallel_loop3A_228 : vector<16xf32>
          %parallel_loop3A_230 = arith.constant 3 : i32
          %parallel_loop3A_231 = arith.index_cast %parallel_loop3A_230 : i32 to index
          %parallel_loop3A_232 = arith.index_cast %parallel_loop3A_164 : i32 to index
          %parallel_loop3A_233 = tpu.vector_load %arg11[%parallel_loop3A_231, %parallel_loop3A_232] {strides = array<i32>} : memref<4x10000xf32, #tpu.memory_space<vmem>>, vector<16xf32>,
          tpu.vector_store %arg11[%parallel_loop3A_231, %parallel_loop3A_232], %parallel_loop3A_229 {strides = array<i32>} : memref<4x10000xf32, #tpu.memory_space<vmem>>, vector<16xf32>,
        } {sc.loop_unroll_factor = 5 : i64, sc.parallel_access}
      } else {
      }
      %add3A_154 = arith.constant 4 : i32
      %add3A_155 = arith.addi %add3A_124, %add3A_154 : i32
      %dma_start3A_156 = arith.constant 0 : i32
      %dma_start3A_157 = tpu.memref_slice %arg5[%add3A_155, %dma_start3A_156] : memref<4096x10000xf32, #tpu.memory_space<hbm>> -> memref<4x10000xf32, #tpu.memory_space<hbm>>
      %dma_start3A_158 = arith.constant 0 : i32
      %dma_start3A_159 = tpu.memref_slice %arg5[%add3A_155, %dma_start3A_158] : memref<4096x10000xf32, #tpu.memory_space<hbm>> -> memref<4x10000xf32, #tpu.memory_space<hbm>>
      tpu.enqueue_dma source(%arg11 : memref<4x10000xf32, #tpu.memory_space<vmem>>) target(%dma_start3A_159 : memref<4x10000xf32, #tpu.memory_space<hbm>>) target_semaphore(%arg13 : memref<!tpu.dma_semaphore, #tpu.memory_space<semaphore_mem>>)
      %scan3A_160 = arith.constant 0 : i32
      scf.yield %scan3A_160 : i32
    }
    %scan3A_46 = arith.constant 8 : i32
    %dma_wait3A = arith.constant 0 : i32
    %dma_wait3A_47 = arith.constant 0 : i32
    %dma_wait3A_48 = tpu.memref_slice %arg5[%dma_wait3A, %dma_wait3A_47] : memref<4096x10000xf32, #tpu.memory_space<hbm>> -> memref<4x10000xf32, #tpu.memory_space<hbm>>
    %dma_wait3A_49 = arith.constant 0 : i32
    %dma_wait3A_50 = arith.constant 0 : i32
    %dma_wait3A_51 = tpu.memref_slice %arg5[%dma_wait3A_49, %dma_wait3A_50] : memref<4096x10000xf32, #tpu.memory_space<hbm>> -> memref<4x10000xf32, #tpu.memory_space<hbm>>
    tpu.wait_dma2 semaphore(%arg12 : memref<!tpu.dma_semaphore, #tpu.memory_space<semaphore_mem>>) src(%arg10 : memref<4x10000xf32, #tpu.memory_space<vmem>>) dst(%dma_wait3A_51 : memref<4x10000xf32, #tpu.memory_space<hbm>>)
    %dma_wait3A_52 = arith.constant 0 : i32
    %dma_wait3A_53 = arith.constant 0 : i32
    %dma_wait3A_54 = tpu.memref_slice %arg5[%dma_wait3A_52, %dma_wait3A_53] : memref<4096x10000xf32, #tpu.memory_space<hbm>> -> memref<4x10000xf32, #tpu.memory_space<hbm>>
    %dma_wait3A_55 = arith.constant 0 : i32
    %dma_wait3A_56 = arith.constant 0 : i32
    %dma_wait3A_57 = tpu.memref_slice %arg5[%dma_wait3A_55, %dma_wait3A_56] : memref<4096x10000xf32, #tpu.memory_space<hbm>> -> memref<4x10000xf32, #tpu.memory_space<hbm>>
    tpu.wait_dma2 semaphore(%arg13 : memref<!tpu.dma_semaphore, #tpu.memory_space<semaphore_mem>>) src(%arg11 : memref<4x10000xf32, #tpu.memory_space<vmem>>) dst(%dma_wait3A_57 : memref<4x10000xf32, #tpu.memory_space<hbm>>)
    %mul3A_58 = arith.constant 2 : i32
    %mul3A_59 = arith.muli %add3A, %mul3A_58 : i32
    %add3A_60 = arith.constant 1 : i32
    %add3A_61 = arith.addi %mul3A_59, %add3A_60 : i32
    %run_scoped3A_62 = arith.constant 0 : i32
    "tpu.region"() ({
      %run_scoped3A_118 = tpu.sem_alloc : memref<!tpu.dma_semaphore, #tpu.memory_space<semaphore_mem>>
      %dma_start3A = arith.constant 0 : i32
      %dma_start3A_119 = tpu.memref_slice %arg6[%dma_start3A] : memref<7680xf32, #tpu.memory_space<vmem>> -> memref<7680xf32, #tpu.memory_space<vmem>>
      %dma_start3A_120 = arith.constant 0 : i32
      %dma_start3A_121 = tpu.memref_slice %arg2[%add3A_61, %run_scoped3A_62, %dma_start3A_120] : memref<64x1x30000xf32, #tpu.memory_space<hbm>> -> memref<1x1x7680xf32, #tpu.memory_space<hbm>>
      %dma_start3A_122 = tpu.memref_squeeze %dma_start3A_121 : memref<1x1x7680xf32, #tpu.memory_space<hbm>> -> memref<7680xf32, #tpu.memory_space<hbm>>
      %dma_start3A_123 = arith.constant 0 : i32
      %dma_start3A_124 = tpu.memref_slice %arg6[%dma_start3A_123] : memref<7680xf32, #tpu.memory_space<vmem>> -> memref<7680xf32, #tpu.memory_space<vmem>>
      %dma_start3A_125 = arith.constant 0 : i32
      %dma_start3A_126 = tpu.memref_slice %arg2[%add3A_61, %run_scoped3A_62, %dma_start3A_125] : memref<64x1x30000xf32, #tpu.memory_space<hbm>> -> memref<1x1x7680xf32, #tpu.memory_space<hbm>>
      %dma_start3A_127 = tpu.memref_squeeze %dma_start3A_126 : memref<1x1x7680xf32, #tpu.memory_space<hbm>> -> memref<7680xf32, #tpu.memory_space<hbm>>
      tpu.enqueue_dma source(%dma_start3A_127 : memref<7680xf32, #tpu.memory_space<hbm>>) target(%dma_start3A_124 : memref<7680xf32, #tpu.memory_space<vmem>>) target_semaphore(%run_scoped3A_118 : memref<!tpu.dma_semaphore, #tpu.memory_space<semaphore_mem>>)
      %dma_wait3A_128 = arith.constant 0 : i32
      %dma_wait3A_129 = tpu.memref_slice %arg6[%dma_wait3A_128] : memref<7680xf32, #tpu.memory_space<vmem>> -> memref<7680xf32, #tpu.memory_space<vmem>>
      %dma_wait3A_130 = arith.constant 0 : i32
      %dma_wait3A_131 = tpu.memref_slice %arg2[%add3A_61, %run_scoped3A_62, %dma_wait3A_130] : memref<64x1x30000xf32, #tpu.memory_space<hbm>> -> memref<1x1x7680xf32, #tpu.memory_space<hbm>>
      %dma_wait3A_132 = tpu.memref_squeeze %dma_wait3A_131 : memref<1x1x7680xf32, #tpu.memory_space<hbm>> -> memref<7680xf32, #tpu.memory_space<hbm>>
      %dma_wait3A_133 = arith.constant 0 : i32
      %dma_wait3A_134 = tpu.memref_slice %arg6[%dma_wait3A_133] : memref<7680xf32, #tpu.memory_space<vmem>> -> memref<7680xf32, #tpu.memory_space<vmem>>
      %dma_wait3A_135 = arith.constant 0 : i32
      %dma_wait3A_136 = tpu.memref_slice %arg2[%add3A_61, %run_scoped3A_62, %dma_wait3A_135] : memref<64x1x30000xf32, #tpu.memory_space<hbm>> -> memref<1x1x7680xf32, #tpu.memory_space<hbm>>
      %dma_wait3A_137 = tpu.memref_squeeze %dma_wait3A_136 : memref<1x1x7680xf32, #tpu.memory_space<hbm>> -> memref<7680xf32, #tpu.memory_space<hbm>>
      tpu.wait_dma2 semaphore(%run_scoped3A_118 : memref<!tpu.dma_semaphore, #tpu.memory_space<semaphore_mem>>) src(%dma_wait3A_137 : memref<7680xf32, #tpu.memory_space<hbm>>) dst(%dma_wait3A_134 : memref<7680xf32, #tpu.memory_space<vmem>>)
      tpu.yield
    }) : () -> ()
    %scan3A_63 = arith.constant 7 : i32
    %scan3A_64 = arith.constant -1 : i32
    %scan3A_65 = arith.constant 0 : i32
    %scan3A_66 = arith.constant 160 : i32
    %scan3A_67 = arith.addi %scan3A_65, %scan3A_66 : i32
    %scan3A_68 = arith.constant 1 : i32
    %scan3A_69:2 = scf.for %scan3A_118 = %scan3A_65 to %scan3A_67 step %scan3A_68 iter_args(%scan3A_119 = %scan3A_63, %scan3A_120 = %scan3A_64) -> (i32, i32)  : i32 {
      %mul3A_121 = arith.constant 16 : i32
      %mul3A_122 = arith.muli %scan3A_118, %mul3A_121 : i32
      %mul3A_123 = arith.constant 3 : i32
      %mul3A_124 = arith.muli %mul3A_123, %mul3A_122 : i32
      %mul3A_125 = arith.constant 3 : i32
      %mul3A_126 = vector.broadcast %mul3A_125 : i32 to vector<16xi32>
      %mul3A_127 = arith.muli %mul3A_126, %iota3A : vector<16xi32>
      %add3A_128 = vector.broadcast %mul3A_124 : i32 to vector<16xi32>
      %add3A_129 = arith.addi %add3A_128, %mul3A_127 : vector<16xi32>
      %add3A_130 = arith.constant 1 : i32
      %add3A_131 = vector.broadcast %add3A_130 : i32 to vector<16xi32>
      %add3A_132 = arith.addi %add3A_129, %add3A_131 : vector<16xi32>
      %gather3A = tpu.vector_load_idx %arg6[%add3A_132] : memref<7680xf32, #tpu.memory_space<vmem>>[vector<16xi32>], vector<16xf32>,
      %add3A_133 = arith.constant 2 : i32
      %add3A_134 = vector.broadcast %add3A_133 : i32 to vector<16xi32>
      %add3A_135 = arith.addi %add3A_129, %add3A_134 : vector<16xi32>
      %gather3A_136 = tpu.vector_load_idx %arg6[%add3A_135] : memref<7680xf32, #tpu.memory_space<vmem>>[vector<16xi32>], vector<16xf32>,
      %mul3A_137 = arith.constant 2.880000e+02 : f32
      %mul3A_138 = vector.broadcast %mul3A_137 : f32 to vector<16xf32>
      %mul3A_139 = arith.mulf %gather3A, %mul3A_138 : vector<16xf32>
      %convert_element_type3A_140 = arith.fptosi %mul3A_139 : vector<16xf32> to vector<16xi32>
      %mul3A_141 = arith.constant 65 : i32
      %mul3A_142 = vector.broadcast %mul3A_141 : i32 to vector<16xi32>
      %mul3A_143 = arith.muli %convert_element_type3A_140, %mul3A_142 : vector<16xi32>
      %convert_element_type3A_144 = arith.fptosi %gather3A_136 : vector<16xf32> to vector<16xi32>
      %mul3A_145 = arith.constant 64 : i32
      %mul3A_146 = vector.broadcast %mul3A_145 : i32 to vector<16xi32>
      %mul3A_147 = arith.muli %convert_element_type3A_144, %mul3A_146 : vector<16xi32>
      %shift_left3A = arith.constant 16 : i32
      %shift_left3A_148 = vector.broadcast %shift_left3A : i32 to vector<16xi32>
      %shift_left3A_149 = arith.shli %mul3A_147, %shift_left3A_148 : vector<16xi32>
      %or3A = arith.ori %mul3A_143, %shift_left3A_149 : vector<16xi32>
      %add3A_150 = arith.constant 0 : i32
      %add3A_151 = arith.addi %add3A_150, %mul3A_122 : i32
      %swap3A = arith.index_cast %add3A_151 : i32 to index
      %swap3A_152 = tpu.vector_load %arg7[%swap3A] {strides = array<i32>} : memref<10000xi32, #tpu.memory_space<vmem>>, vector<16xi32>,
      tpu.vector_store %arg7[%swap3A], %or3A {strides = array<i32>} : memref<10000xi32, #tpu.memory_space<vmem>>, vector<16xi32>,
      %reduce_min3A = arith.constant true
      %reduce_min3A_153 = vector.broadcast %reduce_min3A : i1 to vector<16xi1>
      %reduce_min3A_154 = arith.constant -2147483648 : i32
      %reduce_min3A_155 = vector.broadcast %reduce_min3A_154 : i32 to vector<16xi32>
      %reduce_min3A_156 = arith.xori %convert_element_type3A_144, %reduce_min3A_155 : vector<16xi32>
      %reduce_min3A_157 = tpu.scan <min>, %reduce_min3A_156 masked %reduce_min3A_153 : vector<16xi32>, vector<16xi1> -> vector<16xi32>
      %reduce_min3A_158 = arith.xori %reduce_min3A_157, %reduce_min3A_155 : vector<16xi32>
      %reduce_min3A_159 = vector.extract %reduce_min3A_158[15] : i32 from vector<16xi32>
      %min3A = arith.minsi %scan3A_119, %reduce_min3A_159 : i32
      %reduce_max3A = arith.constant true
      %reduce_max3A_160 = vector.broadcast %reduce_max3A : i1 to vector<16xi1>
      %reduce_max3A_161 = arith.constant -2147483648 : i32
      %reduce_max3A_162 = vector.broadcast %reduce_max3A_161 : i32 to vector<16xi32>
      %reduce_max3A_163 = arith.xori %convert_element_type3A_144, %reduce_max3A_162 : vector<16xi32>
      %reduce_max3A_164 = tpu.scan <max>, %reduce_max3A_163 masked %reduce_max3A_160 : vector<16xi32>, vector<16xi1> -> vector<16xi32>
      %reduce_max3A_165 = arith.xori %reduce_max3A_164, %reduce_max3A_162 : vector<16xi32>
      %reduce_max3A_166 = vector.extract %reduce_max3A_165[15] : i32 from vector<16xi32>
      %max3A = arith.maxsi %scan3A_120, %reduce_max3A_166 : i32
      scf.yield %min3A, %max3A : i32, i32
    }
    %scan3A_70 = arith.constant 160 : i32
    %run_scoped3A_71 = arith.constant 0 : i32
    "tpu.region"() ({
      %run_scoped3A_118 = tpu.sem_alloc : memref<!tpu.dma_semaphore, #tpu.memory_space<semaphore_mem>>
      %dma_start3A = arith.constant 0 : i32
      %dma_start3A_119 = tpu.memref_slice %arg6[%dma_start3A] : memref<7680xf32, #tpu.memory_space<vmem>> -> memref<7680xf32, #tpu.memory_space<vmem>>
      %dma_start3A_120 = arith.constant 7680 : i32
      %dma_start3A_121 = tpu.memref_slice %arg2[%add3A_61, %run_scoped3A_71, %dma_start3A_120] : memref<64x1x30000xf32, #tpu.memory_space<hbm>> -> memref<1x1x7680xf32, #tpu.memory_space<hbm>>
      %dma_start3A_122 = tpu.memref_squeeze %dma_start3A_121 : memref<1x1x7680xf32, #tpu.memory_space<hbm>> -> memref<7680xf32, #tpu.memory_space<hbm>>
      %dma_start3A_123 = arith.constant 0 : i32
      %dma_start3A_124 = tpu.memref_slice %arg6[%dma_start3A_123] : memref<7680xf32, #tpu.memory_space<vmem>> -> memref<7680xf32, #tpu.memory_space<vmem>>
      %dma_start3A_125 = arith.constant 7680 : i32
      %dma_start3A_126 = tpu.memref_slice %arg2[%add3A_61, %run_scoped3A_71, %dma_start3A_125] : memref<64x1x30000xf32, #tpu.memory_space<hbm>> -> memref<1x1x7680xf32, #tpu.memory_space<hbm>>
      %dma_start3A_127 = tpu.memref_squeeze %dma_start3A_126 : memref<1x1x7680xf32, #tpu.memory_space<hbm>> -> memref<7680xf32, #tpu.memory_space<hbm>>
      tpu.enqueue_dma source(%dma_start3A_127 : memref<7680xf32, #tpu.memory_space<hbm>>) target(%dma_start3A_124 : memref<7680xf32, #tpu.memory_space<vmem>>) target_semaphore(%run_scoped3A_118 : memref<!tpu.dma_semaphore, #tpu.memory_space<semaphore_mem>>)
      %dma_wait3A_128 = arith.constant 0 : i32
      %dma_wait3A_129 = tpu.memref_slice %arg6[%dma_wait3A_128] : memref<7680xf32, #tpu.memory_space<vmem>> -> memref<7680xf32, #tpu.memory_space<vmem>>
      %dma_wait3A_130 = arith.constant 7680 : i32
      %dma_wait3A_131 = tpu.memref_slice %arg2[%add3A_61, %run_scoped3A_71, %dma_wait3A_130] : memref<64x1x30000xf32, #tpu.memory_space<hbm>> -> memref<1x1x7680xf32, #tpu.memory_space<hbm>>
      %dma_wait3A_132 = tpu.memref_squeeze %dma_wait3A_131 : memref<1x1x7680xf32, #tpu.memory_space<hbm>> -> memref<7680xf32, #tpu.memory_space<hbm>>
      %dma_wait3A_133 = arith.constant 0 : i32
      %dma_wait3A_134 = tpu.memref_slice %arg6[%dma_wait3A_133] : memref<7680xf32, #tpu.memory_space<vmem>> -> memref<7680xf32, #tpu.memory_space<vmem>>
      %dma_wait3A_135 = arith.constant 7680 : i32
      %dma_wait3A_136 = tpu.memref_slice %arg2[%add3A_61, %run_scoped3A_71, %dma_wait3A_135] : memref<64x1x30000xf32, #tpu.memory_space<hbm>> -> memref<1x1x7680xf32, #tpu.memory_space<hbm>>
      %dma_wait3A_137 = tpu.memref_squeeze %dma_wait3A_136 : memref<1x1x7680xf32, #tpu.memory_space<hbm>> -> memref<7680xf32, #tpu.memory_space<hbm>>
      tpu.wait_dma2 semaphore(%run_scoped3A_118 : memref<!tpu.dma_semaphore, #tpu.memory_space<semaphore_mem>>) src(%dma_wait3A_137 : memref<7680xf32, #tpu.memory_space<hbm>>) dst(%dma_wait3A_134 : memref<7680xf32, #tpu.memory_space<vmem>>)
      tpu.yield
    }) : () -> ()
    %scan3A_72 = arith.constant 0 : i32
    %scan3A_73 = arith.constant 160 : i32
    %scan3A_74 = arith.addi %scan3A_72, %scan3A_73 : i32
    %scan3A_75 = arith.constant 1 : i32
    %scan3A_76:2 = scf.for %scan3A_118 = %scan3A_72 to %scan3A_74 step %scan3A_75 iter_args(%scan3A_119 = %scan3A_69#0, %scan3A_120 = %scan3A_69#1) -> (i32, i32)  : i32 {
      %mul3A_121 = arith.constant 16 : i32
      %mul3A_122 = arith.muli %scan3A_118, %mul3A_121 : i32
      %mul3A_123 = arith.constant 3 : i32
      %mul3A_124 = arith.muli %mul3A_123, %mul3A_122 : i32
      %mul3A_125 = arith.constant 3 : i32
      %mul3A_126 = vector.broadcast %mul3A_125 : i32 to vector<16xi32>
      %mul3A_127 = arith.muli %mul3A_126, %iota3A : vector<16xi32>
      %add3A_128 = vector.broadcast %mul3A_124 : i32 to vector<16xi32>
      %add3A_129 = arith.addi %add3A_128, %mul3A_127 : vector<16xi32>
      %add3A_130 = arith.constant 1 : i32
      %add3A_131 = vector.broadcast %add3A_130 : i32 to vector<16xi32>
      %add3A_132 = arith.addi %add3A_129, %add3A_131 : vector<16xi32>
      %gather3A = tpu.vector_load_idx %arg6[%add3A_132] : memref<7680xf32, #tpu.memory_space<vmem>>[vector<16xi32>], vector<16xf32>,
      %add3A_133 = arith.constant 2 : i32
      %add3A_134 = vector.broadcast %add3A_133 : i32 to vector<16xi32>
      %add3A_135 = arith.addi %add3A_129, %add3A_134 : vector<16xi32>
      %gather3A_136 = tpu.vector_load_idx %arg6[%add3A_135] : memref<7680xf32, #tpu.memory_space<vmem>>[vector<16xi32>], vector<16xf32>,
      %mul3A_137 = arith.constant 2.880000e+02 : f32
      %mul3A_138 = vector.broadcast %mul3A_137 : f32 to vector<16xf32>
      %mul3A_139 = arith.mulf %gather3A, %mul3A_138 : vector<16xf32>
      %convert_element_type3A_140 = arith.fptosi %mul3A_139 : vector<16xf32> to vector<16xi32>
      %mul3A_141 = arith.constant 65 : i32
      %mul3A_142 = vector.broadcast %mul3A_141 : i32 to vector<16xi32>
      %mul3A_143 = arith.muli %convert_element_type3A_140, %mul3A_142 : vector<16xi32>
      %convert_element_type3A_144 = arith.fptosi %gather3A_136 : vector<16xf32> to vector<16xi32>
      %mul3A_145 = arith.constant 64 : i32
      %mul3A_146 = vector.broadcast %mul3A_145 : i32 to vector<16xi32>
      %mul3A_147 = arith.muli %convert_element_type3A_144, %mul3A_146 : vector<16xi32>
      %shift_left3A = arith.constant 16 : i32
      %shift_left3A_148 = vector.broadcast %shift_left3A : i32 to vector<16xi32>
      %shift_left3A_149 = arith.shli %mul3A_147, %shift_left3A_148 : vector<16xi32>
      %or3A = arith.ori %mul3A_143, %shift_left3A_149 : vector<16xi32>
      %add3A_150 = arith.constant 2560 : i32
      %add3A_151 = arith.addi %add3A_150, %mul3A_122 : i32
      %swap3A = arith.index_cast %add3A_151 : i32 to index
      %swap3A_152 = tpu.vector_load %arg7[%swap3A] {strides = array<i32>} : memref<10000xi32, #tpu.memory_space<vmem>>, vector<16xi32>,
      tpu.vector_store %arg7[%swap3A], %or3A {strides = array<i32>} : memref<10000xi32, #tpu.memory_space<vmem>>, vector<16xi32>,
      %reduce_min3A = arith.constant true
      %reduce_min3A_153 = vector.broadcast %reduce_min3A : i1 to vector<16xi1>
      %reduce_min3A_154 = arith.constant -2147483648 : i32
      %reduce_min3A_155 = vector.broadcast %reduce_min3A_154 : i32 to vector<16xi32>
      %reduce_min3A_156 = arith.xori %convert_element_type3A_144, %reduce_min3A_155 : vector<16xi32>
      %reduce_min3A_157 = tpu.scan <min>, %reduce_min3A_156 masked %reduce_min3A_153 : vector<16xi32>, vector<16xi1> -> vector<16xi32>
      %reduce_min3A_158 = arith.xori %reduce_min3A_157, %reduce_min3A_155 : vector<16xi32>
      %reduce_min3A_159 = vector.extract %reduce_min3A_158[15] : i32 from vector<16xi32>
      %min3A = arith.minsi %scan3A_119, %reduce_min3A_159 : i32
      %reduce_max3A = arith.constant true
      %reduce_max3A_160 = vector.broadcast %reduce_max3A : i1 to vector<16xi1>
      %reduce_max3A_161 = arith.constant -2147483648 : i32
      %reduce_max3A_162 = vector.broadcast %reduce_max3A_161 : i32 to vector<16xi32>
      %reduce_max3A_163 = arith.xori %convert_element_type3A_144, %reduce_max3A_162 : vector<16xi32>
      %reduce_max3A_164 = tpu.scan <max>, %reduce_max3A_163 masked %reduce_max3A_160 : vector<16xi32>, vector<16xi1> -> vector<16xi32>
      %reduce_max3A_165 = arith.xori %reduce_max3A_164, %reduce_max3A_162 : vector<16xi32>
      %reduce_max3A_166 = vector.extract %reduce_max3A_165[15] : i32 from vector<16xi32>
      %max3A = arith.maxsi %scan3A_120, %reduce_max3A_166 : i32
      scf.yield %min3A, %max3A : i32, i32
    }
    %scan3A_77 = arith.constant 160 : i32
    %run_scoped3A_78 = arith.constant 0 : i32
    "tpu.region"() ({
      %run_scoped3A_118 = tpu.sem_alloc : memref<!tpu.dma_semaphore, #tpu.memory_space<semaphore_mem>>
      %dma_start3A = arith.constant 0 : i32
      %dma_start3A_119 = tpu.memref_slice %arg6[%dma_start3A] : memref<7680xf32, #tpu.memory_space<vmem>> -> memref<7680xf32, #tpu.memory_space<vmem>>
      %dma_start3A_120 = arith.constant 15360 : i32
      %dma_start3A_121 = tpu.memref_slice %arg2[%add3A_61, %run_scoped3A_78, %dma_start3A_120] : memref<64x1x30000xf32, #tpu.memory_space<hbm>> -> memref<1x1x7680xf32, #tpu.memory_space<hbm>>
      %dma_start3A_122 = tpu.memref_squeeze %dma_start3A_121 : memref<1x1x7680xf32, #tpu.memory_space<hbm>> -> memref<7680xf32, #tpu.memory_space<hbm>>
      %dma_start3A_123 = arith.constant 0 : i32
      %dma_start3A_124 = tpu.memref_slice %arg6[%dma_start3A_123] : memref<7680xf32, #tpu.memory_space<vmem>> -> memref<7680xf32, #tpu.memory_space<vmem>>
      %dma_start3A_125 = arith.constant 15360 : i32
      %dma_start3A_126 = tpu.memref_slice %arg2[%add3A_61, %run_scoped3A_78, %dma_start3A_125] : memref<64x1x30000xf32, #tpu.memory_space<hbm>> -> memref<1x1x7680xf32, #tpu.memory_space<hbm>>
      %dma_start3A_127 = tpu.memref_squeeze %dma_start3A_126 : memref<1x1x7680xf32, #tpu.memory_space<hbm>> -> memref<7680xf32, #tpu.memory_space<hbm>>
      tpu.enqueue_dma source(%dma_start3A_127 : memref<7680xf32, #tpu.memory_space<hbm>>) target(%dma_start3A_124 : memref<7680xf32, #tpu.memory_space<vmem>>) target_semaphore(%run_scoped3A_118 : memref<!tpu.dma_semaphore, #tpu.memory_space<semaphore_mem>>)
      %dma_wait3A_128 = arith.constant 0 : i32
      %dma_wait3A_129 = tpu.memref_slice %arg6[%dma_wait3A_128] : memref<7680xf32, #tpu.memory_space<vmem>> -> memref<7680xf32, #tpu.memory_space<vmem>>
      %dma_wait3A_130 = arith.constant 15360 : i32
      %dma_wait3A_131 = tpu.memref_slice %arg2[%add3A_61, %run_scoped3A_78, %dma_wait3A_130] : memref<64x1x30000xf32, #tpu.memory_space<hbm>> -> memref<1x1x7680xf32, #tpu.memory_space<hbm>>
      %dma_wait3A_132 = tpu.memref_squeeze %dma_wait3A_131 : memref<1x1x7680xf32, #tpu.memory_space<hbm>> -> memref<7680xf32, #tpu.memory_space<hbm>>
      %dma_wait3A_133 = arith.constant 0 : i32
      %dma_wait3A_134 = tpu.memref_slice %arg6[%dma_wait3A_133] : memref<7680xf32, #tpu.memory_space<vmem>> -> memref<7680xf32, #tpu.memory_space<vmem>>
      %dma_wait3A_135 = arith.constant 15360 : i32
      %dma_wait3A_136 = tpu.memref_slice %arg2[%add3A_61, %run_scoped3A_78, %dma_wait3A_135] : memref<64x1x30000xf32, #tpu.memory_space<hbm>> -> memref<1x1x7680xf32, #tpu.memory_space<hbm>>
      %dma_wait3A_137 = tpu.memref_squeeze %dma_wait3A_136 : memref<1x1x7680xf32, #tpu.memory_space<hbm>> -> memref<7680xf32, #tpu.memory_space<hbm>>
      tpu.wait_dma2 semaphore(%run_scoped3A_118 : memref<!tpu.dma_semaphore, #tpu.memory_space<semaphore_mem>>) src(%dma_wait3A_137 : memref<7680xf32, #tpu.memory_space<hbm>>) dst(%dma_wait3A_134 : memref<7680xf32, #tpu.memory_space<vmem>>)
      tpu.yield
    }) : () -> ()
    %scan3A_79 = arith.constant 0 : i32
    %scan3A_80 = arith.constant 160 : i32
    %scan3A_81 = arith.addi %scan3A_79, %scan3A_80 : i32
    %scan3A_82 = arith.constant 1 : i32
    %scan3A_83:2 = scf.for %scan3A_118 = %scan3A_79 to %scan3A_81 step %scan3A_82 iter_args(%scan3A_119 = %scan3A_76#0, %scan3A_120 = %scan3A_76#1) -> (i32, i32)  : i32 {
      %mul3A_121 = arith.constant 16 : i32
      %mul3A_122 = arith.muli %scan3A_118, %mul3A_121 : i32
      %mul3A_123 = arith.constant 3 : i32
      %mul3A_124 = arith.muli %mul3A_123, %mul3A_122 : i32
      %mul3A_125 = arith.constant 3 : i32
      %mul3A_126 = vector.broadcast %mul3A_125 : i32 to vector<16xi32>
      %mul3A_127 = arith.muli %mul3A_126, %iota3A : vector<16xi32>
      %add3A_128 = vector.broadcast %mul3A_124 : i32 to vector<16xi32>
      %add3A_129 = arith.addi %add3A_128, %mul3A_127 : vector<16xi32>
      %add3A_130 = arith.constant 1 : i32
      %add3A_131 = vector.broadcast %add3A_130 : i32 to vector<16xi32>
      %add3A_132 = arith.addi %add3A_129, %add3A_131 : vector<16xi32>
      %gather3A = tpu.vector_load_idx %arg6[%add3A_132] : memref<7680xf32, #tpu.memory_space<vmem>>[vector<16xi32>], vector<16xf32>,
      %add3A_133 = arith.constant 2 : i32
      %add3A_134 = vector.broadcast %add3A_133 : i32 to vector<16xi32>
      %add3A_135 = arith.addi %add3A_129, %add3A_134 : vector<16xi32>
      %gather3A_136 = tpu.vector_load_idx %arg6[%add3A_135] : memref<7680xf32, #tpu.memory_space<vmem>>[vector<16xi32>], vector<16xf32>,
      %mul3A_137 = arith.constant 2.880000e+02 : f32
      %mul3A_138 = vector.broadcast %mul3A_137 : f32 to vector<16xf32>
      %mul3A_139 = arith.mulf %gather3A, %mul3A_138 : vector<16xf32>
      %convert_element_type3A_140 = arith.fptosi %mul3A_139 : vector<16xf32> to vector<16xi32>
      %mul3A_141 = arith.constant 65 : i32
      %mul3A_142 = vector.broadcast %mul3A_141 : i32 to vector<16xi32>
      %mul3A_143 = arith.muli %convert_element_type3A_140, %mul3A_142 : vector<16xi32>
      %convert_element_type3A_144 = arith.fptosi %gather3A_136 : vector<16xf32> to vector<16xi32>
      %mul3A_145 = arith.constant 64 : i32
      %mul3A_146 = vector.broadcast %mul3A_145 : i32 to vector<16xi32>
      %mul3A_147 = arith.muli %convert_element_type3A_144, %mul3A_146 : vector<16xi32>
      %shift_left3A = arith.constant 16 : i32
      %shift_left3A_148 = vector.broadcast %shift_left3A : i32 to vector<16xi32>
      %shift_left3A_149 = arith.shli %mul3A_147, %shift_left3A_148 : vector<16xi32>
      %or3A = arith.ori %mul3A_143, %shift_left3A_149 : vector<16xi32>
      %add3A_150 = arith.constant 5120 : i32
      %add3A_151 = arith.addi %add3A_150, %mul3A_122 : i32
      %swap3A = arith.index_cast %add3A_151 : i32 to index
      %swap3A_152 = tpu.vector_load %arg7[%swap3A] {strides = array<i32>} : memref<10000xi32, #tpu.memory_space<vmem>>, vector<16xi32>,
      tpu.vector_store %arg7[%swap3A], %or3A {strides = array<i32>} : memref<10000xi32, #tpu.memory_space<vmem>>, vector<16xi32>,
      %reduce_min3A = arith.constant true
      %reduce_min3A_153 = vector.broadcast %reduce_min3A : i1 to vector<16xi1>
      %reduce_min3A_154 = arith.constant -2147483648 : i32
      %reduce_min3A_155 = vector.broadcast %reduce_min3A_154 : i32 to vector<16xi32>
      %reduce_min3A_156 = arith.xori %convert_element_type3A_144, %reduce_min3A_155 : vector<16xi32>
      %reduce_min3A_157 = tpu.scan <min>, %reduce_min3A_156 masked %reduce_min3A_153 : vector<16xi32>, vector<16xi1> -> vector<16xi32>
      %reduce_min3A_158 = arith.xori %reduce_min3A_157, %reduce_min3A_155 : vector<16xi32>
      %reduce_min3A_159 = vector.extract %reduce_min3A_158[15] : i32 from vector<16xi32>
      %min3A = arith.minsi %scan3A_119, %reduce_min3A_159 : i32
      %reduce_max3A = arith.constant true
      %reduce_max3A_160 = vector.broadcast %reduce_max3A : i1 to vector<16xi1>
      %reduce_max3A_161 = arith.constant -2147483648 : i32
      %reduce_max3A_162 = vector.broadcast %reduce_max3A_161 : i32 to vector<16xi32>
      %reduce_max3A_163 = arith.xori %convert_element_type3A_144, %reduce_max3A_162 : vector<16xi32>
      %reduce_max3A_164 = tpu.scan <max>, %reduce_max3A_163 masked %reduce_max3A_160 : vector<16xi32>, vector<16xi1> -> vector<16xi32>
      %reduce_max3A_165 = arith.xori %reduce_max3A_164, %reduce_max3A_162 : vector<16xi32>
      %reduce_max3A_166 = vector.extract %reduce_max3A_165[15] : i32 from vector<16xi32>
      %max3A = arith.maxsi %scan3A_120, %reduce_max3A_166 : i32
      scf.yield %min3A, %max3A : i32, i32
    }
    %scan3A_84 = arith.constant 160 : i32
    %run_scoped3A_85 = arith.constant 0 : i32
    "tpu.region"() ({
      %run_scoped3A_118 = tpu.sem_alloc : memref<!tpu.dma_semaphore, #tpu.memory_space<semaphore_mem>>
      %dma_start3A = arith.constant 0 : i32
      %dma_start3A_119 = tpu.memref_slice %arg6[%dma_start3A] : memref<7680xf32, #tpu.memory_space<vmem>> -> memref<6960xf32, #tpu.memory_space<vmem>>
      %dma_start3A_120 = arith.constant 23040 : i32
      %dma_start3A_121 = tpu.memref_slice %arg2[%add3A_61, %run_scoped3A_85, %dma_start3A_120] : memref<64x1x30000xf32, #tpu.memory_space<hbm>> -> memref<1x1x6960xf32, #tpu.memory_space<hbm>>
      %dma_start3A_122 = tpu.memref_squeeze %dma_start3A_121 : memref<1x1x6960xf32, #tpu.memory_space<hbm>> -> memref<6960xf32, #tpu.memory_space<hbm>>
      %dma_start3A_123 = arith.constant 0 : i32
      %dma_start3A_124 = tpu.memref_slice %arg6[%dma_start3A_123] : memref<7680xf32, #tpu.memory_space<vmem>> -> memref<6960xf32, #tpu.memory_space<vmem>>
      %dma_start3A_125 = arith.constant 23040 : i32
      %dma_start3A_126 = tpu.memref_slice %arg2[%add3A_61, %run_scoped3A_85, %dma_start3A_125] : memref<64x1x30000xf32, #tpu.memory_space<hbm>> -> memref<1x1x6960xf32, #tpu.memory_space<hbm>>
      %dma_start3A_127 = tpu.memref_squeeze %dma_start3A_126 : memref<1x1x6960xf32, #tpu.memory_space<hbm>> -> memref<6960xf32, #tpu.memory_space<hbm>>
      tpu.enqueue_dma source(%dma_start3A_127 : memref<6960xf32, #tpu.memory_space<hbm>>) target(%dma_start3A_124 : memref<6960xf32, #tpu.memory_space<vmem>>) target_semaphore(%run_scoped3A_118 : memref<!tpu.dma_semaphore, #tpu.memory_space<semaphore_mem>>)
      %dma_wait3A_128 = arith.constant 0 : i32
      %dma_wait3A_129 = tpu.memref_slice %arg6[%dma_wait3A_128] : memref<7680xf32, #tpu.memory_space<vmem>> -> memref<6960xf32, #tpu.memory_space<vmem>>
      %dma_wait3A_130 = arith.constant 23040 : i32
      %dma_wait3A_131 = tpu.memref_slice %arg2[%add3A_61, %run_scoped3A_85, %dma_wait3A_130] : memref<64x1x30000xf32, #tpu.memory_space<hbm>> -> memref<1x1x6960xf32, #tpu.memory_space<hbm>>
      %dma_wait3A_132 = tpu.memref_squeeze %dma_wait3A_131 : memref<1x1x6960xf32, #tpu.memory_space<hbm>> -> memref<6960xf32, #tpu.memory_space<hbm>>
      %dma_wait3A_133 = arith.constant 0 : i32
      %dma_wait3A_134 = tpu.memref_slice %arg6[%dma_wait3A_133] : memref<7680xf32, #tpu.memory_space<vmem>> -> memref<6960xf32, #tpu.memory_space<vmem>>
      %dma_wait3A_135 = arith.constant 23040 : i32
      %dma_wait3A_136 = tpu.memref_slice %arg2[%add3A_61, %run_scoped3A_85, %dma_wait3A_135] : memref<64x1x30000xf32, #tpu.memory_space<hbm>> -> memref<1x1x6960xf32, #tpu.memory_space<hbm>>
      %dma_wait3A_137 = tpu.memref_squeeze %dma_wait3A_136 : memref<1x1x6960xf32, #tpu.memory_space<hbm>> -> memref<6960xf32, #tpu.memory_space<hbm>>
      tpu.wait_dma2 semaphore(%run_scoped3A_118 : memref<!tpu.dma_semaphore, #tpu.memory_space<semaphore_mem>>) src(%dma_wait3A_137 : memref<6960xf32, #tpu.memory_space<hbm>>) dst(%dma_wait3A_134 : memref<6960xf32, #tpu.memory_space<vmem>>)
      tpu.yield
    }) : () -> ()
    %scan3A_86 = arith.constant 0 : i32
    %scan3A_87 = arith.constant 145 : i32
    %scan3A_88 = arith.addi %scan3A_86, %scan3A_87 : i32
    %scan3A_89 = arith.constant 1 : i32
    %scan3A_90:2 = scf.for %scan3A_118 = %scan3A_86 to %scan3A_88 step %scan3A_89 iter_args(%scan3A_119 = %scan3A_83#0, %scan3A_120 = %scan3A_83#1) -> (i32, i32)  : i32 {
      %mul3A_121 = arith.constant 16 : i32
      %mul3A_122 = arith.muli %scan3A_118, %mul3A_121 : i32
      %mul3A_123 = arith.constant 3 : i32
      %mul3A_124 = arith.muli %mul3A_123, %mul3A_122 : i32
      %mul3A_125 = arith.constant 3 : i32
      %mul3A_126 = vector.broadcast %mul3A_125 : i32 to vector<16xi32>
      %mul3A_127 = arith.muli %mul3A_126, %iota3A : vector<16xi32>
      %add3A_128 = vector.broadcast %mul3A_124 : i32 to vector<16xi32>
      %add3A_129 = arith.addi %add3A_128, %mul3A_127 : vector<16xi32>
      %add3A_130 = arith.constant 1 : i32
      %add3A_131 = vector.broadcast %add3A_130 : i32 to vector<16xi32>
      %add3A_132 = arith.addi %add3A_129, %add3A_131 : vector<16xi32>
      %gather3A = tpu.vector_load_idx %arg6[%add3A_132] : memref<7680xf32, #tpu.memory_space<vmem>>[vector<16xi32>], vector<16xf32>,
      %add3A_133 = arith.constant 2 : i32
      %add3A_134 = vector.broadcast %add3A_133 : i32 to vector<16xi32>
      %add3A_135 = arith.addi %add3A_129, %add3A_134 : vector<16xi32>
      %gather3A_136 = tpu.vector_load_idx %arg6[%add3A_135] : memref<7680xf32, #tpu.memory_space<vmem>>[vector<16xi32>], vector<16xf32>,
      %mul3A_137 = arith.constant 2.880000e+02 : f32
      %mul3A_138 = vector.broadcast %mul3A_137 : f32 to vector<16xf32>
      %mul3A_139 = arith.mulf %gather3A, %mul3A_138 : vector<16xf32>
      %convert_element_type3A_140 = arith.fptosi %mul3A_139 : vector<16xf32> to vector<16xi32>
      %mul3A_141 = arith.constant 65 : i32
      %mul3A_142 = vector.broadcast %mul3A_141 : i32 to vector<16xi32>
      %mul3A_143 = arith.muli %convert_element_type3A_140, %mul3A_142 : vector<16xi32>
      %convert_element_type3A_144 = arith.fptosi %gather3A_136 : vector<16xf32> to vector<16xi32>
      %mul3A_145 = arith.constant 64 : i32
      %mul3A_146 = vector.broadcast %mul3A_145 : i32 to vector<16xi32>
      %mul3A_147 = arith.muli %convert_element_type3A_144, %mul3A_146 : vector<16xi32>
      %shift_left3A = arith.constant 16 : i32
      %shift_left3A_148 = vector.broadcast %shift_left3A : i32 to vector<16xi32>
      %shift_left3A_149 = arith.shli %mul3A_147, %shift_left3A_148 : vector<16xi32>
      %or3A = arith.ori %mul3A_143, %shift_left3A_149 : vector<16xi32>
      %add3A_150 = arith.constant 7680 : i32
      %add3A_151 = arith.addi %add3A_150, %mul3A_122 : i32
      %swap3A = arith.index_cast %add3A_151 : i32 to index
      %swap3A_152 = tpu.vector_load %arg7[%swap3A] {strides = array<i32>} : memref<10000xi32, #tpu.memory_space<vmem>>, vector<16xi32>,
      tpu.vector_store %arg7[%swap3A], %or3A {strides = array<i32>} : memref<10000xi32, #tpu.memory_space<vmem>>, vector<16xi32>,
      %reduce_min3A = arith.constant true
      %reduce_min3A_153 = vector.broadcast %reduce_min3A : i1 to vector<16xi1>
      %reduce_min3A_154 = arith.constant -2147483648 : i32
      %reduce_min3A_155 = vector.broadcast %reduce_min3A_154 : i32 to vector<16xi32>
      %reduce_min3A_156 = arith.xori %convert_element_type3A_144, %reduce_min3A_155 : vector<16xi32>
      %reduce_min3A_157 = tpu.scan <min>, %reduce_min3A_156 masked %reduce_min3A_153 : vector<16xi32>, vector<16xi1> -> vector<16xi32>
      %reduce_min3A_158 = arith.xori %reduce_min3A_157, %reduce_min3A_155 : vector<16xi32>
      %reduce_min3A_159 = vector.extract %reduce_min3A_158[15] : i32 from vector<16xi32>
      %min3A = arith.minsi %scan3A_119, %reduce_min3A_159 : i32
      %reduce_max3A = arith.constant true
      %reduce_max3A_160 = vector.broadcast %reduce_max3A : i1 to vector<16xi1>
      %reduce_max3A_161 = arith.constant -2147483648 : i32
      %reduce_max3A_162 = vector.broadcast %reduce_max3A_161 : i32 to vector<16xi32>
      %reduce_max3A_163 = arith.xori %convert_element_type3A_144, %reduce_max3A_162 : vector<16xi32>
      %reduce_max3A_164 = tpu.scan <max>, %reduce_max3A_163 masked %reduce_max3A_160 : vector<16xi32>, vector<16xi1> -> vector<16xi32>
      %reduce_max3A_165 = arith.xori %reduce_max3A_164, %reduce_max3A_162 : vector<16xi32>
      %reduce_max3A_166 = vector.extract %reduce_max3A_165[15] : i32 from vector<16xi32>
      %max3A = arith.maxsi %scan3A_120, %reduce_max3A_166 : i32
      scf.yield %min3A, %max3A : i32, i32
    }
    %scan3A_91 = arith.constant 145 : i32
    %eq3A_92 = arith.cmpi eq, %scan3A_90#0, %scan3A_90#1 : i32
    %jit3A_93 = arith.constant -1 : i32
    %select_n3A_94 = arith.select %eq3A_92, %scan3A_90#0, %jit3A_93 : i32
    %ne3A_95 = arith.cmpi ne, %select_n3A, %select_n3A_94 : i32
    %convert_element_type3A_96 = arith.extui %ne3A_95 : i1 to i32
    %cond3A_97 = arith.constant 0 : i32
    %cond3A_98 = arith.cmpi ne, %convert_element_type3A_96, %cond3A_97 : i32
    scf.if %cond3A_98 {
      "tpu.region"() ({
        %run_scoped3A_128 = tpu.sem_alloc : memref<!tpu.dma_semaphore, #tpu.memory_space<semaphore_mem>>
        %dma_start3A = arith.constant 0 : i32
        %dma_start3A_129 = tpu.memref_slice %arg9[%dma_start3A] : memref<18720xf32, #tpu.memory_space<vmem>> -> memref<18432xf32, #tpu.memory_space<vmem>>
        %dma_start3A_130 = arith.constant 0 : i32
        %dma_start3A_131 = tpu.memref_slice %arg9[%dma_start3A_130] : memref<18720xf32, #tpu.memory_space<vmem>> -> memref<18432xf32, #tpu.memory_space<vmem>>
        tpu.enqueue_dma source(%arg3 : memref<18432xf32, #tpu.memory_space<hbm>>) target(%dma_start3A_131 : memref<18432xf32, #tpu.memory_space<vmem>>) target_semaphore(%run_scoped3A_128 : memref<!tpu.dma_semaphore, #tpu.memory_space<semaphore_mem>>)
        %dma_wait3A_132 = arith.constant 0 : i32
        %dma_wait3A_133 = tpu.memref_slice %arg9[%dma_wait3A_132] : memref<18720xf32, #tpu.memory_space<vmem>> -> memref<18432xf32, #tpu.memory_space<vmem>>
        %dma_wait3A_134 = arith.constant 0 : i32
        %dma_wait3A_135 = tpu.memref_slice %arg9[%dma_wait3A_134] : memref<18720xf32, #tpu.memory_space<vmem>> -> memref<18432xf32, #tpu.memory_space<vmem>>
        tpu.wait_dma2 semaphore(%run_scoped3A_128 : memref<!tpu.dma_semaphore, #tpu.memory_space<semaphore_mem>>) src(%arg3 : memref<18432xf32, #tpu.memory_space<hbm>>) dst(%dma_wait3A_135 : memref<18432xf32, #tpu.memory_space<vmem>>)
        tpu.yield
      }) : () -> ()
      %scan3A_118 = arith.constant 0 : i32
      %scan3A_119 = arith.constant 0 : i32
      %scan3A_120 = arith.constant 288 : i32
      %scan3A_121 = arith.addi %scan3A_119, %scan3A_120 : i32
      %scan3A_122 = arith.constant 1 : i32
      %scan3A_123 = scf.for %scan3A_128 = %scan3A_119 to %scan3A_121 step %scan3A_122 iter_args(%scan3A_129 = %scan3A_118) -> (i32)  : i32 {
        %sub3A = arith.constant 287 : i32
        %sub3A_130 = arith.subi %sub3A, %scan3A_128 : i32
        %mul3A_131 = arith.constant 64 : i32
        %mul3A_132 = arith.muli %sub3A_130, %mul3A_131 : i32
        %add3A_133 = arith.constant 48 : i32
        %add3A_134 = arith.addi %mul3A_132, %add3A_133 : i32
        %get3A = arith.index_cast %add3A_134 : i32 to index
        %get3A_135 = tpu.vector_load %arg9[%get3A] {strides = array<i32>} : memref<18720xf32, #tpu.memory_space<vmem>>, vector<16xf32>,
        %mul3A_136 = arith.constant 65 : i32
        %mul3A_137 = arith.muli %sub3A_130, %mul3A_136 : i32
        %add3A_138 = arith.constant 48 : i32
        %add3A_139 = arith.addi %mul3A_137, %add3A_138 : i32
        %swap3A = arith.index_cast %add3A_139 : i32 to index
        %swap3A_140 = tpu.vector_load %arg9[%swap3A] {strides = array<i32>} : memref<18720xf32, #tpu.memory_space<vmem>>, vector<16xf32>,
        tpu.vector_store %arg9[%swap3A], %get3A_135 {strides = array<i32>} : memref<18720xf32, #tpu.memory_space<vmem>>, vector<16xf32>,
        %mul3A_141 = arith.constant 64 : i32
        %mul3A_142 = arith.muli %sub3A_130, %mul3A_141 : i32
        %add3A_143 = arith.constant 32 : i32
        %add3A_144 = arith.addi %mul3A_142, %add3A_143 : i32
        %get3A_145 = arith.index_cast %add3A_144 : i32 to index
        %get3A_146 = tpu.vector_load %arg9[%get3A_145] {strides = array<i32>} : memref<18720xf32, #tpu.memory_space<vmem>>, vector<16xf32>,
        %mul3A_147 = arith.constant 65 : i32
        %mul3A_148 = arith.muli %sub3A_130, %mul3A_147 : i32
        %add3A_149 = arith.constant 32 : i32
        %add3A_150 = arith.addi %mul3A_148, %add3A_149 : i32
        %swap3A_151 = arith.index_cast %add3A_150 : i32 to index
        %swap3A_152 = tpu.vector_load %arg9[%swap3A_151] {strides = array<i32>} : memref<18720xf32, #tpu.memory_space<vmem>>, vector<16xf32>,
        tpu.vector_store %arg9[%swap3A_151], %get3A_146 {strides = array<i32>} : memref<18720xf32, #tpu.memory_space<vmem>>, vector<16xf32>,
        %mul3A_153 = arith.constant 64 : i32
        %mul3A_154 = arith.muli %sub3A_130, %mul3A_153 : i32
        %add3A_155 = arith.constant 16 : i32
        %add3A_156 = arith.addi %mul3A_154, %add3A_155 : i32
        %get3A_157 = arith.index_cast %add3A_156 : i32 to index
        %get3A_158 = tpu.vector_load %arg9[%get3A_157] {strides = array<i32>} : memref<18720xf32, #tpu.memory_space<vmem>>, vector<16xf32>,
        %mul3A_159 = arith.constant 65 : i32
        %mul3A_160 = arith.muli %sub3A_130, %mul3A_159 : i32
        %add3A_161 = arith.constant 16 : i32
        %add3A_162 = arith.addi %mul3A_160, %add3A_161 : i32
        %swap3A_163 = arith.index_cast %add3A_162 : i32 to index
        %swap3A_164 = tpu.vector_load %arg9[%swap3A_163] {strides = array<i32>} : memref<18720xf32, #tpu.memory_space<vmem>>, vector<16xf32>,
        tpu.vector_store %arg9[%swap3A_163], %get3A_158 {strides = array<i32>} : memref<18720xf32, #tpu.memory_space<vmem>>, vector<16xf32>,
        %mul3A_165 = arith.constant 64 : i32
        %mul3A_166 = arith.muli %sub3A_130, %mul3A_165 : i32
        %add3A_167 = arith.constant 0 : i32
        %add3A_168 = arith.addi %mul3A_166, %add3A_167 : i32
        %get3A_169 = arith.index_cast %add3A_168 : i32 to index
        %get3A_170 = tpu.vector_load %arg9[%get3A_169] {strides = array<i32>} : memref<18720xf32, #tpu.memory_space<vmem>>, vector<16xf32>,
        %mul3A_171 = arith.constant 65 : i32
        %mul3A_172 = arith.muli %sub3A_130, %mul3A_171 : i32
        %add3A_173 = arith.constant 0 : i32
        %add3A_174 = arith.addi %mul3A_172, %add3A_173 : i32
        %swap3A_175 = arith.index_cast %add3A_174 : i32 to index
        %swap3A_176 = tpu.vector_load %arg9[%swap3A_175] {strides = array<i32>} : memref<18720xf32, #tpu.memory_space<vmem>>, vector<16xf32>,
        tpu.vector_store %arg9[%swap3A_175], %get3A_170 {strides = array<i32>} : memref<18720xf32, #tpu.memory_space<vmem>>, vector<16xf32>,
        %scan3A_177 = arith.constant 0 : i32
        scf.yield %scan3A_177 : i32
      }
      %scan3A_124 = arith.constant 288 : i32
      %convert_element_type3A_125 = arith.extui %eq3A_92 : i1 to i32
      %cond3A_126 = arith.constant 0 : i32
      %cond3A_127 = arith.cmpi ne, %convert_element_type3A_125, %cond3A_126 : i32
      scf.if %cond3A_127 {
        %mul3A_128 = arith.constant 64 : i32
        %mul3A_129 = arith.muli %scan3A_90#0, %mul3A_128 : i32
        %parallel_loop3A_130 = arith.constant 0 : i32
        %parallel_loop3A_131 = arith.constant 288 : i32
        %parallel_loop3A_132 = arith.constant 1 : i32
        scf.for %parallel_loop3A_133 = %parallel_loop3A_130 to %parallel_loop3A_131 step %parallel_loop3A_132  : i32 {
          %parallel_loop3A_134 = arith.constant 65 : i32
          %parallel_loop3A_135 = arith.muli %parallel_loop3A_133, %parallel_loop3A_134 : i32
          %parallel_loop3A_136 = arith.constant 0 : i32
          %parallel_loop3A_137 = arith.addi %parallel_loop3A_135, %parallel_loop3A_136 : i32
          %parallel_loop3A_138 = arith.index_cast %parallel_loop3A_137 : i32 to index
          %parallel_loop3A_139 = tpu.vector_load %arg9[%parallel_loop3A_138] {strides = array<i32>} : memref<18720xf32, #tpu.memory_space<vmem>>, vector<16xf32>,
          %parallel_loop3A_140 = arith.constant 0 : i32
          %parallel_loop3A_141 = arith.addi %mul3A_129, %parallel_loop3A_140 : i32
          %parallel_loop3A_142 = arith.index_cast %parallel_loop3A_141 : i32 to index
          %parallel_loop3A_143 = tpu.vector_load %arg8[%parallel_loop3A_142] {strides = array<i32>} : memref<7184xf32, #tpu.memory_space<vmem>>, vector<16xf32>,
          %parallel_loop3A_144 = arith.addf %parallel_loop3A_139, %parallel_loop3A_143 : vector<16xf32>
          %parallel_loop3A_145 = arith.constant 65 : i32
          %parallel_loop3A_146 = arith.muli %parallel_loop3A_133, %parallel_loop3A_145 : i32
          %parallel_loop3A_147 = arith.constant 0 : i32
          %parallel_loop3A_148 = arith.addi %parallel_loop3A_146, %parallel_loop3A_147 : i32
          %parallel_loop3A_149 = arith.index_cast %parallel_loop3A_148 : i32 to index
          %parallel_loop3A_150 = tpu.vector_load %arg9[%parallel_loop3A_149] {strides = array<i32>} : memref<18720xf32, #tpu.memory_space<vmem>>, vector<16xf32>,
          tpu.vector_store %arg9[%parallel_loop3A_149], %parallel_loop3A_144 {strides = array<i32>} : memref<18720xf32, #tpu.memory_space<vmem>>, vector<16xf32>,
          %parallel_loop3A_151 = arith.constant 65 : i32
          %parallel_loop3A_152 = arith.muli %parallel_loop3A_133, %parallel_loop3A_151 : i32
          %parallel_loop3A_153 = arith.constant 16 : i32
          %parallel_loop3A_154 = arith.addi %parallel_loop3A_152, %parallel_loop3A_153 : i32
          %parallel_loop3A_155 = arith.index_cast %parallel_loop3A_154 : i32 to index
          %parallel_loop3A_156 = tpu.vector_load %arg9[%parallel_loop3A_155] {strides = array<i32>} : memref<18720xf32, #tpu.memory_space<vmem>>, vector<16xf32>,
          %parallel_loop3A_157 = arith.constant 16 : i32
          %parallel_loop3A_158 = arith.addi %mul3A_129, %parallel_loop3A_157 : i32
          %parallel_loop3A_159 = arith.index_cast %parallel_loop3A_158 : i32 to index
          %parallel_loop3A_160 = tpu.vector_load %arg8[%parallel_loop3A_159] {strides = array<i32>} : memref<7184xf32, #tpu.memory_space<vmem>>, vector<16xf32>,
          %parallel_loop3A_161 = arith.addf %parallel_loop3A_156, %parallel_loop3A_160 : vector<16xf32>
          %parallel_loop3A_162 = arith.constant 65 : i32
          %parallel_loop3A_163 = arith.muli %parallel_loop3A_133, %parallel_loop3A_162 : i32
          %parallel_loop3A_164 = arith.constant 16 : i32
          %parallel_loop3A_165 = arith.addi %parallel_loop3A_163, %parallel_loop3A_164 : i32
          %parallel_loop3A_166 = arith.index_cast %parallel_loop3A_165 : i32 to index
          %parallel_loop3A_167 = tpu.vector_load %arg9[%parallel_loop3A_166] {strides = array<i32>} : memref<18720xf32, #tpu.memory_space<vmem>>, vector<16xf32>,
          tpu.vector_store %arg9[%parallel_loop3A_166], %parallel_loop3A_161 {strides = array<i32>} : memref<18720xf32, #tpu.memory_space<vmem>>, vector<16xf32>,
          %parallel_loop3A_168 = arith.constant 65 : i32
          %parallel_loop3A_169 = arith.muli %parallel_loop3A_133, %parallel_loop3A_168 : i32
          %parallel_loop3A_170 = arith.constant 32 : i32
          %parallel_loop3A_171 = arith.addi %parallel_loop3A_169, %parallel_loop3A_170 : i32
          %parallel_loop3A_172 = arith.index_cast %parallel_loop3A_171 : i32 to index
          %parallel_loop3A_173 = tpu.vector_load %arg9[%parallel_loop3A_172] {strides = array<i32>} : memref<18720xf32, #tpu.memory_space<vmem>>, vector<16xf32>,
          %parallel_loop3A_174 = arith.constant 32 : i32
          %parallel_loop3A_175 = arith.addi %mul3A_129, %parallel_loop3A_174 : i32
          %parallel_loop3A_176 = arith.index_cast %parallel_loop3A_175 : i32 to index
          %parallel_loop3A_177 = tpu.vector_load %arg8[%parallel_loop3A_176] {strides = array<i32>} : memref<7184xf32, #tpu.memory_space<vmem>>, vector<16xf32>,
          %parallel_loop3A_178 = arith.addf %parallel_loop3A_173, %parallel_loop3A_177 : vector<16xf32>
          %parallel_loop3A_179 = arith.constant 65 : i32
          %parallel_loop3A_180 = arith.muli %parallel_loop3A_133, %parallel_loop3A_179 : i32
          %parallel_loop3A_181 = arith.constant 32 : i32
          %parallel_loop3A_182 = arith.addi %parallel_loop3A_180, %parallel_loop3A_181 : i32
          %parallel_loop3A_183 = arith.index_cast %parallel_loop3A_182 : i32 to index
          %parallel_loop3A_184 = tpu.vector_load %arg9[%parallel_loop3A_183] {strides = array<i32>} : memref<18720xf32, #tpu.memory_space<vmem>>, vector<16xf32>,
          tpu.vector_store %arg9[%parallel_loop3A_183], %parallel_loop3A_178 {strides = array<i32>} : memref<18720xf32, #tpu.memory_space<vmem>>, vector<16xf32>,
          %parallel_loop3A_185 = arith.constant 65 : i32
          %parallel_loop3A_186 = arith.muli %parallel_loop3A_133, %parallel_loop3A_185 : i32
          %parallel_loop3A_187 = arith.constant 48 : i32
          %parallel_loop3A_188 = arith.addi %parallel_loop3A_186, %parallel_loop3A_187 : i32
          %parallel_loop3A_189 = arith.index_cast %parallel_loop3A_188 : i32 to index
          %parallel_loop3A_190 = tpu.vector_load %arg9[%parallel_loop3A_189] {strides = array<i32>} : memref<18720xf32, #tpu.memory_space<vmem>>, vector<16xf32>,
          %parallel_loop3A_191 = arith.constant 48 : i32
          %parallel_loop3A_192 = arith.addi %mul3A_129, %parallel_loop3A_191 : i32
          %parallel_loop3A_193 = arith.index_cast %parallel_loop3A_192 : i32 to index
          %parallel_loop3A_194 = tpu.vector_load %arg8[%parallel_loop3A_193] {strides = array<i32>} : memref<7184xf32, #tpu.memory_space<vmem>>, vector<16xf32>,
          %parallel_loop3A_195 = arith.addf %parallel_loop3A_190, %parallel_loop3A_194 : vector<16xf32>
          %parallel_loop3A_196 = arith.constant 65 : i32
          %parallel_loop3A_197 = arith.muli %parallel_loop3A_133, %parallel_loop3A_196 : i32
          %parallel_loop3A_198 = arith.constant 48 : i32
          %parallel_loop3A_199 = arith.addi %parallel_loop3A_197, %parallel_loop3A_198 : i32
          %parallel_loop3A_200 = arith.index_cast %parallel_loop3A_199 : i32 to index
          %parallel_loop3A_201 = tpu.vector_load %arg9[%parallel_loop3A_200] {strides = array<i32>} : memref<18720xf32, #tpu.memory_space<vmem>>, vector<16xf32>,
          tpu.vector_store %arg9[%parallel_loop3A_200], %parallel_loop3A_195 {strides = array<i32>} : memref<18720xf32, #tpu.memory_space<vmem>>, vector<16xf32>,
        } {sc.loop_unroll_factor = 4 : i64, sc.parallel_access}
      } else {
      }
    } else {
    }
    %scan3A_99 = arith.constant 0 : i32
    %scan3A_100 = arith.constant 0 : i32
    %scan3A_101 = arith.constant 8 : i32
    %scan3A_102 = arith.addi %scan3A_100, %scan3A_101 : i32
    %scan3A_103 = arith.constant 1 : i32
    %scan3A_104 = scf.for %scan3A_118 = %scan3A_100 to %scan3A_102 step %scan3A_103 iter_args(%scan3A_119 = %scan3A_99) -> (i32)  : i32 {
      %mul3A_120 = arith.constant 8 : i32
      %mul3A_121 = arith.muli %mul3A_120, %scan3A_118 : i32
      %mul3A_122 = arith.constant 64 : i32
      %mul3A_123 = arith.muli %add3A_61, %mul3A_122 : i32
      %add3A_124 = arith.addi %mul3A_123, %mul3A_121 : i32
      %gt3A = arith.constant 0 : i32
      %gt3A_125 = arith.cmpi sgt, %scan3A_118, %gt3A : i32
      %convert_element_type3A_126 = arith.extui %gt3A_125 : i1 to i32
      %cond3A_127 = arith.constant 0 : i32
      %cond3A_128 = arith.cmpi ne, %convert_element_type3A_126, %cond3A_127 : i32
      scf.if %cond3A_128 {
        %dma_wait3A_161 = arith.constant 0 : i32
        %dma_wait3A_162 = arith.constant 0 : i32
        %dma_wait3A_163 = tpu.memref_slice %arg5[%dma_wait3A_161, %dma_wait3A_162] : memref<4096x10000xf32, #tpu.memory_space<hbm>> -> memref<4x10000xf32, #tpu.memory_space<hbm>>
        %dma_wait3A_164 = arith.constant 0 : i32
        %dma_wait3A_165 = arith.constant 0 : i32
        %dma_wait3A_166 = tpu.memref_slice %arg5[%dma_wait3A_164, %dma_wait3A_165] : memref<4096x10000xf32, #tpu.memory_space<hbm>> -> memref<4x10000xf32, #tpu.memory_space<hbm>>
        tpu.wait_dma2 semaphore(%arg12 : memref<!tpu.dma_semaphore, #tpu.memory_space<semaphore_mem>>) src(%arg10 : memref<4x10000xf32, #tpu.memory_space<vmem>>) dst(%dma_wait3A_166 : memref<4x10000xf32, #tpu.memory_space<hbm>>)
      } else {
      }
      %convert_element_type3A_129 = arith.extui %eq3A_92 : i1 to i32
      %cond3A_130 = arith.constant 0 : i32
      %cond3A_131 = arith.cmpi ne, %convert_element_type3A_129, %cond3A_130 : i32
      scf.if %cond3A_131 {
        %parallel_loop3A_161 = arith.constant 0 : i32
        %parallel_loop3A_162 = arith.constant 10000 : i32
        %parallel_loop3A_163 = arith.constant 16 : i32
        scf.for %parallel_loop3A_164 = %parallel_loop3A_161 to %parallel_loop3A_162 step %parallel_loop3A_163  : i32 {
          %parallel_loop3A_165 = arith.index_cast %parallel_loop3A_164 : i32 to index
          %parallel_loop3A_166 = tpu.vector_load %arg7[%parallel_loop3A_165] {strides = array<i32>} : memref<10000xi32, #tpu.memory_space<vmem>>, vector<16xi32>,
          %parallel_loop3A_167 = arith.constant 65535 : i32
          %parallel_loop3A_168 = vector.broadcast %parallel_loop3A_167 : i32 to vector<16xi32>
          %parallel_loop3A_169 = arith.andi %parallel_loop3A_166, %parallel_loop3A_168 : vector<16xi32>
          %parallel_loop3A_170 = arith.constant 0 : i32
          %parallel_loop3A_171 = arith.addi %mul3A_121, %parallel_loop3A_170 : i32
          %parallel_loop3A_172 = vector.broadcast %parallel_loop3A_171 : i32 to vector<16xi32>
          %parallel_loop3A_173 = arith.addi %parallel_loop3A_169, %parallel_loop3A_172 : vector<16xi32>
          %parallel_loop3A_174 = tpu.vector_load_idx %arg9[%parallel_loop3A_173] : memref<18720xf32, #tpu.memory_space<vmem>>[vector<16xi32>], vector<16xf32>,
          %parallel_loop3A_175 = arith.constant 0 : i32
          %parallel_loop3A_176 = arith.index_cast %parallel_loop3A_175 : i32 to index
          %parallel_loop3A_177 = arith.index_cast %parallel_loop3A_164 : i32 to index
          %parallel_loop3A_178 = tpu.vector_load %arg10[%parallel_loop3A_176, %parallel_loop3A_177] {strides = array<i32>} : memref<4x10000xf32, #tpu.memory_space<vmem>>, vector<16xf32>,
          tpu.vector_store %arg10[%parallel_loop3A_176, %parallel_loop3A_177], %parallel_loop3A_174 {strides = array<i32>} : memref<4x10000xf32, #tpu.memory_space<vmem>>, vector<16xf32>,
          %parallel_loop3A_179 = arith.constant 1 : i32
          %parallel_loop3A_180 = arith.addi %mul3A_121, %parallel_loop3A_179 : i32
          %parallel_loop3A_181 = vector.broadcast %parallel_loop3A_180 : i32 to vector<16xi32>
          %parallel_loop3A_182 = arith.addi %parallel_loop3A_169, %parallel_loop3A_181 : vector<16xi32>
          %parallel_loop3A_183 = tpu.vector_load_idx %arg9[%parallel_loop3A_182] : memref<18720xf32, #tpu.memory_space<vmem>>[vector<16xi32>], vector<16xf32>,
          %parallel_loop3A_184 = arith.constant 1 : i32
          %parallel_loop3A_185 = arith.index_cast %parallel_loop3A_184 : i32 to index
          %parallel_loop3A_186 = arith.index_cast %parallel_loop3A_164 : i32 to index
          %parallel_loop3A_187 = tpu.vector_load %arg10[%parallel_loop3A_185, %parallel_loop3A_186] {strides = array<i32>} : memref<4x10000xf32, #tpu.memory_space<vmem>>, vector<16xf32>,
          tpu.vector_store %arg10[%parallel_loop3A_185, %parallel_loop3A_186], %parallel_loop3A_183 {strides = array<i32>} : memref<4x10000xf32, #tpu.memory_space<vmem>>, vector<16xf32>,
          %parallel_loop3A_188 = arith.constant 2 : i32
          %parallel_loop3A_189 = arith.addi %mul3A_121, %parallel_loop3A_188 : i32
          %parallel_loop3A_190 = vector.broadcast %parallel_loop3A_189 : i32 to vector<16xi32>
          %parallel_loop3A_191 = arith.addi %parallel_loop3A_169, %parallel_loop3A_190 : vector<16xi32>
          %parallel_loop3A_192 = tpu.vector_load_idx %arg9[%parallel_loop3A_191] : memref<18720xf32, #tpu.memory_space<vmem>>[vector<16xi32>], vector<16xf32>,
          %parallel_loop3A_193 = arith.constant 2 : i32
          %parallel_loop3A_194 = arith.index_cast %parallel_loop3A_193 : i32 to index
          %parallel_loop3A_195 = arith.index_cast %parallel_loop3A_164 : i32 to index
          %parallel_loop3A_196 = tpu.vector_load %arg10[%parallel_loop3A_194, %parallel_loop3A_195] {strides = array<i32>} : memref<4x10000xf32, #tpu.memory_space<vmem>>, vector<16xf32>,
          tpu.vector_store %arg10[%parallel_loop3A_194, %parallel_loop3A_195], %parallel_loop3A_192 {strides = array<i32>} : memref<4x10000xf32, #tpu.memory_space<vmem>>, vector<16xf32>,
          %parallel_loop3A_197 = arith.constant 3 : i32
          %parallel_loop3A_198 = arith.addi %mul3A_121, %parallel_loop3A_197 : i32
          %parallel_loop3A_199 = vector.broadcast %parallel_loop3A_198 : i32 to vector<16xi32>
          %parallel_loop3A_200 = arith.addi %parallel_loop3A_169, %parallel_loop3A_199 : vector<16xi32>
          %parallel_loop3A_201 = tpu.vector_load_idx %arg9[%parallel_loop3A_200] : memref<18720xf32, #tpu.memory_space<vmem>>[vector<16xi32>], vector<16xf32>,
          %parallel_loop3A_202 = arith.constant 3 : i32
          %parallel_loop3A_203 = arith.index_cast %parallel_loop3A_202 : i32 to index
          %parallel_loop3A_204 = arith.index_cast %parallel_loop3A_164 : i32 to index
          %parallel_loop3A_205 = tpu.vector_load %arg10[%parallel_loop3A_203, %parallel_loop3A_204] {strides = array<i32>} : memref<4x10000xf32, #tpu.memory_space<vmem>>, vector<16xf32>,
          tpu.vector_store %arg10[%parallel_loop3A_203, %parallel_loop3A_204], %parallel_loop3A_201 {strides = array<i32>} : memref<4x10000xf32, #tpu.memory_space<vmem>>, vector<16xf32>,
        } {sc.loop_unroll_factor = 5 : i64, sc.parallel_access}
      } else {
      }
      %not3A = arith.constant true
      %not3A_132 = arith.xori %eq3A_92, %not3A : i1
      %convert_element_type3A_133 = arith.extui %not3A_132 : i1 to i32
      %cond3A_134 = arith.constant 0 : i32
      %cond3A_135 = arith.cmpi ne, %convert_element_type3A_133, %cond3A_134 : i32
      scf.if %cond3A_135 {
        %parallel_loop3A_161 = arith.constant 0 : i32
        %parallel_loop3A_162 = arith.constant 10000 : i32
        %parallel_loop3A_163 = arith.constant 16 : i32
        scf.for %parallel_loop3A_164 = %parallel_loop3A_161 to %parallel_loop3A_162 step %parallel_loop3A_163  : i32 {
          %parallel_loop3A_165 = arith.index_cast %parallel_loop3A_164 : i32 to index
          %parallel_loop3A_166 = tpu.vector_load %arg7[%parallel_loop3A_165] {strides = array<i32>} : memref<10000xi32, #tpu.memory_space<vmem>>, vector<16xi32>,
          %parallel_loop3A_167 = arith.constant 65535 : i32
          %parallel_loop3A_168 = vector.broadcast %parallel_loop3A_167 : i32 to vector<16xi32>
          %parallel_loop3A_169 = arith.andi %parallel_loop3A_166, %parallel_loop3A_168 : vector<16xi32>
          %parallel_loop3A_170 = arith.constant 16 : i32
          %parallel_loop3A_171 = vector.broadcast %parallel_loop3A_170 : i32 to vector<16xi32>
          %parallel_loop3A_172 = arith.shrsi %parallel_loop3A_166, %parallel_loop3A_171 : vector<16xi32>
          %parallel_loop3A_173 = arith.addi %mul3A_5, %parallel_loop3A_172 : vector<16xi32>
          %parallel_loop3A_174 = arith.constant 0 : i32
          %parallel_loop3A_175 = arith.addi %mul3A_121, %parallel_loop3A_174 : i32
          %parallel_loop3A_176 = vector.broadcast %parallel_loop3A_175 : i32 to vector<16xi32>
          %parallel_loop3A_177 = arith.addi %parallel_loop3A_169, %parallel_loop3A_176 : vector<16xi32>
          %parallel_loop3A_178 = tpu.vector_load_idx %arg9[%parallel_loop3A_177] : memref<18720xf32, #tpu.memory_space<vmem>>[vector<16xi32>], vector<16xf32>,
          %parallel_loop3A_179 = arith.constant 0 : i32
          %parallel_loop3A_180 = arith.addi %mul3A_121, %parallel_loop3A_179 : i32
          %parallel_loop3A_181 = vector.broadcast %parallel_loop3A_180 : i32 to vector<16xi32>
          %parallel_loop3A_182 = arith.addi %parallel_loop3A_173, %parallel_loop3A_181 : vector<16xi32>
          %parallel_loop3A_183 = tpu.vector_load_idx %arg8[%parallel_loop3A_182] : memref<7184xf32, #tpu.memory_space<vmem>>[vector<16xi32>], vector<16xf32>,
          %parallel_loop3A_184 = arith.addf %parallel_loop3A_178, %parallel_loop3A_183 : vector<16xf32>
          %parallel_loop3A_185 = arith.constant 0 : i32
          %parallel_loop3A_186 = arith.index_cast %parallel_loop3A_185 : i32 to index
          %parallel_loop3A_187 = arith.index_cast %parallel_loop3A_164 : i32 to index
          %parallel_loop3A_188 = tpu.vector_load %arg10[%parallel_loop3A_186, %parallel_loop3A_187] {strides = array<i32>} : memref<4x10000xf32, #tpu.memory_space<vmem>>, vector<16xf32>,
          tpu.vector_store %arg10[%parallel_loop3A_186, %parallel_loop3A_187], %parallel_loop3A_184 {strides = array<i32>} : memref<4x10000xf32, #tpu.memory_space<vmem>>, vector<16xf32>,
          %parallel_loop3A_189 = arith.constant 1 : i32
          %parallel_loop3A_190 = arith.addi %mul3A_121, %parallel_loop3A_189 : i32
          %parallel_loop3A_191 = vector.broadcast %parallel_loop3A_190 : i32 to vector<16xi32>
          %parallel_loop3A_192 = arith.addi %parallel_loop3A_169, %parallel_loop3A_191 : vector<16xi32>
          %parallel_loop3A_193 = tpu.vector_load_idx %arg9[%parallel_loop3A_192] : memref<18720xf32, #tpu.memory_space<vmem>>[vector<16xi32>], vector<16xf32>,
          %parallel_loop3A_194 = arith.constant 1 : i32
          %parallel_loop3A_195 = arith.addi %mul3A_121, %parallel_loop3A_194 : i32
          %parallel_loop3A_196 = vector.broadcast %parallel_loop3A_195 : i32 to vector<16xi32>
          %parallel_loop3A_197 = arith.addi %parallel_loop3A_173, %parallel_loop3A_196 : vector<16xi32>
          %parallel_loop3A_198 = tpu.vector_load_idx %arg8[%parallel_loop3A_197] : memref<7184xf32, #tpu.memory_space<vmem>>[vector<16xi32>], vector<16xf32>,
          %parallel_loop3A_199 = arith.addf %parallel_loop3A_193, %parallel_loop3A_198 : vector<16xf32>
          %parallel_loop3A_200 = arith.constant 1 : i32
          %parallel_loop3A_201 = arith.index_cast %parallel_loop3A_200 : i32 to index
          %parallel_loop3A_202 = arith.index_cast %parallel_loop3A_164 : i32 to index
          %parallel_loop3A_203 = tpu.vector_load %arg10[%parallel_loop3A_201, %parallel_loop3A_202] {strides = array<i32>} : memref<4x10000xf32, #tpu.memory_space<vmem>>, vector<16xf32>,
          tpu.vector_store %arg10[%parallel_loop3A_201, %parallel_loop3A_202], %parallel_loop3A_199 {strides = array<i32>} : memref<4x10000xf32, #tpu.memory_space<vmem>>, vector<16xf32>,
          %parallel_loop3A_204 = arith.constant 2 : i32
          %parallel_loop3A_205 = arith.addi %mul3A_121, %parallel_loop3A_204 : i32
          %parallel_loop3A_206 = vector.broadcast %parallel_loop3A_205 : i32 to vector<16xi32>
          %parallel_loop3A_207 = arith.addi %parallel_loop3A_169, %parallel_loop3A_206 : vector<16xi32>
          %parallel_loop3A_208 = tpu.vector_load_idx %arg9[%parallel_loop3A_207] : memref<18720xf32, #tpu.memory_space<vmem>>[vector<16xi32>], vector<16xf32>,
          %parallel_loop3A_209 = arith.constant 2 : i32
          %parallel_loop3A_210 = arith.addi %mul3A_121, %parallel_loop3A_209 : i32
          %parallel_loop3A_211 = vector.broadcast %parallel_loop3A_210 : i32 to vector<16xi32>
          %parallel_loop3A_212 = arith.addi %parallel_loop3A_173, %parallel_loop3A_211 : vector<16xi32>
          %parallel_loop3A_213 = tpu.vector_load_idx %arg8[%parallel_loop3A_212] : memref<7184xf32, #tpu.memory_space<vmem>>[vector<16xi32>], vector<16xf32>,
          %parallel_loop3A_214 = arith.addf %parallel_loop3A_208, %parallel_loop3A_213 : vector<16xf32>
          %parallel_loop3A_215 = arith.constant 2 : i32
          %parallel_loop3A_216 = arith.index_cast %parallel_loop3A_215 : i32 to index
          %parallel_loop3A_217 = arith.index_cast %parallel_loop3A_164 : i32 to index
          %parallel_loop3A_218 = tpu.vector_load %arg10[%parallel_loop3A_216, %parallel_loop3A_217] {strides = array<i32>} : memref<4x10000xf32, #tpu.memory_space<vmem>>, vector<16xf32>,
          tpu.vector_store %arg10[%parallel_loop3A_216, %parallel_loop3A_217], %parallel_loop3A_214 {strides = array<i32>} : memref<4x10000xf32, #tpu.memory_space<vmem>>, vector<16xf32>,
          %parallel_loop3A_219 = arith.constant 3 : i32
          %parallel_loop3A_220 = arith.addi %mul3A_121, %parallel_loop3A_219 : i32
          %parallel_loop3A_221 = vector.broadcast %parallel_loop3A_220 : i32 to vector<16xi32>
          %parallel_loop3A_222 = arith.addi %parallel_loop3A_169, %parallel_loop3A_221 : vector<16xi32>
          %parallel_loop3A_223 = tpu.vector_load_idx %arg9[%parallel_loop3A_222] : memref<18720xf32, #tpu.memory_space<vmem>>[vector<16xi32>], vector<16xf32>,
          %parallel_loop3A_224 = arith.constant 3 : i32
          %parallel_loop3A_225 = arith.addi %mul3A_121, %parallel_loop3A_224 : i32
          %parallel_loop3A_226 = vector.broadcast %parallel_loop3A_225 : i32 to vector<16xi32>
          %parallel_loop3A_227 = arith.addi %parallel_loop3A_173, %parallel_loop3A_226 : vector<16xi32>
          %parallel_loop3A_228 = tpu.vector_load_idx %arg8[%parallel_loop3A_227] : memref<7184xf32, #tpu.memory_space<vmem>>[vector<16xi32>], vector<16xf32>,
          %parallel_loop3A_229 = arith.addf %parallel_loop3A_223, %parallel_loop3A_228 : vector<16xf32>
          %parallel_loop3A_230 = arith.constant 3 : i32
          %parallel_loop3A_231 = arith.index_cast %parallel_loop3A_230 : i32 to index
          %parallel_loop3A_232 = arith.index_cast %parallel_loop3A_164 : i32 to index
          %parallel_loop3A_233 = tpu.vector_load %arg10[%parallel_loop3A_231, %parallel_loop3A_232] {strides = array<i32>} : memref<4x10000xf32, #tpu.memory_space<vmem>>, vector<16xf32>,
          tpu.vector_store %arg10[%parallel_loop3A_231, %parallel_loop3A_232], %parallel_loop3A_229 {strides = array<i32>} : memref<4x10000xf32, #tpu.memory_space<vmem>>, vector<16xf32>,
        } {sc.loop_unroll_factor = 5 : i64, sc.parallel_access}
      } else {
      }
      %dma_start3A = arith.constant 0 : i32
      %dma_start3A_136 = tpu.memref_slice %arg5[%add3A_124, %dma_start3A] : memref<4096x10000xf32, #tpu.memory_space<hbm>> -> memref<4x10000xf32, #tpu.memory_space<hbm>>
      %dma_start3A_137 = arith.constant 0 : i32
      %dma_start3A_138 = tpu.memref_slice %arg5[%add3A_124, %dma_start3A_137] : memref<4096x10000xf32, #tpu.memory_space<hbm>> -> memref<4x10000xf32, #tpu.memory_space<hbm>>
      tpu.enqueue_dma source(%arg10 : memref<4x10000xf32, #tpu.memory_space<vmem>>) target(%dma_start3A_138 : memref<4x10000xf32, #tpu.memory_space<hbm>>) target_semaphore(%arg12 : memref<!tpu.dma_semaphore, #tpu.memory_space<semaphore_mem>>)
      %gt3A_139 = arith.constant 0 : i32
      %gt3A_140 = arith.cmpi sgt, %scan3A_118, %gt3A_139 : i32
      %convert_element_type3A_141 = arith.extui %gt3A_140 : i1 to i32
      %cond3A_142 = arith.constant 0 : i32
      %cond3A_143 = arith.cmpi ne, %convert_element_type3A_141, %cond3A_142 : i32
      scf.if %cond3A_143 {
        %dma_wait3A_161 = arith.constant 0 : i32
        %dma_wait3A_162 = arith.constant 0 : i32
        %dma_wait3A_163 = tpu.memref_slice %arg5[%dma_wait3A_161, %dma_wait3A_162] : memref<4096x10000xf32, #tpu.memory_space<hbm>> -> memref<4x10000xf32, #tpu.memory_space<hbm>>
        %dma_wait3A_164 = arith.constant 0 : i32
        %dma_wait3A_165 = arith.constant 0 : i32
        %dma_wait3A_166 = tpu.memref_slice %arg5[%dma_wait3A_164, %dma_wait3A_165] : memref<4096x10000xf32, #tpu.memory_space<hbm>> -> memref<4x10000xf32, #tpu.memory_space<hbm>>
        tpu.wait_dma2 semaphore(%arg13 : memref<!tpu.dma_semaphore, #tpu.memory_space<semaphore_mem>>) src(%arg11 : memref<4x10000xf32, #tpu.memory_space<vmem>>) dst(%dma_wait3A_166 : memref<4x10000xf32, #tpu.memory_space<hbm>>)
      } else {
      }
      %add3A_144 = arith.constant 4 : i32
      %add3A_145 = arith.addi %mul3A_121, %add3A_144 : i32
      %convert_element_type3A_146 = arith.extui %eq3A_92 : i1 to i32
      %cond3A_147 = arith.constant 0 : i32
      %cond3A_148 = arith.cmpi ne, %convert_element_type3A_146, %cond3A_147 : i32
      scf.if %cond3A_148 {
        %parallel_loop3A_161 = arith.constant 0 : i32
        %parallel_loop3A_162 = arith.constant 10000 : i32
        %parallel_loop3A_163 = arith.constant 16 : i32
        scf.for %parallel_loop3A_164 = %parallel_loop3A_161 to %parallel_loop3A_162 step %parallel_loop3A_163  : i32 {
          %parallel_loop3A_165 = arith.index_cast %parallel_loop3A_164 : i32 to index
          %parallel_loop3A_166 = tpu.vector_load %arg7[%parallel_loop3A_165] {strides = array<i32>} : memref<10000xi32, #tpu.memory_space<vmem>>, vector<16xi32>,
          %parallel_loop3A_167 = arith.constant 65535 : i32
          %parallel_loop3A_168 = vector.broadcast %parallel_loop3A_167 : i32 to vector<16xi32>
          %parallel_loop3A_169 = arith.andi %parallel_loop3A_166, %parallel_loop3A_168 : vector<16xi32>
          %parallel_loop3A_170 = arith.constant 0 : i32
          %parallel_loop3A_171 = arith.addi %add3A_145, %parallel_loop3A_170 : i32
          %parallel_loop3A_172 = vector.broadcast %parallel_loop3A_171 : i32 to vector<16xi32>
          %parallel_loop3A_173 = arith.addi %parallel_loop3A_169, %parallel_loop3A_172 : vector<16xi32>
          %parallel_loop3A_174 = tpu.vector_load_idx %arg9[%parallel_loop3A_173] : memref<18720xf32, #tpu.memory_space<vmem>>[vector<16xi32>], vector<16xf32>,
          %parallel_loop3A_175 = arith.constant 0 : i32
          %parallel_loop3A_176 = arith.index_cast %parallel_loop3A_175 : i32 to index
          %parallel_loop3A_177 = arith.index_cast %parallel_loop3A_164 : i32 to index
          %parallel_loop3A_178 = tpu.vector_load %arg11[%parallel_loop3A_176, %parallel_loop3A_177] {strides = array<i32>} : memref<4x10000xf32, #tpu.memory_space<vmem>>, vector<16xf32>,
          tpu.vector_store %arg11[%parallel_loop3A_176, %parallel_loop3A_177], %parallel_loop3A_174 {strides = array<i32>} : memref<4x10000xf32, #tpu.memory_space<vmem>>, vector<16xf32>,
          %parallel_loop3A_179 = arith.constant 1 : i32
          %parallel_loop3A_180 = arith.addi %add3A_145, %parallel_loop3A_179 : i32
          %parallel_loop3A_181 = vector.broadcast %parallel_loop3A_180 : i32 to vector<16xi32>
          %parallel_loop3A_182 = arith.addi %parallel_loop3A_169, %parallel_loop3A_181 : vector<16xi32>
          %parallel_loop3A_183 = tpu.vector_load_idx %arg9[%parallel_loop3A_182] : memref<18720xf32, #tpu.memory_space<vmem>>[vector<16xi32>], vector<16xf32>,
          %parallel_loop3A_184 = arith.constant 1 : i32
          %parallel_loop3A_185 = arith.index_cast %parallel_loop3A_184 : i32 to index
          %parallel_loop3A_186 = arith.index_cast %parallel_loop3A_164 : i32 to index
          %parallel_loop3A_187 = tpu.vector_load %arg11[%parallel_loop3A_185, %parallel_loop3A_186] {strides = array<i32>} : memref<4x10000xf32, #tpu.memory_space<vmem>>, vector<16xf32>,
          tpu.vector_store %arg11[%parallel_loop3A_185, %parallel_loop3A_186], %parallel_loop3A_183 {strides = array<i32>} : memref<4x10000xf32, #tpu.memory_space<vmem>>, vector<16xf32>,
          %parallel_loop3A_188 = arith.constant 2 : i32
          %parallel_loop3A_189 = arith.addi %add3A_145, %parallel_loop3A_188 : i32
          %parallel_loop3A_190 = vector.broadcast %parallel_loop3A_189 : i32 to vector<16xi32>
          %parallel_loop3A_191 = arith.addi %parallel_loop3A_169, %parallel_loop3A_190 : vector<16xi32>
          %parallel_loop3A_192 = tpu.vector_load_idx %arg9[%parallel_loop3A_191] : memref<18720xf32, #tpu.memory_space<vmem>>[vector<16xi32>], vector<16xf32>,
          %parallel_loop3A_193 = arith.constant 2 : i32
          %parallel_loop3A_194 = arith.index_cast %parallel_loop3A_193 : i32 to index
          %parallel_loop3A_195 = arith.index_cast %parallel_loop3A_164 : i32 to index
          %parallel_loop3A_196 = tpu.vector_load %arg11[%parallel_loop3A_194, %parallel_loop3A_195] {strides = array<i32>} : memref<4x10000xf32, #tpu.memory_space<vmem>>, vector<16xf32>,
          tpu.vector_store %arg11[%parallel_loop3A_194, %parallel_loop3A_195], %parallel_loop3A_192 {strides = array<i32>} : memref<4x10000xf32, #tpu.memory_space<vmem>>, vector<16xf32>,
          %parallel_loop3A_197 = arith.constant 3 : i32
          %parallel_loop3A_198 = arith.addi %add3A_145, %parallel_loop3A_197 : i32
          %parallel_loop3A_199 = vector.broadcast %parallel_loop3A_198 : i32 to vector<16xi32>
          %parallel_loop3A_200 = arith.addi %parallel_loop3A_169, %parallel_loop3A_199 : vector<16xi32>
          %parallel_loop3A_201 = tpu.vector_load_idx %arg9[%parallel_loop3A_200] : memref<18720xf32, #tpu.memory_space<vmem>>[vector<16xi32>], vector<16xf32>,
          %parallel_loop3A_202 = arith.constant 3 : i32
          %parallel_loop3A_203 = arith.index_cast %parallel_loop3A_202 : i32 to index
          %parallel_loop3A_204 = arith.index_cast %parallel_loop3A_164 : i32 to index
          %parallel_loop3A_205 = tpu.vector_load %arg11[%parallel_loop3A_203, %parallel_loop3A_204] {strides = array<i32>} : memref<4x10000xf32, #tpu.memory_space<vmem>>, vector<16xf32>,
          tpu.vector_store %arg11[%parallel_loop3A_203, %parallel_loop3A_204], %parallel_loop3A_201 {strides = array<i32>} : memref<4x10000xf32, #tpu.memory_space<vmem>>, vector<16xf32>,
        } {sc.loop_unroll_factor = 5 : i64, sc.parallel_access}
      } else {
      }
      %not3A_149 = arith.constant true
      %not3A_150 = arith.xori %eq3A_92, %not3A_149 : i1
      %convert_element_type3A_151 = arith.extui %not3A_150 : i1 to i32
      %cond3A_152 = arith.constant 0 : i32
      %cond3A_153 = arith.cmpi ne, %convert_element_type3A_151, %cond3A_152 : i32
      scf.if %cond3A_153 {
        %parallel_loop3A_161 = arith.constant 0 : i32
        %parallel_loop3A_162 = arith.constant 10000 : i32
        %parallel_loop3A_163 = arith.constant 16 : i32
        scf.for %parallel_loop3A_164 = %parallel_loop3A_161 to %parallel_loop3A_162 step %parallel_loop3A_163  : i32 {
          %parallel_loop3A_165 = arith.index_cast %parallel_loop3A_164 : i32 to index
          %parallel_loop3A_166 = tpu.vector_load %arg7[%parallel_loop3A_165] {strides = array<i32>} : memref<10000xi32, #tpu.memory_space<vmem>>, vector<16xi32>,
          %parallel_loop3A_167 = arith.constant 65535 : i32
          %parallel_loop3A_168 = vector.broadcast %parallel_loop3A_167 : i32 to vector<16xi32>
          %parallel_loop3A_169 = arith.andi %parallel_loop3A_166, %parallel_loop3A_168 : vector<16xi32>
          %parallel_loop3A_170 = arith.constant 16 : i32
          %parallel_loop3A_171 = vector.broadcast %parallel_loop3A_170 : i32 to vector<16xi32>
          %parallel_loop3A_172 = arith.shrsi %parallel_loop3A_166, %parallel_loop3A_171 : vector<16xi32>
          %parallel_loop3A_173 = arith.addi %mul3A_5, %parallel_loop3A_172 : vector<16xi32>
          %parallel_loop3A_174 = arith.constant 0 : i32
          %parallel_loop3A_175 = arith.addi %add3A_145, %parallel_loop3A_174 : i32
          %parallel_loop3A_176 = vector.broadcast %parallel_loop3A_175 : i32 to vector<16xi32>
          %parallel_loop3A_177 = arith.addi %parallel_loop3A_169, %parallel_loop3A_176 : vector<16xi32>
          %parallel_loop3A_178 = tpu.vector_load_idx %arg9[%parallel_loop3A_177] : memref<18720xf32, #tpu.memory_space<vmem>>[vector<16xi32>], vector<16xf32>,
          %parallel_loop3A_179 = arith.constant 0 : i32
          %parallel_loop3A_180 = arith.addi %add3A_145, %parallel_loop3A_179 : i32
          %parallel_loop3A_181 = vector.broadcast %parallel_loop3A_180 : i32 to vector<16xi32>
          %parallel_loop3A_182 = arith.addi %parallel_loop3A_173, %parallel_loop3A_181 : vector<16xi32>
          %parallel_loop3A_183 = tpu.vector_load_idx %arg8[%parallel_loop3A_182] : memref<7184xf32, #tpu.memory_space<vmem>>[vector<16xi32>], vector<16xf32>,
          %parallel_loop3A_184 = arith.addf %parallel_loop3A_178, %parallel_loop3A_183 : vector<16xf32>
          %parallel_loop3A_185 = arith.constant 0 : i32
          %parallel_loop3A_186 = arith.index_cast %parallel_loop3A_185 : i32 to index
          %parallel_loop3A_187 = arith.index_cast %parallel_loop3A_164 : i32 to index
          %parallel_loop3A_188 = tpu.vector_load %arg11[%parallel_loop3A_186, %parallel_loop3A_187] {strides = array<i32>} : memref<4x10000xf32, #tpu.memory_space<vmem>>, vector<16xf32>,
          tpu.vector_store %arg11[%parallel_loop3A_186, %parallel_loop3A_187], %parallel_loop3A_184 {strides = array<i32>} : memref<4x10000xf32, #tpu.memory_space<vmem>>, vector<16xf32>,
          %parallel_loop3A_189 = arith.constant 1 : i32
          %parallel_loop3A_190 = arith.addi %add3A_145, %parallel_loop3A_189 : i32
          %parallel_loop3A_191 = vector.broadcast %parallel_loop3A_190 : i32 to vector<16xi32>
          %parallel_loop3A_192 = arith.addi %parallel_loop3A_169, %parallel_loop3A_191 : vector<16xi32>
          %parallel_loop3A_193 = tpu.vector_load_idx %arg9[%parallel_loop3A_192] : memref<18720xf32, #tpu.memory_space<vmem>>[vector<16xi32>], vector<16xf32>,
          %parallel_loop3A_194 = arith.constant 1 : i32
          %parallel_loop3A_195 = arith.addi %add3A_145, %parallel_loop3A_194 : i32
          %parallel_loop3A_196 = vector.broadcast %parallel_loop3A_195 : i32 to vector<16xi32>
          %parallel_loop3A_197 = arith.addi %parallel_loop3A_173, %parallel_loop3A_196 : vector<16xi32>
          %parallel_loop3A_198 = tpu.vector_load_idx %arg8[%parallel_loop3A_197] : memref<7184xf32, #tpu.memory_space<vmem>>[vector<16xi32>], vector<16xf32>,
          %parallel_loop3A_199 = arith.addf %parallel_loop3A_193, %parallel_loop3A_198 : vector<16xf32>
          %parallel_loop3A_200 = arith.constant 1 : i32
          %parallel_loop3A_201 = arith.index_cast %parallel_loop3A_200 : i32 to index
          %parallel_loop3A_202 = arith.index_cast %parallel_loop3A_164 : i32 to index
          %parallel_loop3A_203 = tpu.vector_load %arg11[%parallel_loop3A_201, %parallel_loop3A_202] {strides = array<i32>} : memref<4x10000xf32, #tpu.memory_space<vmem>>, vector<16xf32>,
          tpu.vector_store %arg11[%parallel_loop3A_201, %parallel_loop3A_202], %parallel_loop3A_199 {strides = array<i32>} : memref<4x10000xf32, #tpu.memory_space<vmem>>, vector<16xf32>,
          %parallel_loop3A_204 = arith.constant 2 : i32
          %parallel_loop3A_205 = arith.addi %add3A_145, %parallel_loop3A_204 : i32
          %parallel_loop3A_206 = vector.broadcast %parallel_loop3A_205 : i32 to vector<16xi32>
          %parallel_loop3A_207 = arith.addi %parallel_loop3A_169, %parallel_loop3A_206 : vector<16xi32>
          %parallel_loop3A_208 = tpu.vector_load_idx %arg9[%parallel_loop3A_207] : memref<18720xf32, #tpu.memory_space<vmem>>[vector<16xi32>], vector<16xf32>,
          %parallel_loop3A_209 = arith.constant 2 : i32
          %parallel_loop3A_210 = arith.addi %add3A_145, %parallel_loop3A_209 : i32
          %parallel_loop3A_211 = vector.broadcast %parallel_loop3A_210 : i32 to vector<16xi32>
          %parallel_loop3A_212 = arith.addi %parallel_loop3A_173, %parallel_loop3A_211 : vector<16xi32>
          %parallel_loop3A_213 = tpu.vector_load_idx %arg8[%parallel_loop3A_212] : memref<7184xf32, #tpu.memory_space<vmem>>[vector<16xi32>], vector<16xf32>,
          %parallel_loop3A_214 = arith.addf %parallel_loop3A_208, %parallel_loop3A_213 : vector<16xf32>
          %parallel_loop3A_215 = arith.constant 2 : i32
          %parallel_loop3A_216 = arith.index_cast %parallel_loop3A_215 : i32 to index
          %parallel_loop3A_217 = arith.index_cast %parallel_loop3A_164 : i32 to index
          %parallel_loop3A_218 = tpu.vector_load %arg11[%parallel_loop3A_216, %parallel_loop3A_217] {strides = array<i32>} : memref<4x10000xf32, #tpu.memory_space<vmem>>, vector<16xf32>,
          tpu.vector_store %arg11[%parallel_loop3A_216, %parallel_loop3A_217], %parallel_loop3A_214 {strides = array<i32>} : memref<4x10000xf32, #tpu.memory_space<vmem>>, vector<16xf32>,
          %parallel_loop3A_219 = arith.constant 3 : i32
          %parallel_loop3A_220 = arith.addi %add3A_145, %parallel_loop3A_219 : i32
          %parallel_loop3A_221 = vector.broadcast %parallel_loop3A_220 : i32 to vector<16xi32>
          %parallel_loop3A_222 = arith.addi %parallel_loop3A_169, %parallel_loop3A_221 : vector<16xi32>
          %parallel_loop3A_223 = tpu.vector_load_idx %arg9[%parallel_loop3A_222] : memref<18720xf32, #tpu.memory_space<vmem>>[vector<16xi32>], vector<16xf32>,
          %parallel_loop3A_224 = arith.constant 3 : i32
          %parallel_loop3A_225 = arith.addi %add3A_145, %parallel_loop3A_224 : i32
          %parallel_loop3A_226 = vector.broadcast %parallel_loop3A_225 : i32 to vector<16xi32>
          %parallel_loop3A_227 = arith.addi %parallel_loop3A_173, %parallel_loop3A_226 : vector<16xi32>
          %parallel_loop3A_228 = tpu.vector_load_idx %arg8[%parallel_loop3A_227] : memref<7184xf32, #tpu.memory_space<vmem>>[vector<16xi32>], vector<16xf32>,
          %parallel_loop3A_229 = arith.addf %parallel_loop3A_223, %parallel_loop3A_228 : vector<16xf32>
          %parallel_loop3A_230 = arith.constant 3 : i32
          %parallel_loop3A_231 = arith.index_cast %parallel_loop3A_230 : i32 to index
          %parallel_loop3A_232 = arith.index_cast %parallel_loop3A_164 : i32 to index
          %parallel_loop3A_233 = tpu.vector_load %arg11[%parallel_loop3A_231, %parallel_loop3A_232] {strides = array<i32>} : memref<4x10000xf32, #tpu.memory_space<vmem>>, vector<16xf32>,
          tpu.vector_store %arg11[%parallel_loop3A_231, %parallel_loop3A_232], %parallel_loop3A_229 {strides = array<i32>} : memref<4x10000xf32, #tpu.memory_space<vmem>>, vector<16xf32>,
        } {sc.loop_unroll_factor = 5 : i64, sc.parallel_access}
      } else {
      }
      %add3A_154 = arith.constant 4 : i32
      %add3A_155 = arith.addi %add3A_124, %add3A_154 : i32
      %dma_start3A_156 = arith.constant 0 : i32
      %dma_start3A_157 = tpu.memref_slice %arg5[%add3A_155, %dma_start3A_156] : memref<4096x10000xf32, #tpu.memory_space<hbm>> -> memref<4x10000xf32, #tpu.memory_space<hbm>>
      %dma_start3A_158 = arith.constant 0 : i32
      %dma_start3A_159 = tpu.memref_slice %arg5[%add3A_155, %dma_start3A_158] : memref<4096x10000xf32, #tpu.memory_space<hbm>> -> memref<4x10000xf32, #tpu.memory_space<hbm>>
      tpu.enqueue_dma source(%arg11 : memref<4x10000xf32, #tpu.memory_space<vmem>>) target(%dma_start3A_159 : memref<4x10000xf32, #tpu.memory_space<hbm>>) target_semaphore(%arg13 : memref<!tpu.dma_semaphore, #tpu.memory_space<semaphore_mem>>)
      %scan3A_160 = arith.constant 0 : i32
      scf.yield %scan3A_160 : i32
    }
    %scan3A_105 = arith.constant 8 : i32
    %dma_wait3A_106 = arith.constant 0 : i32
    %dma_wait3A_107 = arith.constant 0 : i32
    %dma_wait3A_108 = tpu.memref_slice %arg5[%dma_wait3A_106, %dma_wait3A_107] : memref<4096x10000xf32, #tpu.memory_space<hbm>> -> memref<4x10000xf32, #tpu.memory_space<hbm>>
    %dma_wait3A_109 = arith.constant 0 : i32
    %dma_wait3A_110 = arith.constant 0 : i32
    %dma_wait3A_111 = tpu.memref_slice %arg5[%dma_wait3A_109, %dma_wait3A_110] : memref<4096x10000xf32, #tpu.memory_space<hbm>> -> memref<4x10000xf32, #tpu.memory_space<hbm>>
    tpu.wait_dma2 semaphore(%arg12 : memref<!tpu.dma_semaphore, #tpu.memory_space<semaphore_mem>>) src(%arg10 : memref<4x10000xf32, #tpu.memory_space<vmem>>) dst(%dma_wait3A_111 : memref<4x10000xf32, #tpu.memory_space<hbm>>)
    %dma_wait3A_112 = arith.constant 0 : i32
    %dma_wait3A_113 = arith.constant 0 : i32
    %dma_wait3A_114 = tpu.memref_slice %arg5[%dma_wait3A_112, %dma_wait3A_113] : memref<4096x10000xf32, #tpu.memory_space<hbm>> -> memref<4x10000xf32, #tpu.memory_space<hbm>>
    %dma_wait3A_115 = arith.constant 0 : i32
    %dma_wait3A_116 = arith.constant 0 : i32
    %dma_wait3A_117 = tpu.memref_slice %arg5[%dma_wait3A_115, %dma_wait3A_116] : memref<4096x10000xf32, #tpu.memory_space<hbm>> -> memref<4x10000xf32, #tpu.memory_space<hbm>>
    tpu.wait_dma2 semaphore(%arg13 : memref<!tpu.dma_semaphore, #tpu.memory_space<semaphore_mem>>) src(%arg11 : memref<4x10000xf32, #tpu.memory_space<vmem>>) dst(%dma_wait3A_117 : memref<4x10000xf32, #tpu.memory_space<hbm>>)
    return
  }
}

</mosaic_0001>

<sc_bundles>
// kernel: kernel.3.cloned.1.call-start
scs
__scs_entry_jumppad:
0x0: {  	(pc) =	sbr.rel $0x88, $3  }
0x1: {  	(tag) =	ssettag $0x0;
	lr =	simm.s32 $0x1  }
0x2: {  	[smem:$0x3F9E] =	sst lr;
	_ =	strace $0xD0000000  }
0x3: {  	_ = 	snop  }
0x4: {  	_ = 	snop  }
0x5: {  	_ = 	snop  }
0x6: {  	_ = 	snop  }
0x7: {  	_ = 	snop  }
__scs_overlays_trampoline_lowered:
0x8: {  	[smem:$0x3FAD] =	sst s0  }
0x9: {  	[smem:$0x3FAE] =	sst s1  }
0xa: {  	[smem:$0x3FAF] =	sst s2  }
0xb: {  	[smem:$0x3FB0] =	sst s3  }
0xc: {  	[smem:$0x3FB1] =	sst s4  }
0xd: {  	[smem:$0x3FB2] =	sst s5  }
0xe: {  	[smem:$0x3FB3] =	sst s6  }
0xf: {  	[smem:$0x3FB4] =	sst s7  }
0x10: {  	[smem:$0x3FB5] =	sst s8  }
0x11: {  	[smem:$0x3FB6] =	sst s9;
	s0 =	simm.s32 @!p0 $0x0  }
0x12: {  	s1 =	sld [smem:$0x3F9C];
	s0 =	simm.s32 @p0 $0x1  }
0x13: {  	[smem:$0x3FB7] =	sst s0;
	s0 =	simm.s32 @!p1 $0x0  }
0x14: {  	s2 =	sld [smem:$0x3F9B];
	s0 =	simm.s32 @p1 $0x1  }
0x15: {  	[smem:$0x3FB8] =	sst s0;
	s0 =	simm.s32 @!p2 $0x0  }
0x16: {  	s3 =	sld [smem:$0x3FDB];
	s0 =	simm.s32 @p2 $0x1  }
0x17: {  	s4 =	simm.s32 $0x1BF5;
	[smem:$0x3FBA] =	sst s0  }
0x18: {  	s0 =	sld [smem:$0x3F9D];
	_ =	swait.ge [sflag:s4], $0x0  }
0x19: {  	s7 =	sld [smem:$0x3F9E]  }
0x1a: {  	s8 =	sadd.s32 $0xFFFFE003, lr  }
0x1b: {  	s9 =	sadd.s32 $0xFFFFFEF7, lr;
	s5 =	simm.s32 $0xFFFFFFFF;
	p2 =	slt.u32 s8, $0xFFFFF086  }
0x1c: {  	p1 =	slt.u32 s9, $0xF7A;
	s5 =	simm.s32 @!p2 $0x0  }
0x1d: {  	s5 =	simm.s32 @p1 $0x1;
	p0 =	seq.s32 s7, s2  }
0x1e: {  	s7 =	smul.u32 @!p0 $0xF7A, s2;
	p2 =	seq.s32 @!p0 s5, $0x0  }
0x1f: {  	s9 =	smul.u32 $0xF7A, s1;
	s8 =	simm.s32 @!p0 $0x1BF5;
	p2 =	por !p2, p0  }
0x20: {  	[sflag:s8] =	ssyncset.s32 @!p0 $0xFFFFF086;
	s6 =	sadd.s32 @!p0 s3, s7;
	s7 =	simm.s32 @!p0 $0x108  }
0x21: {  	s3 =	sadd.s32 s3, s9;
	s6 =	sadd.s32 @!p0 $0x88, s6;
	s7 =	simm.s32 @p2 $0x1082  }
0x22: {  	[simem:s7], [sflag:s8] =	dma.local @!p0 [hbm:s6], $0xF7A  }
0x23: {  	s9 =	sor.u32 $0xD0000000, s2;
	s6 =	simm.s32 $0x108;
	_ =	swait.ge @!p0 [sflag:s8], $0x0  }
0x24: {  	s3 =	sadd.s32 $0x88, s3;
	s6 =	simm.s32 @!p1 $0x1082;
	[sflag:s4] =	ssyncset.s32 $0xFFFFF086  }
0x25: {  	[simem:s6], [sflag:s4] =	dma.local [hbm:s3], $0xF7A  }
0x26: {  	[smem:$0x3F9E] =	sst s1;
	(tag) =	ssettag s2;
	_ =	strace s9  }
0x27: {  	s1 =	sld [smem:$0x3FAE]  }
0x28: {  	s2 =	sld [smem:$0x3FAF]  }
0x29: {  	s4 =	sld [smem:$0x3FB1]  }
0x2a: {  	p0 =	seq.s32 s5, $0x0;
	s5 =	sld [smem:$0x3FB2]  }
0x2b: {  	s6 =	sld [smem:$0x3FB3]  }
0x2c: {  	s7 =	sld [smem:$0x3FB4]  }
0x2d: {  	s3 =	simm.s32 $0x108;
	s8 =	sld [smem:$0x3FB5]  }
0x2e: {  	s3 =	simm.s32 @!p0 $0x1082;
	s9 =	sld [smem:$0x3FB6]  }
0x2f: {  	lr =	sadd.s32 s0, s3;
	s0 =	sld [smem:$0x3FAD]  }
0x30: {  	s3 =	sld [smem:$0x3FB0]  }
0x31: {  	[smem:$0x3FB9] =	sst s10  }
0x32: {  	s10 =	sld [smem:$0x3FB7];
	_ =	sdelay $0x3  }
0x33: {  	p0 =	seq.s32 s10, $0x1;
	s10 =	sld [smem:$0x3FB9];
	_ =	sdelay $0x3  }
0x34: {  	[smem:$0x3FB9] =	sst s10  }
0x35: {  	s10 =	sld [smem:$0x3FB8];
	_ =	sdelay $0x3  }
0x36: {  	p1 =	seq.s32 s10, $0x1;
	s10 =	sld [smem:$0x3FB9];
	_ =	sdelay $0x3  }
0x37: {  	[smem:$0x3FB9] =	sst s10  }
0x38: {  	s10 =	sld [smem:$0x3FBA]  }
0x39: {  	_ = 	snop;
	(pc) =	sbr.ind lr, $3  }
0x3a: {  	_ = 	snop  }
0x3b: {  	_ = 	snop  }
0x3c: {  	p2 =	seq.s32 s10, $0x1;
	s10 =	sld [smem:$0x3FB9]  }
0x3d: {  	_ =	shalt  }
0x3e: {  	_ =	shalt  }
0x3f: {  	_ =	shalt  }
0x40: {  	_ =	shalt  }
0x41: {  	_ =	shalt  }
0x42: {  	_ =	shalt  }
0x43: {  	_ =	shalt  }
0x44: {  	_ =	shalt  }
0x45: {  	_ =	shalt  }
0x46: {  	_ =	shalt  }
0x47: {  	_ =	shalt  }
0x48: {  	_ =	shalt  }
0x49: {  	_ =	shalt  }
0x4a: {  	_ =	shalt  }
0x4b: {  	_ =	shalt  }
0x4c: {  	_ =	shalt  }
0x4d: {  	_ =	shalt  }
0x4e: {  	_ =	shalt  }
0x4f: {  	_ =	shalt  }
0x50: {  	_ =	shalt  }
0x51: {  	_ =	shalt  }
0x52: {  	_ =	shalt  }
0x53: {  	_ =	shalt  }
0x54: {  	_ =	shalt  }
0x55: {  	_ =	shalt  }
0x56: {  	_ =	shalt  }
0x57: {  	_ =	shalt  }
0x58: {  	_ =	shalt  }
0x59: {  	_ =	shalt  }
0x5a: {  	_ =	shalt  }
0x5b: {  	_ =	shalt  }
0x5c: {  	_ =	shalt  }
0x5d: {  	_ =	shalt  }
0x5e: {  	_ =	shalt  }
0x5f: {  	_ =	shalt  }
0x60: {  	_ =	shalt  }
0x61: {  	_ =	shalt  }
0x62: {  	_ =	shalt  }
0x63: {  	_ =	shalt  }
0x64: {  	_ =	shalt  }
0x65: {  	_ =	shalt  }
0x66: {  	_ =	shalt  }
0x67: {  	_ =	shalt  }
0x68: {  	_ =	shalt  }
0x69: {  	_ =	shalt  }
0x6a: {  	_ =	shalt  }
0x6b: {  	_ =	shalt  }
0x6c: {  	_ =	shalt  }
0x6d: {  	_ =	shalt  }
0x6e: {  	_ =	shalt  }
0x6f: {  	_ =	shalt  }
0x70: {  	_ =	shalt  }
0x71: {  	_ =	shalt  }
0x72: {  	_ =	shalt  }
0x73: {  	_ =	shalt  }
0x74: {  	_ =	shalt  }
0x75: {  	_ =	shalt  }
0x76: {  	_ =	shalt  }
0x77: {  	_ =	shalt  }
0x78: {  	_ =	shalt  }
0x79: {  	_ =	shalt  }
0x7a: {  	_ =	shalt  }
0x7b: {  	_ =	shalt  }
0x7c: {  	_ =	shalt  }
0x7d: {  	_ =	shalt  }
0x7e: {  	_ =	shalt  }
0x7f: {  	_ =	shalt  }
0x80: {  	_ =	shalt  }
0x81: {  	_ =	shalt  }
0x82: {  	_ =	shalt  }
0x83: {  	_ =	shalt  }
0x84: {  	_ =	shalt  }
0x85: {  	_ =	shalt  }
0x86: {  	_ =	shalt  }
0x87: {  	_ =	shalt  }
.Lfunc_end0:
.L_simem_size_0:
called_computation.1_lowered:
.L_overlay_start_0:
0x88: {  	s2 =	sld [smem:$0x3FD9]  }
0x89: {  	s3 =	sld [smem:$0x3FFE];
	_ =	sdelay $0x1  }
0x8a: {  	s1 =	srdreg.scid  }
0x8b: {  	s0 =	sand.u32 $0x1, s1  }
0x8c: {  	s17 =	sshll.u32 s0, $0xA;
	s2 =	sadd.s32 s3, s2  }
0x8d: {  	s2 =	sadd.s32 s2, s17  }
0x8e: {  	[smem:$0x3FC5] =	sst s2  }
0x8f: {  	_ = 	snop  }
0x90: {  	s2 =	sld [smem:$0x3FD0];
	(tm) =	ssettm $0x1  }
0x91: {  	s18 =	sld [smem:$0x3FFB];
	_ =	sdelay $0x3  }
0x92: {  	_ =	strace s18  }
0x93: {  	s3 =	sld [smem:$0x3FFC];
	_ =	sdelay $0x3  }
0x94: {  	_ =	strace s3  }
0x95: {  	s3 =	sld [smem:$0x3FFD];
	_ =	sdelay $0x3  }
0x96: {  	_ =	strace s3  }
0x97: {  	_ =	strace $0x8FFFFFFF  }
0x98: {  	s19 =	sld [smem:$0x3FDB];
	_ =	sdelay $0x1  }
0x99: {  	s4 =	simm.s32 $_scs_section_size  }
0x9a: {  	s5 =	simm.s32 $_size__tile_overlayer_lowered;
	s6 =	simm.s32 $_tile_overlayer_lowered  }
0x9b: {  	s22 =	simm.s32 $0x1BFF;
	s21 =	sshll.u32 s6, $0x1;
	s3 =	sadd.s32 s4, s19  }
0x9c: {  	s7 =	simm.s32 $0x0;
	s20 =	sshll.u32 s5, $0x1;
	s5 =	sadd.s32 s21, s3  }
0x9d: {  	[timem:s7], [sflag:s22] =	dma.local [hbm:s5], s20  }
0x9e: {  	_ =	swait.ge [sflag:s22], s20  }
0x9f: {  	s4 =	ssub.s32 $0x0, s20;
	[sflag:s22] =	ssyncset.done $0x0  }
0xa0: {  	[sflag:s22] =	ssyncadd.s32 s4;
	_ =	sdelay $0x1  }
0xa1: {  	s23 =	simm.s32 $0x1B8B  }
0xa2: {  	_ =	swait.ge [sflag:s23], $0x1  }
0xa3: {  	[sflag:s23] =	ssyncset.done $0x0  }
0xa4: {  	s25 =	simm.s32 $0x1B8E;
	s24 =	sld [smem:$0x3FFE];
	[sflag:s23] =	ssyncadd.s32 $0xFFFFFFFF  }
0xa5: {  	s26 =	simm.s32 $execute0_lowered;
	[smem:$0x3FD2] =	sst s25  }
0xa6: {  	s5 =	sshll.u32 s26, $0x1;
	_ =	strace $0x80000046;
	[dreg:$0x1] =	wrdreg $0xFFFFFFFF  }
0xa7: {  	s28 =	simm.s32 $_size_execute0_lowered;
	s3 =	sadd.s32 s3, s5;
	[dreg:$0x0] =	wrdreg $0x0  }
0xa8: {  	s5 =	sshll.u32 s28, $0x1;
	[dreg:$0x2] =	wrdreg s3  }
0xa9: {  	[dreg:$0x3] =	wrdreg s5  }
0xaa: {  	[dreg:$0x4] =	wrdreg $0xC0  }
0xab: {  	_ =	task [dreg:s7], $0x5FFFF  }
0xac: {  	[dreg:$0x1] =	wrdreg $0xFFFFFFFF  }
0xad: {  	[dreg:$0x0] =	wrdreg $0x60  }
0xae: {  	[dreg:$0x2] =	wrdreg s2  }
0xaf: {  	[dreg:$0x3] =	wrdreg s24  }
0xb0: {  	[dreg:$0x4] =	wrdreg $0x9  }
0xb1: {  	_ =	task.clear_ibuf [dreg:s7], $0x5FFFF;
	_ =	strace $0x90000046  }
0xb2: {  	s29 =	simm.s32 $0x9;
	_ =	strace $0x80000048  }
0xb3: {  	_ =	swait.ge [sflag:s29], $0x1  }
0xb4: {  	[sflag:s29] =	ssyncadd.s32 $0xFFFFFFFF  }
0xb5: {  	_ =	strace $0x90000048  }
0xb6: {  	_ =	sfence  }
0xb7: {  	s30 =	sld [smem:$0x0];
	_ =	sdelay $0x2  }
0xb8: {  	s31 =	sshll.u32 s1, $0xD;
	s1 =	sshrl.u32 s1, $0x2  }
0xb9: {  	s3 =	sand.u32 $0x4000, s31;
	s1 =	sadd.s32 s1, s30  }
0xba: {  	s0 =	sor.u32 s3, s0;
	s1 =	sshll.u32 s1, $0x11  }
0xbb: {  	s0 =	sor.u32 s1, s0  }
0xbc: {  	s0 =	sadd.s32 $0x8F2B, s0  }
0xbd: {  	[sflag:s0] =	ssyncadd.remote.s32 $0x1  }
0xbe: {  	_ =	sfence.sel $0xFFFF  }
0xbf: {  	[dreg:$0x0] =	wrdreg $0xFFFFFFFF;
	(pc) =	sbr.abs _section_cstart, $3  }
0xc0: {  	[dreg:$0x1] =	wrdreg $0xFFFFFFFF  }
0xc1: {  	_ =	task.clear_ibuf [dreg:s7], $0x2FFFF;
	_ =	strace $0x9FFFFFFF  }
0xc2: {  	(tm) =	ssettm $0x7FFFFFFF  }
0xc3: {  	_ =	shalt  }
tec
execute0_lowered:
.L_overlay_start_1:
0x0: {  	(tag) =	ssettag $0x1  }
0x1: {  	s0 =	rddreg [dreg:$0x0];
	s1 =	srdreg.scid  }
0x2: {  	s2 =	stileid.u32;
	s3 =	rddreg [dreg:$0x1];
	s19 =	simm.s32 $0x6200  }
0x3: {  	s1 =	sand.u32 $0x1, s1;
	s4 =	sshll.u32 s2, $0x1;
	s2 =	simm.s32 $0x0  }
0x4: {  	s6 =	sadd.s32 $0xA00, s3;
	s22 =	sadd.s32 $0x800, s3;
	[smem:$0x7FF] =	sst s2  }
0x5: {  	s4 =	sor.u32 s1, s4;
	_ =	strace $0x80000047;
	[dreg:$0x3] =	wrdreg s6  }
0x6: {  	s1 =	ssub.s32 $0x2, s1;
	s5 =	smul.u32 $0xEB00, s4;
	[dreg:$0x4] =	wrdreg s22  }
0x7: {  	s7 =	sshllo.u32 s4, $0x1;
	s8 =	sshrl.u32 s1, $0x1;
	s4 =	sshll.u32 s4, $0x4  }
0x8: {  	s1 =	ssub.s32 s1, s8;
	[dreg:$0x9] =	wrdreg s4;
	s30 =	sshll.u32 s7, $0x3  }
0x9: {  	s5 =	sshrl.u32 s5, $0x3;
	[dreg:$0xe] =	wrdreg s30;
	s31 =	smax.u32 s1, $0x1  }
0xa: {  	s20 =	simm.s32 $0x200;
	s9 =	sadd.s32 s0, s5;
	[dreg:$0xf] =	wrdreg s31  }
0xb: {  	s23 =	smul.u32 $0x7580, s7;
	s24 =	sadd.s32 $0x3C0, s9;
	[dreg:$0x5] =	wrdreg s9  }
0xc: {  	s21 =	simm.s32 $0x400;
	s25 =	sadd.s32 $0x780, s9;
	[dreg:$0x6] =	wrdreg s24  }
0xd: {  	s5 =	sshrl.u32 s23, $0x3;
	s26 =	sadd.s32 $0xB40, s9;
	[dreg:$0x7] =	wrdreg s25  }
.Ltmp0:
0xe: {  	s0 =	sadd.s32 s0, s5;
	[dreg:$0x8] =	wrdreg s26;
	(pc) =	sbr.rel .LBB2_1-.Ltmp0, $4  }
0xf: {  	v0 =	vlaneseq.u32;
	s11 =	sadd.s32 $0x1440, s3;
	s28 =	sadd.s32 $0x3C0, s0;
	[dreg:$0xa] =	wrdreg s0  }
0x10: {  	v2 =	vmul.u32 $0x3, v0;
	s6 =	sadd.s32 $0x1400, s3;
	s29 =	sadd.s32 $0x780, s0;
	[dreg:$0xb] =	wrdreg s28  }
0x11: {  	s3 =	simm.s32 $0x0;
	s0 =	sadd.s32 $0xB40, s0;
	[dreg:$0xc] =	wrdreg s29  }
0x12: {  	v1 =	vadd.s32 $0x1, v2;
	v2 =	vadd.s32 $0x2, v2;
	s1 =	simm.s32 $0x3;
	s26 =	simm.s32 $0x4580;
	[dreg:$0xd] =	wrdreg s0  }
.LBB2_65:
0x13: {  	s0 =	simm.s32 $0x1  }
0x14: {  	_ =	swait.ge [sflag:s0], $0x9E00  }
0x15: {  	[sflag:s0] =	ssyncset.done $0x0  }
0x16: {  	s1 =	simm.s32 $0x2;
	[sflag:s0] =	ssyncadd.s32 $0xFFFF6200  }
0x17: {  	_ =	swait.ge [sflag:s1], $0x9E00  }
0x18: {  	s3 =	rddreg [dreg:$0x10]  }
0x19: {  	s31 =	rddreg [dreg:$0xf];
	s3 =	sadd.s32 $0x1, s3  }
0x1a: {  	p0 =	sne.s32 s3, s31  }
.Ltmp1:
0x1b: {  	_ = 	snop;
	(pc) =	sbr.rel @!p0 .LBB2_66-.Ltmp1, $3  }
0x1c: {  	_ =	sdelay $0x1  }
0x1d: {  	[sflag:s1] =	ssyncset.done $0x0  }
0x1e: {  	[sflag:s1] =	ssyncadd.s32 $0xFFFF6200;
	s1 =	simm.s32 $0x3  }
.LBB2_1:
0x1f: {  	[dreg:$0x10] =	wrdreg s3  }
0x20: {  	s0 =	rddreg [dreg:$0x4]  }
0x21: {  	[tilespmem:s2], [sflag:$0x3] =	stream.linear.gather [hbm4b:s0+s2], $0x1C0, $0x38;
	[tilespmem:$0x1E780] =	vst v63  }
0x22: {  	_ =	swait.ge [sflag:s1], $0x1C0  }
0x23: {  	[sflag:s1] =	ssyncset.done $0x0  }
0x24: {  	[sflag:s1] =	ssyncadd.s32 $0xFFFFFE40  }
0x25: {  	v3 =	vld [tilespmem:$0x0];
	_ =	sdelay $0x3  }
0x26: {  	s1 =	simm.s32 $0x4660  }
0x27: {  	[tilespmem:s1+$0xFFFFFF20] =	vst v3  }
0x28: {  	v3 =	vld [tilespmem:$0x10];
	_ =	sdelay $0x4  }
0x29: {  	[tilespmem:s1+$0xFFFFFF30] =	vst v3  }
0x2a: {  	v3 =	vld [tilespmem:$0x20];
	_ =	sdelay $0x4  }
0x2b: {  	[tilespmem:s1+$0xFFFFFF40] =	vst v3  }
0x2c: {  	v3 =	vld [tilespmem:$0x30];
	_ =	sdelay $0x4  }
0x2d: {  	[tilespmem:s1+$0xFFFFFF50] =	vst v3  }
0x2e: {  	v3 =	vld [tilespmem:$0x40];
	_ =	sdelay $0x3  }
0x2f: {  	v4 =	vld [tilespmem:$0x0]  }
0x30: {  	[tilespmem:s1+$0xFFFFFF60] =	vst v3  }
0x31: {  	v3 =	vld [tilespmem:$0x50];
	_ =	sdelay $0x1  }
0x32: {  	s29 =	simm.s32 $0x4821  }
0x33: {  	[tilespmem:s29+$0xFFFFFF20] =	vst v4  }
0x34: {  	v4 =	vld [tilespmem:$0x10]  }
0x35: {  	[tilespmem:s1+$0xFFFFFF70] =	vst v3  }
0x36: {  	v3 =	vld [tilespmem:$0x60];
	_ =	sdelay $0x2  }
0x37: {  	[tilespmem:s29+$0xFFFFFF30] =	vst v4  }
0x38: {  	v4 =	vld [tilespmem:$0x20]  }
0x39: {  	[tilespmem:s1+$0xFFFFFF80] =	vst v3  }
0x3a: {  	v3 =	vld [tilespmem:$0x70];
	_ =	sdelay $0x2  }
0x3b: {  	[tilespmem:s29+$0xFFFFFF40] =	vst v4  }
0x3c: {  	v4 =	vld [tilespmem:$0x30]  }
0x3d: {  	[tilespmem:s1+$0xFFFFFF90] =	vst v3  }
0x3e: {  	v3 =	vld [tilespmem:$0x80];
	_ =	sdelay $0x2  }
0x3f: {  	[tilespmem:s29+$0xFFFFFF50] =	vst v4  }
0x40: {  	s31 =	sand.u32 $0x1FFF, s2;
	v4 =	vld [tilespmem:$0x40]  }
0x41: {  	[tilespmem:s31+$0x4600] =	vst v3  }
0x42: {  	v3 =	vld [tilespmem:$0x90];
	_ =	sdelay $0x1  }
0x43: {  	v5 =	vld [tilespmem:$0x0]  }
0x44: {  	[tilespmem:s29+$0xFFFFFF60] =	vst v4  }
0x45: {  	v4 =	vld [tilespmem:$0x50]  }
0x46: {  	[tilespmem:s1+$0xFFFFFFB0] =	vst v3  }
0x47: {  	s30 =	simm.s32 $0x49E2;
	v3 =	vld [tilespmem:$0xA0]  }
0x48: {  	[tilespmem:s30+$0xFFFFFF20] =	vst v5  }
0x49: {  	v5 =	vld [tilespmem:$0x10]  }
0x4a: {  	[tilespmem:s29+$0xFFFFFF70] =	vst v4  }
0x4b: {  	v4 =	vld [tilespmem:$0x60]  }
0x4c: {  	[tilespmem:s1+$0xFFFFFFC0] =	vst v3  }
0x4d: {  	v3 =	vld [tilespmem:$0xB0]  }
0x4e: {  	[tilespmem:s30+$0xFFFFFF30] =	vst v5  }
0x4f: {  	v5 =	vld [tilespmem:$0x20]  }
0x50: {  	[tilespmem:s29+$0xFFFFFF80] =	vst v4  }
0x51: {  	v4 =	vld [tilespmem:$0x70]  }
0x52: {  	[tilespmem:s1+$0xFFFFFFD0] =	vst v3  }
0x53: {  	v3 =	vld [tilespmem:$0xC0]  }
0x54: {  	[tilespmem:s30+$0xFFFFFF40] =	vst v5  }
0x55: {  	v5 =	vld [tilespmem:$0x30]  }
0x56: {  	[tilespmem:s29+$0xFFFFFF90] =	vst v4  }
0x57: {  	v4 =	vld [tilespmem:$0x80]  }
0x58: {  	[tilespmem:s1+$0xFFFFFFE0] =	vst v3  }
0x59: {  	v3 =	vld [tilespmem:$0xD0]  }
0x5a: {  	s28 =	simm.s32 $0x1C1;
	[tilespmem:s30+$0xFFFFFF50] =	vst v5  }
0x5b: {  	s3 =	sand.u32 $0x1FFF, s28;
	v5 =	vld [tilespmem:$0x40]  }
0x5c: {  	[tilespmem:s3+$0x4600] =	vst v4  }
0x5d: {  	v4 =	vld [tilespmem:$0x90]  }
0x5e: {  	[tilespmem:s1+$0xFFFFFFF0] =	vst v3;
	v3 =	vld [tilespmem:$0x0]  }
0x5f: {  	v6 =	vld [tilespmem:$0xE0]  }
0x60: {  	[tilespmem:s30+$0xFFFFFF60] =	vst v5  }
0x61: {  	v5 =	vld [tilespmem:$0x50]  }
0x62: {  	s0 =	simm.s32 $0x4BA3;
	[tilespmem:s29+$0xFFFFFFB0] =	vst v4  }
0x63: {  	v4 =	vld [tilespmem:$0xA0];
	[tilespmem:s0+$0xFFFFFF20] =	vst v3  }
0x64: {  	v3 =	vld [tilespmem:$0x10];
	[tilespmem:s1+$0x0] =	vst v6  }
0x65: {  	v6 =	vld [tilespmem:$0xF0]  }
0x66: {  	[tilespmem:s30+$0xFFFFFF70] =	vst v5  }
0x67: {  	v5 =	vld [tilespmem:$0x60]  }
0x68: {  	[tilespmem:s29+$0xFFFFFFC0] =	vst v4  }
0x69: {  	v4 =	vld [tilespmem:$0xB0];
	[tilespmem:s0+$0xFFFFFF30] =	vst v3  }
0x6a: {  	v3 =	vld [tilespmem:$0x20];
	[tilespmem:s1+$0x10] =	vst v6  }
0x6b: {  	v6 =	vld [tilespmem:$0x100]  }
0x6c: {  	[tilespmem:s30+$0xFFFFFF80] =	vst v5  }
0x6d: {  	v5 =	vld [tilespmem:$0x70]  }
0x6e: {  	[tilespmem:s29+$0xFFFFFFD0] =	vst v4  }
0x6f: {  	v4 =	vld [tilespmem:$0xC0];
	[tilespmem:s0+$0xFFFFFF40] =	vst v3  }
0x70: {  	v3 =	vld [tilespmem:$0x30];
	[tilespmem:s31+$0x4680] =	vst v6  }
0x71: {  	v6 =	vld [tilespmem:$0x110]  }
0x72: {  	[tilespmem:s30+$0xFFFFFF90] =	vst v5  }
0x73: {  	v5 =	vld [tilespmem:$0x80]  }
0x74: {  	[tilespmem:s29+$0xFFFFFFE0] =	vst v4  }
0x75: {  	v4 =	vld [tilespmem:$0xD0];
	[tilespmem:s0+$0xFFFFFF50] =	vst v3  }
0x76: {  	s4 =	simm.s32 $0x382;
	v3 =	vld [tilespmem:$0x40];
	[tilespmem:s1+$0x30] =	vst v6  }
0x77: {  	s4 =	sand.u32 $0x1FFF, s4;
	v6 =	vld [tilespmem:$0x120]  }
0x78: {  	[tilespmem:s4+$0x4600] =	vst v5  }
0x79: {  	v5 =	vld [tilespmem:$0x90]  }
0x7a: {  	[tilespmem:s29+$0xFFFFFFF0] =	vst v4;
	v4 =	vld [tilespmem:$0x0]  }
0x7b: {  	[tilespmem:s0+$0xFFFFFF60] =	vst v3;
	v3 =	vld [tilespmem:$0xE0]  }
0x7c: {  	v7 =	vld [tilespmem:$0x50];
	[tilespmem:s1+$0x40] =	vst v6  }
0x7d: {  	v6 =	vld [tilespmem:$0x130]  }
0x7e: {  	s5 =	simm.s32 $0x4D64;
	[tilespmem:s30+$0xFFFFFFB0] =	vst v5  }
0x7f: {  	v5 =	vld [tilespmem:$0xA0];
	[tilespmem:s5+$0xFFFFFF20] =	vst v4  }
0x80: {  	v4 =	vld [tilespmem:$0x10];
	[tilespmem:s29+$0x0] =	vst v3  }
0x81: {  	[tilespmem:s0+$0xFFFFFF70] =	vst v7;
	v3 =	vld [tilespmem:$0xF0]  }
0x82: {  	v7 =	vld [tilespmem:$0x60];
	[tilespmem:s1+$0x50] =	vst v6  }
0x83: {  	v6 =	vld [tilespmem:$0x140]  }
0x84: {  	[tilespmem:s30+$0xFFFFFFC0] =	vst v5  }
0x85: {  	v5 =	vld [tilespmem:$0xB0];
	[tilespmem:s5+$0xFFFFFF30] =	vst v4  }
0x86: {  	v4 =	vld [tilespmem:$0x20];
	[tilespmem:s29+$0x10] =	vst v3  }
0x87: {  	[tilespmem:s0+$0xFFFFFF80] =	vst v7;
	v3 =	vld [tilespmem:$0x100]  }
0x88: {  	v7 =	vld [tilespmem:$0x70];
	[tilespmem:s1+$0x60] =	vst v6  }
0x89: {  	v6 =	vld [tilespmem:$0x150]  }
0x8a: {  	[tilespmem:s30+$0xFFFFFFD0] =	vst v5  }
0x8b: {  	v5 =	vld [tilespmem:$0xC0];
	[tilespmem:s5+$0xFFFFFF40] =	vst v4  }
0x8c: {  	v4 =	vld [tilespmem:$0x30];
	[tilespmem:s3+$0x4680] =	vst v3  }
0x8d: {  	[tilespmem:s0+$0xFFFFFF90] =	vst v7;
	v3 =	vld [tilespmem:$0x110]  }
0x8e: {  	v7 =	vld [tilespmem:$0x80];
	[tilespmem:s1+$0x70] =	vst v6  }
0x8f: {  	v8 =	vld [tilespmem:$0x160]  }
0x90: {  	[tilespmem:s30+$0xFFFFFFE0] =	vst v5  }
0x91: {  	s7 =	simm.s32 $0x543;
	v5 =	vld [tilespmem:$0xD0];
	[tilespmem:s5+$0xFFFFFF50] =	vst v4  }
0x92: {  	s8 =	sand.u32 $0x1FFF, s7;
	v9 =	vld [tilespmem:$0x40];
	[tilespmem:s29+$0x30] =	vst v3  }
0x93: {  	[tilespmem:s8+$0x4600] =	vst v7;
	v4 =	vld [tilespmem:$0x120]  }
0x94: {  	v6 =	vld [tilespmem:$0x90];
	[tilespmem:s1+$0x80] =	vst v8  }
0x95: {  	v3 =	vld [tilespmem:$0x170]  }
0x96: {  	s12 =	simm.s32 $0x704;
	[tilespmem:s30+$0xFFFFFFF0] =	vst v5;
	v7 =	vld [tilespmem:$0x0]  }
0x97: {  	s13 =	simm.s32 $0x8C5;
	s9 =	simm.s32 $0xA86;
	s7 =	simm.s32 $0x4D64;
	v5 =	vld [tilespmem:$0xE0];
	[tilespmem:s5+$0xFFFFFF60] =	vst v9  }
.LBB2_2:
0x98: {  	p0 =	sne.s32 s9, $0x1A4F;
	v8 =	vld [tilespmem:$0x50];
	[tilespmem:s29+$0x40] =	vst v4  }
0x99: {  	[tilespmem:s0+$0xFFFFFFB0] =	vst v6;
	v4 =	vld [tilespmem:$0x130]  }
0x9a: {  	s5 =	sadd.s32 $0x1C1, s5;
	v6 =	vld [tilespmem:$0xA0];
	[tilespmem:s1+$0x90] =	vst v3  }
0x9b: {  	[tilespmem:s5+$0xFFFFFF20] =	vst v7;
	v3 =	vld [tilespmem:$0x180]  }
0x9c: {  	v7 =	vld [tilespmem:$0x10];
	[tilespmem:s30+$0x0] =	vst v5  }
0x9d: {  	[tilespmem:s7+$0xFFFFFF70] =	vst v8;
	v5 =	vld [tilespmem:$0xF0]  }
0x9e: {  	v8 =	vld [tilespmem:$0x60];
	[tilespmem:s29+$0x50] =	vst v4  }
0x9f: {  	[tilespmem:s0+$0xFFFFFFC0] =	vst v6;
	v4 =	vld [tilespmem:$0x140]  }
0xa0: {  	v6 =	vld [tilespmem:$0xB0];
	[tilespmem:s31+$0x4700] =	vst v3;
	s31 =	smov.u32 s3;
	s3 =	smov.u32 s4;
	s4 =	smov.u32 s8  }
0xa1: {  	[tilespmem:s5+$0xFFFFFF30] =	vst v7;
	v3 =	vld [tilespmem:$0x190]  }
0xa2: {  	v7 =	vld [tilespmem:$0x20];
	[tilespmem:s30+$0x10] =	vst v5  }
0xa3: {  	[tilespmem:s7+$0xFFFFFF80] =	vst v8;
	v5 =	vld [tilespmem:$0x100]  }
0xa4: {  	v8 =	vld [tilespmem:$0x70];
	[tilespmem:s29+$0x60] =	vst v4  }
0xa5: {  	[tilespmem:s0+$0xFFFFFFD0] =	vst v6;
	v4 =	vld [tilespmem:$0x150]  }
0xa6: {  	v6 =	vld [tilespmem:$0xC0];
	[tilespmem:s1+$0xB0] =	vst v3  }
0xa7: {  	[tilespmem:s5+$0xFFFFFF40] =	vst v7;
	v3 =	vld [tilespmem:$0x1A0]  }
0xa8: {  	v7 =	vld [tilespmem:$0x30];
	[tilespmem:s3+$0x4680] =	vst v5  }
0xa9: {  	[tilespmem:s7+$0xFFFFFF90] =	vst v8;
	v5 =	vld [tilespmem:$0x110]  }
0xaa: {  	v8 =	vld [tilespmem:$0x80];
	[tilespmem:s29+$0x70] =	vst v4  }
0xab: {  	[tilespmem:s0+$0xFFFFFFE0] =	vst v6;
	v9 =	vld [tilespmem:$0x160]  }
0xac: {  	v10 =	vld [tilespmem:$0xD0];
	[tilespmem:s1+$0xC0] =	vst v3  }
0xad: {  	[tilespmem:s5+$0xFFFFFF50] =	vst v7;
	v11 =	vld [tilespmem:$0x1B0]  }
0xae: {  	s8 =	sand.u32 $0x1FFF, s12;
	s12 =	smov.u32 s13;
	s13 =	smov.u32 s9;
	v12 =	vld [tilespmem:$0x40];
	[tilespmem:s30+$0x30] =	vst v5  }
.Ltmp2:
0xaf: {  	[tilespmem:s8+$0x4600] =	vst v8;
	v4 =	vld [tilespmem:$0x120];
	(pc) =	sbr.rel @p0 .LBB2_2-.Ltmp2, $4  }
0xb0: {  	v6 =	vld [tilespmem:$0x90];
	[tilespmem:s29+$0x80] =	vst v9  }
0xb1: {  	[tilespmem:s0+$0xFFFFFFF0] =	vst v10;
	v3 =	vld [tilespmem:$0x170]  }
0xb2: {  	v7 =	vld [tilespmem:$0x0];
	[tilespmem:s1+$0xD0] =	vst v11;
	s1 =	smov.u32 s29;
	s29 =	smov.u32 s30;
	s30 =	smov.u32 s0  }
0xb3: {  	s9 =	sadd.s32 $0x1C1, s9;
	s0 =	smov.u32 s7;
	s7 =	smov.u32 s5;
	[tilespmem:s5+$0xFFFFFF60] =	vst v12;
	v5 =	vld [tilespmem:$0xE0]  }
0xb4: {  	_ =	sdelay $0x1  }
0xb5: {  	s9 =	sadd.s32 $0x1C1, s5  }
0xb6: {  	[tilespmem:s9+$0xFFFFFF20] =	vst v7  }
0xb7: {  	v7 =	vld [tilespmem:$0x10];
	_ =	sdelay $0x4  }
0xb8: {  	[tilespmem:s9+$0xFFFFFF30] =	vst v7  }
0xb9: {  	v7 =	vld [tilespmem:$0x20];
	_ =	sdelay $0x4  }
0xba: {  	[tilespmem:s9+$0xFFFFFF40] =	vst v7  }
0xbb: {  	v7 =	vld [tilespmem:$0x30];
	_ =	sdelay $0x4  }
0xbc: {  	[tilespmem:s9+$0xFFFFFF50] =	vst v7  }
0xbd: {  	v7 =	vld [tilespmem:$0x40];
	_ =	sdelay $0x3  }
0xbe: {  	v8 =	vld [tilespmem:$0x50]  }
0xbf: {  	[tilespmem:s9+$0xFFFFFF60] =	vst v7  }
0xc0: {  	v7 =	vld [tilespmem:$0x50];
	_ =	sdelay $0x2  }
0xc1: {  	[tilespmem:s7+$0xFFFFFF70] =	vst v8  }
0xc2: {  	v8 =	vld [tilespmem:$0x60]  }
0xc3: {  	[tilespmem:s9+$0xFFFFFF70] =	vst v7  }
0xc4: {  	v7 =	vld [tilespmem:$0x60];
	_ =	sdelay $0x2  }
0xc5: {  	[tilespmem:s7+$0xFFFFFF80] =	vst v8  }
0xc6: {  	v8 =	vld [tilespmem:$0x70]  }
0xc7: {  	[tilespmem:s9+$0xFFFFFF80] =	vst v7  }
0xc8: {  	v7 =	vld [tilespmem:$0x70];
	_ =	sdelay $0x2  }
0xc9: {  	[tilespmem:s7+$0xFFFFFF90] =	vst v8  }
0xca: {  	v8 =	vld [tilespmem:$0x80]  }
0xcb: {  	[tilespmem:s9+$0xFFFFFF90] =	vst v7  }
0xcc: {  	v7 =	vld [tilespmem:$0x80];
	_ =	sdelay $0x1  }
0xcd: {  	s12 =	sand.u32 $0x1FFF, s12  }
0xce: {  	[tilespmem:s12+$0x4600] =	vst v8  }
0xcf: {  	s25 =	sand.u32 $0x1FFF, s13;
	v8 =	vld [tilespmem:$0x90]  }
0xd0: {  	[tilespmem:s25+$0x4600] =	vst v7  }
0xd1: {  	v7 =	vld [tilespmem:$0x90];
	_ =	sdelay $0x1  }
0xd2: {  	[tilespmem:s0+$0xFFFFFFB0] =	vst v6  }
0xd3: {  	v6 =	vld [tilespmem:$0xA0];
	[tilespmem:s7+$0xFFFFFFB0] =	vst v8  }
0xd4: {  	v8 =	vld [tilespmem:$0xA0]  }
0xd5: {  	[tilespmem:s9+$0xFFFFFFB0] =	vst v7  }
0xd6: {  	v7 =	vld [tilespmem:$0xA0];
	_ =	sdelay $0x1  }
0xd7: {  	[tilespmem:s0+$0xFFFFFFC0] =	vst v6  }
0xd8: {  	v6 =	vld [tilespmem:$0xB0];
	[tilespmem:s7+$0xFFFFFFC0] =	vst v8  }
0xd9: {  	v8 =	vld [tilespmem:$0xB0]  }
0xda: {  	[tilespmem:s9+$0xFFFFFFC0] =	vst v7  }
0xdb: {  	v7 =	vld [tilespmem:$0xB0];
	_ =	sdelay $0x1  }
0xdc: {  	[tilespmem:s0+$0xFFFFFFD0] =	vst v6  }
0xdd: {  	v6 =	vld [tilespmem:$0xC0];
	[tilespmem:s7+$0xFFFFFFD0] =	vst v8  }
0xde: {  	v8 =	vld [tilespmem:$0xC0]  }
0xdf: {  	[tilespmem:s9+$0xFFFFFFD0] =	vst v7  }
0xe0: {  	v7 =	vld [tilespmem:$0xC0];
	_ =	sdelay $0x1  }
0xe1: {  	[tilespmem:s0+$0xFFFFFFE0] =	vst v6  }
0xe2: {  	v6 =	vld [tilespmem:$0xD0];
	[tilespmem:s7+$0xFFFFFFE0] =	vst v8  }
0xe3: {  	v8 =	vld [tilespmem:$0xD0]  }
0xe4: {  	[tilespmem:s9+$0xFFFFFFE0] =	vst v7  }
0xe5: {  	v7 =	vld [tilespmem:$0xD0];
	_ =	sdelay $0x1  }
0xe6: {  	[tilespmem:s0+$0xFFFFFFF0] =	vst v6  }
0xe7: {  	v6 =	vld [tilespmem:$0xE0];
	[tilespmem:s7+$0xFFFFFFF0] =	vst v8  }
0xe8: {  	v8 =	vld [tilespmem:$0xE0]  }
0xe9: {  	[tilespmem:s9+$0xFFFFFFF0] =	vst v7  }
0xea: {  	v7 =	vld [tilespmem:$0xE0]  }
0xeb: {  	[tilespmem:s30+$0x0] =	vst v5  }
0xec: {  	v5 =	vld [tilespmem:$0xF0];
	[tilespmem:s0+$0x0] =	vst v6  }
0xed: {  	v6 =	vld [tilespmem:$0xF0];
	[tilespmem:s7+$0x0] =	vst v8  }
0xee: {  	v8 =	vld [tilespmem:$0xF0]  }
0xef: {  	[tilespmem:s9+$0x0] =	vst v7  }
0xf0: {  	v7 =	vld [tilespmem:$0xF0]  }
0xf1: {  	[tilespmem:s30+$0x10] =	vst v5  }
0xf2: {  	v5 =	vld [tilespmem:$0x100];
	[tilespmem:s0+$0x10] =	vst v6  }
0xf3: {  	v6 =	vld [tilespmem:$0x100];
	[tilespmem:s7+$0x10] =	vst v8  }
0xf4: {  	v8 =	vld [tilespmem:$0x100]  }
0xf5: {  	[tilespmem:s9+$0x10] =	vst v7  }
0xf6: {  	v7 =	vld [tilespmem:$0x100]  }
0xf7: {  	[tilespmem:s4+$0x4680] =	vst v5  }
0xf8: {  	v5 =	vld [tilespmem:$0x110];
	[tilespmem:s8+$0x4680] =	vst v6  }
0xf9: {  	v6 =	vld [tilespmem:$0x110];
	[tilespmem:s12+$0x4680] =	vst v8  }
0xfa: {  	v8 =	vld [tilespmem:$0x110]  }
0xfb: {  	[tilespmem:s25+$0x4680] =	vst v7  }
0xfc: {  	v7 =	vld [tilespmem:$0x110]  }
0xfd: {  	[tilespmem:s30+$0x30] =	vst v5  }
0xfe: {  	v5 =	vld [tilespmem:$0x120];
	[tilespmem:s0+$0x30] =	vst v6  }
0xff: {  	v6 =	vld [tilespmem:$0x120];
	[tilespmem:s7+$0x30] =	vst v8  }
0x100: {  	v8 =	vld [tilespmem:$0x120]  }
0x101: {  	[tilespmem:s9+$0x30] =	vst v7  }
0x102: {  	[tilespmem:s29+$0x40] =	vst v4;
	v7 =	vld [tilespmem:$0x120]  }
0x103: {  	v4 =	vld [tilespmem:$0x130];
	[tilespmem:s30+$0x40] =	vst v5  }
0x104: {  	v5 =	vld [tilespmem:$0x130];
	[tilespmem:s0+$0x40] =	vst v6  }
0x105: {  	v6 =	vld [tilespmem:$0x130];
	[tilespmem:s7+$0x40] =	vst v8  }
0x106: {  	v8 =	vld [tilespmem:$0x130]  }
0x107: {  	[tilespmem:s9+$0x40] =	vst v7  }
0x108: {  	[tilespmem:s29+$0x50] =	vst v4;
	v7 =	vld [tilespmem:$0x130]  }
0x109: {  	v4 =	vld [tilespmem:$0x140];
	[tilespmem:s30+$0x50] =	vst v5  }
0x10a: {  	v5 =	vld [tilespmem:$0x140];
	[tilespmem:s0+$0x50] =	vst v6  }
0x10b: {  	v6 =	vld [tilespmem:$0x140];
	[tilespmem:s7+$0x50] =	vst v8  }
0x10c: {  	v8 =	vld [tilespmem:$0x140]  }
0x10d: {  	[tilespmem:s9+$0x50] =	vst v7  }
0x10e: {  	[tilespmem:s29+$0x60] =	vst v4;
	v7 =	vld [tilespmem:$0x140]  }
0x10f: {  	v4 =	vld [tilespmem:$0x150];
	[tilespmem:s30+$0x60] =	vst v5  }
0x110: {  	v5 =	vld [tilespmem:$0x150];
	[tilespmem:s0+$0x60] =	vst v6  }
0x111: {  	v6 =	vld [tilespmem:$0x150];
	[tilespmem:s7+$0x60] =	vst v8  }
0x112: {  	v8 =	vld [tilespmem:$0x150]  }
0x113: {  	[tilespmem:s9+$0x60] =	vst v7  }
0x114: {  	[tilespmem:s29+$0x70] =	vst v4;
	v7 =	vld [tilespmem:$0x150]  }
0x115: {  	v4 =	vld [tilespmem:$0x160];
	[tilespmem:s30+$0x70] =	vst v5  }
0x116: {  	v5 =	vld [tilespmem:$0x160];
	[tilespmem:s0+$0x70] =	vst v6  }
0x117: {  	v6 =	vld [tilespmem:$0x160];
	[tilespmem:s7+$0x70] =	vst v8  }
0x118: {  	v8 =	vld [tilespmem:$0x160]  }
0x119: {  	[tilespmem:s9+$0x70] =	vst v7  }
0x11a: {  	[tilespmem:s29+$0x80] =	vst v4;
	v7 =	vld [tilespmem:$0x160]  }
0x11b: {  	v4 =	vld [tilespmem:$0x170];
	[tilespmem:s30+$0x80] =	vst v5  }
0x11c: {  	v5 =	vld [tilespmem:$0x170];
	[tilespmem:s0+$0x80] =	vst v6  }
0x11d: {  	v6 =	vld [tilespmem:$0x170];
	[tilespmem:s7+$0x80] =	vst v8  }
0x11e: {  	[tilespmem:s1+$0x90] =	vst v3;
	v8 =	vld [tilespmem:$0x170]  }
0x11f: {  	[tilespmem:s9+$0x80] =	vst v7  }
0x120: {  	[tilespmem:s29+$0x90] =	vst v4;
	v3 =	vld [tilespmem:$0x170]  }
0x121: {  	v4 =	vld [tilespmem:$0x180];
	[tilespmem:s30+$0x90] =	vst v5  }
0x122: {  	v5 =	vld [tilespmem:$0x180];
	[tilespmem:s0+$0x90] =	vst v6  }
0x123: {  	v6 =	vld [tilespmem:$0x180];
	[tilespmem:s7+$0x90] =	vst v8  }
0x124: {  	v8 =	vld [tilespmem:$0x180]  }
0x125: {  	v7 =	vld [tilespmem:$0x180];
	[tilespmem:s9+$0x90] =	vst v3  }
0x126: {  	[tilespmem:s3+$0x4700] =	vst v4;
	v3 =	vld [tilespmem:$0x180]  }
0x127: {  	v4 =	vld [tilespmem:$0x190];
	[tilespmem:s4+$0x4700] =	vst v5  }
0x128: {  	v5 =	vld [tilespmem:$0x190];
	[tilespmem:s8+$0x4700] =	vst v6  }
0x129: {  	v6 =	vld [tilespmem:$0x190];
	[tilespmem:s12+$0x4700] =	vst v8  }
0x12a: {  	v8 =	vld [tilespmem:$0x190];
	[tilespmem:s31+$0x4700] =	vst v7  }
0x12b: {  	v7 =	vld [tilespmem:$0x190];
	[tilespmem:s25+$0x4700] =	vst v3  }
0x12c: {  	[tilespmem:s29+$0xB0] =	vst v4;
	v3 =	vld [tilespmem:$0x190]  }
0x12d: {  	v4 =	vld [tilespmem:$0x1A0];
	[tilespmem:s30+$0xB0] =	vst v5  }
0x12e: {  	v5 =	vld [tilespmem:$0x1A0];
	[tilespmem:s0+$0xB0] =	vst v6  }
0x12f: {  	v6 =	vld [tilespmem:$0x1A0];
	[tilespmem:s7+$0xB0] =	vst v8  }
0x130: {  	v8 =	vld [tilespmem:$0x1A0];
	[tilespmem:s1+$0xB0] =	vst v7  }
0x131: {  	v7 =	vld [tilespmem:$0x1A0];
	[tilespmem:s9+$0xB0] =	vst v3  }
0x132: {  	[tilespmem:s29+$0xC0] =	vst v4;
	v3 =	vld [tilespmem:$0x1A0]  }
0x133: {  	v4 =	vld [tilespmem:$0x1B0];
	[tilespmem:s30+$0xC0] =	vst v5  }
0x134: {  	v5 =	vld [tilespmem:$0x1B0];
	[tilespmem:s0+$0xC0] =	vst v6  }
0x135: {  	v6 =	vld [tilespmem:$0x1B0];
	[tilespmem:s7+$0xC0] =	vst v8  }
0x136: {  	v8 =	vld [tilespmem:$0x1B0];
	[tilespmem:s1+$0xC0] =	vst v7  }
0x137: {  	v7 =	vld [tilespmem:$0x1B0];
	[tilespmem:s9+$0xC0] =	vst v3  }
0x138: {  	[tilespmem:s29+$0xD0] =	vst v4;
	v3 =	vld [tilespmem:$0x1B0]  }
0x139: {  	[tilespmem:s30+$0xD0] =	vst v5  }
0x13a: {  	[tilespmem:s0+$0xD0] =	vst v6  }
0x13b: {  	[tilespmem:s7+$0xD0] =	vst v8  }
0x13c: {  	[tilespmem:s1+$0xD0] =	vst v7  }
0x13d: {  	s28 =	simm.s32 $0x0;
	[tilespmem:s9+$0xD0] =	vst v3  }
0x13e: {  	s16 =	simm.s32 $0x3;
	v3 =	vadd.s32 s28, v1;
	s1 =	rddreg [dreg:$0x5]  }
0x13f: {  	[tilespmem:s28], [sflag:$0x3] =	stream.linear.gather [hbm4b:s1+s28], $0x1E00, $0x38;
	[tilespmem:$0x1E780] =	vst v63  }
0x140: {  	_ =	swait.ge [sflag:s16], $0x1E00  }
0x141: {  	v4 =	vadd.s32 s28, v2;
	[sflag:s16] =	ssyncset.done $0x0  }
0x142: {  	[sflag:s16] =	ssyncadd.s32 $0xFFFFE200  }
0x143: {  	v3 =	vld.idx.msk [tilespmem:v3+s2+$0x0], $0xffff;
	_ =	sdelay $0x2  }
0x144: {  	v4 =	vld.idx.msk [tilespmem:v4+s2+$0x0], $0xffff;
	_ =	sdelay $0x1  }
0x145: {  	v3 =	vmul.f32 $2.880000000e+02, v3;
	_ =	sdelay $0x1  }
0x146: {  	v3 =	vtrunc.f32 v3  }
0x147: {  	s29 =	simm.s32 $0x30;
	v4 =	vtrunc.f32 v4;
	v3 =	vcvt.f32.s32 v3  }
0x148: {  	v5 =	vadd.s32 s29, v1;
	v4 =	vcvt.f32.s32 v4  }
0x149: {  	v3 =	vmul.u32 $0x41, v3  }
0x14a: {  	v7 =	vshll.u32 v4, $0x16  }
0x14b: {  	s30 =	simm.s32 $0x1E00;
	v6 =	vadd.s32 s29, v2;
	v3 =	vor.u32 v7, v3  }
0x14c: {  	[tilespmem:s30+$0x0] =	vst v3  }
0x14d: {  	v3 =	vld.idx.msk [tilespmem:v5+s2+$0x0], $0xffff;
	_ =	sdelay $0x2  }
0x14e: {  	v5 =	vld.idx.msk [tilespmem:v6+s2+$0x0], $0xffff;
	_ =	sdelay $0x1  }
0x14f: {  	v3 =	vmul.f32 $2.880000000e+02, v3;
	_ =	sdelay $0x1  }
0x150: {  	v4 =	vxor.u32 $0x80000000, v4;
	v3 =	vtrunc.f32 v3  }
0x151: {  	(xrf0) =	vmax.scan.msk.u32 $0xffff, v4;
	v5 =	vtrunc.f32 v5;
	v3 =	vcvt.f32.s32 v3  }
0x152: {  	(xrf0) =	vmin.scan.msk.u32 $0xffff, v4;
	v5 =	vcvt.f32.s32 v5  }
0x153: {  	v3 =	vmul.u32 $0x41, v3  }
0x154: {  	v4 =	vxor.u32 $0x80000000, v5;
	v5 =	vshll.u32 v5, $0x16  }
0x155: {  	v3 =	vor.u32 v5, v3;
	_ =	sdelay $0x1  }
0x156: {  	s4 =	simm.s32 $0x1E10;
	v5, _, _ =	vpop (xrf0)  }
0x157: {  	[tilespmem:s4+$0x0] =	vst v3;
	(v2sf) =	vpush v5, $0xF;
	v3, _, _ =	vpop (xrf0)  }
0x158: {  	(v2sf) =	vpush v3, $0xF;
	_ =	sdelay $0x3  }
0x159: {  	s31 =	simm.s32 $0x60  }
0x15a: {  	v6 =	vadd.s32 s31, v1  }
0x15b: {  	(xrf0) =	vmax.scan.msk.u32 $0xffff, v4  }
0x15c: {  	v7 =	vadd.s32 s31, v2  }
0x15d: {  	(xrf0) =	vmin.scan.msk.u32 $0xffff, v4;
	_ =	sdelay $0x1  }
0x15e: {  	v5 =	vld.idx.msk [tilespmem:v6+s2+$0x0], $0xffff  }
0x15f: {  	s5 =	simm.s32 $0x90;
	s3 =	simm.s32 $0xC0  }
0x160: {  	s0 =	simm.s32 $0xFFFFFFFF;
	s7 =	simm.s32 $0xF0;
	s1 =	simm.s32 $0x7;
	v4 =	vld.idx.msk [tilespmem:v7+s2+$0x0], $0xffff;
	v3, _, _ =	vpop (xrf0)  }
.LBB2_4:
0x161: {  	s8 =	smov.u32 s1;
	s9 =	smov.u32 s0  }
0x162: {  	p0 =	sne.s32 s7, $0x1DD0;
	v6, _, _ =	vpop (xrf0);
	(v2sf) =	vpush v3, $0xF;
	s0 =	spop (v2sf)  }
0x163: {  	v3 =	vmul.f32 $2.880000000e+02, v5;
	(v2sf) =	vpush v6, $0xF;
	s0 =	sxor.u32 $0x80000000, s0;
	s1 =	spop (v2sf)  }
0x164: {  	s1 =	sxor.u32 $0x80000000, s1;
	p1 =	sgt.s32 s9, s0  }
0x165: {  	v3 =	vtrunc.f32 v3;
	p2 =	slt.s32 s8, s1;
	s0 =	smov.u32 @p1 s9  }
0x166: {  	v4 =	vtrunc.f32 v4;
	v3 =	vcvt.f32.s32 v3;
	s1 =	smov.u32 @p2 s8  }
0x167: {  	v5 =	vadd.s32 s5, v1;
	v4 =	vcvt.f32.s32 v4  }
0x168: {  	v3 =	vmul.u32 $0x41, v3  }
0x169: {  	v6 =	vshll.u32 v4, $0x16;
	v4 =	vxor.u32 $0x80000000, v4  }
0x16a: {  	v7 =	vadd.s32 s5, v2;
	s4 =	sadd.s32 $0x10, s4;
	s5 =	smov.u32 s3;
	s3 =	smov.u32 s7;
	v3 =	vor.u32 v6, v3;
	(xrf0) =	vmax.scan.msk.u32 $0xffff, v4  }
0x16b: {  	[tilespmem:s4+$0x0] =	vst v3;
	(xrf0) =	vmin.scan.msk.u32 $0xffff, v4  }
.Ltmp3:
0x16c: {  	v5 =	vld.idx.msk [tilespmem:v5+s2+$0x0], $0xffff;
	(pc) =	sbr.rel @p0 .LBB2_4-.Ltmp3, $3  }
0x16d: {  	_ =	sdelay $0x1  }
0x16e: {  	v4 =	vld.idx.msk [tilespmem:v7+s2+$0x0], $0xffff  }
0x16f: {  	s7 =	sadd.s32 $0x30, s7;
	v3, _, _ =	vpop (xrf0)  }
0x170: {  	v5 =	vmul.f32 $2.880000000e+02, v5;
	_ =	sdelay $0x1  }
0x171: {  	v5 =	vtrunc.f32 v5  }
0x172: {  	v5 =	vcvt.f32.s32 v5;
	v4 =	vtrunc.f32 v4  }
0x173: {  	v6 =	vadd.s32 s5, v1;
	v4 =	vcvt.f32.s32 v4  }
0x174: {  	v5 =	vmul.u32 $0x41, v5  }
0x175: {  	v7 =	vshll.u32 v4, $0x16  }
0x176: {  	v8 =	vadd.s32 s5, v2;
	s4 =	sadd.s32 $0x10, s4;
	v5 =	vor.u32 v7, v5  }
0x177: {  	[tilespmem:s4+$0x0] =	vst v5  }
0x178: {  	v5 =	vld.idx.msk [tilespmem:v6+s2+$0x0], $0xffff;
	_ =	sdelay $0x2  }
0x179: {  	v6 =	vld.idx.msk [tilespmem:v8+s2+$0x0], $0xffff;
	_ =	sdelay $0x1  }
0x17a: {  	v5 =	vmul.f32 $2.880000000e+02, v5;
	_ =	sdelay $0x1  }
0x17b: {  	v5 =	vtrunc.f32 v5  }
0x17c: {  	v6 =	vtrunc.f32 v6;
	v5 =	vcvt.f32.s32 v5  }
0x17d: {  	v7 =	vadd.s32 s3, v2;
	v6 =	vcvt.f32.s32 v6  }
0x17e: {  	v5 =	vmul.u32 $0x41, v5  }
0x17f: {  	v63 =	vshll.u32 v6, $0x16  }
0x180: {  	s4 =	sadd.s32 $0x10, s4;
	v5 =	vor.u32 v63, v5  }
0x181: {  	[tilespmem:s4+$0x0] =	vst v5  }
0x182: {  	v5 =	vld.idx.msk [tilespmem:v7+s2+$0x0], $0xffff;
	_ =	sdelay $0x3  }
0x183: {  	v4 =	vxor.u32 $0x80000000, v4  }
0x184: {  	(xrf0) =	vmax.scan.msk.u32 $0xffff, v4;
	v5 =	vtrunc.f32 v5  }
0x185: {  	(xrf0) =	vmin.scan.msk.u32 $0xffff, v4;
	v4 =	vxor.u32 $0x80000000, v6;
	v5 =	vcvt.f32.s32 v5  }
0x186: {  	(xrf0) =	vmax.scan.msk.u32 $0xffff, v4  }
0x187: {  	(xrf0) =	vmin.scan.msk.u32 $0xffff, v4;
	v4 =	vxor.u32 $0x80000000, v5  }
0x188: {  	(xrf0) =	vmax.scan.msk.u32 $0xffff, v4  }
0x189: {  	(v2sf) =	vpush v3, $0xF;
	v6, _, _ =	vpop (xrf0)  }
0x18a: {  	v3, _, _ =	vpop (xrf0);
	(v2sf) =	vpush v6, $0xF;
	(xrf0) =	vmin.scan.msk.u32 $0xffff, v4  }
0x18b: {  	(v2sf) =	vpush v3, $0xF;
	v4, _, _ =	vpop (xrf0)  }
0x18c: {  	v3, _, _ =	vpop (xrf0);
	(v2sf) =	vpush v4, $0xF;
	v4 =	vadd.s32 s3, v1  }
0x18d: {  	v6, _, _ =	vpop (xrf0);
	(v2sf) =	vpush v3, $0xF  }
0x18e: {  	(v2sf) =	vpush v6, $0xF;
	v3, _, _ =	vpop (xrf0)  }
0x18f: {  	(v2sf) =	vpush v3, $0xF  }
0x190: {  	v6, _, _ =	vpop (xrf0)  }
0x191: {  	(v2sf) =	vpush v6, $0xF;
	v3 =	vld.idx.msk [tilespmem:v4+s2+$0x0], $0xffff;
	_ =	sdelay $0x4  }
0x192: {  	s7 =	spop (v2sf);
	v3 =	vmul.f32 $2.880000000e+02, v3  }
0x193: {  	s8 =	spop (v2sf)  }
0x194: {  	s9 =	spop (v2sf);
	v3 =	vtrunc.f32 v3  }
0x195: {  	s12 =	spop (v2sf);
	v3 =	vcvt.f32.s32 v3  }
0x196: {  	s13 =	spop (v2sf)  }
0x197: {  	s14 =	spop (v2sf);
	v3 =	vmul.u32 $0x41, v3  }
0x198: {  	v4 =	vshll.u32 v5, $0x16;
	s15 =	spop (v2sf)  }
0x199: {  	s4 =	sadd.s32 $0x10, s4;
	s17 =	spop (v2sf);
	v3 =	vor.u32 v4, v3  }
0x19a: {  	s24 =	simm.s32 $0x0;
	s25 =	rddreg [dreg:$0x6];
	[tilespmem:s4+$0x0] =	vst v3;
	s22 =	spop (v2sf)  }
0x19b: {  	v3 =	vadd.s32 s24, v1;
	[tilespmem:s24], [sflag:$0x3] =	stream.linear.gather [hbm4b:s25+s24], $0x1E00, $0x38;
	[tilespmem:$0x1E780] =	vst v63  }
0x19c: {  	s23 =	spop (v2sf)  }
0x19d: {  	_ =	swait.ge [sflag:s16], $0x1E00  }
0x19e: {  	v4 =	vadd.s32 s24, v2;
	[sflag:s16] =	ssyncset.done $0x0  }
0x19f: {  	[sflag:s16] =	ssyncadd.s32 $0xFFFFE200  }
0x1a0: {  	v3 =	vld.idx.msk [tilespmem:v3+s2+$0x0], $0xffff;
	_ =	sdelay $0x2  }
0x1a1: {  	v4 =	vld.idx.msk [tilespmem:v4+s2+$0x0], $0xffff;
	_ =	sdelay $0x1  }
0x1a2: {  	v3 =	vmul.f32 $2.880000000e+02, v3;
	_ =	sdelay $0x1  }
0x1a3: {  	v3 =	vtrunc.f32 v3  }
0x1a4: {  	s28 =	simm.s32 $0x30;
	v4 =	vtrunc.f32 v4;
	v3 =	vcvt.f32.s32 v3  }
0x1a5: {  	v5 =	vadd.s32 s28, v1;
	v4 =	vcvt.f32.s32 v4  }
0x1a6: {  	v3 =	vmul.u32 $0x41, v3  }
0x1a7: {  	v7 =	vshll.u32 v4, $0x16  }
0x1a8: {  	s29 =	sand.u32 $0xFF0, s24;
	v6 =	vadd.s32 s28, v2;
	v3 =	vor.u32 v7, v3  }
0x1a9: {  	[tilespmem:s29+$0x2800] =	vst v3  }
0x1aa: {  	v3 =	vld.idx.msk [tilespmem:v5+s2+$0x0], $0xffff;
	_ =	sdelay $0x2  }
0x1ab: {  	v5 =	vld.idx.msk [tilespmem:v6+s2+$0x0], $0xffff;
	_ =	sdelay $0x1  }
0x1ac: {  	v3 =	vmul.f32 $2.880000000e+02, v3;
	_ =	sdelay $0x1  }
0x1ad: {  	v4 =	vxor.u32 $0x80000000, v4;
	v3 =	vtrunc.f32 v3  }
0x1ae: {  	(xrf0) =	vmax.scan.msk.u32 $0xffff, v4;
	v5 =	vtrunc.f32 v5;
	v3 =	vcvt.f32.s32 v3  }
0x1af: {  	(xrf0) =	vmin.scan.msk.u32 $0xffff, v4;
	v5 =	vcvt.f32.s32 v5  }
0x1b0: {  	v3 =	vmul.u32 $0x41, v3  }
0x1b1: {  	v4 =	vxor.u32 $0x80000000, v5;
	v5 =	vshll.u32 v5, $0x16  }
0x1b2: {  	v3 =	vor.u32 v5, v3  }
0x1b3: {  	s30 =	simm.s32 $0x10  }
0x1b4: {  	s31 =	sand.u32 $0xFF0, s30;
	v5, _, _ =	vpop (xrf0)  }
0x1b5: {  	[tilespmem:s31+$0x2800] =	vst v3;
	(v2sf) =	vpush v5, $0xF;
	v3, _, _ =	vpop (xrf0)  }
0x1b6: {  	s4 =	sxor.u32 $0x80000000, s7;
	(v2sf) =	vpush v3, $0xF  }
0x1b7: {  	s7 =	sxor.u32 $0x80000000, s8;
	p0 =	sgt.s32 s0, s4  }
0x1b8: {  	s4 =	smov.u32 @p0 s0;
	p0 =	slt.s32 s1, s7;
	s0 =	sxor.u32 $0x80000000, s9  }
0x1b9: {  	s7 =	smov.u32 @p0 s1;
	p0 =	sgt.s32 s4, s0  }
0x1ba: {  	s1 =	sxor.u32 $0x80000000, s12;
	s0 =	smov.u32 @p0 s4;
	s4 =	simm.s32 $0x60  }
0x1bb: {  	s5 =	simm.s32 $0x30;
	s3 =	simm.s32 $0x40;
	p0 =	slt.s32 s7, s1;
	v6 =	vadd.s32 s4, v1  }
0x1bc: {  	s8 =	sxor.u32 $0x80000000, s13;
	s1 =	smov.u32 @p0 s7;
	s7 =	sxor.u32 $0x80000000, s14;
	(xrf0) =	vmax.scan.msk.u32 $0xffff, v4  }
0x1bd: {  	s9 =	sxor.u32 $0x80000000, s15;
	p0 =	sgt.s32 s0, s8;
	p1 =	slt.s32 s1, s7;
	v7 =	vadd.s32 s4, v2  }
0x1be: {  	s12 =	sxor.u32 $0x80000000, s17;
	s8 =	smov.u32 @p0 s0;
	s7 =	smov.u32 @p1 s1;
	(xrf0) =	vmin.scan.msk.u32 $0xffff, v4  }
0x1bf: {  	s0 =	sxor.u32 $0x80000000, s22;
	p0 =	sgt.s32 s8, s9;
	p1 =	slt.s32 s7, s12  }
0x1c0: {  	s1 =	sxor.u32 $0x80000000, s23;
	s9 =	smov.u32 @p0 s8;
	s12 =	smov.u32 @p1 s7;
	v5 =	vld.idx.msk [tilespmem:v6+s2+$0x0], $0xffff  }
0x1c1: {  	s8 =	simm.s32 $0x50;
	p0 =	sgt.s32 s9, s0;
	p1 =	slt.s32 s12, s1  }
0x1c2: {  	s7 =	simm.s32 $0x20;
	s0 =	smov.u32 @p0 s9;
	s1 =	smov.u32 @p1 s12;
	v4 =	vld.idx.msk [tilespmem:v7+s2+$0x0], $0xffff;
	v3, _, _ =	vpop (xrf0)  }
.LBB2_6:
0x1c3: {  	s9 =	smov.u32 s1;
	s12 =	smov.u32 s0  }
0x1c4: {  	p0 =	sne.s32 s8, $0x9F0;
	v6, _, _ =	vpop (xrf0);
	(v2sf) =	vpush v3, $0xF;
	s0 =	spop (v2sf)  }
0x1c5: {  	v3 =	vmul.f32 $2.880000000e+02, v5;
	(v2sf) =	vpush v6, $0xF;
	s0 =	sxor.u32 $0x80000000, s0;
	s1 =	spop (v2sf)  }
0x1c6: {  	s1 =	sxor.u32 $0x80000000, s1;
	p1 =	sgt.s32 s12, s0  }
0x1c7: {  	v3 =	vtrunc.f32 v3;
	p2 =	slt.s32 s9, s1;
	s0 =	smov.u32 @p1 s12  }
0x1c8: {  	s4 =	sadd.s32 $0x30, s4;
	v4 =	vtrunc.f32 v4;
	v3 =	vcvt.f32.s32 v3;
	s1 =	smov.u32 @p2 s9  }
0x1c9: {  	v5 =	vadd.s32 s4, v1;
	v4 =	vcvt.f32.s32 v4  }
0x1ca: {  	v3 =	vmul.u32 $0x41, v3  }
0x1cb: {  	v6 =	vshll.u32 v4, $0x16;
	v4 =	vxor.u32 $0x80000000, v4  }
0x1cc: {  	v7 =	vadd.s32 s4, v2;
	s9 =	sand.u32 $0xFF0, s7;
	s7 =	smov.u32 s5;
	s5 =	smov.u32 s3;
	v3 =	vor.u32 v6, v3;
	(xrf0) =	vmax.scan.msk.u32 $0xffff, v4  }
0x1cd: {  	s3 =	smov.u32 s8;
	[tilespmem:s9+$0x2800] =	vst v3;
	(xrf0) =	vmin.scan.msk.u32 $0xffff, v4  }
.Ltmp4:
0x1ce: {  	v5 =	vld.idx.msk [tilespmem:v5+s2+$0x0], $0xffff;
	(pc) =	sbr.rel @p0 .LBB2_6-.Ltmp4, $3  }
0x1cf: {  	_ =	sdelay $0x1  }
0x1d0: {  	v4 =	vld.idx.msk [tilespmem:v7+s2+$0x0], $0xffff  }
0x1d1: {  	s8 =	sadd.s32 $0x10, s8;
	v3, _, _ =	vpop (xrf0)  }
0x1d2: {  	v5 =	vmul.f32 $2.880000000e+02, v5;
	_ =	sdelay $0x1  }
0x1d3: {  	v5 =	vtrunc.f32 v5  }
0x1d4: {  	s4 =	sadd.s32 $0x30, s4;
	v5 =	vcvt.f32.s32 v5;
	v4 =	vtrunc.f32 v4  }
0x1d5: {  	v6 =	vadd.s32 s4, v1;
	v4 =	vcvt.f32.s32 v4  }
0x1d6: {  	v5 =	vmul.u32 $0x41, v5  }
0x1d7: {  	v7 =	vshll.u32 v4, $0x16  }
0x1d8: {  	s7 =	sand.u32 $0xFF0, s7;
	v8 =	vadd.s32 s4, v2;
	v5 =	vor.u32 v7, v5  }
0x1d9: {  	[tilespmem:s7+$0x2800] =	vst v5  }
0x1da: {  	v5 =	vld.idx.msk [tilespmem:v6+s2+$0x0], $0xffff;
	_ =	sdelay $0x2  }
0x1db: {  	v6 =	vld.idx.msk [tilespmem:v8+s2+$0x0], $0xffff;
	_ =	sdelay $0x1  }
0x1dc: {  	v5 =	vmul.f32 $2.880000000e+02, v5;
	_ =	sdelay $0x1  }
0x1dd: {  	v5 =	vtrunc.f32 v5  }
0x1de: {  	s4 =	sadd.s32 $0x30, s4;
	v6 =	vtrunc.f32 v6;
	v5 =	vcvt.f32.s32 v5  }
0x1df: {  	v7 =	vadd.s32 s4, v2;
	v6 =	vcvt.f32.s32 v6  }
0x1e0: {  	v5 =	vmul.u32 $0x41, v5  }
0x1e1: {  	v63 =	vshll.u32 v6, $0x16  }
0x1e2: {  	s5 =	sand.u32 $0xFF0, s5;
	v5 =	vor.u32 v63, v5  }
0x1e3: {  	[tilespmem:s5+$0x2800] =	vst v5  }
0x1e4: {  	v5 =	vld.idx.msk [tilespmem:v7+s2+$0x0], $0xffff;
	_ =	sdelay $0x3  }
0x1e5: {  	v4 =	vxor.u32 $0x80000000, v4  }
0x1e6: {  	(xrf0) =	vmax.scan.msk.u32 $0xffff, v4;
	v5 =	vtrunc.f32 v5  }
0x1e7: {  	(xrf0) =	vmin.scan.msk.u32 $0xffff, v4;
	v4 =	vxor.u32 $0x80000000, v6;
	v5 =	vcvt.f32.s32 v5  }
0x1e8: {  	(xrf0) =	vmax.scan.msk.u32 $0xffff, v4  }
0x1e9: {  	(xrf0) =	vmin.scan.msk.u32 $0xffff, v4;
	v4 =	vxor.u32 $0x80000000, v5  }
0x1ea: {  	(xrf0) =	vmax.scan.msk.u32 $0xffff, v4  }
0x1eb: {  	(v2sf) =	vpush v3, $0xF;
	v6, _, _ =	vpop (xrf0)  }
0x1ec: {  	v3, _, _ =	vpop (xrf0);
	(v2sf) =	vpush v6, $0xF;
	(xrf0) =	vmin.scan.msk.u32 $0xffff, v4  }
0x1ed: {  	(v2sf) =	vpush v3, $0xF;
	v4, _, _ =	vpop (xrf0)  }
0x1ee: {  	v3, _, _ =	vpop (xrf0);
	(v2sf) =	vpush v4, $0xF;
	v4 =	vadd.s32 s4, v1  }
0x1ef: {  	v6, _, _ =	vpop (xrf0);
	(v2sf) =	vpush v3, $0xF  }
0x1f0: {  	(v2sf) =	vpush v6, $0xF;
	v3, _, _ =	vpop (xrf0)  }
0x1f1: {  	(v2sf) =	vpush v3, $0xF  }
0x1f2: {  	v6, _, _ =	vpop (xrf0)  }
0x1f3: {  	(v2sf) =	vpush v6, $0xF;
	v3 =	vld.idx.msk [tilespmem:v4+s2+$0x0], $0xffff;
	_ =	sdelay $0x4  }
0x1f4: {  	s22 =	spop (v2sf);
	v3 =	vmul.f32 $2.880000000e+02, v3  }
0x1f5: {  	s23 =	spop (v2sf)  }
0x1f6: {  	s8 =	spop (v2sf);
	v3 =	vtrunc.f32 v3  }
0x1f7: {  	s9 =	spop (v2sf);
	v3 =	vcvt.f32.s32 v3  }
0x1f8: {  	s12 =	spop (v2sf)  }
0x1f9: {  	s13 =	spop (v2sf);
	v3 =	vmul.u32 $0x41, v3  }
0x1fa: {  	v4 =	vshll.u32 v5, $0x16;
	s14 =	spop (v2sf)  }
0x1fb: {  	s25 =	sand.u32 $0xFF0, s3;
	s15 =	spop (v2sf);
	v3 =	vor.u32 v4, v3  }
0x1fc: {  	s17 =	simm.s32 $0x0;
	s10 =	rddreg [dreg:$0x7];
	[tilespmem:s25+$0x2800] =	vst v3;
	s28 =	spop (v2sf)  }
0x1fd: {  	v3 =	vadd.s32 s17, v1;
	[tilespmem:s17], [sflag:$0x3] =	stream.linear.gather [hbm4b:s10+s17], $0x1E00, $0x38;
	[tilespmem:$0x1E780] =	vst v63  }
0x1fe: {  	s29 =	spop (v2sf)  }
0x1ff: {  	_ =	swait.ge [sflag:s16], $0x1E00  }
0x200: {  	v4 =	vadd.s32 s17, v2;
	[sflag:s16] =	ssyncset.done $0x0  }
0x201: {  	[sflag:s16] =	ssyncadd.s32 $0xFFFFE200  }
0x202: {  	v3 =	vld.idx.msk [tilespmem:v3+s2+$0x0], $0xffff;
	_ =	sdelay $0x2  }
0x203: {  	v4 =	vld.idx.msk [tilespmem:v4+s2+$0x0], $0xffff;
	_ =	sdelay $0x1  }
0x204: {  	v3 =	vmul.f32 $2.880000000e+02, v3;
	_ =	sdelay $0x1  }
0x205: {  	v3 =	vtrunc.f32 v3  }
0x206: {  	s24 =	simm.s32 $0x30;
	v4 =	vtrunc.f32 v4;
	v3 =	vcvt.f32.s32 v3  }
0x207: {  	v5 =	vadd.s32 s24, v1;
	v4 =	vcvt.f32.s32 v4  }
0x208: {  	v3 =	vmul.u32 $0x41, v3  }
0x209: {  	v7 =	vshll.u32 v4, $0x16  }
0x20a: {  	v6 =	vadd.s32 s24, v2;
	s17 =	sand.u32 $0xFF0, s17;
	v3 =	vor.u32 v7, v3  }
0x20b: {  	[tilespmem:s17+$0x3200] =	vst v3  }
0x20c: {  	v3 =	vld.idx.msk [tilespmem:v5+s2+$0x0], $0xffff;
	_ =	sdelay $0x2  }
0x20d: {  	v5 =	vld.idx.msk [tilespmem:v6+s2+$0x0], $0xffff;
	_ =	sdelay $0x1  }
0x20e: {  	v3 =	vmul.f32 $2.880000000e+02, v3;
	_ =	sdelay $0x1  }
0x20f: {  	v4 =	vxor.u32 $0x80000000, v4;
	v3 =	vtrunc.f32 v3  }
0x210: {  	(xrf0) =	vmax.scan.msk.u32 $0xffff, v4;
	v5 =	vtrunc.f32 v5;
	v3 =	vcvt.f32.s32 v3  }
0x211: {  	(xrf0) =	vmin.scan.msk.u32 $0xffff, v4;
	v5 =	vcvt.f32.s32 v5  }
0x212: {  	v3 =	vmul.u32 $0x41, v3  }
0x213: {  	v4 =	vxor.u32 $0x80000000, v5;
	v5 =	vshll.u32 v5, $0x16  }
0x214: {  	v3 =	vor.u32 v5, v3  }
0x215: {  	s30 =	simm.s32 $0x10  }
0x216: {  	s31 =	sand.u32 $0xFF0, s30;
	v5, _, _ =	vpop (xrf0)  }
0x217: {  	[tilespmem:s31+$0x3200] =	vst v3;
	(v2sf) =	vpush v5, $0xF;
	v3, _, _ =	vpop (xrf0)  }
0x218: {  	s4 =	sxor.u32 $0x80000000, s22;
	(v2sf) =	vpush v3, $0xF  }
0x219: {  	s7 =	sxor.u32 $0x80000000, s23;
	p0 =	sgt.s32 s0, s4  }
0x21a: {  	s4 =	smov.u32 @p0 s0;
	p0 =	slt.s32 s1, s7;
	s0 =	sxor.u32 $0x80000000, s8  }
0x21b: {  	s7 =	smov.u32 @p0 s1;
	p0 =	sgt.s32 s4, s0  }
0x21c: {  	s1 =	sxor.u32 $0x80000000, s9;
	s0 =	smov.u32 @p0 s4;
	s4 =	simm.s32 $0x60  }
0x21d: {  	s3 =	simm.s32 $0x40;
	s8 =	sxor.u32 $0x80000000, s12;
	p0 =	slt.s32 s7, s1;
	v6 =	vadd.s32 s4, v1  }
0x21e: {  	s1 =	smov.u32 @p0 s7;
	p0 =	sgt.s32 s0, s8;
	s7 =	sxor.u32 $0x80000000, s13;
	(xrf0) =	vmax.scan.msk.u32 $0xffff, v4  }
0x21f: {  	s8 =	smov.u32 @p0 s0;
	p1 =	slt.s32 s1, s7;
	s9 =	sxor.u32 $0x80000000, s14;
	v7 =	vadd.s32 s4, v2  }
0x220: {  	s7 =	smov.u32 @p1 s1;
	s12 =	sxor.u32 $0x80000000, s15;
	p0 =	sgt.s32 s8, s9;
	(xrf0) =	vmin.scan.msk.u32 $0xffff, v4  }
0x221: {  	s5 =	simm.s32 $0x30;
	p1 =	slt.s32 s7, s12;
	s9 =	smov.u32 @p0 s8  }
0x222: {  	s12 =	smov.u32 @p1 s7;
	s0 =	sxor.u32 $0x80000000, s28;
	s1 =	sxor.u32 $0x80000000, s29;
	v5 =	vld.idx.msk [tilespmem:v6+s2+$0x0], $0xffff  }
0x223: {  	s8 =	simm.s32 $0x50;
	p0 =	sgt.s32 s9, s0;
	p1 =	slt.s32 s12, s1  }
0x224: {  	s7 =	simm.s32 $0x20;
	s0 =	smov.u32 @p0 s9;
	s1 =	smov.u32 @p1 s12;
	v4 =	vld.idx.msk [tilespmem:v7+s2+$0x0], $0xffff;
	v3, _, _ =	vpop (xrf0)  }
.LBB2_8:
0x225: {  	s9 =	smov.u32 s1;
	s12 =	smov.u32 s0  }
0x226: {  	p0 =	sne.s32 s8, $0x9F0;
	v6, _, _ =	vpop (xrf0);
	(v2sf) =	vpush v3, $0xF;
	s0 =	spop (v2sf)  }
0x227: {  	v3 =	vmul.f32 $2.880000000e+02, v5;
	(v2sf) =	vpush v6, $0xF;
	s0 =	sxor.u32 $0x80000000, s0;
	s1 =	spop (v2sf)  }
0x228: {  	s1 =	sxor.u32 $0x80000000, s1;
	p1 =	sgt.s32 s12, s0  }
0x229: {  	v3 =	vtrunc.f32 v3;
	p2 =	slt.s32 s9, s1;
	s0 =	smov.u32 @p1 s12  }
0x22a: {  	s4 =	sadd.s32 $0x30, s4;
	v4 =	vtrunc.f32 v4;
	v3 =	vcvt.f32.s32 v3;
	s1 =	smov.u32 @p2 s9  }
0x22b: {  	v5 =	vadd.s32 s4, v1;
	v4 =	vcvt.f32.s32 v4  }
0x22c: {  	v3 =	vmul.u32 $0x41, v3  }
0x22d: {  	v6 =	vshll.u32 v4, $0x16;
	v4 =	vxor.u32 $0x80000000, v4  }
0x22e: {  	v7 =	vadd.s32 s4, v2;
	s9 =	sand.u32 $0xFF0, s7;
	s7 =	smov.u32 s5;
	s5 =	smov.u32 s3;
	v3 =	vor.u32 v6, v3;
	(xrf0) =	vmax.scan.msk.u32 $0xffff, v4  }
0x22f: {  	s3 =	smov.u32 s8;
	[tilespmem:s9+$0x3200] =	vst v3;
	(xrf0) =	vmin.scan.msk.u32 $0xffff, v4  }
.Ltmp5:
0x230: {  	v5 =	vld.idx.msk [tilespmem:v5+s2+$0x0], $0xffff;
	(pc) =	sbr.rel @p0 .LBB2_8-.Ltmp5, $3  }
0x231: {  	_ =	sdelay $0x1  }
0x232: {  	v4 =	vld.idx.msk [tilespmem:v7+s2+$0x0], $0xffff  }
0x233: {  	s8 =	sadd.s32 $0x10, s8;
	v3, _, _ =	vpop (xrf0)  }
0x234: {  	v5 =	vmul.f32 $2.880000000e+02, v5;
	_ =	sdelay $0x1  }
0x235: {  	v5 =	vtrunc.f32 v5  }
0x236: {  	s4 =	sadd.s32 $0x30, s4;
	v5 =	vcvt.f32.s32 v5;
	v4 =	vtrunc.f32 v4  }
0x237: {  	v6 =	vadd.s32 s4, v1;
	v4 =	vcvt.f32.s32 v4  }
0x238: {  	v5 =	vmul.u32 $0x41, v5  }
0x239: {  	v7 =	vshll.u32 v4, $0x16  }
0x23a: {  	s7 =	sand.u32 $0xFF0, s7;
	v8 =	vadd.s32 s4, v2;
	v5 =	vor.u32 v7, v5  }
0x23b: {  	[tilespmem:s7+$0x3200] =	vst v5  }
0x23c: {  	v5 =	vld.idx.msk [tilespmem:v6+s2+$0x0], $0xffff;
	_ =	sdelay $0x2  }
0x23d: {  	v6 =	vld.idx.msk [tilespmem:v8+s2+$0x0], $0xffff;
	_ =	sdelay $0x1  }
0x23e: {  	v5 =	vmul.f32 $2.880000000e+02, v5;
	_ =	sdelay $0x1  }
0x23f: {  	v5 =	vtrunc.f32 v5  }
0x240: {  	s4 =	sadd.s32 $0x30, s4;
	v6 =	vtrunc.f32 v6;
	v5 =	vcvt.f32.s32 v5  }
0x241: {  	v7 =	vadd.s32 s4, v2;
	v6 =	vcvt.f32.s32 v6  }
0x242: {  	v5 =	vmul.u32 $0x41, v5  }
0x243: {  	v63 =	vshll.u32 v6, $0x16  }
0x244: {  	s5 =	sand.u32 $0xFF0, s5;
	v5 =	vor.u32 v63, v5  }
0x245: {  	[tilespmem:s5+$0x3200] =	vst v5  }
0x246: {  	v5 =	vld.idx.msk [tilespmem:v7+s2+$0x0], $0xffff;
	_ =	sdelay $0x3  }
0x247: {  	v4 =	vxor.u32 $0x80000000, v4  }
0x248: {  	(xrf0) =	vmax.scan.msk.u32 $0xffff, v4;
	v5 =	vtrunc.f32 v5  }
0x249: {  	(xrf0) =	vmin.scan.msk.u32 $0xffff, v4;
	v4 =	vxor.u32 $0x80000000, v6;
	v5 =	vcvt.f32.s32 v5  }
0x24a: {  	(xrf0) =	vmax.scan.msk.u32 $0xffff, v4  }
0x24b: {  	(xrf0) =	vmin.scan.msk.u32 $0xffff, v4;
	v4 =	vxor.u32 $0x80000000, v5  }
0x24c: {  	(xrf0) =	vmax.scan.msk.u32 $0xffff, v4  }
0x24d: {  	(v2sf) =	vpush v3, $0xF;
	v6, _, _ =	vpop (xrf0)  }
0x24e: {  	v3, _, _ =	vpop (xrf0);
	(v2sf) =	vpush v6, $0xF;
	(xrf0) =	vmin.scan.msk.u32 $0xffff, v4  }
0x24f: {  	(v2sf) =	vpush v3, $0xF;
	v4, _, _ =	vpop (xrf0)  }
0x250: {  	v3, _, _ =	vpop (xrf0);
	(v2sf) =	vpush v4, $0xF;
	v4 =	vadd.s32 s4, v1  }
0x251: {  	v6, _, _ =	vpop (xrf0);
	(v2sf) =	vpush v3, $0xF  }
0x252: {  	(v2sf) =	vpush v6, $0xF;
	v3, _, _ =	vpop (xrf0)  }
0x253: {  	(v2sf) =	vpush v3, $0xF  }
0x254: {  	v6, _, _ =	vpop (xrf0)  }
0x255: {  	(v2sf) =	vpush v6, $0xF;
	v3 =	vld.idx.msk [tilespmem:v4+s2+$0x0], $0xffff;
	_ =	sdelay $0x4  }
0x256: {  	s22 =	spop (v2sf);
	v3 =	vmul.f32 $2.880000000e+02, v3  }
0x257: {  	s23 =	spop (v2sf)  }
0x258: {  	s8 =	spop (v2sf);
	v3 =	vtrunc.f32 v3  }
0x259: {  	s9 =	spop (v2sf);
	v3 =	vcvt.f32.s32 v3  }
0x25a: {  	s12 =	spop (v2sf)  }
0x25b: {  	s13 =	spop (v2sf);
	v3 =	vmul.u32 $0x41, v3  }
0x25c: {  	v4 =	vshll.u32 v5, $0x16;
	s14 =	spop (v2sf)  }
0x25d: {  	s25 =	sand.u32 $0xFF0, s3;
	s15 =	spop (v2sf);
	v3 =	vor.u32 v4, v3  }
0x25e: {  	s17 =	simm.s32 $0x0;
	s10 =	rddreg [dreg:$0x8];
	[tilespmem:s25+$0x3200] =	vst v3;
	s28 =	spop (v2sf)  }
0x25f: {  	v3 =	vadd.s32 s17, v1;
	[tilespmem:s17], [sflag:$0x3] =	stream.linear.gather [hbm4b:s10+s17], $0x1B30, $0x38;
	[tilespmem:$0x1E780] =	vst v63  }
0x260: {  	s29 =	spop (v2sf)  }
0x261: {  	_ =	swait.ge [sflag:s16], $0x1B30  }
0x262: {  	v4 =	vadd.s32 s17, v2;
	[sflag:s16] =	ssyncset.done $0x0  }
0x263: {  	[sflag:s16] =	ssyncadd.s32 $0xFFFFE4D0  }
0x264: {  	v3 =	vld.idx.msk [tilespmem:v3+s2+$0x0], $0xffff;
	_ =	sdelay $0x2  }
0x265: {  	v4 =	vld.idx.msk [tilespmem:v4+s2+$0x0], $0xffff;
	_ =	sdelay $0x1  }
0x266: {  	v3 =	vmul.f32 $2.880000000e+02, v3;
	_ =	sdelay $0x1  }
0x267: {  	v3 =	vtrunc.f32 v3  }
0x268: {  	s24 =	simm.s32 $0x30;
	v4 =	vtrunc.f32 v4;
	v3 =	vcvt.f32.s32 v3  }
0x269: {  	v5 =	vadd.s32 s24, v1;
	v4 =	vcvt.f32.s32 v4  }
0x26a: {  	v3 =	vmul.u32 $0x41, v3  }
0x26b: {  	v7 =	vshll.u32 v4, $0x16  }
0x26c: {  	v6 =	vadd.s32 s24, v2;
	s17 =	sand.u32 $0xFF0, s17;
	v3 =	vor.u32 v7, v3  }
0x26d: {  	[tilespmem:s17+$0x3C00] =	vst v3  }
0x26e: {  	v3 =	vld.idx.msk [tilespmem:v5+s2+$0x0], $0xffff;
	_ =	sdelay $0x2  }
0x26f: {  	v5 =	vld.idx.msk [tilespmem:v6+s2+$0x0], $0xffff;
	_ =	sdelay $0x1  }
0x270: {  	v3 =	vmul.f32 $2.880000000e+02, v3;
	_ =	sdelay $0x1  }
0x271: {  	v4 =	vxor.u32 $0x80000000, v4;
	v3 =	vtrunc.f32 v3  }
0x272: {  	(xrf0) =	vmax.scan.msk.u32 $0xffff, v4;
	v5 =	vtrunc.f32 v5;
	v3 =	vcvt.f32.s32 v3  }
0x273: {  	(xrf0) =	vmin.scan.msk.u32 $0xffff, v4;
	v5 =	vcvt.f32.s32 v5  }
0x274: {  	v3 =	vmul.u32 $0x41, v3  }
0x275: {  	v4 =	vxor.u32 $0x80000000, v5;
	v5 =	vshll.u32 v5, $0x16  }
0x276: {  	v3 =	vor.u32 v5, v3  }
0x277: {  	s30 =	simm.s32 $0x10  }
0x278: {  	s31 =	sand.u32 $0xFF0, s30;
	v5, _, _ =	vpop (xrf0)  }
0x279: {  	[tilespmem:s31+$0x3C00] =	vst v3;
	(v2sf) =	vpush v5, $0xF;
	v3, _, _ =	vpop (xrf0)  }
0x27a: {  	s4 =	sxor.u32 $0x80000000, s22;
	(v2sf) =	vpush v3, $0xF  }
0x27b: {  	s7 =	sxor.u32 $0x80000000, s23;
	p0 =	sgt.s32 s0, s4  }
0x27c: {  	s4 =	smov.u32 @p0 s0;
	p0 =	slt.s32 s1, s7;
	s0 =	sxor.u32 $0x80000000, s8  }
0x27d: {  	s7 =	smov.u32 @p0 s1;
	p0 =	sgt.s32 s4, s0  }
0x27e: {  	s1 =	sxor.u32 $0x80000000, s9;
	s0 =	smov.u32 @p0 s4;
	s4 =	simm.s32 $0x60  }
0x27f: {  	s3 =	simm.s32 $0x40;
	s8 =	sxor.u32 $0x80000000, s12;
	p0 =	slt.s32 s7, s1;
	v6 =	vadd.s32 s4, v1  }
0x280: {  	s1 =	smov.u32 @p0 s7;
	p0 =	sgt.s32 s0, s8;
	s7 =	sxor.u32 $0x80000000, s13;
	(xrf0) =	vmax.scan.msk.u32 $0xffff, v4  }
0x281: {  	s8 =	smov.u32 @p0 s0;
	p1 =	slt.s32 s1, s7;
	s9 =	sxor.u32 $0x80000000, s14;
	v7 =	vadd.s32 s4, v2  }
0x282: {  	s7 =	smov.u32 @p1 s1;
	s12 =	sxor.u32 $0x80000000, s15;
	p0 =	sgt.s32 s8, s9;
	(xrf0) =	vmin.scan.msk.u32 $0xffff, v4  }
0x283: {  	s5 =	simm.s32 $0x30;
	p1 =	slt.s32 s7, s12;
	s9 =	smov.u32 @p0 s8  }
0x284: {  	s12 =	smov.u32 @p1 s7;
	s0 =	sxor.u32 $0x80000000, s28;
	s1 =	sxor.u32 $0x80000000, s29;
	v5 =	vld.idx.msk [tilespmem:v6+s2+$0x0], $0xffff  }
0x285: {  	s8 =	simm.s32 $0x50;
	p0 =	sgt.s32 s9, s0;
	p1 =	slt.s32 s12, s1  }
0x286: {  	s7 =	simm.s32 $0x20;
	s0 =	smov.u32 @p0 s9;
	s1 =	smov.u32 @p1 s12;
	v4 =	vld.idx.msk [tilespmem:v7+s2+$0x0], $0xffff;
	v3, _, _ =	vpop (xrf0)  }
.LBB2_10:
0x287: {  	s9 =	smov.u32 s1;
	s12 =	smov.u32 s0  }
0x288: {  	p0 =	sne.s32 s8, $0x900;
	v6, _, _ =	vpop (xrf0);
	(v2sf) =	vpush v3, $0xF;
	s0 =	spop (v2sf)  }
0x289: {  	v3 =	vmul.f32 $2.880000000e+02, v5;
	(v2sf) =	vpush v6, $0xF;
	s0 =	sxor.u32 $0x80000000, s0;
	s1 =	spop (v2sf)  }
0x28a: {  	s1 =	sxor.u32 $0x80000000, s1;
	p1 =	sgt.s32 s12, s0  }
0x28b: {  	v3 =	vtrunc.f32 v3;
	p2 =	slt.s32 s9, s1;
	s0 =	smov.u32 @p1 s12  }
0x28c: {  	s4 =	sadd.s32 $0x30, s4;
	v4 =	vtrunc.f32 v4;
	v3 =	vcvt.f32.s32 v3;
	s1 =	smov.u32 @p2 s9  }
0x28d: {  	v5 =	vadd.s32 s4, v1;
	v4 =	vcvt.f32.s32 v4  }
0x28e: {  	v3 =	vmul.u32 $0x41, v3  }
0x28f: {  	v6 =	vshll.u32 v4, $0x16;
	v4 =	vxor.u32 $0x80000000, v4  }
0x290: {  	v7 =	vadd.s32 s4, v2;
	s9 =	sand.u32 $0xFF0, s7;
	s7 =	smov.u32 s5;
	s5 =	smov.u32 s3;
	v3 =	vor.u32 v6, v3;
	(xrf0) =	vmax.scan.msk.u32 $0xffff, v4  }
0x291: {  	s3 =	smov.u32 s8;
	[tilespmem:s9+$0x3C00] =	vst v3;
	(xrf0) =	vmin.scan.msk.u32 $0xffff, v4  }
.Ltmp6:
0x292: {  	v5 =	vld.idx.msk [tilespmem:v5+s2+$0x0], $0xffff;
	(pc) =	sbr.rel @p0 .LBB2_10-.Ltmp6, $3  }
0x293: {  	_ =	sdelay $0x1  }
0x294: {  	v4 =	vld.idx.msk [tilespmem:v7+s2+$0x0], $0xffff  }
0x295: {  	s8 =	sadd.s32 $0x10, s8;
	v3, _, _ =	vpop (xrf0)  }
0x296: {  	v5 =	vmul.f32 $2.880000000e+02, v5;
	_ =	sdelay $0x1  }
0x297: {  	v5 =	vtrunc.f32 v5  }
0x298: {  	s4 =	sadd.s32 $0x30, s4;
	v5 =	vcvt.f32.s32 v5;
	v4 =	vtrunc.f32 v4  }
0x299: {  	v6 =	vadd.s32 s4, v1;
	v4 =	vcvt.f32.s32 v4  }
0x29a: {  	v5 =	vmul.u32 $0x41, v5  }
0x29b: {  	v7 =	vshll.u32 v4, $0x16  }
0x29c: {  	s7 =	sand.u32 $0xFF0, s7;
	v8 =	vadd.s32 s4, v2;
	v5 =	vor.u32 v7, v5  }
0x29d: {  	[tilespmem:s7+$0x3C00] =	vst v5  }
0x29e: {  	v5 =	vld.idx.msk [tilespmem:v6+s2+$0x0], $0xffff;
	_ =	sdelay $0x2  }
0x29f: {  	v54 =	vld.idx.msk [tilespmem:v8+s2+$0x0], $0xffff;
	_ =	sdelay $0x1  }
0x2a0: {  	v5 =	vmul.f32 $2.880000000e+02, v5;
	_ =	sdelay $0x1  }
0x2a1: {  	v5 =	vtrunc.f32 v5  }
0x2a2: {  	s4 =	sadd.s32 $0x30, s4;
	v6 =	vtrunc.f32 v54;
	v5 =	vcvt.f32.s32 v5  }
0x2a3: {  	v55 =	vadd.s32 s4, v2;
	v6 =	vcvt.f32.s32 v6  }
0x2a4: {  	v5 =	vmul.u32 $0x41, v5  }
0x2a5: {  	v56 =	vshll.u32 v6, $0x16  }
0x2a6: {  	s5 =	sand.u32 $0xFF0, s5;
	v5 =	vor.u32 v56, v5  }
0x2a7: {  	[tilespmem:s5+$0x3C00] =	vst v5  }
0x2a8: {  	v4 =	vxor.u32 $0x80000000, v4;
	v5 =	vld.idx.msk [tilespmem:v55+s2+$0x0], $0xffff  }
0x2a9: {  	(xrf0) =	vmax.scan.msk.u32 $0xffff, v4;
	_ =	sdelay $0x1  }
0x2aa: {  	(xrf0) =	vmin.scan.msk.u32 $0xffff, v4;
	_ =	sdelay $0x1  }
0x2ab: {  	v58 =	vxor.u32 $0x80000000, v6;
	v57 =	vtrunc.f32 v5  }
0x2ac: {  	v59, _, _ =	vpop (xrf0);
	(xrf0) =	vmax.scan.msk.u32 $0xffff, v58;
	v4 =	vcvt.f32.s32 v57  }
0x2ad: {  	(v2sf) =	vpush v3, $0xF;
	v3, _, _ =	vpop (xrf0);
	(xrf0) =	vmin.scan.msk.u32 $0xffff, v58  }
0x2ae: {  	v60 =	vxor.u32 $0x80000000, v4  }
0x2af: {  	(v2sf) =	vpush v59, $0xF;
	v61, _, _ =	vpop (xrf0);
	(xrf0) =	vmax.scan.msk.u32 $0xffff, v60  }
0x2b0: {  	(v2sf) =	vpush v3, $0xF;
	(xrf0) =	vmin.scan.msk.u32 $0xffff, v60  }
0x2b1: {  	(v2sf) =	vpush v61, $0xF  }
0x2b2: {  	v3, _, _ =	vpop (xrf0)  }
0x2b3: {  	v62, _, _ =	vpop (xrf0);
	(v2sf) =	vpush v3, $0xF  }
0x2b4: {  	(v2sf) =	vpush v62, $0xF  }
0x2b5: {  	v3, _, _ =	vpop (xrf0)  }
0x2b6: {  	v63, _, _ =	vpop (xrf0);
	(v2sf) =	vpush v3, $0xF  }
0x2b7: {  	(v2sf) =	vpush v63, $0xF;
	_ =	sdelay $0x3  }
0x2b8: {  	s22 =	spop (v2sf)  }
0x2b9: {  	s23 =	spop (v2sf);
	s5 =	sxor.u32 $0x80000000, s22  }
0x2ba: {  	s7 =	sxor.u32 $0x80000000, s23;
	s24 =	spop (v2sf);
	p0 =	sgt.s32 s0, s5  }
0x2bb: {  	s8 =	spop (v2sf);
	s5 =	smov.u32 @p0 s0;
	p0 =	slt.s32 s1, s7  }
0x2bc: {  	s7 =	smov.u32 @p0 s1;
	s1 =	sxor.u32 $0x80000000, s8;
	s9 =	spop (v2sf);
	v3 =	vadd.s32 s4, v1  }
0x2bd: {  	p1 =	slt.s32 s7, s1;
	s25 =	spop (v2sf);
	s4 =	sxor.u32 $0x80000000, s24  }
0x2be: {  	s1 =	smov.u32 @p1 s7;
	s0 =	sxor.u32 $0x80000000, s25;
	p0 =	sgt.s32 s5, s4  }
0x2bf: {  	s28 =	spop (v2sf);
	s4 =	smov.u32 @p0 s5;
	s5 =	sxor.u32 $0x80000000, s9  }
0x2c0: {  	p1 =	slt.s32 s1, s0;
	s29 =	spop (v2sf);
	p0 =	sgt.s32 s4, s5  }
0x2c1: {  	s0 =	smov.u32 @p1 s1;
	s7 =	sxor.u32 $0x80000000, s29;
	s5 =	smov.u32 @p0 s4;
	v3 =	vld.idx.msk [tilespmem:v3+s2+$0x0], $0xffff  }
0x2c2: {  	s4 =	sxor.u32 $0x80000000, s28;
	p1 =	slt.s32 s0, s7;
	s30 =	spop (v2sf)  }
0x2c3: {  	p0 =	sgt.s32 s5, s4;
	s7 =	smov.u32 @p1 s0;
	s31 =	spop (v2sf)  }
0x2c4: {  	s4 =	smov.u32 @p0 s5;
	s0 =	sxor.u32 $0x80000000, s30;
	s1 =	sxor.u32 $0x80000000, s31  }
0x2c5: {  	p0 =	sgt.s32 s4, s0;
	p1 =	slt.s32 s7, s1  }
0x2c6: {  	v3 =	vmul.f32 $2.880000000e+02, v3;
	s0 =	smov.u32 @p0 s4;
	s1 =	smov.u32 @p1 s7  }
0x2c7: {  	p0 =	seq.s32 s1, s0;
	s4 =	smov.u32 s1  }
0x2c8: {  	v3 =	vtrunc.f32 v3;
	s4 =	simm.s32 @!p0 $0xFFFFFFFF  }
0x2c9: {  	v3 =	vcvt.f32.s32 v3;
	p0 =	seq.s32 s4, $0xFFFFFFFE  }
.Ltmp7:
0x2ca: {  	_ = 	snop;
	(pc) =	sbr.rel @p0 .LBB2_18-.Ltmp7, $4  }
0x2cb: {  	v3 =	vmul.u32 $0x41, v3  }
0x2cc: {  	v4 =	vshll.u32 v4, $0x16  }
0x2cd: {  	s3 =	sand.u32 $0xFF0, s3;
	v3 =	vor.u32 v4, v3  }
0x2ce: {  	[tilespmem:s3+$0x3C00] =	vst v3;
	[dreg:$0x11] =	wrdreg s4  }
0x2cf: {  	s3 =	rddreg [dreg:$0x3]  }
0x2d0: {  	[tilespmem:s19], [sflag:$0x3] =	stream.linear.gather [hbm4b:s3+s2], $0x4800, $0x38;
	[tilespmem:$0x1E780] =	vst v63  }
0x2d1: {  	_ =	swait.ge [sflag:s16], $0x4800  }
0x2d2: {  	s5 =	simm.s32 $0x12000;
	s4 =	simm.s32 $0x4800;
	[sflag:s16] =	ssyncset.done $0x0  }
0x2d3: {  	s7 =	simm.s32 $0x1237C;
	s3 =	simm.s32 $0x12480;
	[sflag:s16] =	ssyncadd.s32 $0xFFFFB800  }
.LBB2_13:
0x2d4: {  	p0 =	sne.s32 s7, $0x104;
	v3 =	vld [tilespmem:s4+$0x61F0];
	_ =	sdelay $0x3  }
0x2d5: {  	s8 =	sshra.s32 s3, $0x2;
	s3 =	smov.u32 s7  }
0x2d6: {  	[tilespmem:s8+$0x61EF] =	vst v3  }
0x2d7: {  	v3 =	vld [tilespmem:s4+$0x61E0];
	_ =	sdelay $0x4  }
0x2d8: {  	[tilespmem:s8+$0x61DF] =	vst v3  }
0x2d9: {  	v3 =	vld [tilespmem:s4+$0x61D0];
	_ =	sdelay $0x4  }
0x2da: {  	[tilespmem:s8+$0x61CF] =	vst v3  }
0x2db: {  	v3 =	vld [tilespmem:s4+$0x61C0]  }
.Ltmp8:
0x2dc: {  	(pc) =	sbr.rel @p0 .LBB2_13-.Ltmp8, $3  }
0x2dd: {  	_ =	sdelay $0x1  }
0x2de: {  	s5 =	sadd.s32 $0xFFFFFF00, s5  }
0x2df: {  	s7 =	sadd.s32 $0xFFFFFEFC, s7;
	s4 =	sshra.s32 s5, $0x2;
	[tilespmem:s8+$0x61BF] =	vst v3  }
0x2e0: {  	v3 =	vld [tilespmem:s4+$0x61F0];
	_ =	sdelay $0x3  }
0x2e1: {  	s3 =	sshra.s32 s3, $0x2  }
0x2e2: {  	[tilespmem:s3+$0x61EF] =	vst v3  }
0x2e3: {  	v3 =	vld [tilespmem:s4+$0x61E0];
	_ =	sdelay $0x4  }
0x2e4: {  	[tilespmem:s3+$0x61DF] =	vst v3  }
0x2e5: {  	v3 =	vld [tilespmem:s4+$0x61D0];
	_ =	sdelay $0x4  }
0x2e6: {  	[tilespmem:s3+$0x61CF] =	vst v3  }
0x2e7: {  	p0 =	sne.s32 s1, s0;
	v3 =	vld [tilespmem:s4+$0x61C0]  }
.Ltmp9:
0x2e8: {  	_ = 	snop;
	(pc) =	sbr.rel @p0 .LBB2_18-.Ltmp9, $2  }
0x2e9: {  	_ =	sdelay $0x2  }
0x2ea: {  	[tilespmem:s3+$0x61BF] =	vst v3  }
0x2eb: {  	s3 =	sshll.u32 s1, $0x8;
	s4 =	simm.s32 $0x6282  }
0x2ec: {  	s3 =	sshra.s32 s3, $0x2;
	v4 =	vld [tilespmem:s4+$0x41]  }
0x2ed: {  	v3 =	vld [tilespmem:s3+$0x4580]  }
0x2ee: {  	v5 =	vld [tilespmem:s4+$0xFFFFFFBF]  }
0x2ef: {  	v6 =	vld [tilespmem:s4+$0x0]  }
0x2f0: {  	v7 =	vld [tilespmem:s4+$0xFFFFFF7E];
	_ =	sdelay $0x1  }
0x2f1: {  	v10 =	vld [tilespmem:s4+$0xFFFFFFCF];
	v4 =	vadd.f32 v4, v3  }
0x2f2: {  	v11 =	vld [tilespmem:s4+$0x10];
	v5 =	vadd.f32 v5, v3  }
0x2f3: {  	v6 =	vadd.f32 v6, v3;
	[tilespmem:s4+$0x41] =	vst v4;
	v4 =	vld [tilespmem:s4+$0x51]  }
0x2f4: {  	v3 =	vadd.f32 v3, v7;
	[tilespmem:s4+$0xFFFFFFBF] =	vst v5;
	v9 =	vld [tilespmem:s3+$0x4590]  }
0x2f5: {  	[tilespmem:s4+$0x0] =	vst v6;
	v5 =	vld [tilespmem:s3+$0x4590]  }
0x2f6: {  	[tilespmem:s4+$0xFFFFFF7E] =	vst v3;
	v3 =	vld [tilespmem:s3+$0x4590]  }
0x2f7: {  	v8 =	vld [tilespmem:s4+$0xFFFFFF8E]  }
0x2f8: {  	v6 =	vld [tilespmem:s3+$0x4590]  }
0x2f9: {  	v7 =	vld [tilespmem:s4+$0xFFFFFF9E];
	v4 =	vadd.f32 v9, v4  }
0x2fa: {  	v9 =	vld [tilespmem:s4+$0xFFFFFFDF]  }
0x2fb: {  	v3 =	vadd.f32 v3, v11;
	v11 =	vld [tilespmem:s4+$0x20];
	[tilespmem:s4+$0x51] =	vst v4;
	v4 =	vadd.f32 v5, v10  }
0x2fc: {  	v5 =	vld [tilespmem:s4+$0x61]  }
0x2fd: {  	v6 =	vadd.f32 v6, v8;
	v10 =	vld [tilespmem:s3+$0x45A0];
	[tilespmem:s4+$0xFFFFFFCF] =	vst v4  }
0x2fe: {  	[tilespmem:s4+$0x10] =	vst v3;
	v8 =	vld [tilespmem:s3+$0x45A0]  }
0x2ff: {  	[tilespmem:s4+$0xFFFFFF8E] =	vst v6;
	v6 =	vld [tilespmem:s3+$0x45A0]  }
0x300: {  	v12 =	vld [tilespmem:s3+$0x45A0]  }
0x301: {  	v3 =	vld [tilespmem:s4+$0xFFFFFFAE]  }
0x302: {  	v4 =	vld [tilespmem:s4+$0xFFFFFFEF];
	v10 =	vadd.f32 v10, v5  }
0x303: {  	v5 =	vld [tilespmem:s4+$0x30];
	v8 =	vadd.f32 v8, v9  }
0x304: {  	[tilespmem:s4+$0x61] =	vst v10;
	v10 =	vadd.f32 v6, v11;
	v6 =	vld [tilespmem:s4+$0x71]  }
0x305: {  	v11 =	vadd.f32 v12, v7;
	v9 =	vld [tilespmem:s3+$0x45B0];
	[tilespmem:s4+$0xFFFFFFDF] =	vst v8  }
0x306: {  	[tilespmem:s4+$0x20] =	vst v10;
	v7 =	vld [tilespmem:s3+$0x45B0]  }
0x307: {  	[tilespmem:s4+$0xFFFFFF9E] =	vst v11;
	v10 =	vld [tilespmem:s3+$0x45B0]  }
0x308: {  	s7 =	simm.s32 $0x0;
	s5 =	simm.s32 $0x6282;
	v8 =	vld [tilespmem:s3+$0x45B0]  }
.LBB2_16:
0x309: {  	v11 =	vld [tilespmem:s3+$0x4580];
	s4 =	sadd.s32 $0x104, s4  }
0x30a: {  	s7 =	sadd.s32 $0x4, s7;
	v12 =	vld [tilespmem:s4+$0x41];
	v6 =	vadd.f32 v9, v6  }
0x30b: {  	p0 =	slt.u32 s7, $0x11C;
	v9 =	vld [tilespmem:s4+$0xFFFFFFBF];
	v4 =	vadd.f32 v7, v4  }
0x30c: {  	v7 =	vld [tilespmem:s4+$0x0];
	v5 =	vadd.f32 v10, v5;
	[tilespmem:s5+$0x71] =	vst v6  }
0x30d: {  	v6 =	vld [tilespmem:s4+$0xFFFFFF7E];
	v3 =	vadd.f32 v8, v3;
	[tilespmem:s5+$0xFFFFFFEF] =	vst v4  }
0x30e: {  	v4 =	vld [tilespmem:s4+$0xFFFFFF8E];
	[tilespmem:s5+$0x30] =	vst v5  }
0x30f: {  	v5 =	vld [tilespmem:s4+$0xFFFFFFCF];
	v8 =	vadd.f32 v12, v11;
	[tilespmem:s5+$0xFFFFFFAE] =	vst v3;
	s5 =	smov.u32 s4  }
0x310: {  	v3 =	vadd.f32 v9, v11;
	v9 =	vld [tilespmem:s4+$0x10]  }
0x311: {  	v7 =	vadd.f32 v7, v11;
	[tilespmem:s4+$0x41] =	vst v8;
	v8 =	vld [tilespmem:s4+$0x51]  }
0x312: {  	v6 =	vadd.f32 v11, v6;
	[tilespmem:s4+$0xFFFFFFBF] =	vst v3;
	v3 =	vld [tilespmem:s3+$0x4590]  }
0x313: {  	v10 =	vld [tilespmem:s3+$0x4590];
	[tilespmem:s4+$0x0] =	vst v7  }
0x314: {  	[tilespmem:s4+$0xFFFFFF7E] =	vst v6;
	v6 =	vld [tilespmem:s3+$0x4590]  }
0x315: {  	v7 =	vld [tilespmem:s3+$0x4590]  }
0x316: {  	v11 =	vld [tilespmem:s4+$0xFFFFFF9E]  }
0x317: {  	v12 =	vld [tilespmem:s4+$0xFFFFFFDF];
	v3 =	vadd.f32 v3, v8  }
0x318: {  	v5 =	vadd.f32 v10, v5;
	v8 =	vld [tilespmem:s4+$0x20]  }
0x319: {  	v6 =	vadd.f32 v6, v9;
	[tilespmem:s4+$0x51] =	vst v3;
	v9 =	vld [tilespmem:s4+$0x61]  }
0x31a: {  	v3 =	vadd.f32 v7, v4;
	[tilespmem:s4+$0xFFFFFFCF] =	vst v5;
	v5 =	vld [tilespmem:s3+$0x45A0]  }
0x31b: {  	v7 =	vld [tilespmem:s3+$0x45A0];
	[tilespmem:s4+$0x10] =	vst v6  }
0x31c: {  	[tilespmem:s4+$0xFFFFFF8E] =	vst v3;
	v6 =	vld [tilespmem:s3+$0x45A0]  }
0x31d: {  	v10 =	vld [tilespmem:s3+$0x45A0]  }
0x31e: {  	v3 =	vld [tilespmem:s4+$0xFFFFFFAE]  }
0x31f: {  	v4 =	vld [tilespmem:s4+$0xFFFFFFEF];
	v9 =	vadd.f32 v5, v9  }
0x320: {  	v7 =	vadd.f32 v7, v12;
	v5 =	vld [tilespmem:s4+$0x30]  }
.Ltmp10:
0x321: {  	v8 =	vadd.f32 v6, v8;
	[tilespmem:s4+$0x61] =	vst v9;
	v6 =	vld [tilespmem:s4+$0x71];
	(pc) =	sbr.rel @p0 .LBB2_16-.Ltmp10, $4  }
0x322: {  	v10 =	vadd.f32 v10, v11;
	[tilespmem:s4+$0xFFFFFFDF] =	vst v7;
	v9 =	vld [tilespmem:s3+$0x45B0]  }
0x323: {  	v7 =	vld [tilespmem:s3+$0x45B0];
	[tilespmem:s4+$0x20] =	vst v8  }
0x324: {  	[tilespmem:s4+$0xFFFFFF9E] =	vst v10;
	v10 =	vld [tilespmem:s3+$0x45B0]  }
0x325: {  	v8 =	vld [tilespmem:s3+$0x45B0]  }
0x326: {  	_ = 	snop  }
0x327: {  	v6 =	vadd.f32 v9, v6  }
0x328: {  	v4 =	vadd.f32 v7, v4  }
0x329: {  	v5 =	vadd.f32 v10, v5;
	[tilespmem:s5+$0x71] =	vst v6  }
0x32a: {  	v3 =	vadd.f32 v8, v3;
	[tilespmem:s5+$0xFFFFFFEF] =	vst v4  }
0x32b: {  	[tilespmem:s5+$0x30] =	vst v5  }
0x32c: {  	[tilespmem:s5+$0xFFFFFFAE] =	vst v3  }
.LBB2_18:
.Ltmp11:
0x32d: {  	(pc) =	sbr.rel .LBB2_19-.Ltmp11, $2  }
0x32e: {  	_ =	sdelay $0x2  }
0x32f: {  	s30 =	simm.s32 $0x0;
	p0 =	sne.s32 s1, s0  }
.LBB2_32:
0x330: {  	_ =	sdelay $0x3  }
0x331: {  	v3 =	vld.idx.msk [tilespmem:v31+s19+$0x0], $0xffff  }
0x332: {  	[tilespmem:s9+$0x80] =	vst v32;
	v4 =	vadd.f32 v29, v27;
	v7 =	vld.idx.msk [tilespmem:v30+s26+$0x0], $0xffff  }
0x333: {  	v5 =	vld.idx.msk [tilespmem:v23+s19+$0x0], $0xffff  }
0x334: {  	v52 =	vadd.f32 v28, v26;
	v6 =	vld.idx.msk [tilespmem:v22+s26+$0x0], $0xffff;
	[tilespmem:s7+$0x80] =	vst v4  }
0x335: {  	v19 =	vld.idx.msk [tilespmem:v19+s19+$0x0], $0xffff  }
0x336: {  	[tilespmem:s8+$0x80] =	vst v52;
	v54 =	vld.idx.msk [tilespmem:v15+s26+$0x0], $0xffff  }
0x337: {  	v53 =	vadd.f32 v24, v25;
	v55 =	vld.idx.msk [tilespmem:v18+s19+$0x0], $0xffff  }
0x338: {  	v56 =	vld.idx.msk [tilespmem:v16+s26+$0x0], $0xffff  }
0x339: {  	v8 =	vld.idx.msk [tilespmem:v8+s26+$0x0], $0xffff;
	[tilespmem:s4+$0x100] =	vst v53;
	v5 =	vadd.f32 v6, v5  }
0x33a: {  	v57 =	vld.idx.msk [tilespmem:v21+s19+$0x0], $0xffff  }
0x33b: {  	v58 =	vld.idx.msk [tilespmem:v17+s26+$0x0], $0xffff;
	[tilespmem:s9+$0x100] =	vst v5;
	v4 =	vadd.f32 v54, v19  }
0x33c: {  	v59 =	vld.idx.msk [tilespmem:v20+s19+$0x0], $0xffff  }
0x33d: {  	v6 =	vadd.f32 v56, v55;
	v14 =	vld.idx.msk [tilespmem:v14+s26+$0x0], $0xffff;
	[tilespmem:s7+$0x100] =	vst v4  }
0x33e: {  	v4 =	vld.idx.msk [tilespmem:v12+s19+$0x0], $0xffff  }
0x33f: {  	[tilespmem:s8+$0x100] =	vst v6;
	v60 =	vld.idx.msk [tilespmem:v10+s26+$0x0], $0xffff  }
0x340: {  	v61 =	vld.idx.msk [tilespmem:v13+s19+$0x0], $0xffff  }
0x341: {  	v3 =	vadd.f32 v7, v3;
	v62 =	vld.idx.msk [tilespmem:v11+s26+$0x0], $0xffff  }
0x342: {  	v8 =	vadd.f32 v8, v9  }
0x343: {  	[tilespmem:s13+$0x180] =	vst v3;
	v3 =	vadd.f32 v14, v59  }
0x344: {  	[tilespmem:s1+$0x180] =	vst v8;
	v5 =	vadd.f32 v58, v57  }
0x345: {  	[tilespmem:s9+$0x180] =	vst v3;
	v3 =	vadd.f32 v60, v4  }
0x346: {  	[tilespmem:s4+$0x180] =	vst v5;
	v63 =	vadd.f32 v62, v61  }
0x347: {  	[tilespmem:s7+$0x180] =	vst v3  }
0x348: {  	[tilespmem:s8+$0x180] =	vst v63  }
.LBB2_33:
0x349: {  	s30 =	sadd.s32 $0x1, s30  }
0x34a: {  	p1 =	sne.s32 s30, $0x8  }
.Ltmp12:
0x34b: {  	_ = 	snop;
	(pc) =	sbr.rel @!p1 .LBB2_34-.Ltmp12, $3  }
0x34c: {  	_ =	sdelay $0x1  }
0x34d: {  	s0 =	sadd.s32 s31, s11;
	s1 =	simm.s32 $0x14980  }
0x34e: {  	[hbm4b:s0+s20] =	stream.strided.scatter [tilespmem:s1], [sflag:$0x2], $0x9E00, s21, s20, $0x38;
	[tilespmem:$0x1E780] =	vst v63  }
.LBB2_19:
.Ltmp13:
0x34f: {  	p1 =	seq.s32 s30, $0x0;
	(pc) =	sbr.rel @p0 .LBB2_23-.Ltmp13, $4  }
0x350: {  	s1 =	sshll.u32 s30, $0x3;
	s0 =	simm.s32 @!p1 $0x1  }
0x351: {  	s3 =	sor.u32 $0x1, s1;
	_ =	swait.ge @!p1 [sflag:s0], $0x9E00  }
0x352: {  	v4 =	vmov s1;
	s4 =	sor.u32 $0x2, s1;
	s5 =	sor.u32 $0x3, s1;
	[sflag:s0] =	ssyncset.done @!p1 $0x0  }
0x353: {  	v6 =	vmov s3;
	v5 =	vmov s4;
	v3 =	vmov s5;
	s3 =	simm.s32 $0x40;
	[sflag:s0] =	ssyncadd.s32 @!p1 $0xFFFF6200;
	s0 =	simm.s32 $0x100  }
0x354: {  	v7 =	vld [tilespmem:s3+$0x1E00]  }
0x355: {  	v8 =	vld [tilespmem:s3+$0x1DC0]  }
0x356: {  	v9 =	vld [tilespmem:s3+$0x1DD0]  }
0x357: {  	v10 =	vld [tilespmem:s3+$0x1DE0];
	_ =	sdelay $0x1  }
0x358: {  	v11 =	vld [tilespmem:s3+$0x1DF0];
	v12 =	vand.u32 $0xFFFF, v7  }
0x359: {  	v8 =	vand.u32 $0xFFFF, v8;
	v13 =	vadd.s32 v4, v12  }
0x35a: {  	v9 =	vand.u32 $0xFFFF, v9;
	v14 =	vadd.s32 v4, v8  }
0x35b: {  	v10 =	vand.u32 $0xFFFF, v10;
	v15 =	vadd.s32 v4, v9  }
0x35c: {  	v16 =	vadd.s32 v4, v10  }
0x35d: {  	s23 =	simm.s32 $0x0;
	v7 =	vand.u32 $0xFFFF, v11  }
0x35e: {  	s4 =	simm.s32 $0x10;
	s5 =	simm.s32 $0x20;
	s7 =	simm.s32 $0x30;
	v11 =	vadd.s32 v4, v7;
	v13 =	vld.idx.msk [tilespmem:v13+s19+$0x0], $0xffff  }
0x35f: {  	s24 =	simm.s32 $0x40;
	s9 =	simm.s32 $0x0;
	s0 =	sand.u32 $0x1FE00, s0;
	v17 =	vadd.s32 v6, v12;
	v14 =	vld.idx.msk [tilespmem:v14+s19+$0x0], $0xffff  }
0x360: {  	s12 =	simm.s32 $0x40;
	s25 =	simm.s32 $0x80;
	s8 =	sand.u32 $0x70, s5;
	v18 =	vadd.s32 v6, v8;
	v15 =	vld.idx.msk [tilespmem:v15+s19+$0x0], $0xffff  }
0x361: {  	s5 =	sand.u32 $0x70, s24;
	s29 =	sand.u32 $0x70, s7;
	s7 =	simm.s32 $0x90;
	v19 =	vadd.s32 v6, v9;
	v16 =	vld.idx.msk [tilespmem:v16+s19+$0x0], $0xffff  }
0x362: {  	s3 =	sand.u32 $0x70, s23;
	s9 =	sand.u32 $0xFE00, s9;
	s13 =	sor.u32 s5, s0;
	v24 =	vld [tilespmem:s7+$0x1DF0];
	v20 =	vadd.s32 v6, v10  }
0x363: {  	s4 =	sand.u32 $0x70, s4;
	s12 =	sand.u32 $0x1FE00, s12;
	s5 =	sor.u32 s3, s9;
	v11 =	vld.idx.msk [tilespmem:v11+s19+$0x0], $0xffff;
	[tilespmem:s13+$0xAB80] =	vst v13  }
0x364: {  	s0 =	sand.u32 $0x1FE00, s25;
	s9 =	sor.u32 s4, s12;
	v21 =	vadd.s32 v6, v7;
	[tilespmem:s5+$0xAB80] =	vst v14;
	v13 =	vld.idx.msk [tilespmem:v17+s19+$0x0], $0xffff  }
0x365: {  	s28 =	simm.s32 $0xC0;
	s12 =	sor.u32 s8, s0;
	[tilespmem:s9+$0xAB80] =	vst v15;
	v14 =	vld.idx.msk [tilespmem:v18+s19+$0x0], $0xffff  }
0x366: {  	s3 =	sand.u32 $0x1FE00, s28;
	[tilespmem:s12+$0xAB80] =	vst v16;
	v17 =	vld.idx.msk [tilespmem:v19+s19+$0x0], $0xffff  }
0x367: {  	s0 =	sor.u32 s29, s3;
	v16 =	vld.idx.msk [tilespmem:v20+s19+$0x0], $0xffff  }
0x368: {  	v15 =	vadd.s32 v5, v12;
	[tilespmem:s0+$0xAB80] =	vst v11;
	v18 =	vld [tilespmem:s7+$0x1E00]  }
0x369: {  	v23 =	vadd.s32 v5, v10;
	v11 =	vld.idx.msk [tilespmem:v21+s19+$0x0], $0xffff  }
0x36a: {  	v25 =	vadd.s32 v5, v7;
	v19 =	vld [tilespmem:s7+$0x1DC0]  }
0x36b: {  	v20 =	vadd.s32 v5, v9;
	v21 =	vld [tilespmem:s7+$0x1DD0];
	[tilespmem:s13+$0xAC00] =	vst v13  }
0x36c: {  	v22 =	vld [tilespmem:s7+$0x1DE0];
	[tilespmem:s5+$0xAC00] =	vst v14  }
0x36d: {  	v14 =	vand.u32 $0xFFFF, v18;
	[tilespmem:s12+$0xAC00] =	vst v16;
	v13 =	vld.idx.msk [tilespmem:v15+s19+$0x0], $0xffff;
	v15 =	vadd.s32 v5, v8  }
0x36e: {  	[tilespmem:s0+$0xAC00] =	vst v11;
	v18 =	vadd.s32 v4, v14;
	v11 =	vld.idx.msk [tilespmem:v23+s19+$0x0], $0xffff  }
0x36f: {  	[tilespmem:s9+$0xAC00] =	vst v17;
	v23 =	vand.u32 $0xFFFF, v24;
	v24 =	vld.idx.msk [tilespmem:v25+s19+$0x0], $0xffff  }
0x370: {  	v12 =	vadd.s32 v3, v12;
	v17 =	vand.u32 $0xFFFF, v19;
	v19 =	vld.idx.msk [tilespmem:v20+s19+$0x0], $0xffff;
	v20 =	vand.u32 $0xFFFF, v21  }
0x371: {  	v16 =	vadd.s32 v4, v20  }
0x372: {  	s10 =	simm.s32 $0x60;
	v15 =	vld.idx.msk [tilespmem:v15+s19+$0x0], $0xffff;
	[tilespmem:s13+$0xAC80] =	vst v13;
	v13 =	vadd.s32 v4, v17  }
0x373: {  	s4 =	sand.u32 $0x70, s10;
	s10 =	simm.s32 $0xE0;
	v21 =	vand.u32 $0xFFFF, v22;
	v25 =	vadd.s32 v4, v23;
	v18 =	vld.idx.msk [tilespmem:v18+s19+$0x0], $0xffff  }
0x374: {  	v22 =	vadd.s32 v4, v21;
	[tilespmem:s0+$0xAC80] =	vst v24;
	v24 =	vld [tilespmem:s10+$0x1DE0]  }
0x375: {  	v9 =	vadd.s32 v3, v9;
	v12 =	vld.idx.msk [tilespmem:v12+s19+$0x0], $0xffff  }
0x376: {  	s14 =	simm.s32 $0x70;
	s15 =	simm.s32 $0x80;
	v8 =	vadd.s32 v3, v8;
	v16 =	vld.idx.msk [tilespmem:v16+s19+$0x0], $0xffff  }
0x377: {  	s16 =	simm.s32 $0x240;
	s18 =	simm.s32 $0x90;
	s17 =	sand.u32 $0x70, s14;
	v26 =	vadd.s32 v6, v14;
	v13 =	vld.idx.msk [tilespmem:v13+s19+$0x0], $0xffff  }
0x378: {  	s14 =	simm.s32 $0x140;
	s24 =	simm.s32 $0x180;
	s8 =	simm.s32 $0x50;
	v10 =	vadd.s32 v3, v10;
	[tilespmem:s5+$0xAC80] =	vst v15;
	v15 =	vld.idx.msk [tilespmem:v25+s19+$0x0], $0xffff  }
0x379: {  	s3 =	sand.u32 $0x70, s8;
	s8 =	sand.u32 $0x70, s18;
	s7 =	sand.u32 $0x1FE00, s16;
	[tilespmem:s9+$0xAC80] =	vst v19;
	v22 =	vld.idx.msk [tilespmem:v22+s19+$0x0], $0xffff  }
0x37a: {  	s25 =	sand.u32 $0xFE00, s14;
	s28 =	simm.s32 $0x200;
	s22 =	sor.u32 s8, s7;
	v28 =	vadd.s32 v6, v20;
	[tilespmem:s12+$0xAC80] =	vst v11;
	v9 =	vld.idx.msk [tilespmem:v9+s19+$0x0], $0xffff  }
0x37b: {  	s15 =	sand.u32 $0x70, s15;
	s7 =	sor.u32 s3, s25;
	s3 =	sand.u32 $0x1FE00, s28;
	[tilespmem:s22+$0xAB80] =	vst v18;
	v8 =	vld.idx.msk [tilespmem:v8+s19+$0x0], $0xffff  }
0x37c: {  	s23 =	simm.s32 $0x1C0;
	s24 =	sand.u32 $0x1FE00, s24;
	s3 =	sor.u32 s15, s3;
	[tilespmem:s7+$0xAB80] =	vst v13;
	v13 =	vld.idx.msk [tilespmem:v26+s19+$0x0], $0xffff  }
0x37d: {  	s29 =	sand.u32 $0x1FE00, s23;
	s8 =	sor.u32 s4, s24;
	v27 =	vadd.s32 v6, v17;
	[tilespmem:s3+$0xAB80] =	vst v15;
	v15 =	vld.idx.msk [tilespmem:v10+s19+$0x0], $0xffff  }
0x37e: {  	s4 =	sor.u32 s17, s29;
	v19 =	vadd.s32 v6, v23;
	[tilespmem:s8+$0xAB80] =	vst v16;
	v10 =	vld [tilespmem:s10+$0x1E00]  }
0x37f: {  	[tilespmem:s4+$0xAB80] =	vst v22;
	v22 =	vadd.s32 v5, v14;
	v16 =	vld.idx.msk [tilespmem:v28+s19+$0x0], $0xffff  }
0x380: {  	v25 =	vadd.s32 v6, v21;
	[tilespmem:s13+$0xAD00] =	vst v12;
	v12 =	vld [tilespmem:s10+$0x1DD0]  }
0x381: {  	v29 =	vadd.s32 v3, v7;
	v26 =	vld [tilespmem:s10+$0x1DC0]  }
0x382: {  	v18 =	vld.idx.msk [tilespmem:v27+s19+$0x0], $0xffff  }
0x383: {  	v11 =	vld.idx.msk [tilespmem:v19+s19+$0x0], $0xffff;
	[tilespmem:s22+$0xAC00] =	vst v13;
	v13 =	vadd.s32 v5, v17;
	v7 =	vand.u32 $0xFFFF, v10  }
0x384: {  	[tilespmem:s8+$0xAC00] =	vst v16;
	v19 =	vld.idx.msk [tilespmem:v22+s19+$0x0], $0xffff;
	v16 =	vadd.s32 v4, v7  }
0x385: {  	v14 =	vadd.s32 v3, v14;
	v25 =	vld.idx.msk [tilespmem:v25+s19+$0x0], $0xffff  }
0x386: {  	v27 =	vadd.s32 v5, v21;
	v10 =	vld.idx.msk [tilespmem:v29+s19+$0x0], $0xffff  }
0x387: {  	v28 =	vadd.s32 v5, v23;
	[tilespmem:s7+$0xAC00] =	vst v18;
	v18 =	vld [tilespmem:s10+$0x1DF0]  }
0x388: {  	v30 =	vand.u32 $0xFFFF, v12;
	v22 =	vadd.s32 v5, v20;
	[tilespmem:s3+$0xAC00] =	vst v11;
	v13 =	vld.idx.msk [tilespmem:v13+s19+$0x0], $0xffff  }
0x389: {  	v26 =	vand.u32 $0xFFFF, v26;
	v11 =	vadd.s32 v4, v30;
	[tilespmem:s22+$0xAC80] =	vst v19;
	v32 =	vld.idx.msk [tilespmem:v16+s19+$0x0], $0xffff  }
0x38a: {  	[tilespmem:s4+$0xAC00] =	vst v25;
	v19 =	vadd.s32 v4, v26;
	v12 =	vld.idx.msk [tilespmem:v14+s19+$0x0], $0xffff  }
0x38b: {  	[tilespmem:s9+$0xAD00] =	vst v9;
	v29 =	vadd.s32 v3, v17;
	v14 =	vand.u32 $0xFFFF, v24;
	v24 =	vld.idx.msk [tilespmem:v27+s19+$0x0], $0xffff  }
0x38c: {  	s18 =	simm.s32 $0xE0;
	s15 =	simm.s32 $0xB0;
	[tilespmem:s5+$0xAD00] =	vst v8;
	s5 =	simm.s32 $0x380;
	v35 =	vadd.s32 v6, v7;
	v28 =	vld.idx.msk [tilespmem:v28+s19+$0x0], $0xffff  }
0x38d: {  	s24 =	sand.u32 $0x70, s15;
	s15 =	sand.u32 $0x70, s18;
	s28 =	sand.u32 $0x1FE00, s5;
	[tilespmem:s12+$0xAD00] =	vst v15;
	v22 =	vld.idx.msk [tilespmem:v22+s19+$0x0], $0xffff;
	v27 =	vand.u32 $0xFFFF, v18;
	v25 =	vadd.s32 v4, v14  }
0x38e: {  	v33 =	vadd.s32 v3, v20;
	s15 =	sor.u32 s15, s28;
	v34 =	vld.idx.msk [tilespmem:v11+s19+$0x0], $0xffff;
	v31 =	vadd.s32 v4, v27;
	[tilespmem:s7+$0xAC80] =	vst v13  }
0x38f: {  	s23 =	simm.s32 $0xD0;
	v9 =	vadd.s32 v3, v21;
	v8 =	vadd.s32 v3, v23;
	v21 =	vld.idx.msk [tilespmem:v19+s19+$0x0], $0xffff;
	[tilespmem:s15+$0xAB80] =	vst v32  }
0x390: {  	s16 =	simm.s32 $0xC0;
	s29 =	simm.s32 $0x300;
	s9 =	simm.s32 $0xA0;
	v17 =	vadd.s32 v5, v30;
	v36 =	vadd.s32 v6, v26;
	[tilespmem:s4+$0xAC80] =	vst v24;
	v24 =	vld.idx.msk [tilespmem:v29+s19+$0x0], $0xffff  }
0x391: {  	s17 =	sand.u32 $0x70, s9;
	s12 =	sand.u32 $0x70, s16;
	s16 =	simm.s32 $0x280;
	v16 =	vadd.s32 v5, v26;
	[tilespmem:s22+$0xAD00] =	vst v12;
	v12 =	vadd.s32 v3, v26;
	v26 =	vld.idx.msk [tilespmem:v35+s19+$0x0], $0xffff  }
0x392: {  	s10 =	sand.u32 $0x70, s23;
	s14 =	sand.u32 $0xFE00, s16;
	v11 =	vadd.s32 v3, v30;
	[tilespmem:s3+$0xAC80] =	vst v28;
	v19 =	vadd.s32 v6, v30;
	s22 =	simm.s32 $0x2C0;
	v23 =	vld.idx.msk [tilespmem:v25+s19+$0x0], $0xffff  }
0x393: {  	s23 =	simm.s32 $0x340;
	s13 =	sor.u32 s17, s14;
	v18 =	vadd.s32 v6, v14;
	v20 =	vadd.s32 v6, v27;
	[tilespmem:s8+$0xAC80] =	vst v22;
	v22 =	vld.idx.msk [tilespmem:v31+s19+$0x0], $0xffff;
	s25 =	sand.u32 $0x1FE00, s22  }
0x394: {  	s29 =	sand.u32 $0x1FE00, s29;
	s28 =	sand.u32 $0x1FE00, s23;
	v15 =	vadd.s32 v5, v14;
	v13 =	vadd.s32 v5, v27;
	v25 =	vld.idx.msk [tilespmem:v33+s19+$0x0], $0xffff;
	s14 =	sor.u32 s24, s25;
	[tilespmem:s13+$0xAB80] =	vst v21  }
0x395: {  	s31 =	sor.u32 s12, s29;
	s17 =	sor.u32 s10, s28;
	[tilespmem:s14+$0xAB80] =	vst v34;
	v21 =	vadd.s32 v3, v14;
	v14 =	vadd.s32 v3, v27;
	v27 =	vld.idx.msk [tilespmem:v36+s19+$0x0], $0xffff  }
.LBB2_21:
0x396: {  	s24 =	sadd.s32 $0x60, s9  }
0x397: {  	s25 =	sadd.s32 $0x70, s9;
	v19 =	vld.idx.msk [tilespmem:v19+s19+$0x0], $0xffff;
	[tilespmem:s31+$0xAB80] =	vst v23;
	v23 =	vadd.s32 v5, v7;
	s12 =	smov.u32 s9;
	s9 =	sadd.s32 $0x50, s9  }
0x398: {  	s28 =	sand.u32 $0x70, s9;
	s24 =	sand.u32 $0x70, s24;
	s29 =	sadd.s32 $0x80, s12;
	v18 =	vld.idx.msk [tilespmem:v18+s19+$0x0], $0xffff;
	[tilespmem:s17+$0xAB80] =	vst v22  }
0x399: {  	s5 =	sadd.s32 $0x140, s5;
	s25 =	sand.u32 $0x70, s25;
	s29 =	sand.u32 $0x70, s29;
	v20 =	vld.idx.msk [tilespmem:v20+s19+$0x0], $0xffff;
	[tilespmem:s7+$0xAD00] =	vst v24  }
0x39a: {  	s18 =	sshra.s32 s5, $0x2;
	s10 =	sadd.s32 $0xFFFFFF40, s5;
	s7 =	sadd.s32 $0xFFFFFF00, s5;
	[tilespmem:s8+$0xAD00] =	vst v25;
	v22 =	vld.idx.msk [tilespmem:v9+s19+$0x0], $0xffff;
	v9 =	vmov v21  }
0x39b: {  	s16 =	sadd.s32 $0xFFFFFFC0, s5;
	s7 =	sand.u32 $0xFE00, s7;
	s8 =	sadd.s32 $0xFFFFFF80, s5;
	v21 =	vld [tilespmem:s18+$0x1E00];
	[tilespmem:s15+$0xAC00] =	vst v26  }
0x39c: {  	s10 =	sand.u32 $0x1FE00, s10;
	s16 =	sand.u32 $0x1FE00, s16;
	s8 =	sand.u32 $0x1FE00, s8;
	[tilespmem:s13+$0xAC00] =	vst v27;
	v23 =	vld.idx.msk [tilespmem:v23+s19+$0x0], $0xffff  }
0x39d: {  	s10 =	sor.u32 s24, s10;
	s28 =	sor.u32 s28, s7;
	s24 =	sor.u32 s25, s8;
	v24 =	vld [tilespmem:s18+$0x1DC0];
	[tilespmem:s14+$0xAC00] =	vst v19  }
0x39e: {  	p2 =	slt.u32 s9, $0x26C0;
	s16 =	sor.u32 s29, s16;
	s7 =	smov.u32 s13;
	v19 =	vld [tilespmem:s18+$0x1DD0];
	[tilespmem:s31+$0xAC00] =	vst v18;
	v18 =	vadd.s32 v3, v7  }
0x39f: {  	s13 =	smov.u32 s28;
	s8 =	smov.u32 s14;
	s14 =	smov.u32 s10;
	v25 =	vld [tilespmem:s18+$0x1DE0];
	[tilespmem:s17+$0xAC00] =	vst v20  }
0x3a0: {  	v20 =	vld [tilespmem:s18+$0x1DF0];
	[tilespmem:s4+$0xAD00] =	vst v22;
	s4 =	smov.u32 s31;
	s31 =	smov.u32 s24  }
0x3a1: {  	v7 =	vand.u32 $0xFFFF, v21;
	v21 =	vld.idx.msk [tilespmem:v16+s19+$0x0], $0xffff;
	[tilespmem:s0+$0xAD00] =	vst v10;
	s0 =	smov.u32 s3;
	s3 =	smov.u32 s17;
	s17 =	smov.u32 s16  }
0x3a2: {  	v22 =	vand.u32 $0xFFFF, v24;
	v24 =	vadd.s32 v4, v7;
	v26 =	vld.idx.msk [tilespmem:v17+s19+$0x0], $0xffff;
	[tilespmem:s15+$0xAC80] =	vst v23  }
0x3a3: {  	v23 =	vadd.s32 v4, v22;
	v27 =	vadd.s32 v6, v22;
	v28 =	vand.u32 $0xFFFF, v19;
	v29 =	vld.idx.msk [tilespmem:v18+s19+$0x0], $0xffff  }
0x3a4: {  	v30 =	vadd.s32 v4, v28;
	v19 =	vadd.s32 v6, v28;
	v25 =	vand.u32 $0xFFFF, v25;
	v31 =	vld.idx.msk [tilespmem:v15+s19+$0x0], $0xffff  }
0x3a5: {  	v32 =	vadd.s32 v4, v25;
	v18 =	vadd.s32 v6, v25;
	v33 =	vand.u32 $0xFFFF, v20;
	v34 =	vld.idx.msk [tilespmem:v13+s19+$0x0], $0xffff  }
0x3a6: {  	v16 =	vadd.s32 v5, v22;
	v35 =	vadd.s32 v4, v33;
	v20 =	vadd.s32 v6, v33;
	v10 =	vld.idx.msk [tilespmem:v8+s19+$0x0], $0xffff  }
0x3a7: {  	v17 =	vadd.s32 v5, v28;
	v15 =	vadd.s32 v5, v25;
	v13 =	vadd.s32 v5, v33;
	v36 =	vld.idx.msk [tilespmem:v24+s19+$0x0], $0xffff  }
0x3a8: {  	v38 =	vadd.s32 v3, v22;
	v28 =	vadd.s32 v3, v28;
	v8 =	vmov v14;
	v37 =	vld.idx.msk [tilespmem:v23+s19+$0x0], $0xffff;
	[tilespmem:s7+$0xAC80] =	vst v21  }
0x3a9: {  	v39 =	vadd.s32 v6, v7;
	v21 =	vadd.s32 v3, v25;
	v30 =	vld.idx.msk [tilespmem:v30+s19+$0x0], $0xffff;
	[tilespmem:s15+$0xAD00] =	vst v29  }
0x3aa: {  	s10 =	sadd.s32 $0x90, s12;
	v14 =	vadd.s32 v3, v33;
	v23 =	vld.idx.msk [tilespmem:v32+s19+$0x0], $0xffff;
	[tilespmem:s8+$0xAC80] =	vst v26  }
.Ltmp14:
0x3ab: {  	s12 =	sand.u32 $0x1FE00, s5;
	s10 =	sand.u32 $0x70, s10;
	v22 =	vld.idx.msk [tilespmem:v35+s19+$0x0], $0xffff;
	[tilespmem:s4+$0xAC80] =	vst v31;
	(pc) =	sbr.rel @p2 .LBB2_21-.Ltmp14, $4  }
0x3ac: {  	s15 =	sor.u32 s10, s12;
	v24 =	vld.idx.msk [tilespmem:v12+s19+$0x0], $0xffff;
	[tilespmem:s3+$0xAC80] =	vst v34;
	v12 =	vmov v38  }
0x3ad: {  	[tilespmem:s15+$0xAB80] =	vst v36;
	v25 =	vld.idx.msk [tilespmem:v11+s19+$0x0], $0xffff;
	v11 =	vmov v28  }
0x3ae: {  	[tilespmem:s13+$0xAB80] =	vst v37;
	v26 =	vld.idx.msk [tilespmem:v39+s19+$0x0], $0xffff  }
0x3af: {  	v27 =	vld.idx.msk [tilespmem:v27+s19+$0x0], $0xffff;
	[tilespmem:s14+$0xAB80] =	vst v30  }
0x3b0: {  	_ =	sdelay $0x1  }
0x3b1: {  	[tilespmem:s31+$0xAB80] =	vst v23;
	v4 =	vadd.s32 v5, v7  }
0x3b2: {  	[tilespmem:s17+$0xAB80] =	vst v22  }
0x3b3: {  	v58 =	vld.idx.msk [tilespmem:v19+s19+$0x0], $0xffff;
	[tilespmem:s0+$0xAD00] =	vst v10  }
0x3b4: {  	v6 =	vld.idx.msk [tilespmem:v18+s19+$0x0], $0xffff;
	[tilespmem:s7+$0xAD00] =	vst v24  }
0x3b5: {  	v59 =	vld.idx.msk [tilespmem:v20+s19+$0x0], $0xffff;
	[tilespmem:s15+$0xAC00] =	vst v26  }
0x3b6: {  	[tilespmem:s8+$0xAD00] =	vst v25;
	v4 =	vld.idx.msk [tilespmem:v4+s19+$0x0], $0xffff  }
0x3b7: {  	v9 =	vld.idx.msk [tilespmem:v9+s19+$0x0], $0xffff;
	v3 =	vadd.s32 v3, v7;
	[tilespmem:s13+$0xAC00] =	vst v27  }
0x3b8: {  	[tilespmem:s14+$0xAC00] =	vst v58;
	v60 =	vld.idx.msk [tilespmem:v16+s19+$0x0], $0xffff  }
0x3b9: {  	[tilespmem:s31+$0xAC00] =	vst v6;
	v61 =	vld.idx.msk [tilespmem:v17+s19+$0x0], $0xffff  }
0x3ba: {  	[tilespmem:s17+$0xAC00] =	vst v59;
	v62 =	vld.idx.msk [tilespmem:v15+s19+$0x0], $0xffff  }
0x3bb: {  	v63 =	vld.idx.msk [tilespmem:v13+s19+$0x0], $0xffff;
	[tilespmem:s15+$0xAC80] =	vst v4  }
0x3bc: {  	[tilespmem:s4+$0xAD00] =	vst v9;
	v3 =	vld.idx.msk [tilespmem:v3+s19+$0x0], $0xffff  }
0x3bd: {  	v8 =	vld.idx.msk [tilespmem:v8+s19+$0x0], $0xffff;
	[tilespmem:s13+$0xAC80] =	vst v60  }
0x3be: {  	[tilespmem:s14+$0xAC80] =	vst v61;
	v5 =	vld.idx.msk [tilespmem:v12+s19+$0x0], $0xffff  }
0x3bf: {  	[tilespmem:s31+$0xAC80] =	vst v62;
	v6 =	vld.idx.msk [tilespmem:v11+s19+$0x0], $0xffff  }
0x3c0: {  	[tilespmem:s17+$0xAC80] =	vst v63;
	v7 =	vld.idx.msk [tilespmem:v21+s19+$0x0], $0xffff  }
0x3c1: {  	[tilespmem:s15+$0xAD00] =	vst v3;
	v3 =	vld.idx.msk [tilespmem:v14+s19+$0x0], $0xffff  }
.Ltmp15:
0x3c2: {  	[tilespmem:s3+$0xAD00] =	vst v8;
	(pc) =	sbr.rel .LBB2_26-.Ltmp15, $4  }
0x3c3: {  	[tilespmem:s13+$0xAD00] =	vst v5  }
0x3c4: {  	[tilespmem:s14+$0xAD00] =	vst v6  }
0x3c5: {  	[tilespmem:s31+$0xAD00] =	vst v7  }
0x3c6: {  	[tilespmem:s17+$0xAD00] =	vst v3  }
.LBB2_23:
0x3c7: {  	v8 =	vld [tilespmem:s3+$0x1E00];
	_ =	sdelay $0x3  }
0x3c8: {  	v7 =	vmul.u32 $0x1C1, v0  }
0x3c9: {  	v13 =	vand.u32 $0xFFFF, v8;
	v8 =	vshra.s32 v8, $0x10  }
0x3ca: {  	v9 =	vld [tilespmem:s3+$0x1DC0];
	v14 =	vadd.s32 v7, v8;
	v8 =	vadd.s32 v4, v13  }
0x3cb: {  	v10 =	vld [tilespmem:s3+$0x1DD0];
	v11 =	vadd.s32 v4, v14;
	_ =	sdelay $0x1  }
0x3cc: {  	v15 =	vld [tilespmem:s3+$0x1DE0]  }
0x3cd: {  	v16 =	vld [tilespmem:s3+$0x1DF0]  }
0x3ce: {  	v12 =	vshra.s32 v9, $0x10;
	v20 =	vand.u32 $0xFFFF, v9;
	v18 =	vld.idx.msk [tilespmem:v8+s19+$0x0], $0xffff  }
0x3cf: {  	v17 =	vadd.s32 v7, v12;
	v12 =	vshra.s32 v10, $0x10;
	v22 =	vadd.s32 v4, v20;
	v11 =	vld.idx.msk [tilespmem:v11+s26+$0x0], $0xffff  }
0x3d0: {  	v12 =	vadd.s32 v7, v12;
	v19 =	vadd.s32 v4, v17  }
0x3d1: {  	v21 =	vadd.s32 v4, v12  }
0x3d2: {  	s8 =	simm.s32 $0x90;
	v23 =	vadd.s32 v6, v13;
	v8 =	vshra.s32 v15, $0x10  }
0x3d3: {  	s17 =	simm.s32 $0x40;
	v33 =	vld [tilespmem:s8+$0x1DE0];
	v26 =	vand.u32 $0xFFFF, v10;
	v24 =	vadd.s32 v6, v14;
	v8 =	vadd.s32 v7, v8  }
0x3d4: {  	s0 =	sand.u32 $0x1FE00, s0;
	s3 =	sand.u32 $0x70, s17;
	v9 =	vshra.s32 v16, $0x10;
	v22 =	vld.idx.msk [tilespmem:v22+s19+$0x0], $0xffff;
	v25 =	vadd.s32 v4, v8;
	v10 =	vadd.f32 v11, v18  }
0x3d5: {  	s3 =	sor.u32 s3, s0;
	v9 =	vadd.s32 v7, v9;
	v19 =	vld.idx.msk [tilespmem:v19+s26+$0x0], $0xffff;
	v18 =	vadd.s32 v4, v26  }
0x3d6: {  	v21 =	vld.idx.msk [tilespmem:v21+s26+$0x0], $0xffff;
	v11 =	vand.u32 $0xFFFF, v15;
	v15 =	vadd.s32 v4, v9;
	[tilespmem:s3+$0xAB80] =	vst v10  }
0x3d7: {  	v10 =	vand.u32 $0xFFFF, v16;
	v16 =	vadd.s32 v4, v11;
	v23 =	vld.idx.msk [tilespmem:v23+s19+$0x0], $0xffff  }
0x3d8: {  	v27 =	vadd.s32 v4, v10;
	v24 =	vld.idx.msk [tilespmem:v24+s26+$0x0], $0xffff  }
0x3d9: {  	v28 =	vadd.s32 v6, v20;
	v25 =	vld.idx.msk [tilespmem:v25+s26+$0x0], $0xffff  }
0x3da: {  	s18 =	simm.s32 $0x0;
	s4 =	simm.s32 $0x0;
	v29 =	vadd.s32 v6, v17;
	v18 =	vld.idx.msk [tilespmem:v18+s19+$0x0], $0xffff  }
0x3db: {  	s4 =	sand.u32 $0xFE00, s4;
	s0 =	sand.u32 $0x70, s18;
	v19 =	vadd.f32 v19, v22;
	v22 =	vadd.s32 v5, v13;
	v15 =	vld.idx.msk [tilespmem:v15+s26+$0x0], $0xffff  }
0x3dc: {  	s14 =	sor.u32 s0, s4;
	v30 =	vadd.s32 v5, v14;
	v16 =	vld.idx.msk [tilespmem:v16+s19+$0x0], $0xffff  }
0x3dd: {  	v31 =	vadd.s32 v6, v26;
	[tilespmem:s14+$0xAB80] =	vst v19;
	v27 =	vld.idx.msk [tilespmem:v27+s19+$0x0], $0xffff;
	v19 =	vadd.f32 v24, v23  }
0x3de: {  	s22 =	simm.s32 $0x10;
	s23 =	simm.s32 $0x40;
	v23 =	vadd.s32 v6, v12;
	v24 =	vld.idx.msk [tilespmem:v28+s19+$0x0], $0xffff  }
0x3df: {  	s0 =	sand.u32 $0x70, s22;
	s4 =	sand.u32 $0x1FE00, s23;
	v28 =	vadd.s32 v6, v11;
	v18 =	vadd.f32 v21, v18;
	v21 =	vld.idx.msk [tilespmem:v29+s26+$0x0], $0xffff;
	[tilespmem:s3+$0xAC00] =	vst v19  }
0x3e0: {  	s5 =	simm.s32 $0x20;
	s7 =	simm.s32 $0x80;
	s15 =	sor.u32 s0, s4;
	v19 =	vadd.s32 v6, v8;
	v22 =	vld.idx.msk [tilespmem:v22+s19+$0x0], $0xffff  }
0x3e1: {  	s24 =	sand.u32 $0x70, s5;
	s25 =	sand.u32 $0x1FE00, s7;
	v16 =	vadd.f32 v25, v16;
	[tilespmem:s15+$0xAB80] =	vst v18;
	v18 =	vld.idx.msk [tilespmem:v30+s26+$0x0], $0xffff  }
0x3e2: {  	s17 =	sor.u32 s24, s25;
	v29 =	vadd.s32 v6, v10;
	v30 =	vld.idx.msk [tilespmem:v31+s19+$0x0], $0xffff  }
0x3e3: {  	s28 =	simm.s32 $0x30;
	s29 =	simm.s32 $0xC0;
	v25 =	vadd.s32 v6, v9;
	[tilespmem:s17+$0xAB80] =	vst v16;
	v16 =	vld.idx.msk [tilespmem:v23+s26+$0x0], $0xffff  }
0x3e4: {  	s5 =	sand.u32 $0x70, s28;
	s7 =	sand.u32 $0x1FE00, s29;
	v31 =	vadd.s32 v5, v20;
	v15 =	vadd.f32 v15, v27;
	v27 =	vld.idx.msk [tilespmem:v28+s19+$0x0], $0xffff  }
0x3e5: {  	s31 =	sor.u32 s5, s7;
	v23 =	vadd.s32 v5, v17;
	v19 =	vld.idx.msk [tilespmem:v19+s26+$0x0], $0xffff  }
0x3e6: {  	[tilespmem:s31+$0xAB80] =	vst v15;
	v15 =	vadd.f32 v21, v24;
	v28 =	vld [tilespmem:s8+$0x1E00]  }
0x3e7: {  	v13 =	vadd.s32 v3, v13;
	v21 =	vld.idx.msk [tilespmem:v29+s19+$0x0], $0xffff  }
0x3e8: {  	v14 =	vadd.s32 v3, v14;
	[tilespmem:s14+$0xAC00] =	vst v15;
	v15 =	vld.idx.msk [tilespmem:v25+s26+$0x0], $0xffff  }
0x3e9: {  	v18 =	vadd.f32 v18, v22;
	v25 =	vld.idx.msk [tilespmem:v31+s19+$0x0], $0xffff  }
0x3ea: {  	v24 =	vadd.s32 v5, v26;
	v23 =	vld.idx.msk [tilespmem:v23+s26+$0x0], $0xffff  }
0x3eb: {  	v22 =	vadd.s32 v5, v12;
	v16 =	vadd.f32 v16, v30;
	[tilespmem:s3+$0xAC80] =	vst v18;
	v30 =	vld [tilespmem:s8+$0x1DC0]  }
0x3ec: {  	v13 =	vld.idx.msk [tilespmem:v13+s19+$0x0], $0xffff  }
0x3ed: {  	v29 =	vadd.s32 v5, v8;
	v14 =	vld.idx.msk [tilespmem:v14+s26+$0x0], $0xffff  }
0x3ee: {  	v31 =	vadd.s32 v5, v10;
	v19 =	vadd.f32 v19, v27;
	v27 =	vld [tilespmem:s8+$0x1DD0];
	[tilespmem:s15+$0xAC00] =	vst v16  }
0x3ef: {  	v32 =	vadd.s32 v5, v9;
	v16 =	vld.idx.msk [tilespmem:v24+s19+$0x0], $0xffff  }
0x3f0: {  	v18 =	vld.idx.msk [tilespmem:v22+s26+$0x0], $0xffff;
	v22 =	vadd.s32 v5, v11;
	v15 =	vadd.f32 v15, v21  }
0x3f1: {  	v20 =	vadd.s32 v3, v20;
	[tilespmem:s17+$0xAC00] =	vst v19;
	v19 =	vld [tilespmem:s8+$0x1DF0];
	v21 =	vadd.f32 v23, v25;
	v23 =	vshra.s32 v28, $0x10  }
0x3f2: {  	v17 =	vadd.s32 v3, v17;
	v24 =	vand.u32 $0xFFFF, v28;
	[tilespmem:s31+$0xAC00] =	vst v15;
	v25 =	vadd.s32 v7, v23;
	v23 =	vld.idx.msk [tilespmem:v29+s26+$0x0], $0xffff  }
0x3f3: {  	v15 =	vadd.s32 v4, v24;
	v29 =	vld.idx.msk [tilespmem:v31+s19+$0x0], $0xffff  }
0x3f4: {  	v26 =	vadd.s32 v3, v26;
	v31 =	vld.idx.msk [tilespmem:v32+s26+$0x0], $0xffff  }
0x3f5: {  	v12 =	vadd.s32 v3, v12;
	v28 =	vadd.s32 v4, v25;
	[tilespmem:s14+$0xAC80] =	vst v21;
	v22 =	vld.idx.msk [tilespmem:v22+s19+$0x0], $0xffff  }
0x3f6: {  	v40 =	vand.u32 $0xFFFF, v27;
	v21 =	vshra.s32 v30, $0x10;
	v16 =	vadd.f32 v18, v16;
	v56 =	vld.idx.msk [tilespmem:v20+s19+$0x0], $0xffff  }
0x3f7: {  	v41 =	vadd.s32 v4, v40;
	v21 =	vadd.s32 v7, v21;
	v18 =	vshra.s32 v27, $0x10;
	v35 =	vld.idx.msk [tilespmem:v17+s26+$0x0], $0xffff  }
0x3f8: {  	v34 =	vadd.s32 v7, v18;
	v18 =	vshra.s32 v33, $0x10;
	v17 =	vadd.s32 v4, v21;
	v15 =	vld.idx.msk [tilespmem:v15+s19+$0x0], $0xffff;
	[tilespmem:s15+$0xAC80] =	vst v16  }
0x3f9: {  	v36 =	vadd.s32 v7, v18;
	v18 =	vshra.s32 v19, $0x10;
	v20 =	vadd.s32 v4, v34;
	v26 =	vld.idx.msk [tilespmem:v26+s19+$0x0], $0xffff  }
0x3fa: {  	v37 =	vadd.s32 v7, v18;
	v16 =	vadd.s32 v4, v36;
	v18 =	vld.idx.msk [tilespmem:v28+s26+$0x0], $0xffff  }
0x3fb: {  	v12 =	vld.idx.msk [tilespmem:v12+s26+$0x0], $0xffff;
	v28 =	vand.u32 $0xFFFF, v30;
	v30 =	vadd.s32 v4, v37  }
0x3fc: {  	v38 =	vadd.s32 v4, v28;
	v22 =	vadd.f32 v23, v22;
	v23 =	vld.idx.msk [tilespmem:v41+s19+$0x0], $0xffff  }
0x3fd: {  	v39 =	vadd.s32 v6, v24;
	v17 =	vld.idx.msk [tilespmem:v17+s26+$0x0], $0xffff  }
0x3fe: {  	s9 =	simm.s32 $0x90;
	s0 =	simm.s32 $0x240;
	v27 =	vadd.s32 v6, v25;
	v33 =	vand.u32 $0xFFFF, v33;
	v20 =	vld.idx.msk [tilespmem:v20+s26+$0x0], $0xffff  }
0x3ff: {  	s4 =	sand.u32 $0x70, s9;
	s10 =	sand.u32 $0x1FE00, s0;
	v43 =	vand.u32 $0xFFFF, v19;
	v42 =	vld.idx.msk [tilespmem:v16+s26+$0x0], $0xffff;
	v16 =	vadd.s32 v4, v33;
	v15 =	vadd.f32 v18, v15  }
0x400: {  	s13 =	sor.u32 s4, s10;
	v19 =	vld.idx.msk [tilespmem:v30+s26+$0x0], $0xffff;
	v18 =	vadd.s32 v4, v43  }
0x401: {  	v11 =	vadd.s32 v3, v11;
	v13 =	vadd.f32 v14, v13;
	v30 =	vld.idx.msk [tilespmem:v38+s19+$0x0], $0xffff;
	[tilespmem:s13+$0xAB80] =	vst v15  }
0x402: {  	v45 =	vadd.s32 v5, v25;
	v15 =	vadd.s32 v3, v8;
	v14 =	vld.idx.msk [tilespmem:v39+s19+$0x0], $0xffff  }
0x403: {  	[tilespmem:s3+$0xAD00] =	vst v13;
	v8 =	vadd.s32 v3, v9;
	v9 =	vadd.s32 v3, v10;
	v10 =	vld.idx.msk [tilespmem:v27+s26+$0x0], $0xffff  }
0x404: {  	v13 =	vadd.s32 v6, v21;
	v47 =	vadd.s32 v5, v21;
	v58 =	vadd.s32 v6, v28;
	v59 =	vld.idx.msk [tilespmem:v16+s19+$0x0], $0xffff  }
0x405: {  	s12 =	simm.s32 $0x140;
	s4 =	simm.s32 $0x50;
	v48 =	vadd.s32 v6, v43;
	[tilespmem:s17+$0xAC80] =	vst v22;
	v16 =	vadd.f32 v31, v29;
	v29 =	vld.idx.msk [tilespmem:v18+s19+$0x0], $0xffff  }
0x406: {  	s16 =	sand.u32 $0x70, s4;
	s3 =	sand.u32 $0xFE00, s12;
	v57 =	vadd.s32 v6, v36;
	v18 =	vadd.s32 v5, v24;
	v17 =	vadd.f32 v17, v30;
	v30 =	vld.idx.msk [tilespmem:v11+s19+$0x0], $0xffff  }
0x407: {  	s3 =	sor.u32 s16, s3;
	v44 =	vadd.s32 v6, v37;
	v32 =	vadd.f32 v35, v56;
	[tilespmem:s31+$0xAC80] =	vst v16;
	v46 =	vld.idx.msk [tilespmem:v15+s26+$0x0], $0xffff  }
0x408: {  	v31 =	vadd.s32 v6, v40;
	v9 =	vld.idx.msk [tilespmem:v9+s19+$0x0], $0xffff;
	[tilespmem:s3+$0xAB80] =	vst v17;
	v10 =	vadd.f32 v10, v14  }
0x409: {  	s18 =	simm.s32 $0x60;
	s22 =	simm.s32 $0x180;
	[tilespmem:s14+$0xAD00] =	vst v32;
	v12 =	vadd.f32 v12, v26;
	v27 =	vadd.s32 v6, v34;
	v39 =	vld.idx.msk [tilespmem:v58+s19+$0x0], $0xffff  }
0x40a: {  	s5 =	sand.u32 $0x70, s18;
	s7 =	sand.u32 $0x1FE00, s22;
	v11 =	vadd.s32 v6, v33;
	v14 =	vadd.f32 v20, v23;
	v13 =	vld.idx.msk [tilespmem:v13+s26+$0x0], $0xffff;
	[tilespmem:s13+$0xAC00] =	vst v10  }
0x40b: {  	s9 =	simm.s32 $0x1C0;
	s7 =	sor.u32 s5, s7;
	s8 =	simm.s32 $0x70;
	v49 =	vadd.s32 v5, v28;
	v22 =	vadd.s32 v5, v34;
	[tilespmem:s15+$0xAD00] =	vst v12;
	v50 =	vld.idx.msk [tilespmem:v18+s19+$0x0], $0xffff  }
0x40c: {  	s24 =	sand.u32 $0x1FE00, s9;
	s23 =	sand.u32 $0x70, s8;
	v12 =	vadd.s32 v3, v33;
	v41 =	vadd.f32 v42, v59;
	[tilespmem:s7+$0xAB80] =	vst v14;
	v60 =	vld.idx.msk [tilespmem:v45+s26+$0x0], $0xffff  }
0x40d: {  	s25 =	simm.s32 $0x80;
	s10 =	simm.s32 $0x200;
	s8 =	sor.u32 s23, s24;
	v16 =	vadd.s32 v5, v37;
	v15 =	vadd.s32 v5, v36;
	v23 =	vadd.s32 v5, v40;
	v61 =	vld.idx.msk [tilespmem:v31+s19+$0x0], $0xffff  }
0x40e: {  	s28 =	sand.u32 $0x70, s25;
	s29 =	sand.u32 $0x1FE00, s10;
	v20 =	vadd.s32 v5, v33;
	v19 =	vadd.f32 v19, v29;
	[tilespmem:s8+$0xAB80] =	vst v41;
	v62 =	vld.idx.msk [tilespmem:v27+s26+$0x0], $0xffff  }
0x40f: {  	s9 =	sor.u32 s28, s29;
	v17 =	vadd.s32 v3, v21;
	v21 =	vadd.s32 v3, v28;
	v27 =	vld.idx.msk [tilespmem:v11+s19+$0x0], $0xffff;
	v30 =	vadd.f32 v46, v30  }
0x410: {  	v14 =	vadd.s32 v3, v34;
	[tilespmem:s9+$0xAB80] =	vst v19;
	v29 =	vld.idx.msk [tilespmem:v57+s26+$0x0], $0xffff;
	v13 =	vadd.f32 v13, v39  }
0x411: {  	v10 =	vadd.s32 v3, v36;
	v31 =	vadd.s32 v3, v24;
	v26 =	vld.idx.msk [tilespmem:v48+s19+$0x0], $0xffff;
	[tilespmem:s17+$0xAD00] =	vst v30  }
0x412: {  	v28 =	vld.idx.msk [tilespmem:v44+s26+$0x0], $0xffff;
	v30 =	vadd.s32 v3, v25;
	[tilespmem:s3+$0xAC00] =	vst v13;
	v63 =	vadd.f32 v60, v50  }
0x413: {  	v18 =	vadd.s32 v5, v43;
	v11 =	vadd.s32 v3, v37;
	v19 =	vadd.s32 v3, v40;
	v24 =	vld.idx.msk [tilespmem:v49+s19+$0x0], $0xffff  }
0x414: {  	v13 =	vadd.s32 v3, v43;
	v32 =	vadd.f32 v62, v61;
	v25 =	vld.idx.msk [tilespmem:v47+s26+$0x0], $0xffff;
	[tilespmem:s13+$0xAC80] =	vst v63  }
.LBB2_24:
0x415: {  	s5 =	sadd.s32 $0x60, s4  }
0x416: {  	s10 =	sadd.s32 $0x70, s4;
	v31 =	vld.idx.msk [tilespmem:v31+s19+$0x0], $0xffff;
	s17 =	smov.u32 s4;
	s4 =	sadd.s32 $0x50, s4  }
0x417: {  	v27 =	vadd.f32 v29, v27;
	s12 =	sand.u32 $0x70, s4;
	s5 =	sand.u32 $0x70, s5;
	s14 =	sadd.s32 $0x80, s17;
	[tilespmem:s7+$0xAC00] =	vst v32;
	v29 =	vld.idx.msk [tilespmem:v30+s26+$0x0], $0xffff  }
0x418: {  	s0 =	sadd.s32 $0x140, s0;
	s10 =	sand.u32 $0x70, s10;
	s16 =	sand.u32 $0x70, s14;
	v23 =	vld.idx.msk [tilespmem:v23+s19+$0x0], $0xffff  }
0x419: {  	s18 =	sshra.s32 s0, $0x2;
	s15 =	sadd.s32 $0xFFFFFF40, s0;
	s14 =	sadd.s32 $0xFFFFFF00, s0;
	v26 =	vadd.f32 v28, v26;
	v22 =	vld.idx.msk [tilespmem:v22+s26+$0x0], $0xffff;
	[tilespmem:s8+$0xAC00] =	vst v27  }
0x41a: {  	s24 =	sadd.s32 $0xFFFFFF80, s0;
	s25 =	sadd.s32 $0xFFFFFFC0, s0;
	s14 =	sand.u32 $0xFE00, s14;
	v27 =	vld [tilespmem:s18+$0x1E00]  }
0x41b: {  	s28 =	sand.u32 $0x1FE00, s15;
	s24 =	sand.u32 $0x1FE00, s24;
	s25 =	sand.u32 $0x1FE00, s25;
	v24 =	vadd.f32 v25, v24;
	v28 =	vld [tilespmem:s18+$0x1DC0];
	[tilespmem:s9+$0xAC00] =	vst v26  }
0x41c: {  	s15 =	sor.u32 s12, s14;
	s14 =	sor.u32 s5, s28;
	s5 =	sor.u32 s10, s24;
	v26 =	vld [tilespmem:s18+$0x1DD0]  }
0x41d: {  	p2 =	slt.u32 s4, $0x26C0;
	s12 =	sor.u32 s16, s25;
	v25 =	vadd.f32 v29, v31;
	v30 =	vld [tilespmem:s18+$0x1DE0];
	[tilespmem:s3+$0xAC80] =	vst v24  }
0x41e: {  	v29 =	vld [tilespmem:s18+$0x1DF0]  }
0x41f: {  	v22 =	vadd.f32 v22, v23;
	v24 =	vand.u32 $0xFFFF, v27;
	v27 =	vshra.s32 v27, $0x10;
	v31 =	vld.idx.msk [tilespmem:v20+s19+$0x0], $0xffff;
	[tilespmem:s13+$0xAD00] =	vst v25  }
0x420: {  	v20 =	vshra.s32 v28, $0x10;
	v25 =	vadd.s32 v7, v27;
	v23 =	vadd.s32 v4, v24;
	v27 =	vld.idx.msk [tilespmem:v15+s26+$0x0], $0xffff  }
0x421: {  	v32 =	vadd.s32 v7, v20;
	v15 =	vshra.s32 v26, $0x10;
	v20 =	vadd.s32 v4, v25;
	[tilespmem:s7+$0xAC80] =	vst v22;
	v33 =	vld.idx.msk [tilespmem:v18+s19+$0x0], $0xffff  }
0x422: {  	v28 =	vand.u32 $0xFFFF, v28;
	v34 =	vadd.s32 v7, v15;
	v15 =	vshra.s32 v30, $0x10;
	v35 =	vld.idx.msk [tilespmem:v16+s26+$0x0], $0xffff  }
0x423: {  	v26 =	vand.u32 $0xFFFF, v26;
	v36 =	vadd.s32 v7, v15;
	v15 =	vshra.s32 v29, $0x10;
	v37 =	vld.idx.msk [tilespmem:v21+s19+$0x0], $0xffff  }
0x424: {  	v30 =	vand.u32 $0xFFFF, v30;
	v29 =	vand.u32 $0xFFFF, v29;
	v38 =	vadd.s32 v7, v15;
	v39 =	vld.idx.msk [tilespmem:v17+s26+$0x0], $0xffff  }
0x425: {  	v16 =	vadd.s32 v4, v34;
	v15 =	vadd.s32 v4, v32;
	v17 =	vadd.s32 v4, v36;
	v18 =	vld.idx.msk [tilespmem:v23+s19+$0x0], $0xffff  }
0x426: {  	v40 =	vadd.s32 v4, v26;
	v21 =	vadd.s32 v4, v28;
	v41 =	vadd.s32 v4, v38;
	v20 =	vld.idx.msk [tilespmem:v20+s26+$0x0], $0xffff  }
0x427: {  	v42 =	vadd.s32 v6, v32;
	v43 =	vadd.s32 v4, v30;
	v44 =	vadd.s32 v4, v29;
	v45 =	vld.idx.msk [tilespmem:v19+s19+$0x0], $0xffff  }
0x428: {  	v46 =	vadd.s32 v6, v34;
	v47 =	vadd.s32 v6, v36;
	v48 =	vadd.s32 v6, v38;
	v49 =	vld.idx.msk [tilespmem:v14+s26+$0x0], $0xffff  }
0x429: {  	v50 =	vadd.s32 v6, v28;
	v51 =	vadd.s32 v6, v26;
	v52 =	vadd.s32 v6, v30;
	v53 =	vld.idx.msk [tilespmem:v8+s26+$0x0], $0xffff  }
0x42a: {  	v55 =	vadd.s32 v5, v32;
	v56 =	vadd.s32 v6, v29;
	v19 =	vadd.s32 v6, v24;
	v54 =	vld.idx.msk [tilespmem:v15+s26+$0x0], $0xffff  }
0x42b: {  	s10 =	sadd.s32 $0x90, s17;
	v58 =	vadd.s32 v6, v25;
	v22 =	vadd.s32 v5, v34;
	v15 =	vadd.s32 v5, v36;
	v57 =	vld.idx.msk [tilespmem:v16+s26+$0x0], $0xffff  }
0x42c: {  	s10 =	sand.u32 $0x70, s10;
	s13 =	sand.u32 $0x1FE00, s0;
	v59 =	vadd.s32 v5, v28;
	v16 =	vadd.s32 v5, v38;
	v14 =	vadd.f32 v20, v18;
	v60 =	vld.idx.msk [tilespmem:v17+s26+$0x0], $0xffff  }
0x42d: {  	s13 =	sor.u32 s10, s13;
	v23 =	vadd.s32 v5, v26;
	v20 =	vadd.s32 v5, v30;
	v18 =	vadd.s32 v5, v29;
	v41 =	vld.idx.msk [tilespmem:v41+s26+$0x0], $0xffff  }
0x42e: {  	v27 =	vadd.f32 v27, v31;
	v31 =	vadd.f32 v35, v33;
	v8 =	vmov v11;
	v61 =	vld.idx.msk [tilespmem:v21+s19+$0x0], $0xffff;
	[tilespmem:s13+$0xAB80] =	vst v14  }
0x42f: {  	v17 =	vadd.s32 v3, v32;
	v32 =	vadd.s32 v3, v36;
	v14 =	vadd.s32 v3, v34;
	v33 =	vld.idx.msk [tilespmem:v19+s19+$0x0], $0xffff  }
0x430: {  	v11 =	vadd.s32 v3, v38;
	v21 =	vadd.s32 v3, v28;
	v28 =	vld.idx.msk [tilespmem:v58+s26+$0x0], $0xffff;
	[tilespmem:s8+$0xAC80] =	vst v27  }
0x431: {  	v19 =	vadd.s32 v3, v26;
	v26 =	vadd.s32 v3, v30;
	v27 =	vld.idx.msk [tilespmem:v40+s19+$0x0], $0xffff;
	[tilespmem:s9+$0xAC80] =	vst v31  }
0x432: {  	v29 =	vadd.s32 v3, v29;
	v34 =	vadd.f32 v49, v45;
	v31 =	vadd.f32 v39, v37;
	v30 =	vld.idx.msk [tilespmem:v43+s19+$0x0], $0xffff  }
0x433: {  	v36 =	vadd.f32 v53, v9;
	v35 =	vld.idx.msk [tilespmem:v44+s19+$0x0], $0xffff  }
0x434: {  	v37 =	vadd.s32 v5, v24;
	v9 =	vadd.f32 v54, v61;
	[tilespmem:s3+$0xAD00] =	vst v31;
	v31 =	vld.idx.msk [tilespmem:v12+s19+$0x0], $0xffff;
	v12 =	vmov v26;
	s3 =	smov.u32 s15  }
0x435: {  	v26 =	vadd.s32 v5, v25;
	[tilespmem:s7+$0xAD00] =	vst v34;
	v34 =	vld.idx.msk [tilespmem:v10+s26+$0x0], $0xffff;
	v10 =	vmov v32;
	s7 =	smov.u32 s14  }
0x436: {  	v28 =	vadd.f32 v28, v33;
	[tilespmem:s3+$0xAB80] =	vst v9;
	v9 =	vld.idx.msk [tilespmem:v13+s19+$0x0], $0xffff;
	v13 =	vmov v29  }
0x437: {  	v27 =	vadd.f32 v57, v27;
	v29 =	vld.idx.msk [tilespmem:v50+s19+$0x0], $0xffff;
	[tilespmem:s31+$0xAD00] =	vst v36;
	s31 =	smov.u32 s9;
	s9 =	smov.u32 s12  }
0x438: {  	v30 =	vadd.f32 v60, v30;
	v32 =	vld.idx.msk [tilespmem:v42+s26+$0x0], $0xffff;
	[tilespmem:s13+$0xAC00] =	vst v28  }
0x439: {  	[tilespmem:s7+$0xAB80] =	vst v27;
	v27 =	vadd.f32 v41, v35;
	v33 =	vld.idx.msk [tilespmem:v37+s19+$0x0], $0xffff  }
0x43a: {  	[tilespmem:s5+$0xAB80] =	vst v30;
	v35 =	vld.idx.msk [tilespmem:v26+s26+$0x0], $0xffff  }
0x43b: {  	v26 =	vadd.f32 v34, v31;
	v36 =	vld.idx.msk [tilespmem:v51+s19+$0x0], $0xffff;
	[tilespmem:s9+$0xAB80] =	vst v27  }
0x43c: {  	v34 =	vld.idx.msk [tilespmem:v46+s26+$0x0], $0xffff  }
0x43d: {  	v27 =	vld.idx.msk [tilespmem:v52+s19+$0x0], $0xffff;
	[tilespmem:s8+$0xAD00] =	vst v26;
	s8 =	smov.u32 s5  }
.Ltmp16:
0x43e: {  	v31 =	vadd.s32 v3, v24;
	v28 =	vadd.f32 v32, v29;
	v29 =	vld.idx.msk [tilespmem:v47+s26+$0x0], $0xffff;
	(pc) =	sbr.rel @p2 .LBB2_24-.Ltmp16, $4  }
0x43f: {  	v30 =	vadd.s32 v3, v25;
	v26 =	vld.idx.msk [tilespmem:v56+s19+$0x0], $0xffff  }
0x440: {  	v33 =	vadd.f32 v35, v33;
	[tilespmem:s3+$0xAC00] =	vst v28;
	v28 =	vld.idx.msk [tilespmem:v48+s26+$0x0], $0xffff  }
0x441: {  	v24 =	vld.idx.msk [tilespmem:v59+s19+$0x0], $0xffff  }
0x442: {  	v32 =	vadd.f32 v34, v36;
	v25 =	vld.idx.msk [tilespmem:v55+s26+$0x0], $0xffff;
	[tilespmem:s13+$0xAC80] =	vst v33  }
0x443: {  	_ =	sdelay $0x3  }
0x444: {  	v3 =	vld.idx.msk [tilespmem:v31+s19+$0x0], $0xffff  }
0x445: {  	v4 =	vadd.f32 v29, v27;
	v7 =	vld.idx.msk [tilespmem:v30+s26+$0x0], $0xffff;
	[tilespmem:s7+$0xAC00] =	vst v32  }
0x446: {  	v5 =	vld.idx.msk [tilespmem:v23+s19+$0x0], $0xffff  }
0x447: {  	v6 =	vld.idx.msk [tilespmem:v22+s26+$0x0], $0xffff;
	[tilespmem:s8+$0xAC00] =	vst v4;
	v52 =	vadd.f32 v28, v26  }
0x448: {  	v20 =	vld.idx.msk [tilespmem:v20+s19+$0x0], $0xffff  }
0x449: {  	v54 =	vld.idx.msk [tilespmem:v15+s26+$0x0], $0xffff;
	[tilespmem:s9+$0xAC00] =	vst v52  }
0x44a: {  	v53 =	vadd.f32 v25, v24;
	v55 =	vld.idx.msk [tilespmem:v18+s19+$0x0], $0xffff  }
0x44b: {  	v56 =	vld.idx.msk [tilespmem:v16+s26+$0x0], $0xffff  }
0x44c: {  	v8 =	vld.idx.msk [tilespmem:v8+s26+$0x0], $0xffff;
	[tilespmem:s3+$0xAC80] =	vst v53;
	v5 =	vadd.f32 v6, v5  }
0x44d: {  	v57 =	vld.idx.msk [tilespmem:v21+s19+$0x0], $0xffff  }
0x44e: {  	v58 =	vld.idx.msk [tilespmem:v17+s26+$0x0], $0xffff;
	v4 =	vadd.f32 v54, v20;
	[tilespmem:s7+$0xAC80] =	vst v5  }
0x44f: {  	v59 =	vld.idx.msk [tilespmem:v19+s19+$0x0], $0xffff  }
0x450: {  	v14 =	vld.idx.msk [tilespmem:v14+s26+$0x0], $0xffff;
	v6 =	vadd.f32 v56, v55;
	[tilespmem:s8+$0xAC80] =	vst v4  }
0x451: {  	v4 =	vld.idx.msk [tilespmem:v12+s19+$0x0], $0xffff  }
0x452: {  	v60 =	vld.idx.msk [tilespmem:v10+s26+$0x0], $0xffff;
	[tilespmem:s9+$0xAC80] =	vst v6  }
0x453: {  	v61 =	vld.idx.msk [tilespmem:v13+s19+$0x0], $0xffff  }
0x454: {  	v3 =	vadd.f32 v7, v3;
	v62 =	vld.idx.msk [tilespmem:v11+s26+$0x0], $0xffff  }
0x455: {  	v8 =	vadd.f32 v8, v9  }
0x456: {  	[tilespmem:s13+$0xAD00] =	vst v3;
	v3 =	vadd.f32 v14, v59  }
0x457: {  	[tilespmem:s31+$0xAD00] =	vst v8;
	v5 =	vadd.f32 v58, v57  }
0x458: {  	[tilespmem:s7+$0xAD00] =	vst v3;
	v3 =	vadd.f32 v60, v4  }
0x459: {  	[tilespmem:s3+$0xAD00] =	vst v5;
	v63 =	vadd.f32 v62, v61  }
0x45a: {  	[tilespmem:s8+$0xAD00] =	vst v3  }
0x45b: {  	[tilespmem:s9+$0xAD00] =	vst v63  }
.LBB2_26:
0x45c: {  	s0 =	rddreg [dreg:$0x9]  }
0x45d: {  	s0 =	sadd.s32 s0, s30  }
0x45e: {  	s31 =	smul.u32 $0x2780, s0;
	_ =	sdelay $0x1  }
0x45f: {  	s3 =	simm.s32 $0xAB80;
	s0 =	sadd.s32 s6, s31  }
0x460: {  	[hbm4b:s0+s20] =	stream.strided.scatter [tilespmem:s3], [sflag:$0x1], $0x9E00, s21, s20, $0x38;
	[tilespmem:$0x1E780] =	vst v63  }
.Ltmp17:
0x461: {  	_ = 	snop;
	(pc) =	sbr.rel @p0 .LBB2_30-.Ltmp17, $4  }
0x462: {  	s0 =	simm.s32 @!p1 $0x2  }
0x463: {  	s25 =	sor.u32 $0x4, s1;
	s28 =	sor.u32 $0x5, s1;
	_ =	swait.ge @!p1 [sflag:s0], $0x9E00  }
0x464: {  	s4 =	sor.u32 $0x6, s1;
	s29 =	sor.u32 $0x7, s1;
	v4 =	vmov s25;
	[sflag:s0] =	ssyncset.done @!p1 $0x0  }
0x465: {  	s1 =	simm.s32 $0x40;
	v6 =	vmov s28;
	v5 =	vmov s4;
	v3 =	vmov s29;
	[sflag:s0] =	ssyncadd.s32 @!p1 $0xFFFF6200;
	s0 =	simm.s32 $0x100  }
0x466: {  	v7 =	vld [tilespmem:s1+$0x1E00]  }
0x467: {  	v8 =	vld [tilespmem:s1+$0x1DC0]  }
0x468: {  	v9 =	vld [tilespmem:s1+$0x1DD0]  }
0x469: {  	v10 =	vld [tilespmem:s1+$0x1DE0];
	_ =	sdelay $0x1  }
0x46a: {  	v11 =	vld [tilespmem:s1+$0x1DF0];
	v12 =	vand.u32 $0xFFFF, v7  }
0x46b: {  	v8 =	vand.u32 $0xFFFF, v8;
	v13 =	vadd.s32 v4, v12  }
0x46c: {  	v9 =	vand.u32 $0xFFFF, v9;
	v14 =	vadd.s32 v4, v8  }
0x46d: {  	v10 =	vand.u32 $0xFFFF, v10;
	v15 =	vadd.s32 v4, v9  }
0x46e: {  	v16 =	vadd.s32 v4, v10  }
0x46f: {  	v7 =	vand.u32 $0xFFFF, v11  }
0x470: {  	s16 =	simm.s32 $0x0;
	v11 =	vadd.s32 v4, v7;
	v13 =	vld.idx.msk [tilespmem:v13+s19+$0x0], $0xffff  }
0x471: {  	s3 =	simm.s32 $0x10;
	s4 =	simm.s32 $0x20;
	s7 =	simm.s32 $0x40;
	v17 =	vadd.s32 v6, v12;
	v14 =	vld.idx.msk [tilespmem:v14+s19+$0x0], $0xffff  }
0x472: {  	s8 =	simm.s32 $0x0;
	s0 =	sand.u32 $0x1FE00, s0;
	s9 =	simm.s32 $0x40;
	v18 =	vadd.s32 v6, v8;
	v15 =	vld.idx.msk [tilespmem:v15+s19+$0x0], $0xffff  }
0x473: {  	s17 =	simm.s32 $0x80;
	s22 =	simm.s32 $0x90;
	s7 =	sand.u32 $0x70, s7;
	v19 =	vadd.s32 v6, v9;
	v16 =	vld.idx.msk [tilespmem:v16+s19+$0x0], $0xffff  }
0x474: {  	s1 =	sand.u32 $0x70, s16;
	s8 =	sand.u32 $0xFE00, s8;
	v24 =	vld [tilespmem:s22+$0x1DF0];
	s0 =	sor.u32 s7, s0;
	v20 =	vadd.s32 v6, v10  }
0x475: {  	s3 =	sand.u32 $0x70, s3;
	s9 =	sand.u32 $0x1FE00, s9;
	s8 =	sor.u32 s1, s8;
	v11 =	vld.idx.msk [tilespmem:v11+s19+$0x0], $0xffff;
	[tilespmem:s0+$0x14980] =	vst v13  }
0x476: {  	s4 =	sand.u32 $0x70, s4;
	s7 =	sand.u32 $0x1FE00, s17;
	s3 =	sor.u32 s3, s9;
	v21 =	vadd.s32 v6, v7;
	[tilespmem:s8+$0x14980] =	vst v14;
	v13 =	vld.idx.msk [tilespmem:v17+s19+$0x0], $0xffff  }
0x477: {  	s5 =	simm.s32 $0x30;
	s18 =	simm.s32 $0xC0;
	s7 =	sor.u32 s4, s7;
	[tilespmem:s3+$0x14980] =	vst v15;
	v14 =	vld.idx.msk [tilespmem:v18+s19+$0x0], $0xffff  }
0x478: {  	s5 =	sand.u32 $0x70, s5;
	s1 =	sand.u32 $0x1FE00, s18;
	[tilespmem:s7+$0x14980] =	vst v16;
	v17 =	vld.idx.msk [tilespmem:v19+s19+$0x0], $0xffff  }
0x479: {  	s10 =	sor.u32 s5, s1;
	v16 =	vld.idx.msk [tilespmem:v20+s19+$0x0], $0xffff  }
0x47a: {  	v15 =	vadd.s32 v5, v12;
	[tilespmem:s10+$0x14980] =	vst v11;
	v18 =	vld [tilespmem:s22+$0x1E00]  }
0x47b: {  	v23 =	vadd.s32 v5, v10;
	v11 =	vld.idx.msk [tilespmem:v21+s19+$0x0], $0xffff  }
0x47c: {  	s1 =	sadd.s32 $0x14980, s0;
	v25 =	vadd.s32 v5, v7;
	v19 =	vld [tilespmem:s22+$0x1DC0]  }
0x47d: {  	s4 =	sadd.s32 $0x14980, s8;
	v20 =	vadd.s32 v5, v9;
	v21 =	vld [tilespmem:s22+$0x1DD0];
	[tilespmem:s1+$0x80] =	vst v13  }
0x47e: {  	v22 =	vld [tilespmem:s22+$0x1DE0];
	s9 =	sadd.s32 $0x14980, s7;
	[tilespmem:s4+$0x80] =	vst v14  }
0x47f: {  	s0 =	sadd.s32 $0x14980, s10;
	v14 =	vand.u32 $0xFFFF, v18;
	[tilespmem:s9+$0x80] =	vst v16;
	v13 =	vld.idx.msk [tilespmem:v15+s19+$0x0], $0xffff;
	v15 =	vadd.s32 v5, v8  }
0x480: {  	s5 =	sadd.s32 $0x14980, s3;
	[tilespmem:s0+$0x80] =	vst v11;
	v18 =	vadd.s32 v4, v14;
	v11 =	vld.idx.msk [tilespmem:v23+s19+$0x0], $0xffff  }
0x481: {  	[tilespmem:s5+$0x80] =	vst v17;
	v23 =	vand.u32 $0xFFFF, v24;
	v24 =	vld.idx.msk [tilespmem:v25+s19+$0x0], $0xffff  }
0x482: {  	v12 =	vadd.s32 v3, v12;
	v17 =	vand.u32 $0xFFFF, v19;
	v19 =	vld.idx.msk [tilespmem:v20+s19+$0x0], $0xffff;
	v20 =	vand.u32 $0xFFFF, v21  }
0x483: {  	v16 =	vadd.s32 v4, v20  }
0x484: {  	s23 =	simm.s32 $0x50;
	v15 =	vld.idx.msk [tilespmem:v15+s19+$0x0], $0xffff;
	[tilespmem:s1+$0x100] =	vst v13;
	v13 =	vadd.s32 v4, v17  }
0x485: {  	s3 =	sand.u32 $0x70, s23;
	s23 =	simm.s32 $0xE0;
	v21 =	vand.u32 $0xFFFF, v22;
	v25 =	vadd.s32 v4, v23;
	v18 =	vld.idx.msk [tilespmem:v18+s19+$0x0], $0xffff  }
0x486: {  	v22 =	vadd.s32 v4, v21;
	[tilespmem:s0+$0x100] =	vst v24;
	v24 =	vld [tilespmem:s23+$0x1DE0]  }
0x487: {  	v9 =	vadd.s32 v3, v9;
	v12 =	vld.idx.msk [tilespmem:v12+s19+$0x0], $0xffff  }
0x488: {  	s24 =	simm.s32 $0x60;
	v8 =	vadd.s32 v3, v8;
	v16 =	vld.idx.msk [tilespmem:v16+s19+$0x0], $0xffff  }
0x489: {  	s25 =	simm.s32 $0x70;
	s28 =	simm.s32 $0x80;
	s12 =	simm.s32 $0x240;
	v26 =	vadd.s32 v6, v14;
	v13 =	vld.idx.msk [tilespmem:v13+s19+$0x0], $0xffff  }
0x48a: {  	s13 =	simm.s32 $0x90;
	s14 =	simm.s32 $0x140;
	s15 =	simm.s32 $0x180;
	v10 =	vadd.s32 v3, v10;
	[tilespmem:s4+$0x100] =	vst v15;
	v15 =	vld.idx.msk [tilespmem:v25+s19+$0x0], $0xffff  }
0x48b: {  	s13 =	sand.u32 $0x70, s13;
	s12 =	sand.u32 $0x1FE00, s12;
	s14 =	sand.u32 $0xFE00, s14;
	[tilespmem:s5+$0x100] =	vst v19;
	v22 =	vld.idx.msk [tilespmem:v22+s19+$0x0], $0xffff  }
0x48c: {  	s16 =	simm.s32 $0x1C0;
	s12 =	sor.u32 s13, s12;
	s17 =	simm.s32 $0x200;
	v28 =	vadd.s32 v6, v20;
	[tilespmem:s9+$0x100] =	vst v11;
	v9 =	vld.idx.msk [tilespmem:v9+s19+$0x0], $0xffff  }
0x48d: {  	s18 =	sand.u32 $0x70, s28;
	s3 =	sor.u32 s3, s14;
	s22 =	sand.u32 $0x1FE00, s17;
	[tilespmem:s12+$0x14980] =	vst v18;
	v8 =	vld.idx.msk [tilespmem:v8+s19+$0x0], $0xffff  }
0x48e: {  	s15 =	sand.u32 $0x1FE00, s15;
	s7 =	sand.u32 $0x70, s24;
	s10 =	sor.u32 s18, s22;
	[tilespmem:s3+$0x14980] =	vst v13;
	v13 =	vld.idx.msk [tilespmem:v26+s19+$0x0], $0xffff  }
0x48f: {  	s13 =	sand.u32 $0x1FE00, s16;
	s8 =	sand.u32 $0x70, s25;
	s15 =	sor.u32 s7, s15;
	v27 =	vadd.s32 v6, v17;
	[tilespmem:s10+$0x14980] =	vst v15;
	v15 =	vld.idx.msk [tilespmem:v10+s19+$0x0], $0xffff  }
0x490: {  	s13 =	sor.u32 s8, s13;
	v19 =	vadd.s32 v6, v23;
	[tilespmem:s15+$0x14980] =	vst v16;
	v10 =	vld [tilespmem:s23+$0x1E00]  }
0x491: {  	[tilespmem:s13+$0x14980] =	vst v22;
	v22 =	vadd.s32 v5, v14;
	v16 =	vld.idx.msk [tilespmem:v28+s19+$0x0], $0xffff  }
0x492: {  	v25 =	vadd.s32 v6, v21;
	[tilespmem:s1+$0x180] =	vst v12;
	v12 =	vld [tilespmem:s23+$0x1DD0]  }
0x493: {  	v29 =	vadd.s32 v3, v7;
	v26 =	vld [tilespmem:s23+$0x1DC0]  }
0x494: {  	s12 =	sadd.s32 $0x14980, s12;
	v18 =	vld.idx.msk [tilespmem:v27+s19+$0x0], $0xffff  }
0x495: {  	s8 =	sadd.s32 $0x14980, s15;
	v11 =	vld.idx.msk [tilespmem:v19+s19+$0x0], $0xffff;
	[tilespmem:s12+$0x80] =	vst v13;
	v13 =	vadd.s32 v5, v17;
	v7 =	vand.u32 $0xFFFF, v10  }
0x496: {  	[tilespmem:s8+$0x80] =	vst v16;
	v19 =	vld.idx.msk [tilespmem:v22+s19+$0x0], $0xffff;
	v16 =	vadd.s32 v4, v7  }
0x497: {  	v14 =	vadd.s32 v3, v14;
	v25 =	vld.idx.msk [tilespmem:v25+s19+$0x0], $0xffff  }
0x498: {  	s7 =	sadd.s32 $0x14980, s3;
	v27 =	vadd.s32 v5, v21;
	v10 =	vld.idx.msk [tilespmem:v29+s19+$0x0], $0xffff  }
0x499: {  	s1 =	sadd.s32 $0x14980, s10;
	v28 =	vadd.s32 v5, v23;
	[tilespmem:s7+$0x80] =	vst v18;
	v18 =	vld [tilespmem:s23+$0x1DF0]  }
0x49a: {  	v30 =	vand.u32 $0xFFFF, v12;
	v22 =	vadd.s32 v5, v20;
	[tilespmem:s1+$0x80] =	vst v11;
	v13 =	vld.idx.msk [tilespmem:v13+s19+$0x0], $0xffff  }
0x49b: {  	s3 =	sadd.s32 $0x14980, s13;
	v26 =	vand.u32 $0xFFFF, v26;
	v11 =	vadd.s32 v4, v30;
	[tilespmem:s12+$0x100] =	vst v19;
	v32 =	vld.idx.msk [tilespmem:v16+s19+$0x0], $0xffff  }
0x49c: {  	s24 =	simm.s32 $0xB0;
	[tilespmem:s3+$0x80] =	vst v25;
	v19 =	vadd.s32 v4, v26;
	v12 =	vld.idx.msk [tilespmem:v14+s19+$0x0], $0xffff  }
0x49d: {  	s18 =	simm.s32 $0xD0;
	s22 =	sand.u32 $0x70, s24;
	s24 =	simm.s32 $0x280;
	[tilespmem:s5+$0x180] =	vst v9;
	v29 =	vadd.s32 v3, v17;
	v14 =	vand.u32 $0xFFFF, v24;
	v24 =	vld.idx.msk [tilespmem:v27+s19+$0x0], $0xffff  }
0x49e: {  	s13 =	simm.s32 $0x380;
	[tilespmem:s4+$0x180] =	vst v8;
	s23 =	sand.u32 $0x70, s18;
	v35 =	vadd.s32 v6, v7;
	s18 =	simm.s32 $0xE0;
	v28 =	vld.idx.msk [tilespmem:v28+s19+$0x0], $0xffff  }
0x49f: {  	s15 =	sand.u32 $0xFE00, s24;
	s24 =	sand.u32 $0x1FE00, s13;
	[tilespmem:s9+$0x180] =	vst v15;
	s18 =	sand.u32 $0x70, s18;
	v22 =	vld.idx.msk [tilespmem:v22+s19+$0x0], $0xffff;
	v27 =	vand.u32 $0xFFFF, v18;
	v25 =	vadd.s32 v4, v14  }
0x4a0: {  	v33 =	vadd.s32 v3, v20;
	s29 =	sor.u32 s18, s24;
	v34 =	vld.idx.msk [tilespmem:v11+s19+$0x0], $0xffff;
	v31 =	vadd.s32 v4, v27;
	[tilespmem:s7+$0x100] =	vst v13  }
0x4a1: {  	s16 =	simm.s32 $0x2C0;
	v9 =	vadd.s32 v3, v21;
	v8 =	vadd.s32 v3, v23;
	v21 =	vld.idx.msk [tilespmem:v19+s19+$0x0], $0xffff;
	[tilespmem:s29+$0x14980] =	vst v32  }
0x4a2: {  	s16 =	sand.u32 $0x1FE00, s16;
	s25 =	simm.s32 $0xC0;
	v17 =	vadd.s32 v5, v30;
	v36 =	vadd.s32 v6, v26;
	[tilespmem:s3+$0x100] =	vst v24;
	v24 =	vld.idx.msk [tilespmem:v29+s19+$0x0], $0xffff  }
0x4a3: {  	s17 =	simm.s32 $0x340;
	s16 =	sor.u32 s22, s16;
	s4 =	simm.s32 $0xA0;
	v16 =	vadd.s32 v5, v26;
	[tilespmem:s12+$0x180] =	vst v12;
	v12 =	vadd.s32 v3, v26;
	v26 =	vld.idx.msk [tilespmem:v35+s19+$0x0], $0xffff  }
0x4a4: {  	s5 =	sand.u32 $0x70, s25;
	s25 =	simm.s32 $0x300;
	s28 =	sand.u32 $0x70, s4;
	v11 =	vadd.s32 v3, v30;
	[tilespmem:s1+$0x100] =	vst v28;
	v19 =	vadd.s32 v6, v30;
	v23 =	vld.idx.msk [tilespmem:v25+s19+$0x0], $0xffff  }
0x4a5: {  	s14 =	sor.u32 s28, s15;
	s28 =	sand.u32 $0x1FE00, s17;
	v18 =	vadd.s32 v6, v14;
	v20 =	vadd.s32 v6, v27;
	[tilespmem:s8+$0x100] =	vst v22;
	s12 =	sand.u32 $0x1FE00, s25;
	v22 =	vld.idx.msk [tilespmem:v31+s19+$0x0], $0xffff  }
0x4a6: {  	s9 =	sadd.s32 $0x14980, s14;
	v15 =	vadd.s32 v5, v14;
	v13 =	vadd.s32 v5, v27;
	v25 =	vld.idx.msk [tilespmem:v33+s19+$0x0], $0xffff;
	s12 =	sor.u32 s5, s12;
	s5 =	sor.u32 s23, s28;
	[tilespmem:s14+$0x14980] =	vst v21  }
0x4a7: {  	[tilespmem:s16+$0x14980] =	vst v34;
	s17 =	sadd.s32 $0x14980, s12;
	s15 =	sadd.s32 $0x14980, s5;
	s14 =	sadd.s32 $0x14980, s16;
	v21 =	vadd.s32 v3, v14;
	v14 =	vadd.s32 v3, v27;
	v27 =	vld.idx.msk [tilespmem:v36+s19+$0x0], $0xffff  }
.LBB2_28:
0x4a8: {  	s10 =	sadd.s32 $0x60, s4  }
0x4a9: {  	s16 =	sadd.s32 $0x70, s4;
	v19 =	vld.idx.msk [tilespmem:v19+s19+$0x0], $0xffff;
	[tilespmem:s12+$0x14980] =	vst v23;
	v23 =	vadd.s32 v5, v7;
	s24 =	smov.u32 s4;
	s4 =	sadd.s32 $0x50, s4  }
0x4aa: {  	s12 =	sand.u32 $0x70, s4;
	s10 =	sand.u32 $0x70, s10;
	s18 =	sadd.s32 $0x80, s24;
	v18 =	vld.idx.msk [tilespmem:v18+s19+$0x0], $0xffff;
	[tilespmem:s5+$0x14980] =	vst v22  }
0x4ab: {  	s13 =	sadd.s32 $0x140, s13;
	s5 =	sand.u32 $0x70, s16;
	s16 =	sand.u32 $0x70, s18;
	v20 =	vld.idx.msk [tilespmem:v20+s19+$0x0], $0xffff;
	[tilespmem:s7+$0x180] =	vst v24  }
0x4ac: {  	s29 =	sadd.s32 $0x14980, s29;
	s7 =	sshra.s32 s13, $0x2;
	s18 =	sadd.s32 $0xFFFFFF00, s13;
	[tilespmem:s8+$0x180] =	vst v25;
	v22 =	vld.idx.msk [tilespmem:v9+s19+$0x0], $0xffff;
	v9 =	vmov v21  }
0x4ad: {  	s25 =	sadd.s32 $0xFFFFFF80, s13;
	s22 =	sadd.s32 $0xFFFFFFC0, s13;
	s8 =	sadd.s32 $0xFFFFFF40, s13;
	v21 =	vld [tilespmem:s7+$0x1E00];
	[tilespmem:s29+$0x80] =	vst v26  }
0x4ae: {  	s23 =	sand.u32 $0x1FE00, s25;
	s18 =	sand.u32 $0xFE00, s18;
	s8 =	sand.u32 $0x1FE00, s8;
	[tilespmem:s9+$0x80] =	vst v27;
	v23 =	vld.idx.msk [tilespmem:v23+s19+$0x0], $0xffff  }
0x4af: {  	s28 =	sor.u32 s12, s18;
	s25 =	sor.u32 s10, s8;
	s8 =	sand.u32 $0x1FE00, s22;
	v24 =	vld [tilespmem:s7+$0x1DC0];
	[tilespmem:s14+$0x80] =	vst v19  }
0x4b0: {  	s12 =	sor.u32 s5, s23;
	s10 =	sadd.s32 $0x14980, s28;
	s5 =	sor.u32 s16, s8;
	v19 =	vld [tilespmem:s7+$0x1DD0];
	[tilespmem:s17+$0x80] =	vst v18;
	v18 =	vadd.s32 v3, v7  }
0x4b1: {  	s18 =	sadd.s32 $0x14980, s12;
	s16 =	sadd.s32 $0x14980, s25;
	s22 =	sadd.s32 $0x14980, s5;
	v25 =	vld [tilespmem:s7+$0x1DE0];
	[tilespmem:s15+$0x80] =	vst v20  }
0x4b2: {  	p1 =	slt.u32 s4, $0x26C0;
	v20 =	vld [tilespmem:s7+$0x1DF0];
	[tilespmem:s3+$0x180] =	vst v22;
	s7 =	smov.u32 s9;
	s9 =	smov.u32 s10  }
0x4b3: {  	s8 =	smov.u32 s14;
	s14 =	smov.u32 s16;
	v7 =	vand.u32 $0xFFFF, v21;
	s3 =	smov.u32 s17;
	v21 =	vld.idx.msk [tilespmem:v16+s19+$0x0], $0xffff;
	[tilespmem:s0+$0x180] =	vst v10  }
0x4b4: {  	s17 =	smov.u32 s18;
	s0 =	smov.u32 s1;
	s1 =	smov.u32 s15;
	v22 =	vand.u32 $0xFFFF, v24;
	v24 =	vadd.s32 v4, v7;
	v26 =	vld.idx.msk [tilespmem:v17+s19+$0x0], $0xffff;
	[tilespmem:s29+$0x100] =	vst v23  }
0x4b5: {  	s15 =	smov.u32 s22;
	v23 =	vadd.s32 v4, v22;
	v27 =	vadd.s32 v6, v22;
	v28 =	vand.u32 $0xFFFF, v19;
	v29 =	vld.idx.msk [tilespmem:v18+s19+$0x0], $0xffff  }
0x4b6: {  	v30 =	vadd.s32 v4, v28;
	v19 =	vadd.s32 v6, v28;
	v25 =	vand.u32 $0xFFFF, v25;
	v31 =	vld.idx.msk [tilespmem:v15+s19+$0x0], $0xffff  }
0x4b7: {  	v32 =	vadd.s32 v4, v25;
	v18 =	vadd.s32 v6, v25;
	v33 =	vand.u32 $0xFFFF, v20;
	v34 =	vld.idx.msk [tilespmem:v13+s19+$0x0], $0xffff  }
0x4b8: {  	v16 =	vadd.s32 v5, v22;
	v35 =	vadd.s32 v4, v33;
	v20 =	vadd.s32 v6, v33;
	v10 =	vld.idx.msk [tilespmem:v8+s19+$0x0], $0xffff  }
0x4b9: {  	v17 =	vadd.s32 v5, v28;
	v15 =	vadd.s32 v5, v25;
	v13 =	vadd.s32 v5, v33;
	v36 =	vld.idx.msk [tilespmem:v24+s19+$0x0], $0xffff  }
0x4ba: {  	v38 =	vadd.s32 v3, v22;
	v28 =	vadd.s32 v3, v28;
	v8 =	vmov v14;
	v37 =	vld.idx.msk [tilespmem:v23+s19+$0x0], $0xffff;
	[tilespmem:s7+$0x100] =	vst v21  }
0x4bb: {  	v39 =	vadd.s32 v6, v7;
	v21 =	vadd.s32 v3, v25;
	v30 =	vld.idx.msk [tilespmem:v30+s19+$0x0], $0xffff;
	[tilespmem:s29+$0x180] =	vst v29  }
0x4bc: {  	s10 =	sadd.s32 $0x90, s24;
	v14 =	vadd.s32 v3, v33;
	v23 =	vld.idx.msk [tilespmem:v32+s19+$0x0], $0xffff;
	[tilespmem:s8+$0x100] =	vst v26  }
.Ltmp18:
0x4bd: {  	s16 =	sand.u32 $0x1FE00, s13;
	s10 =	sand.u32 $0x70, s10;
	v22 =	vld.idx.msk [tilespmem:v35+s19+$0x0], $0xffff;
	[tilespmem:s3+$0x100] =	vst v31;
	(pc) =	sbr.rel @p1 .LBB2_28-.Ltmp18, $4  }
0x4be: {  	s29 =	sor.u32 s10, s16;
	v24 =	vld.idx.msk [tilespmem:v12+s19+$0x0], $0xffff;
	[tilespmem:s1+$0x100] =	vst v34;
	v12 =	vmov v38  }
0x4bf: {  	[tilespmem:s29+$0x14980] =	vst v36;
	v25 =	vld.idx.msk [tilespmem:v11+s19+$0x0], $0xffff;
	v11 =	vmov v28  }
0x4c0: {  	[tilespmem:s28+$0x14980] =	vst v37;
	v26 =	vld.idx.msk [tilespmem:v39+s19+$0x0], $0xffff  }
0x4c1: {  	v27 =	vld.idx.msk [tilespmem:v27+s19+$0x0], $0xffff;
	[tilespmem:s25+$0x14980] =	vst v30  }
0x4c2: {  	_ =	sdelay $0x1  }
0x4c3: {  	[tilespmem:s12+$0x14980] =	vst v23;
	v4 =	vadd.s32 v5, v7  }
0x4c4: {  	[tilespmem:s5+$0x14980] =	vst v22  }
0x4c5: {  	v58 =	vld.idx.msk [tilespmem:v19+s19+$0x0], $0xffff;
	[tilespmem:s0+$0x180] =	vst v10  }
0x4c6: {  	s4 =	sadd.s32 $0x14980, s29;
	v6 =	vld.idx.msk [tilespmem:v18+s19+$0x0], $0xffff;
	[tilespmem:s7+$0x180] =	vst v24  }
0x4c7: {  	v59 =	vld.idx.msk [tilespmem:v20+s19+$0x0], $0xffff;
	[tilespmem:s4+$0x80] =	vst v26  }
0x4c8: {  	[tilespmem:s8+$0x180] =	vst v25;
	v4 =	vld.idx.msk [tilespmem:v4+s19+$0x0], $0xffff  }
0x4c9: {  	v9 =	vld.idx.msk [tilespmem:v9+s19+$0x0], $0xffff;
	v3 =	vadd.s32 v3, v7;
	[tilespmem:s9+$0x80] =	vst v27  }
0x4ca: {  	[tilespmem:s14+$0x80] =	vst v58;
	v60 =	vld.idx.msk [tilespmem:v16+s19+$0x0], $0xffff  }
0x4cb: {  	[tilespmem:s17+$0x80] =	vst v6;
	v61 =	vld.idx.msk [tilespmem:v17+s19+$0x0], $0xffff  }
0x4cc: {  	[tilespmem:s15+$0x80] =	vst v59;
	v62 =	vld.idx.msk [tilespmem:v15+s19+$0x0], $0xffff  }
0x4cd: {  	v63 =	vld.idx.msk [tilespmem:v13+s19+$0x0], $0xffff;
	[tilespmem:s4+$0x100] =	vst v4  }
0x4ce: {  	[tilespmem:s3+$0x180] =	vst v9;
	v3 =	vld.idx.msk [tilespmem:v3+s19+$0x0], $0xffff  }
0x4cf: {  	v8 =	vld.idx.msk [tilespmem:v8+s19+$0x0], $0xffff;
	[tilespmem:s9+$0x100] =	vst v60  }
0x4d0: {  	[tilespmem:s14+$0x100] =	vst v61;
	v5 =	vld.idx.msk [tilespmem:v12+s19+$0x0], $0xffff  }
0x4d1: {  	[tilespmem:s17+$0x100] =	vst v62;
	v6 =	vld.idx.msk [tilespmem:v11+s19+$0x0], $0xffff  }
0x4d2: {  	[tilespmem:s15+$0x100] =	vst v63;
	v7 =	vld.idx.msk [tilespmem:v21+s19+$0x0], $0xffff  }
0x4d3: {  	[tilespmem:s4+$0x180] =	vst v3;
	v3 =	vld.idx.msk [tilespmem:v14+s19+$0x0], $0xffff  }
.Ltmp19:
0x4d4: {  	[tilespmem:s1+$0x180] =	vst v8;
	(pc) =	sbr.rel .LBB2_33-.Ltmp19, $4  }
0x4d5: {  	[tilespmem:s9+$0x180] =	vst v5  }
0x4d6: {  	[tilespmem:s14+$0x180] =	vst v6  }
0x4d7: {  	[tilespmem:s17+$0x180] =	vst v7  }
0x4d8: {  	[tilespmem:s15+$0x180] =	vst v3  }
.LBB2_30:
0x4d9: {  	v8 =	vld [tilespmem:s1+$0x1E00];
	_ =	sdelay $0x3  }
0x4da: {  	v7 =	vmul.u32 $0x1C1, v0  }
0x4db: {  	v13 =	vand.u32 $0xFFFF, v8;
	v8 =	vshra.s32 v8, $0x10  }
0x4dc: {  	v9 =	vld [tilespmem:s1+$0x1DC0];
	v14 =	vadd.s32 v7, v8;
	v8 =	vadd.s32 v4, v13  }
0x4dd: {  	v10 =	vld [tilespmem:s1+$0x1DD0];
	v11 =	vadd.s32 v4, v14;
	_ =	sdelay $0x1  }
0x4de: {  	v15 =	vld [tilespmem:s1+$0x1DE0]  }
0x4df: {  	v16 =	vld [tilespmem:s1+$0x1DF0]  }
0x4e0: {  	v12 =	vshra.s32 v9, $0x10;
	v20 =	vand.u32 $0xFFFF, v9;
	v18 =	vld.idx.msk [tilespmem:v8+s19+$0x0], $0xffff  }
0x4e1: {  	v17 =	vadd.s32 v7, v12;
	v12 =	vshra.s32 v10, $0x10;
	v22 =	vadd.s32 v4, v20;
	v11 =	vld.idx.msk [tilespmem:v11+s26+$0x0], $0xffff  }
0x4e2: {  	v12 =	vadd.s32 v7, v12;
	v19 =	vadd.s32 v4, v17  }
0x4e3: {  	v21 =	vadd.s32 v4, v12  }
0x4e4: {  	s12 =	simm.s32 $0x90;
	v23 =	vadd.s32 v6, v13;
	v8 =	vshra.s32 v15, $0x10  }
0x4e5: {  	s16 =	simm.s32 $0x40;
	v32 =	vld [tilespmem:s12+$0x1DE0];
	v26 =	vand.u32 $0xFFFF, v10;
	v24 =	vadd.s32 v6, v14;
	v8 =	vadd.s32 v7, v8  }
0x4e6: {  	s0 =	sand.u32 $0x1FE00, s0;
	s1 =	sand.u32 $0x70, s16;
	v9 =	vshra.s32 v16, $0x10;
	v22 =	vld.idx.msk [tilespmem:v22+s19+$0x0], $0xffff;
	v25 =	vadd.s32 v4, v8;
	v10 =	vadd.f32 v11, v18  }
0x4e7: {  	s0 =	sor.u32 s1, s0;
	v9 =	vadd.s32 v7, v9;
	v19 =	vld.idx.msk [tilespmem:v19+s26+$0x0], $0xffff;
	v18 =	vadd.s32 v4, v26  }
0x4e8: {  	v21 =	vld.idx.msk [tilespmem:v21+s26+$0x0], $0xffff;
	v11 =	vand.u32 $0xFFFF, v15;
	v15 =	vadd.s32 v4, v9;
	[tilespmem:s0+$0x14980] =	vst v10  }
0x4e9: {  	v10 =	vand.u32 $0xFFFF, v16;
	v16 =	vadd.s32 v4, v11;
	v23 =	vld.idx.msk [tilespmem:v23+s19+$0x0], $0xffff  }
0x4ea: {  	v27 =	vadd.s32 v4, v10;
	v24 =	vld.idx.msk [tilespmem:v24+s26+$0x0], $0xffff  }
0x4eb: {  	v28 =	vadd.s32 v6, v20;
	v25 =	vld.idx.msk [tilespmem:v25+s26+$0x0], $0xffff  }
0x4ec: {  	s17 =	simm.s32 $0x0;
	s3 =	simm.s32 $0x0;
	v29 =	vadd.s32 v6, v17;
	v18 =	vld.idx.msk [tilespmem:v18+s19+$0x0], $0xffff  }
0x4ed: {  	s3 =	sand.u32 $0xFE00, s3;
	s1 =	sand.u32 $0x70, s17;
	v19 =	vadd.f32 v19, v22;
	v22 =	vadd.s32 v5, v13;
	v15 =	vld.idx.msk [tilespmem:v15+s26+$0x0], $0xffff  }
0x4ee: {  	s1 =	sor.u32 s1, s3;
	v30 =	vadd.s32 v5, v14;
	v16 =	vld.idx.msk [tilespmem:v16+s19+$0x0], $0xffff  }
0x4ef: {  	v31 =	vadd.s32 v6, v26;
	[tilespmem:s1+$0x14980] =	vst v19;
	v27 =	vld.idx.msk [tilespmem:v27+s19+$0x0], $0xffff;
	v19 =	vadd.f32 v24, v23  }
0x4f0: {  	s4 =	simm.s32 $0x10;
	s5 =	simm.s32 $0x40;
	s18 =	sadd.s32 $0x14980, s0;
	v23 =	vadd.s32 v6, v12;
	v24 =	vld.idx.msk [tilespmem:v28+s19+$0x0], $0xffff  }
0x4f1: {  	s22 =	sand.u32 $0x70, s4;
	s23 =	sand.u32 $0x1FE00, s5;
	v28 =	vadd.s32 v6, v11;
	v18 =	vadd.f32 v21, v18;
	v21 =	vld.idx.msk [tilespmem:v29+s26+$0x0], $0xffff;
	[tilespmem:s18+$0x80] =	vst v19  }
0x4f2: {  	s24 =	simm.s32 $0x20;
	s7 =	simm.s32 $0x80;
	s0 =	sor.u32 s22, s23;
	v19 =	vadd.s32 v6, v8;
	v22 =	vld.idx.msk [tilespmem:v22+s19+$0x0], $0xffff  }
0x4f3: {  	s25 =	sand.u32 $0x70, s24;
	s28 =	sand.u32 $0x1FE00, s7;
	v29 =	vadd.s32 v6, v10;
	v16 =	vadd.f32 v25, v16;
	[tilespmem:s0+$0x14980] =	vst v18;
	v18 =	vld.idx.msk [tilespmem:v30+s26+$0x0], $0xffff  }
0x4f4: {  	s29 =	simm.s32 $0x30;
	s8 =	simm.s32 $0xC0;
	s9 =	sor.u32 s25, s28;
	v30 =	vld.idx.msk [tilespmem:v31+s19+$0x0], $0xffff  }
0x4f5: {  	s7 =	sand.u32 $0x70, s29;
	s10 =	sand.u32 $0x1FE00, s8;
	v25 =	vadd.s32 v6, v9;
	v15 =	vadd.f32 v15, v27;
	[tilespmem:s9+$0x14980] =	vst v16;
	v16 =	vld.idx.msk [tilespmem:v23+s26+$0x0], $0xffff  }
0x4f6: {  	s8 =	sor.u32 s7, s10;
	v31 =	vadd.s32 v5, v20;
	v27 =	vld.idx.msk [tilespmem:v28+s19+$0x0], $0xffff  }
0x4f7: {  	v23 =	vadd.s32 v5, v17;
	[tilespmem:s8+$0x14980] =	vst v15;
	v19 =	vld.idx.msk [tilespmem:v19+s26+$0x0], $0xffff  }
0x4f8: {  	v13 =	vadd.s32 v3, v13;
	v15 =	vadd.f32 v21, v24;
	v21 =	vld.idx.msk [tilespmem:v29+s19+$0x0], $0xffff  }
0x4f9: {  	s4 =	sadd.s32 $0x14980, s1;
	v14 =	vadd.s32 v3, v14;
	v29 =	vld [tilespmem:s12+$0x1DC0]  }
0x4fa: {  	v24 =	vadd.s32 v5, v26;
	[tilespmem:s4+$0x80] =	vst v15;
	v15 =	vld.idx.msk [tilespmem:v25+s26+$0x0], $0xffff;
	v18 =	vadd.f32 v18, v22  }
0x4fb: {  	v25 =	vld.idx.msk [tilespmem:v31+s19+$0x0], $0xffff  }
0x4fc: {  	v22 =	vadd.s32 v5, v12;
	v23 =	vld.idx.msk [tilespmem:v23+s26+$0x0], $0xffff;
	v16 =	vadd.f32 v16, v30;
	[tilespmem:s18+$0x100] =	vst v18  }
0x4fd: {  	s5 =	sadd.s32 $0x14980, s0;
	v13 =	vld.idx.msk [tilespmem:v13+s19+$0x0], $0xffff  }
0x4fe: {  	v14 =	vld.idx.msk [tilespmem:v14+s26+$0x0], $0xffff;
	[tilespmem:s5+$0x80] =	vst v16  }
0x4ff: {  	v30 =	vadd.s32 v5, v10;
	v16 =	vld.idx.msk [tilespmem:v24+s19+$0x0], $0xffff  }
0x500: {  	v31 =	vadd.s32 v5, v9;
	v19 =	vadd.f32 v19, v27;
	v24 =	vld [tilespmem:s12+$0x1E00]  }
0x501: {  	s7 =	sadd.s32 $0x14980, s9;
	v18 =	vld.idx.msk [tilespmem:v22+s26+$0x0], $0xffff;
	v22 =	vadd.s32 v5, v11;
	v15 =	vadd.f32 v15, v21  }
0x502: {  	s1 =	sadd.s32 $0x14980, s8;
	v28 =	vadd.s32 v5, v8;
	v27 =	vld [tilespmem:s12+$0x1DD0];
	[tilespmem:s7+$0x80] =	vst v19  }
0x503: {  	v20 =	vadd.s32 v3, v20;
	v19 =	vld [tilespmem:s12+$0x1DF0];
	[tilespmem:s1+$0x80] =	vst v15  }
0x504: {  	v17 =	vadd.s32 v3, v17;
	v26 =	vadd.s32 v3, v26;
	v30 =	vld.idx.msk [tilespmem:v30+s19+$0x0], $0xffff  }
0x505: {  	v21 =	vadd.f32 v23, v25;
	v31 =	vld.idx.msk [tilespmem:v31+s26+$0x0], $0xffff;
	v25 =	vand.u32 $0xFFFF, v24;
	v23 =	vshra.s32 v24, $0x10  }
0x506: {  	v22 =	vld.idx.msk [tilespmem:v22+s19+$0x0], $0xffff;
	v24 =	vadd.s32 v7, v23;
	v15 =	vadd.s32 v4, v25  }
0x507: {  	[tilespmem:s4+$0x100] =	vst v21;
	v21 =	vshra.s32 v29, $0x10;
	v16 =	vadd.f32 v18, v16;
	v23 =	vld.idx.msk [tilespmem:v28+s26+$0x0], $0xffff;
	v28 =	vadd.s32 v4, v24  }
0x508: {  	v12 =	vadd.s32 v3, v12;
	v21 =	vadd.s32 v7, v21;
	v20 =	vld.idx.msk [tilespmem:v20+s19+$0x0], $0xffff  }
0x509: {  	v40 =	vand.u32 $0xFFFF, v27;
	v18 =	vshra.s32 v27, $0x10;
	v34 =	vld.idx.msk [tilespmem:v17+s26+$0x0], $0xffff;
	v17 =	vadd.s32 v4, v21;
	[tilespmem:s5+$0x100] =	vst v16  }
0x50a: {  	v41 =	vadd.s32 v4, v40;
	v33 =	vadd.s32 v7, v18;
	v18 =	vshra.s32 v32, $0x10;
	v26 =	vld.idx.msk [tilespmem:v26+s19+$0x0], $0xffff  }
0x50b: {  	v35 =	vadd.s32 v7, v18;
	v18 =	vshra.s32 v19, $0x10;
	v36 =	vadd.s32 v4, v33;
	v15 =	vld.idx.msk [tilespmem:v15+s19+$0x0], $0xffff  }
0x50c: {  	v37 =	vadd.s32 v7, v18;
	v16 =	vadd.s32 v4, v35;
	v18 =	vld.idx.msk [tilespmem:v28+s26+$0x0], $0xffff  }
0x50d: {  	v11 =	vadd.s32 v3, v11;
	v12 =	vld.idx.msk [tilespmem:v12+s26+$0x0], $0xffff;
	v28 =	vand.u32 $0xFFFF, v29  }
0x50e: {  	v17 =	vld.idx.msk [tilespmem:v17+s26+$0x0], $0xffff;
	v38 =	vadd.s32 v4, v28  }
0x50f: {  	v39 =	vadd.s32 v6, v25;
	v22 =	vadd.f32 v23, v22;
	v23 =	vld.idx.msk [tilespmem:v41+s19+$0x0], $0xffff  }
0x510: {  	s13 =	simm.s32 $0x90;
	s0 =	simm.s32 $0x240;
	v55 =	vadd.s32 v6, v24;
	v27 =	vld.idx.msk [tilespmem:v36+s26+$0x0], $0xffff  }
0x511: {  	s14 =	sand.u32 $0x1FE00, s0;
	s8 =	sand.u32 $0x70, s13;
	v32 =	vand.u32 $0xFFFF, v32;
	v29 =	vadd.s32 v4, v37;
	v42 =	vld.idx.msk [tilespmem:v16+s26+$0x0], $0xffff;
	[tilespmem:s7+$0x100] =	vst v22;
	v15 =	vadd.f32 v18, v15  }
0x512: {  	s8 =	sor.u32 s8, s14;
	v43 =	vand.u32 $0xFFFF, v19;
	v16 =	vadd.s32 v4, v32;
	v45 =	vld.idx.msk [tilespmem:v11+s19+$0x0], $0xffff  }
0x513: {  	v13 =	vadd.f32 v14, v13;
	v18 =	vadd.s32 v4, v43;
	v19 =	vld.idx.msk [tilespmem:v38+s19+$0x0], $0xffff;
	[tilespmem:s8+$0x14980] =	vst v15  }
0x514: {  	v15 =	vadd.s32 v3, v8;
	v14 =	vld.idx.msk [tilespmem:v39+s19+$0x0], $0xffff  }
0x515: {  	[tilespmem:s18+$0x180] =	vst v13;
	v8 =	vadd.s32 v3, v9;
	v9 =	vadd.s32 v3, v10;
	v10 =	vld.idx.msk [tilespmem:v55+s26+$0x0], $0xffff  }
0x516: {  	v13 =	vadd.s32 v6, v21;
	v48 =	vadd.s32 v5, v21;
	v58 =	vadd.s32 v6, v28;
	v29 =	vld.idx.msk [tilespmem:v29+s26+$0x0], $0xffff  }
0x517: {  	s15 =	simm.s32 $0x140;
	s3 =	simm.s32 $0x50;
	v49 =	vadd.s32 v6, v43;
	v56 =	vadd.s32 v6, v33;
	v59 =	vld.idx.msk [tilespmem:v16+s19+$0x0], $0xffff;
	v16 =	vadd.f32 v31, v30  }
0x518: {  	s10 =	sand.u32 $0x70, s3;
	s9 =	sand.u32 $0xFE00, s15;
	v46 =	vadd.s32 v5, v24;
	v30 =	vld.idx.msk [tilespmem:v18+s19+$0x0], $0xffff;
	v18 =	vadd.s32 v5, v25;
	v17 =	vadd.f32 v17, v19  }
0x519: {  	s9 =	sor.u32 s10, s9;
	v57 =	vadd.s32 v6, v35;
	v20 =	vadd.f32 v34, v20;
	[tilespmem:s1+$0x100] =	vst v16;
	v47 =	vld.idx.msk [tilespmem:v15+s26+$0x0], $0xffff  }
0x51a: {  	v31 =	vadd.s32 v6, v40;
	v9 =	vld.idx.msk [tilespmem:v9+s19+$0x0], $0xffff;
	[tilespmem:s9+$0x14980] =	vst v17;
	v10 =	vadd.f32 v10, v14  }
0x51b: {  	s16 =	simm.s32 $0x60;
	s13 =	sadd.s32 $0x14980, s8;
	s12 =	simm.s32 $0x180;
	v44 =	vadd.s32 v6, v37;
	[tilespmem:s4+$0x180] =	vst v20;
	v12 =	vadd.f32 v12, v26;
	v39 =	vld.idx.msk [tilespmem:v58+s19+$0x0], $0xffff  }
0x51c: {  	s17 =	sand.u32 $0x70, s16;
	s18 =	sand.u32 $0x1FE00, s12;
	v11 =	vadd.s32 v6, v32;
	v14 =	vadd.f32 v27, v23;
	v13 =	vld.idx.msk [tilespmem:v13+s26+$0x0], $0xffff;
	[tilespmem:s13+$0x80] =	vst v10  }
0x51d: {  	s22 =	simm.s32 $0x70;
	s14 =	simm.s32 $0x1C0;
	v20 =	vadd.s32 v3, v40;
	v22 =	vadd.s32 v5, v33;
	[tilespmem:s5+$0x180] =	vst v12;
	s8 =	sor.u32 s17, s18;
	v51 =	vld.idx.msk [tilespmem:v18+s19+$0x0], $0xffff  }
0x51e: {  	s23 =	sand.u32 $0x70, s22;
	s24 =	sand.u32 $0x1FE00, s14;
	v50 =	vadd.s32 v5, v28;
	v27 =	vadd.f32 v42, v59;
	[tilespmem:s8+$0x14980] =	vst v14;
	v60 =	vld.idx.msk [tilespmem:v46+s26+$0x0], $0xffff  }
0x51f: {  	s25 =	simm.s32 $0x80;
	s15 =	simm.s32 $0x200;
	s10 =	sor.u32 s23, s24;
	v12 =	vadd.s32 v3, v32;
	v16 =	vadd.s32 v5, v37;
	v19 =	vadd.s32 v5, v32;
	v61 =	vld.idx.msk [tilespmem:v31+s19+$0x0], $0xffff  }
0x520: {  	s28 =	sand.u32 $0x70, s25;
	s29 =	sand.u32 $0x1FE00, s15;
	v15 =	vadd.s32 v5, v35;
	v29 =	vadd.f32 v29, v30;
	[tilespmem:s10+$0x14980] =	vst v27;
	v62 =	vld.idx.msk [tilespmem:v56+s26+$0x0], $0xffff  }
0x521: {  	s12 =	sor.u32 s28, s29;
	v23 =	vadd.s32 v5, v40;
	v17 =	vadd.s32 v3, v21;
	v27 =	vld.idx.msk [tilespmem:v11+s19+$0x0], $0xffff;
	v30 =	vadd.f32 v47, v45  }
0x522: {  	v21 =	vadd.s32 v3, v28;
	[tilespmem:s12+$0x14980] =	vst v29;
	v29 =	vld.idx.msk [tilespmem:v57+s26+$0x0], $0xffff;
	v13 =	vadd.f32 v13, v39  }
0x523: {  	s4 =	sadd.s32 $0x14980, s9;
	v14 =	vadd.s32 v3, v33;
	v31 =	vadd.s32 v3, v25;
	v26 =	vld.idx.msk [tilespmem:v49+s19+$0x0], $0xffff;
	[tilespmem:s7+$0x180] =	vst v30  }
0x524: {  	v28 =	vld.idx.msk [tilespmem:v44+s26+$0x0], $0xffff;
	v30 =	vadd.s32 v3, v24;
	[tilespmem:s4+$0x80] =	vst v13;
	v63 =	vadd.f32 v60, v51  }
0x525: {  	v10 =	vadd.s32 v3, v35;
	v18 =	vadd.s32 v5, v43;
	v11 =	vadd.s32 v3, v37;
	v25 =	vld.idx.msk [tilespmem:v50+s19+$0x0], $0xffff  }
0x526: {  	s9 =	sadd.s32 $0x14980, s8;
	s8 =	sadd.s32 $0x14980, s12;
	s7 =	sadd.s32 $0x14980, s10;
	v13 =	vadd.s32 v3, v43;
	v32 =	vadd.f32 v62, v61;
	v24 =	vld.idx.msk [tilespmem:v48+s26+$0x0], $0xffff;
	[tilespmem:s13+$0x100] =	vst v63  }
.LBB2_31:
0x527: {  	s5 =	sadd.s32 $0x60, s3  }
0x528: {  	s10 =	sadd.s32 $0x70, s3;
	v31 =	vld.idx.msk [tilespmem:v31+s19+$0x0], $0xffff;
	s29 =	smov.u32 s3;
	s3 =	sadd.s32 $0x50, s3  }
0x529: {  	v27 =	vadd.f32 v29, v27;
	s12 =	sand.u32 $0x70, s3;
	s5 =	sand.u32 $0x70, s5;
	s14 =	sadd.s32 $0x80, s29;
	[tilespmem:s9+$0x80] =	vst v32;
	v29 =	vld.idx.msk [tilespmem:v30+s26+$0x0], $0xffff  }
0x52a: {  	s0 =	sadd.s32 $0x140, s0;
	s10 =	sand.u32 $0x70, s10;
	s15 =	sand.u32 $0x70, s14;
	v23 =	vld.idx.msk [tilespmem:v23+s19+$0x0], $0xffff  }
0x52b: {  	v26 =	vadd.f32 v28, v26;
	s16 =	sshra.s32 s0, $0x2;
	s17 =	sadd.s32 $0xFFFFFF40, s0;
	s14 =	sadd.s32 $0xFFFFFF00, s0;
	v22 =	vld.idx.msk [tilespmem:v22+s26+$0x0], $0xffff;
	[tilespmem:s7+$0x80] =	vst v27  }
0x52c: {  	s18 =	sadd.s32 $0xFFFFFF80, s0;
	s22 =	sadd.s32 $0xFFFFFFC0, s0;
	s14 =	sand.u32 $0xFE00, s14;
	v27 =	vld [tilespmem:s16+$0x1E00]  }
0x52d: {  	v24 =	vadd.f32 v24, v25;
	s17 =	sand.u32 $0x1FE00, s17;
	s18 =	sand.u32 $0x1FE00, s18;
	s22 =	sand.u32 $0x1FE00, s22;
	v28 =	vld [tilespmem:s16+$0x1DC0];
	[tilespmem:s8+$0x80] =	vst v26  }
0x52e: {  	s17 =	sor.u32 s5, s17;
	s12 =	sor.u32 s12, s14;
	s14 =	sor.u32 s10, s18;
	v26 =	vld [tilespmem:s16+$0x1DD0]  }
0x52f: {  	s15 =	sor.u32 s15, s22;
	s25 =	sadd.s32 $0x14980, s17;
	s28 =	sadd.s32 $0x14980, s12;
	v25 =	vadd.f32 v29, v31;
	v30 =	vld [tilespmem:s16+$0x1DE0];
	[tilespmem:s4+$0x100] =	vst v24  }
0x530: {  	p1 =	slt.u32 s3, $0x26C0;
	s24 =	sadd.s32 $0x14980, s15;
	s5 =	sadd.s32 $0x14980, s14;
	v29 =	vld [tilespmem:s16+$0x1DF0]  }
0x531: {  	v22 =	vadd.f32 v22, v23;
	v24 =	vand.u32 $0xFFFF, v27;
	v27 =	vshra.s32 v27, $0x10;
	v31 =	vld.idx.msk [tilespmem:v19+s19+$0x0], $0xffff;
	[tilespmem:s13+$0x180] =	vst v25  }
0x532: {  	v19 =	vshra.s32 v28, $0x10;
	v25 =	vadd.s32 v7, v27;
	v23 =	vadd.s32 v4, v24;
	v27 =	vld.idx.msk [tilespmem:v15+s26+$0x0], $0xffff  }
0x533: {  	v32 =	vadd.s32 v7, v19;
	v15 =	vshra.s32 v26, $0x10;
	v19 =	vadd.s32 v4, v25;
	[tilespmem:s9+$0x100] =	vst v22;
	v33 =	vld.idx.msk [tilespmem:v18+s19+$0x0], $0xffff  }
0x534: {  	v28 =	vand.u32 $0xFFFF, v28;
	v34 =	vadd.s32 v7, v15;
	v15 =	vshra.s32 v30, $0x10;
	v35 =	vld.idx.msk [tilespmem:v16+s26+$0x0], $0xffff  }
0x535: {  	v26 =	vand.u32 $0xFFFF, v26;
	v36 =	vadd.s32 v7, v15;
	v15 =	vshra.s32 v29, $0x10;
	v37 =	vld.idx.msk [tilespmem:v21+s19+$0x0], $0xffff  }
0x536: {  	v30 =	vand.u32 $0xFFFF, v30;
	v29 =	vand.u32 $0xFFFF, v29;
	v38 =	vadd.s32 v7, v15;
	v39 =	vld.idx.msk [tilespmem:v17+s26+$0x0], $0xffff  }
0x537: {  	v16 =	vadd.s32 v4, v34;
	v15 =	vadd.s32 v4, v32;
	v17 =	vadd.s32 v4, v36;
	v18 =	vld.idx.msk [tilespmem:v23+s19+$0x0], $0xffff  }
0x538: {  	v40 =	vadd.s32 v4, v26;
	v21 =	vadd.s32 v4, v28;
	v41 =	vadd.s32 v4, v38;
	v19 =	vld.idx.msk [tilespmem:v19+s26+$0x0], $0xffff  }
0x539: {  	v42 =	vadd.s32 v6, v32;
	v43 =	vadd.s32 v4, v30;
	v44 =	vadd.s32 v4, v29;
	v45 =	vld.idx.msk [tilespmem:v20+s19+$0x0], $0xffff  }
0x53a: {  	v46 =	vadd.s32 v6, v34;
	v47 =	vadd.s32 v6, v36;
	v48 =	vadd.s32 v6, v38;
	v49 =	vld.idx.msk [tilespmem:v14+s26+$0x0], $0xffff  }
0x53b: {  	v50 =	vadd.s32 v6, v28;
	v51 =	vadd.s32 v6, v26;
	v52 =	vadd.s32 v6, v30;
	v53 =	vld.idx.msk [tilespmem:v8+s26+$0x0], $0xffff  }
0x53c: {  	v55 =	vadd.s32 v5, v32;
	v56 =	vadd.s32 v6, v29;
	v20 =	vadd.s32 v6, v24;
	v54 =	vld.idx.msk [tilespmem:v15+s26+$0x0], $0xffff  }
0x53d: {  	s10 =	sadd.s32 $0x90, s29;
	v58 =	vadd.s32 v6, v25;
	v22 =	vadd.s32 v5, v34;
	v15 =	vadd.s32 v5, v36;
	v57 =	vld.idx.msk [tilespmem:v16+s26+$0x0], $0xffff  }
0x53e: {  	s10 =	sand.u32 $0x70, s10;
	s13 =	sand.u32 $0x1FE00, s0;
	v59 =	vadd.s32 v5, v28;
	v16 =	vadd.s32 v5, v38;
	v14 =	vadd.f32 v19, v18;
	v60 =	vld.idx.msk [tilespmem:v17+s26+$0x0], $0xffff  }
0x53f: {  	s10 =	sor.u32 s10, s13;
	v23 =	vadd.s32 v5, v26;
	v19 =	vadd.s32 v5, v30;
	v18 =	vadd.s32 v5, v29;
	v41 =	vld.idx.msk [tilespmem:v41+s26+$0x0], $0xffff  }
0x540: {  	v27 =	vadd.f32 v27, v31;
	v31 =	vadd.f32 v35, v33;
	v8 =	vmov v11;
	v61 =	vld.idx.msk [tilespmem:v21+s19+$0x0], $0xffff;
	[tilespmem:s10+$0x14980] =	vst v14  }
0x541: {  	v17 =	vadd.s32 v3, v32;
	v32 =	vadd.s32 v3, v36;
	v14 =	vadd.s32 v3, v34;
	v33 =	vld.idx.msk [tilespmem:v20+s19+$0x0], $0xffff  }
0x542: {  	v11 =	vadd.s32 v3, v38;
	v21 =	vadd.s32 v3, v28;
	v28 =	vld.idx.msk [tilespmem:v58+s26+$0x0], $0xffff;
	[tilespmem:s7+$0x100] =	vst v27  }
0x543: {  	v20 =	vadd.s32 v3, v26;
	v26 =	vadd.s32 v3, v30;
	v27 =	vld.idx.msk [tilespmem:v40+s19+$0x0], $0xffff;
	[tilespmem:s8+$0x100] =	vst v31  }
0x544: {  	v29 =	vadd.s32 v3, v29;
	v34 =	vadd.f32 v49, v45;
	v31 =	vadd.f32 v39, v37;
	v30 =	vld.idx.msk [tilespmem:v43+s19+$0x0], $0xffff  }
0x545: {  	v36 =	vadd.f32 v53, v9;
	v35 =	vld.idx.msk [tilespmem:v44+s19+$0x0], $0xffff  }
0x546: {  	v37 =	vadd.s32 v5, v24;
	v9 =	vadd.f32 v54, v61;
	[tilespmem:s4+$0x180] =	vst v31;
	v31 =	vld.idx.msk [tilespmem:v12+s19+$0x0], $0xffff;
	v12 =	vmov v26;
	s4 =	smov.u32 s28  }
0x547: {  	v26 =	vadd.s32 v5, v25;
	[tilespmem:s9+$0x180] =	vst v34;
	v34 =	vld.idx.msk [tilespmem:v10+s26+$0x0], $0xffff;
	v10 =	vmov v32;
	s9 =	smov.u32 s25  }
0x548: {  	v28 =	vadd.f32 v28, v33;
	[tilespmem:s12+$0x14980] =	vst v9;
	v9 =	vld.idx.msk [tilespmem:v13+s19+$0x0], $0xffff;
	v13 =	vmov v29  }
0x549: {  	s13 =	sadd.s32 $0x14980, s10;
	v27 =	vadd.f32 v57, v27;
	v29 =	vld.idx.msk [tilespmem:v50+s19+$0x0], $0xffff;
	[tilespmem:s1+$0x180] =	vst v36;
	s1 =	smov.u32 s8;
	s8 =	smov.u32 s24  }
0x54a: {  	v30 =	vadd.f32 v60, v30;
	v32 =	vld.idx.msk [tilespmem:v42+s26+$0x0], $0xffff;
	[tilespmem:s13+$0x80] =	vst v28  }
0x54b: {  	[tilespmem:s17+$0x14980] =	vst v27;
	v27 =	vadd.f32 v41, v35;
	v33 =	vld.idx.msk [tilespmem:v37+s19+$0x0], $0xffff  }
0x54c: {  	[tilespmem:s14+$0x14980] =	vst v30;
	v35 =	vld.idx.msk [tilespmem:v26+s26+$0x0], $0xffff  }
0x54d: {  	v26 =	vadd.f32 v34, v31;
	v36 =	vld.idx.msk [tilespmem:v51+s19+$0x0], $0xffff;
	[tilespmem:s15+$0x14980] =	vst v27  }
0x54e: {  	v34 =	vld.idx.msk [tilespmem:v46+s26+$0x0], $0xffff  }
0x54f: {  	v27 =	vld.idx.msk [tilespmem:v52+s19+$0x0], $0xffff;
	[tilespmem:s7+$0x180] =	vst v26;
	s7 =	smov.u32 s5  }
.Ltmp20:
0x550: {  	v31 =	vadd.s32 v3, v24;
	v28 =	vadd.f32 v32, v29;
	v29 =	vld.idx.msk [tilespmem:v47+s26+$0x0], $0xffff;
	(pc) =	sbr.rel @p1 .LBB2_31-.Ltmp20, $4  }
0x551: {  	v30 =	vadd.s32 v3, v25;
	v26 =	vld.idx.msk [tilespmem:v56+s19+$0x0], $0xffff  }
0x552: {  	v33 =	vadd.f32 v35, v33;
	[tilespmem:s4+$0x80] =	vst v28;
	v28 =	vld.idx.msk [tilespmem:v48+s26+$0x0], $0xffff  }
0x553: {  	v25 =	vld.idx.msk [tilespmem:v59+s19+$0x0], $0xffff  }
0x554: {  	v32 =	vadd.f32 v34, v36;
	v24 =	vld.idx.msk [tilespmem:v55+s26+$0x0], $0xffff;
	[tilespmem:s13+$0x100] =	vst v33  }
.Ltmp21:
0x555: {  	_ = 	snop;
	(pc) =	sbr.rel .LBB2_32-.Ltmp21, $1  }
0x556: {  	_ =	sdelay $0x3  }
.LBB2_34:
0x557: {  	s0 =	simm.s32 $0x1  }
0x558: {  	_ =	swait.ge [sflag:s0], $0x9E00  }
0x559: {  	[sflag:s0] =	ssyncset.done $0x0  }
0x55a: {  	s1 =	simm.s32 $0x2;
	[sflag:s0] =	ssyncadd.s32 $0xFFFF6200  }
0x55b: {  	_ =	swait.ge [sflag:s1], $0x9E00  }
0x55c: {  	s25 =	simm.s32 $0x0;
	[sflag:s1] =	ssyncset.done $0x0  }
0x55d: {  	s17 =	simm.s32 $0x3;
	v3 =	vadd.s32 s25, v1;
	s28 =	rddreg [dreg:$0xa];
	[sflag:s1] =	ssyncadd.s32 $0xFFFF6200  }
0x55e: {  	[tilespmem:s25], [sflag:$0x3] =	stream.linear.gather [hbm4b:s28+s25], $0x1E00, $0x38;
	[tilespmem:$0x1E780] =	vst v63  }
0x55f: {  	_ =	swait.ge [sflag:s17], $0x1E00  }
0x560: {  	v4 =	vadd.s32 s25, v2;
	[sflag:s17] =	ssyncset.done $0x0  }
0x561: {  	[sflag:s17] =	ssyncadd.s32 $0xFFFFE200  }
0x562: {  	v3 =	vld.idx.msk [tilespmem:v3+s2+$0x0], $0xffff;
	_ =	sdelay $0x2  }
0x563: {  	v4 =	vld.idx.msk [tilespmem:v4+s2+$0x0], $0xffff;
	_ =	sdelay $0x1  }
0x564: {  	v3 =	vmul.f32 $2.880000000e+02, v3;
	_ =	sdelay $0x1  }
0x565: {  	v3 =	vtrunc.f32 v3  }
0x566: {  	s29 =	simm.s32 $0x30;
	v4 =	vtrunc.f32 v4;
	v3 =	vcvt.f32.s32 v3  }
0x567: {  	v5 =	vadd.s32 s29, v1;
	v4 =	vcvt.f32.s32 v4  }
0x568: {  	v3 =	vmul.u32 $0x41, v3  }
0x569: {  	v7 =	vshll.u32 v4, $0x16  }
0x56a: {  	s30 =	simm.s32 $0x1E00;
	v6 =	vadd.s32 s29, v2;
	v3 =	vor.u32 v7, v3  }
0x56b: {  	[tilespmem:s30+$0x0] =	vst v3  }
0x56c: {  	v3 =	vld.idx.msk [tilespmem:v5+s2+$0x0], $0xffff;
	_ =	sdelay $0x2  }
0x56d: {  	v5 =	vld.idx.msk [tilespmem:v6+s2+$0x0], $0xffff;
	_ =	sdelay $0x1  }
0x56e: {  	v3 =	vmul.f32 $2.880000000e+02, v3;
	_ =	sdelay $0x1  }
0x56f: {  	v4 =	vxor.u32 $0x80000000, v4;
	v3 =	vtrunc.f32 v3  }
0x570: {  	(xrf0) =	vmax.scan.msk.u32 $0xffff, v4;
	v5 =	vtrunc.f32 v5;
	v3 =	vcvt.f32.s32 v3  }
0x571: {  	(xrf0) =	vmin.scan.msk.u32 $0xffff, v4;
	v5 =	vcvt.f32.s32 v5  }
0x572: {  	v3 =	vmul.u32 $0x41, v3  }
0x573: {  	v4 =	vxor.u32 $0x80000000, v5;
	v5 =	vshll.u32 v5, $0x16  }
0x574: {  	v3 =	vor.u32 v5, v3;
	_ =	sdelay $0x1  }
0x575: {  	s4 =	simm.s32 $0x1E10;
	v5, _, _ =	vpop (xrf0)  }
0x576: {  	[tilespmem:s4+$0x0] =	vst v3;
	(v2sf) =	vpush v5, $0xF;
	v3, _, _ =	vpop (xrf0)  }
0x577: {  	(v2sf) =	vpush v3, $0xF;
	_ =	sdelay $0x3  }
0x578: {  	s31 =	simm.s32 $0x60  }
0x579: {  	v6 =	vadd.s32 s31, v1  }
0x57a: {  	(xrf0) =	vmax.scan.msk.u32 $0xffff, v4  }
0x57b: {  	v7 =	vadd.s32 s31, v2  }
0x57c: {  	(xrf0) =	vmin.scan.msk.u32 $0xffff, v4;
	_ =	sdelay $0x1  }
0x57d: {  	v5 =	vld.idx.msk [tilespmem:v6+s2+$0x0], $0xffff  }
0x57e: {  	s5 =	simm.s32 $0x90;
	s3 =	simm.s32 $0xC0  }
0x57f: {  	s7 =	simm.s32 $0xF0;
	s0 =	simm.s32 $0xFFFFFFFF;
	s1 =	simm.s32 $0x7;
	v4 =	vld.idx.msk [tilespmem:v7+s2+$0x0], $0xffff;
	v3, _, _ =	vpop (xrf0)  }
.LBB2_35:
0x580: {  	s8 =	smov.u32 s1;
	s9 =	smov.u32 s0  }
0x581: {  	p0 =	sne.s32 s7, $0x1DD0;
	v6, _, _ =	vpop (xrf0);
	(v2sf) =	vpush v3, $0xF;
	s0 =	spop (v2sf)  }
0x582: {  	v3 =	vmul.f32 $2.880000000e+02, v5;
	(v2sf) =	vpush v6, $0xF;
	s0 =	sxor.u32 $0x80000000, s0;
	s1 =	spop (v2sf)  }
0x583: {  	s1 =	sxor.u32 $0x80000000, s1;
	p1 =	sgt.s32 s9, s0  }
0x584: {  	v3 =	vtrunc.f32 v3;
	p2 =	slt.s32 s8, s1;
	s0 =	smov.u32 @p1 s9  }
0x585: {  	v4 =	vtrunc.f32 v4;
	v3 =	vcvt.f32.s32 v3;
	s1 =	smov.u32 @p2 s8  }
0x586: {  	v5 =	vadd.s32 s5, v1;
	v4 =	vcvt.f32.s32 v4  }
0x587: {  	v3 =	vmul.u32 $0x41, v3  }
0x588: {  	v6 =	vshll.u32 v4, $0x16;
	v4 =	vxor.u32 $0x80000000, v4  }
0x589: {  	v7 =	vadd.s32 s5, v2;
	s4 =	sadd.s32 $0x10, s4;
	s5 =	smov.u32 s3;
	s3 =	smov.u32 s7;
	v3 =	vor.u32 v6, v3;
	(xrf0) =	vmax.scan.msk.u32 $0xffff, v4  }
0x58a: {  	[tilespmem:s4+$0x0] =	vst v3;
	(xrf0) =	vmin.scan.msk.u32 $0xffff, v4  }
.Ltmp22:
0x58b: {  	v5 =	vld.idx.msk [tilespmem:v5+s2+$0x0], $0xffff;
	(pc) =	sbr.rel @p0 .LBB2_35-.Ltmp22, $3  }
0x58c: {  	_ =	sdelay $0x1  }
0x58d: {  	v4 =	vld.idx.msk [tilespmem:v7+s2+$0x0], $0xffff  }
0x58e: {  	s7 =	sadd.s32 $0x30, s7;
	v3, _, _ =	vpop (xrf0)  }
0x58f: {  	v5 =	vmul.f32 $2.880000000e+02, v5;
	_ =	sdelay $0x1  }
0x590: {  	v5 =	vtrunc.f32 v5  }
0x591: {  	v5 =	vcvt.f32.s32 v5;
	v4 =	vtrunc.f32 v4  }
0x592: {  	v6 =	vadd.s32 s5, v1;
	v4 =	vcvt.f32.s32 v4  }
0x593: {  	v5 =	vmul.u32 $0x41, v5  }
0x594: {  	v7 =	vshll.u32 v4, $0x16  }
0x595: {  	v8 =	vadd.s32 s5, v2;
	s4 =	sadd.s32 $0x10, s4;
	v5 =	vor.u32 v7, v5  }
0x596: {  	[tilespmem:s4+$0x0] =	vst v5  }
0x597: {  	v5 =	vld.idx.msk [tilespmem:v6+s2+$0x0], $0xffff;
	_ =	sdelay $0x2  }
0x598: {  	v6 =	vld.idx.msk [tilespmem:v8+s2+$0x0], $0xffff;
	_ =	sdelay $0x1  }
0x599: {  	v5 =	vmul.f32 $2.880000000e+02, v5;
	_ =	sdelay $0x1  }
0x59a: {  	v5 =	vtrunc.f32 v5  }
0x59b: {  	v6 =	vtrunc.f32 v6;
	v5 =	vcvt.f32.s32 v5  }
0x59c: {  	v7 =	vadd.s32 s3, v2;
	v6 =	vcvt.f32.s32 v6  }
0x59d: {  	v5 =	vmul.u32 $0x41, v5  }
0x59e: {  	v63 =	vshll.u32 v6, $0x16  }
0x59f: {  	s4 =	sadd.s32 $0x10, s4;
	v5 =	vor.u32 v63, v5  }
0x5a0: {  	[tilespmem:s4+$0x0] =	vst v5  }
0x5a1: {  	v5 =	vld.idx.msk [tilespmem:v7+s2+$0x0], $0xffff;
	_ =	sdelay $0x3  }
0x5a2: {  	v4 =	vxor.u32 $0x80000000, v4  }
0x5a3: {  	(xrf0) =	vmax.scan.msk.u32 $0xffff, v4;
	v5 =	vtrunc.f32 v5  }
0x5a4: {  	(xrf0) =	vmin.scan.msk.u32 $0xffff, v4;
	v4 =	vxor.u32 $0x80000000, v6;
	v5 =	vcvt.f32.s32 v5  }
0x5a5: {  	(xrf0) =	vmax.scan.msk.u32 $0xffff, v4  }
0x5a6: {  	(xrf0) =	vmin.scan.msk.u32 $0xffff, v4;
	v4 =	vxor.u32 $0x80000000, v5  }
0x5a7: {  	(xrf0) =	vmax.scan.msk.u32 $0xffff, v4  }
0x5a8: {  	(v2sf) =	vpush v3, $0xF;
	v6, _, _ =	vpop (xrf0)  }
0x5a9: {  	v3, _, _ =	vpop (xrf0);
	(v2sf) =	vpush v6, $0xF;
	(xrf0) =	vmin.scan.msk.u32 $0xffff, v4  }
0x5aa: {  	(v2sf) =	vpush v3, $0xF;
	v4, _, _ =	vpop (xrf0)  }
0x5ab: {  	v3, _, _ =	vpop (xrf0);
	(v2sf) =	vpush v4, $0xF;
	v4 =	vadd.s32 s3, v1  }
0x5ac: {  	v6, _, _ =	vpop (xrf0);
	(v2sf) =	vpush v3, $0xF  }
0x5ad: {  	(v2sf) =	vpush v6, $0xF;
	v3, _, _ =	vpop (xrf0)  }
0x5ae: {  	(v2sf) =	vpush v3, $0xF  }
0x5af: {  	v6, _, _ =	vpop (xrf0)  }
0x5b0: {  	(v2sf) =	vpush v6, $0xF;
	v3 =	vld.idx.msk [tilespmem:v4+s2+$0x0], $0xffff;
	_ =	sdelay $0x4  }
0x5b1: {  	s7 =	spop (v2sf);
	v3 =	vmul.f32 $2.880000000e+02, v3  }
0x5b2: {  	s8 =	spop (v2sf)  }
0x5b3: {  	s9 =	spop (v2sf);
	v3 =	vtrunc.f32 v3  }
0x5b4: {  	s10 =	spop (v2sf);
	v3 =	vcvt.f32.s32 v3  }
0x5b5: {  	s12 =	spop (v2sf)  }
0x5b6: {  	s13 =	spop (v2sf);
	v3 =	vmul.u32 $0x41, v3  }
0x5b7: {  	v4 =	vshll.u32 v5, $0x16;
	s14 =	spop (v2sf)  }
0x5b8: {  	s4 =	sadd.s32 $0x10, s4;
	s15 =	spop (v2sf);
	v3 =	vor.u32 v4, v3  }
0x5b9: {  	s16 =	simm.s32 $0x0;
	s25 =	rddreg [dreg:$0xb];
	[tilespmem:s4+$0x0] =	vst v3;
	s23 =	spop (v2sf)  }
0x5ba: {  	v3 =	vadd.s32 s16, v1;
	[tilespmem:s16], [sflag:$0x3] =	stream.linear.gather [hbm4b:s25+s16], $0x1E00, $0x38;
	[tilespmem:$0x1E780] =	vst v63  }
0x5bb: {  	s24 =	spop (v2sf)  }
0x5bc: {  	_ =	swait.ge [sflag:s17], $0x1E00  }
0x5bd: {  	v4 =	vadd.s32 s16, v2;
	[sflag:s17] =	ssyncset.done $0x0  }
0x5be: {  	[sflag:s17] =	ssyncadd.s32 $0xFFFFE200  }
0x5bf: {  	v3 =	vld.idx.msk [tilespmem:v3+s2+$0x0], $0xffff;
	_ =	sdelay $0x2  }
0x5c0: {  	v4 =	vld.idx.msk [tilespmem:v4+s2+$0x0], $0xffff;
	_ =	sdelay $0x1  }
0x5c1: {  	v3 =	vmul.f32 $2.880000000e+02, v3;
	_ =	sdelay $0x1  }
0x5c2: {  	v3 =	vtrunc.f32 v3  }
0x5c3: {  	s28 =	simm.s32 $0x30;
	v4 =	vtrunc.f32 v4;
	v3 =	vcvt.f32.s32 v3  }
0x5c4: {  	v5 =	vadd.s32 s28, v1;
	v4 =	vcvt.f32.s32 v4  }
0x5c5: {  	v3 =	vmul.u32 $0x41, v3  }
0x5c6: {  	v7 =	vshll.u32 v4, $0x16  }
0x5c7: {  	s29 =	sand.u32 $0xFF0, s16;
	v6 =	vadd.s32 s28, v2;
	v3 =	vor.u32 v7, v3  }
0x5c8: {  	[tilespmem:s29+$0x2800] =	vst v3  }
0x5c9: {  	v3 =	vld.idx.msk [tilespmem:v5+s2+$0x0], $0xffff;
	_ =	sdelay $0x2  }
0x5ca: {  	v5 =	vld.idx.msk [tilespmem:v6+s2+$0x0], $0xffff;
	_ =	sdelay $0x1  }
0x5cb: {  	v3 =	vmul.f32 $2.880000000e+02, v3;
	_ =	sdelay $0x1  }
0x5cc: {  	v4 =	vxor.u32 $0x80000000, v4;
	v3 =	vtrunc.f32 v3  }
0x5cd: {  	(xrf0) =	vmax.scan.msk.u32 $0xffff, v4;
	v5 =	vtrunc.f32 v5;
	v3 =	vcvt.f32.s32 v3  }
0x5ce: {  	(xrf0) =	vmin.scan.msk.u32 $0xffff, v4;
	v5 =	vcvt.f32.s32 v5  }
0x5cf: {  	v3 =	vmul.u32 $0x41, v3  }
0x5d0: {  	v4 =	vxor.u32 $0x80000000, v5;
	v5 =	vshll.u32 v5, $0x16  }
0x5d1: {  	v3 =	vor.u32 v5, v3  }
0x5d2: {  	s30 =	simm.s32 $0x10  }
0x5d3: {  	s31 =	sand.u32 $0xFF0, s30;
	v5, _, _ =	vpop (xrf0)  }
0x5d4: {  	[tilespmem:s31+$0x2800] =	vst v3;
	(v2sf) =	vpush v5, $0xF;
	v3, _, _ =	vpop (xrf0)  }
0x5d5: {  	s4 =	sxor.u32 $0x80000000, s7;
	(v2sf) =	vpush v3, $0xF  }
0x5d6: {  	s7 =	sxor.u32 $0x80000000, s8;
	p0 =	sgt.s32 s0, s4  }
0x5d7: {  	s4 =	smov.u32 @p0 s0;
	p0 =	slt.s32 s1, s7;
	s0 =	sxor.u32 $0x80000000, s9  }
0x5d8: {  	s7 =	smov.u32 @p0 s1;
	p0 =	sgt.s32 s4, s0  }
0x5d9: {  	s1 =	sxor.u32 $0x80000000, s10;
	s0 =	smov.u32 @p0 s4;
	s4 =	simm.s32 $0x60  }
0x5da: {  	s5 =	simm.s32 $0x30;
	s3 =	simm.s32 $0x40;
	p0 =	slt.s32 s7, s1;
	v6 =	vadd.s32 s4, v1  }
0x5db: {  	s8 =	sxor.u32 $0x80000000, s12;
	s1 =	smov.u32 @p0 s7;
	s7 =	sxor.u32 $0x80000000, s13;
	(xrf0) =	vmax.scan.msk.u32 $0xffff, v4  }
0x5dc: {  	s9 =	sxor.u32 $0x80000000, s14;
	p0 =	sgt.s32 s0, s8;
	p1 =	slt.s32 s1, s7;
	v7 =	vadd.s32 s4, v2  }
0x5dd: {  	s10 =	sxor.u32 $0x80000000, s15;
	s8 =	smov.u32 @p0 s0;
	s7 =	smov.u32 @p1 s1;
	(xrf0) =	vmin.scan.msk.u32 $0xffff, v4  }
0x5de: {  	s0 =	sxor.u32 $0x80000000, s23;
	p0 =	sgt.s32 s8, s9;
	p1 =	slt.s32 s7, s10  }
0x5df: {  	s1 =	sxor.u32 $0x80000000, s24;
	s9 =	smov.u32 @p0 s8;
	s10 =	smov.u32 @p1 s7;
	v5 =	vld.idx.msk [tilespmem:v6+s2+$0x0], $0xffff  }
0x5e0: {  	s8 =	simm.s32 $0x50;
	p0 =	sgt.s32 s9, s0;
	p1 =	slt.s32 s10, s1  }
0x5e1: {  	s7 =	simm.s32 $0x20;
	s0 =	smov.u32 @p0 s9;
	s1 =	smov.u32 @p1 s10;
	v4 =	vld.idx.msk [tilespmem:v7+s2+$0x0], $0xffff;
	v3, _, _ =	vpop (xrf0)  }
.LBB2_37:
0x5e2: {  	s9 =	smov.u32 s1;
	s10 =	smov.u32 s0  }
0x5e3: {  	p0 =	sne.s32 s8, $0x9F0;
	v6, _, _ =	vpop (xrf0);
	(v2sf) =	vpush v3, $0xF;
	s0 =	spop (v2sf)  }
0x5e4: {  	v3 =	vmul.f32 $2.880000000e+02, v5;
	(v2sf) =	vpush v6, $0xF;
	s0 =	sxor.u32 $0x80000000, s0;
	s1 =	spop (v2sf)  }
0x5e5: {  	s1 =	sxor.u32 $0x80000000, s1;
	p1 =	sgt.s32 s10, s0  }
0x5e6: {  	v3 =	vtrunc.f32 v3;
	p2 =	slt.s32 s9, s1;
	s0 =	smov.u32 @p1 s10  }
0x5e7: {  	s4 =	sadd.s32 $0x30, s4;
	v4 =	vtrunc.f32 v4;
	v3 =	vcvt.f32.s32 v3;
	s1 =	smov.u32 @p2 s9  }
0x5e8: {  	v5 =	vadd.s32 s4, v1;
	v4 =	vcvt.f32.s32 v4  }
0x5e9: {  	v3 =	vmul.u32 $0x41, v3  }
0x5ea: {  	v6 =	vshll.u32 v4, $0x16;
	v4 =	vxor.u32 $0x80000000, v4  }
0x5eb: {  	v7 =	vadd.s32 s4, v2;
	s9 =	sand.u32 $0xFF0, s7;
	s7 =	smov.u32 s5;
	s5 =	smov.u32 s3;
	v3 =	vor.u32 v6, v3;
	(xrf0) =	vmax.scan.msk.u32 $0xffff, v4  }
0x5ec: {  	s3 =	smov.u32 s8;
	[tilespmem:s9+$0x2800] =	vst v3;
	(xrf0) =	vmin.scan.msk.u32 $0xffff, v4  }
.Ltmp23:
0x5ed: {  	v5 =	vld.idx.msk [tilespmem:v5+s2+$0x0], $0xffff;
	(pc) =	sbr.rel @p0 .LBB2_37-.Ltmp23, $3  }
0x5ee: {  	_ =	sdelay $0x1  }
0x5ef: {  	v4 =	vld.idx.msk [tilespmem:v7+s2+$0x0], $0xffff  }
0x5f0: {  	s8 =	sadd.s32 $0x10, s8;
	v3, _, _ =	vpop (xrf0)  }
0x5f1: {  	v5 =	vmul.f32 $2.880000000e+02, v5;
	_ =	sdelay $0x1  }
0x5f2: {  	v5 =	vtrunc.f32 v5  }
0x5f3: {  	s4 =	sadd.s32 $0x30, s4;
	v5 =	vcvt.f32.s32 v5;
	v4 =	vtrunc.f32 v4  }
0x5f4: {  	v6 =	vadd.s32 s4, v1;
	v4 =	vcvt.f32.s32 v4  }
0x5f5: {  	v5 =	vmul.u32 $0x41, v5  }
0x5f6: {  	v7 =	vshll.u32 v4, $0x16  }
0x5f7: {  	s7 =	sand.u32 $0xFF0, s7;
	v8 =	vadd.s32 s4, v2;
	v5 =	vor.u32 v7, v5  }
0x5f8: {  	[tilespmem:s7+$0x2800] =	vst v5  }
0x5f9: {  	v5 =	vld.idx.msk [tilespmem:v6+s2+$0x0], $0xffff;
	_ =	sdelay $0x2  }
0x5fa: {  	v6 =	vld.idx.msk [tilespmem:v8+s2+$0x0], $0xffff;
	_ =	sdelay $0x1  }
0x5fb: {  	v5 =	vmul.f32 $2.880000000e+02, v5;
	_ =	sdelay $0x1  }
0x5fc: {  	v5 =	vtrunc.f32 v5  }
0x5fd: {  	s4 =	sadd.s32 $0x30, s4;
	v6 =	vtrunc.f32 v6;
	v5 =	vcvt.f32.s32 v5  }
0x5fe: {  	v7 =	vadd.s32 s4, v2;
	v6 =	vcvt.f32.s32 v6  }
0x5ff: {  	v5 =	vmul.u32 $0x41, v5  }
0x600: {  	v63 =	vshll.u32 v6, $0x16  }
0x601: {  	s5 =	sand.u32 $0xFF0, s5;
	v5 =	vor.u32 v63, v5  }
0x602: {  	[tilespmem:s5+$0x2800] =	vst v5  }
0x603: {  	v5 =	vld.idx.msk [tilespmem:v7+s2+$0x0], $0xffff;
	_ =	sdelay $0x3  }
0x604: {  	v4 =	vxor.u32 $0x80000000, v4  }
0x605: {  	(xrf0) =	vmax.scan.msk.u32 $0xffff, v4;
	v5 =	vtrunc.f32 v5  }
0x606: {  	(xrf0) =	vmin.scan.msk.u32 $0xffff, v4;
	v4 =	vxor.u32 $0x80000000, v6;
	v5 =	vcvt.f32.s32 v5  }
0x607: {  	(xrf0) =	vmax.scan.msk.u32 $0xffff, v4  }
0x608: {  	(xrf0) =	vmin.scan.msk.u32 $0xffff, v4;
	v4 =	vxor.u32 $0x80000000, v5  }
0x609: {  	(xrf0) =	vmax.scan.msk.u32 $0xffff, v4  }
0x60a: {  	(v2sf) =	vpush v3, $0xF;
	v6, _, _ =	vpop (xrf0)  }
0x60b: {  	v3, _, _ =	vpop (xrf0);
	(v2sf) =	vpush v6, $0xF;
	(xrf0) =	vmin.scan.msk.u32 $0xffff, v4  }
0x60c: {  	(v2sf) =	vpush v3, $0xF;
	v4, _, _ =	vpop (xrf0)  }
0x60d: {  	v3, _, _ =	vpop (xrf0);
	(v2sf) =	vpush v4, $0xF;
	v4 =	vadd.s32 s4, v1  }
0x60e: {  	v6, _, _ =	vpop (xrf0);
	(v2sf) =	vpush v3, $0xF  }
0x60f: {  	(v2sf) =	vpush v6, $0xF;
	v3, _, _ =	vpop (xrf0)  }
0x610: {  	(v2sf) =	vpush v3, $0xF  }
0x611: {  	v6, _, _ =	vpop (xrf0)  }
0x612: {  	(v2sf) =	vpush v6, $0xF;
	v3 =	vld.idx.msk [tilespmem:v4+s2+$0x0], $0xffff;
	_ =	sdelay $0x4  }
0x613: {  	s22 =	spop (v2sf);
	v3 =	vmul.f32 $2.880000000e+02, v3  }
0x614: {  	s23 =	spop (v2sf)  }
0x615: {  	s8 =	spop (v2sf);
	v3 =	vtrunc.f32 v3  }
0x616: {  	s9 =	spop (v2sf);
	v3 =	vcvt.f32.s32 v3  }
0x617: {  	s10 =	spop (v2sf)  }
0x618: {  	s12 =	spop (v2sf);
	v3 =	vmul.u32 $0x41, v3  }
0x619: {  	v4 =	vshll.u32 v5, $0x16;
	s13 =	spop (v2sf)  }
0x61a: {  	s24 =	sand.u32 $0xFF0, s3;
	s14 =	spop (v2sf);
	v3 =	vor.u32 v4, v3  }
0x61b: {  	s15 =	simm.s32 $0x0;
	s16 =	rddreg [dreg:$0xc];
	[tilespmem:s24+$0x2800] =	vst v3;
	s25 =	spop (v2sf)  }
0x61c: {  	v3 =	vadd.s32 s15, v1;
	[tilespmem:s15], [sflag:$0x3] =	stream.linear.gather [hbm4b:s16+s15], $0x1E00, $0x38;
	[tilespmem:$0x1E780] =	vst v63  }
0x61d: {  	s28 =	spop (v2sf)  }
0x61e: {  	_ =	swait.ge [sflag:s17], $0x1E00  }
0x61f: {  	v4 =	vadd.s32 s15, v2;
	[sflag:s17] =	ssyncset.done $0x0  }
0x620: {  	[sflag:s17] =	ssyncadd.s32 $0xFFFFE200  }
0x621: {  	v3 =	vld.idx.msk [tilespmem:v3+s2+$0x0], $0xffff;
	_ =	sdelay $0x2  }
0x622: {  	v4 =	vld.idx.msk [tilespmem:v4+s2+$0x0], $0xffff;
	_ =	sdelay $0x1  }
0x623: {  	v3 =	vmul.f32 $2.880000000e+02, v3;
	_ =	sdelay $0x1  }
0x624: {  	v3 =	vtrunc.f32 v3  }
0x625: {  	s29 =	simm.s32 $0x30;
	v4 =	vtrunc.f32 v4;
	v3 =	vcvt.f32.s32 v3  }
0x626: {  	v5 =	vadd.s32 s29, v1;
	v4 =	vcvt.f32.s32 v4  }
0x627: {  	v3 =	vmul.u32 $0x41, v3  }
0x628: {  	v7 =	vshll.u32 v4, $0x16  }
0x629: {  	v6 =	vadd.s32 s29, v2;
	s15 =	sand.u32 $0xFF0, s15;
	v3 =	vor.u32 v7, v3  }
0x62a: {  	[tilespmem:s15+$0x3200] =	vst v3  }
0x62b: {  	v3 =	vld.idx.msk [tilespmem:v5+s2+$0x0], $0xffff;
	_ =	sdelay $0x2  }
0x62c: {  	v5 =	vld.idx.msk [tilespmem:v6+s2+$0x0], $0xffff;
	_ =	sdelay $0x1  }
0x62d: {  	v3 =	vmul.f32 $2.880000000e+02, v3;
	_ =	sdelay $0x1  }
0x62e: {  	v4 =	vxor.u32 $0x80000000, v4;
	v3 =	vtrunc.f32 v3  }
0x62f: {  	(xrf0) =	vmax.scan.msk.u32 $0xffff, v4;
	v5 =	vtrunc.f32 v5;
	v3 =	vcvt.f32.s32 v3  }
0x630: {  	(xrf0) =	vmin.scan.msk.u32 $0xffff, v4;
	v5 =	vcvt.f32.s32 v5  }
0x631: {  	v3 =	vmul.u32 $0x41, v3  }
0x632: {  	v4 =	vxor.u32 $0x80000000, v5;
	v5 =	vshll.u32 v5, $0x16  }
0x633: {  	v3 =	vor.u32 v5, v3  }
0x634: {  	s30 =	simm.s32 $0x10  }
0x635: {  	s31 =	sand.u32 $0xFF0, s30;
	v5, _, _ =	vpop (xrf0)  }
0x636: {  	[tilespmem:s31+$0x3200] =	vst v3;
	(v2sf) =	vpush v5, $0xF;
	v3, _, _ =	vpop (xrf0)  }
0x637: {  	s4 =	sxor.u32 $0x80000000, s22;
	(v2sf) =	vpush v3, $0xF  }
0x638: {  	s7 =	sxor.u32 $0x80000000, s23;
	p0 =	sgt.s32 s0, s4  }
0x639: {  	s4 =	smov.u32 @p0 s0;
	p0 =	slt.s32 s1, s7;
	s0 =	sxor.u32 $0x80000000, s8  }
0x63a: {  	s7 =	smov.u32 @p0 s1;
	p0 =	sgt.s32 s4, s0  }
0x63b: {  	s1 =	sxor.u32 $0x80000000, s9;
	s0 =	smov.u32 @p0 s4;
	s4 =	simm.s32 $0x60  }
0x63c: {  	s3 =	simm.s32 $0x40;
	s8 =	sxor.u32 $0x80000000, s10;
	p0 =	slt.s32 s7, s1;
	v6 =	vadd.s32 s4, v1  }
0x63d: {  	s1 =	smov.u32 @p0 s7;
	p0 =	sgt.s32 s0, s8;
	s7 =	sxor.u32 $0x80000000, s12;
	(xrf0) =	vmax.scan.msk.u32 $0xffff, v4  }
0x63e: {  	s8 =	smov.u32 @p0 s0;
	p1 =	slt.s32 s1, s7;
	s9 =	sxor.u32 $0x80000000, s13;
	v7 =	vadd.s32 s4, v2  }
0x63f: {  	s7 =	smov.u32 @p1 s1;
	s10 =	sxor.u32 $0x80000000, s14;
	p0 =	sgt.s32 s8, s9;
	(xrf0) =	vmin.scan.msk.u32 $0xffff, v4  }
0x640: {  	s5 =	simm.s32 $0x30;
	p1 =	slt.s32 s7, s10;
	s9 =	smov.u32 @p0 s8  }
0x641: {  	s10 =	smov.u32 @p1 s7;
	s0 =	sxor.u32 $0x80000000, s25;
	s1 =	sxor.u32 $0x80000000, s28;
	v5 =	vld.idx.msk [tilespmem:v6+s2+$0x0], $0xffff  }
0x642: {  	s8 =	simm.s32 $0x50;
	p0 =	sgt.s32 s9, s0;
	p1 =	slt.s32 s10, s1  }
0x643: {  	s7 =	simm.s32 $0x20;
	s0 =	smov.u32 @p0 s9;
	s1 =	smov.u32 @p1 s10;
	v4 =	vld.idx.msk [tilespmem:v7+s2+$0x0], $0xffff;
	v3, _, _ =	vpop (xrf0)  }
.LBB2_39:
0x644: {  	s9 =	smov.u32 s1;
	s10 =	smov.u32 s0  }
0x645: {  	p0 =	sne.s32 s8, $0x9F0;
	v6, _, _ =	vpop (xrf0);
	(v2sf) =	vpush v3, $0xF;
	s0 =	spop (v2sf)  }
0x646: {  	v3 =	vmul.f32 $2.880000000e+02, v5;
	(v2sf) =	vpush v6, $0xF;
	s0 =	sxor.u32 $0x80000000, s0;
	s1 =	spop (v2sf)  }
0x647: {  	s1 =	sxor.u32 $0x80000000, s1;
	p1 =	sgt.s32 s10, s0  }
0x648: {  	v3 =	vtrunc.f32 v3;
	p2 =	slt.s32 s9, s1;
	s0 =	smov.u32 @p1 s10  }
0x649: {  	s4 =	sadd.s32 $0x30, s4;
	v4 =	vtrunc.f32 v4;
	v3 =	vcvt.f32.s32 v3;
	s1 =	smov.u32 @p2 s9  }
0x64a: {  	v5 =	vadd.s32 s4, v1;
	v4 =	vcvt.f32.s32 v4  }
0x64b: {  	v3 =	vmul.u32 $0x41, v3  }
0x64c: {  	v6 =	vshll.u32 v4, $0x16;
	v4 =	vxor.u32 $0x80000000, v4  }
0x64d: {  	v7 =	vadd.s32 s4, v2;
	s9 =	sand.u32 $0xFF0, s7;
	s7 =	smov.u32 s5;
	s5 =	smov.u32 s3;
	v3 =	vor.u32 v6, v3;
	(xrf0) =	vmax.scan.msk.u32 $0xffff, v4  }
0x64e: {  	s3 =	smov.u32 s8;
	[tilespmem:s9+$0x3200] =	vst v3;
	(xrf0) =	vmin.scan.msk.u32 $0xffff, v4  }
.Ltmp24:
0x64f: {  	v5 =	vld.idx.msk [tilespmem:v5+s2+$0x0], $0xffff;
	(pc) =	sbr.rel @p0 .LBB2_39-.Ltmp24, $3  }
0x650: {  	_ =	sdelay $0x1  }
0x651: {  	v4 =	vld.idx.msk [tilespmem:v7+s2+$0x0], $0xffff  }
0x652: {  	s8 =	sadd.s32 $0x10, s8;
	v3, _, _ =	vpop (xrf0)  }
0x653: {  	v5 =	vmul.f32 $2.880000000e+02, v5;
	_ =	sdelay $0x1  }
0x654: {  	v5 =	vtrunc.f32 v5  }
0x655: {  	s4 =	sadd.s32 $0x30, s4;
	v5 =	vcvt.f32.s32 v5;
	v4 =	vtrunc.f32 v4  }
0x656: {  	v6 =	vadd.s32 s4, v1;
	v4 =	vcvt.f32.s32 v4  }
0x657: {  	v5 =	vmul.u32 $0x41, v5  }
0x658: {  	v7 =	vshll.u32 v4, $0x16  }
0x659: {  	s7 =	sand.u32 $0xFF0, s7;
	v8 =	vadd.s32 s4, v2;
	v5 =	vor.u32 v7, v5  }
0x65a: {  	[tilespmem:s7+$0x3200] =	vst v5  }
0x65b: {  	v5 =	vld.idx.msk [tilespmem:v6+s2+$0x0], $0xffff;
	_ =	sdelay $0x2  }
0x65c: {  	v6 =	vld.idx.msk [tilespmem:v8+s2+$0x0], $0xffff;
	_ =	sdelay $0x1  }
0x65d: {  	v5 =	vmul.f32 $2.880000000e+02, v5;
	_ =	sdelay $0x1  }
0x65e: {  	v5 =	vtrunc.f32 v5  }
0x65f: {  	s4 =	sadd.s32 $0x30, s4;
	v6 =	vtrunc.f32 v6;
	v5 =	vcvt.f32.s32 v5  }
0x660: {  	v7 =	vadd.s32 s4, v2;
	v6 =	vcvt.f32.s32 v6  }
0x661: {  	v5 =	vmul.u32 $0x41, v5  }
0x662: {  	v63 =	vshll.u32 v6, $0x16  }
0x663: {  	s5 =	sand.u32 $0xFF0, s5;
	v5 =	vor.u32 v63, v5  }
0x664: {  	[tilespmem:s5+$0x3200] =	vst v5  }
0x665: {  	v5 =	vld.idx.msk [tilespmem:v7+s2+$0x0], $0xffff;
	_ =	sdelay $0x3  }
0x666: {  	v4 =	vxor.u32 $0x80000000, v4  }
0x667: {  	(xrf0) =	vmax.scan.msk.u32 $0xffff, v4;
	v5 =	vtrunc.f32 v5  }
0x668: {  	(xrf0) =	vmin.scan.msk.u32 $0xffff, v4;
	v4 =	vxor.u32 $0x80000000, v6;
	v5 =	vcvt.f32.s32 v5  }
0x669: {  	(xrf0) =	vmax.scan.msk.u32 $0xffff, v4  }
0x66a: {  	(xrf0) =	vmin.scan.msk.u32 $0xffff, v4;
	v4 =	vxor.u32 $0x80000000, v5  }
0x66b: {  	(xrf0) =	vmax.scan.msk.u32 $0xffff, v4  }
0x66c: {  	(v2sf) =	vpush v3, $0xF;
	v6, _, _ =	vpop (xrf0)  }
0x66d: {  	v3, _, _ =	vpop (xrf0);
	(v2sf) =	vpush v6, $0xF;
	(xrf0) =	vmin.scan.msk.u32 $0xffff, v4  }
0x66e: {  	(v2sf) =	vpush v3, $0xF;
	v4, _, _ =	vpop (xrf0)  }
0x66f: {  	v3, _, _ =	vpop (xrf0);
	(v2sf) =	vpush v4, $0xF;
	v4 =	vadd.s32 s4, v1  }
0x670: {  	v6, _, _ =	vpop (xrf0);
	(v2sf) =	vpush v3, $0xF  }
0x671: {  	(v2sf) =	vpush v6, $0xF;
	v3, _, _ =	vpop (xrf0)  }
0x672: {  	(v2sf) =	vpush v3, $0xF  }
0x673: {  	v6, _, _ =	vpop (xrf0)  }
0x674: {  	(v2sf) =	vpush v6, $0xF;
	v3 =	vld.idx.msk [tilespmem:v4+s2+$0x0], $0xffff;
	_ =	sdelay $0x4  }
0x675: {  	s22 =	spop (v2sf);
	v3 =	vmul.f32 $2.880000000e+02, v3  }
0x676: {  	s23 =	spop (v2sf)  }
0x677: {  	s8 =	spop (v2sf);
	v3 =	vtrunc.f32 v3  }
0x678: {  	s9 =	spop (v2sf);
	v3 =	vcvt.f32.s32 v3  }
0x679: {  	s10 =	spop (v2sf)  }
0x67a: {  	s12 =	spop (v2sf);
	v3 =	vmul.u32 $0x41, v3  }
0x67b: {  	v4 =	vshll.u32 v5, $0x16;
	s13 =	spop (v2sf)  }
0x67c: {  	s24 =	sand.u32 $0xFF0, s3;
	s14 =	spop (v2sf);
	v3 =	vor.u32 v4, v3  }
0x67d: {  	s15 =	simm.s32 $0x0;
	s16 =	rddreg [dreg:$0xd];
	[tilespmem:s24+$0x3200] =	vst v3;
	s25 =	spop (v2sf)  }
0x67e: {  	v3 =	vadd.s32 s15, v1;
	[tilespmem:s15], [sflag:$0x3] =	stream.linear.gather [hbm4b:s16+s15], $0x1B30, $0x38;
	[tilespmem:$0x1E780] =	vst v63  }
0x67f: {  	s28 =	spop (v2sf)  }
0x680: {  	_ =	swait.ge [sflag:s17], $0x1B30  }
0x681: {  	v4 =	vadd.s32 s15, v2;
	[sflag:s17] =	ssyncset.done $0x0  }
0x682: {  	[sflag:s17] =	ssyncadd.s32 $0xFFFFE4D0  }
0x683: {  	v3 =	vld.idx.msk [tilespmem:v3+s2+$0x0], $0xffff;
	_ =	sdelay $0x2  }
0x684: {  	v4 =	vld.idx.msk [tilespmem:v4+s2+$0x0], $0xffff;
	_ =	sdelay $0x1  }
0x685: {  	v3 =	vmul.f32 $2.880000000e+02, v3;
	_ =	sdelay $0x1  }
0x686: {  	v3 =	vtrunc.f32 v3  }
0x687: {  	s29 =	simm.s32 $0x30;
	v4 =	vtrunc.f32 v4;
	v3 =	vcvt.f32.s32 v3  }
0x688: {  	v5 =	vadd.s32 s29, v1;
	v4 =	vcvt.f32.s32 v4  }
0x689: {  	v3 =	vmul.u32 $0x41, v3  }
0x68a: {  	v7 =	vshll.u32 v4, $0x16  }
0x68b: {  	v6 =	vadd.s32 s29, v2;
	s15 =	sand.u32 $0xFF0, s15;
	v3 =	vor.u32 v7, v3  }
0x68c: {  	[tilespmem:s15+$0x3C00] =	vst v3  }
0x68d: {  	v3 =	vld.idx.msk [tilespmem:v5+s2+$0x0], $0xffff;
	_ =	sdelay $0x2  }
0x68e: {  	v5 =	vld.idx.msk [tilespmem:v6+s2+$0x0], $0xffff;
	_ =	sdelay $0x1  }
0x68f: {  	v3 =	vmul.f32 $2.880000000e+02, v3;
	_ =	sdelay $0x1  }
0x690: {  	v4 =	vxor.u32 $0x80000000, v4;
	v3 =	vtrunc.f32 v3  }
0x691: {  	(xrf0) =	vmax.scan.msk.u32 $0xffff, v4;
	v5 =	vtrunc.f32 v5;
	v3 =	vcvt.f32.s32 v3  }
0x692: {  	(xrf0) =	vmin.scan.msk.u32 $0xffff, v4;
	v5 =	vcvt.f32.s32 v5  }
0x693: {  	v3 =	vmul.u32 $0x41, v3  }
0x694: {  	v4 =	vxor.u32 $0x80000000, v5;
	v5 =	vshll.u32 v5, $0x16  }
0x695: {  	v3 =	vor.u32 v5, v3  }
0x696: {  	s30 =	simm.s32 $0x10  }
0x697: {  	s31 =	sand.u32 $0xFF0, s30;
	v5, _, _ =	vpop (xrf0)  }
0x698: {  	[tilespmem:s31+$0x3C00] =	vst v3;
	(v2sf) =	vpush v5, $0xF;
	v3, _, _ =	vpop (xrf0)  }
0x699: {  	s4 =	sxor.u32 $0x80000000, s22;
	(v2sf) =	vpush v3, $0xF  }
0x69a: {  	s7 =	sxor.u32 $0x80000000, s23;
	p0 =	sgt.s32 s0, s4  }
0x69b: {  	s4 =	smov.u32 @p0 s0;
	p0 =	slt.s32 s1, s7;
	s0 =	sxor.u32 $0x80000000, s8  }
0x69c: {  	s7 =	smov.u32 @p0 s1;
	p0 =	sgt.s32 s4, s0  }
0x69d: {  	s1 =	sxor.u32 $0x80000000, s9;
	s0 =	smov.u32 @p0 s4;
	s4 =	simm.s32 $0x60  }
0x69e: {  	s3 =	simm.s32 $0x40;
	s8 =	sxor.u32 $0x80000000, s10;
	p0 =	slt.s32 s7, s1;
	v6 =	vadd.s32 s4, v1  }
0x69f: {  	s1 =	smov.u32 @p0 s7;
	p0 =	sgt.s32 s0, s8;
	s7 =	sxor.u32 $0x80000000, s12;
	(xrf0) =	vmax.scan.msk.u32 $0xffff, v4  }
0x6a0: {  	s8 =	smov.u32 @p0 s0;
	p1 =	slt.s32 s1, s7;
	s9 =	sxor.u32 $0x80000000, s13;
	v7 =	vadd.s32 s4, v2  }
0x6a1: {  	s7 =	smov.u32 @p1 s1;
	s10 =	sxor.u32 $0x80000000, s14;
	p0 =	sgt.s32 s8, s9;
	(xrf0) =	vmin.scan.msk.u32 $0xffff, v4  }
0x6a2: {  	s5 =	simm.s32 $0x30;
	p1 =	slt.s32 s7, s10;
	s9 =	smov.u32 @p0 s8  }
0x6a3: {  	s10 =	smov.u32 @p1 s7;
	s0 =	sxor.u32 $0x80000000, s25;
	s1 =	sxor.u32 $0x80000000, s28;
	v5 =	vld.idx.msk [tilespmem:v6+s2+$0x0], $0xffff  }
0x6a4: {  	s8 =	simm.s32 $0x50;
	p0 =	sgt.s32 s9, s0;
	p1 =	slt.s32 s10, s1  }
0x6a5: {  	s7 =	simm.s32 $0x20;
	s0 =	smov.u32 @p0 s9;
	s1 =	smov.u32 @p1 s10;
	v4 =	vld.idx.msk [tilespmem:v7+s2+$0x0], $0xffff;
	v3, _, _ =	vpop (xrf0)  }
.LBB2_41:
0x6a6: {  	s9 =	smov.u32 s1;
	s10 =	smov.u32 s0  }
0x6a7: {  	p0 =	sne.s32 s8, $0x900;
	v6, _, _ =	vpop (xrf0);
	(v2sf) =	vpush v3, $0xF;
	s0 =	spop (v2sf)  }
0x6a8: {  	v3 =	vmul.f32 $2.880000000e+02, v5;
	(v2sf) =	vpush v6, $0xF;
	s0 =	sxor.u32 $0x80000000, s0;
	s1 =	spop (v2sf)  }
0x6a9: {  	s1 =	sxor.u32 $0x80000000, s1;
	p1 =	sgt.s32 s10, s0  }
0x6aa: {  	v3 =	vtrunc.f32 v3;
	p2 =	slt.s32 s9, s1;
	s0 =	smov.u32 @p1 s10  }
0x6ab: {  	s4 =	sadd.s32 $0x30, s4;
	v4 =	vtrunc.f32 v4;
	v3 =	vcvt.f32.s32 v3;
	s1 =	smov.u32 @p2 s9  }
0x6ac: {  	v5 =	vadd.s32 s4, v1;
	v4 =	vcvt.f32.s32 v4  }
0x6ad: {  	v3 =	vmul.u32 $0x41, v3  }
0x6ae: {  	v6 =	vshll.u32 v4, $0x16;
	v4 =	vxor.u32 $0x80000000, v4  }
0x6af: {  	v7 =	vadd.s32 s4, v2;
	s9 =	sand.u32 $0xFF0, s7;
	s7 =	smov.u32 s5;
	s5 =	smov.u32 s3;
	v3 =	vor.u32 v6, v3;
	(xrf0) =	vmax.scan.msk.u32 $0xffff, v4  }
0x6b0: {  	s3 =	smov.u32 s8;
	[tilespmem:s9+$0x3C00] =	vst v3;
	(xrf0) =	vmin.scan.msk.u32 $0xffff, v4  }
.Ltmp25:
0x6b1: {  	v5 =	vld.idx.msk [tilespmem:v5+s2+$0x0], $0xffff;
	(pc) =	sbr.rel @p0 .LBB2_41-.Ltmp25, $3  }
0x6b2: {  	_ =	sdelay $0x1  }
0x6b3: {  	v4 =	vld.idx.msk [tilespmem:v7+s2+$0x0], $0xffff  }
0x6b4: {  	s8 =	sadd.s32 $0x10, s8;
	v3, _, _ =	vpop (xrf0)  }
0x6b5: {  	v5 =	vmul.f32 $2.880000000e+02, v5;
	_ =	sdelay $0x1  }
0x6b6: {  	v5 =	vtrunc.f32 v5  }
0x6b7: {  	s4 =	sadd.s32 $0x30, s4;
	v5 =	vcvt.f32.s32 v5;
	v4 =	vtrunc.f32 v4  }
0x6b8: {  	v6 =	vadd.s32 s4, v1;
	v4 =	vcvt.f32.s32 v4  }
0x6b9: {  	v5 =	vmul.u32 $0x41, v5  }
0x6ba: {  	v7 =	vshll.u32 v4, $0x16  }
0x6bb: {  	s7 =	sand.u32 $0xFF0, s7;
	v8 =	vadd.s32 s4, v2;
	v5 =	vor.u32 v7, v5  }
0x6bc: {  	[tilespmem:s7+$0x3C00] =	vst v5  }
0x6bd: {  	v5 =	vld.idx.msk [tilespmem:v6+s2+$0x0], $0xffff;
	_ =	sdelay $0x2  }
0x6be: {  	v54 =	vld.idx.msk [tilespmem:v8+s2+$0x0], $0xffff;
	_ =	sdelay $0x1  }
0x6bf: {  	v5 =	vmul.f32 $2.880000000e+02, v5;
	_ =	sdelay $0x1  }
0x6c0: {  	v5 =	vtrunc.f32 v5  }
0x6c1: {  	s4 =	sadd.s32 $0x30, s4;
	v6 =	vtrunc.f32 v54;
	v5 =	vcvt.f32.s32 v5  }
0x6c2: {  	v55 =	vadd.s32 s4, v2;
	v6 =	vcvt.f32.s32 v6  }
0x6c3: {  	v5 =	vmul.u32 $0x41, v5  }
0x6c4: {  	v56 =	vshll.u32 v6, $0x16  }
0x6c5: {  	s5 =	sand.u32 $0xFF0, s5;
	v5 =	vor.u32 v56, v5  }
0x6c6: {  	[tilespmem:s5+$0x3C00] =	vst v5  }
0x6c7: {  	v4 =	vxor.u32 $0x80000000, v4;
	v5 =	vld.idx.msk [tilespmem:v55+s2+$0x0], $0xffff  }
0x6c8: {  	(xrf0) =	vmax.scan.msk.u32 $0xffff, v4;
	_ =	sdelay $0x1  }
0x6c9: {  	(xrf0) =	vmin.scan.msk.u32 $0xffff, v4;
	_ =	sdelay $0x1  }
0x6ca: {  	v58 =	vxor.u32 $0x80000000, v6;
	v57 =	vtrunc.f32 v5  }
0x6cb: {  	v59, _, _ =	vpop (xrf0);
	(xrf0) =	vmax.scan.msk.u32 $0xffff, v58;
	v4 =	vcvt.f32.s32 v57  }
0x6cc: {  	(v2sf) =	vpush v3, $0xF;
	v3, _, _ =	vpop (xrf0);
	(xrf0) =	vmin.scan.msk.u32 $0xffff, v58  }
0x6cd: {  	v60 =	vxor.u32 $0x80000000, v4  }
0x6ce: {  	(v2sf) =	vpush v59, $0xF;
	v61, _, _ =	vpop (xrf0);
	(xrf0) =	vmax.scan.msk.u32 $0xffff, v60  }
0x6cf: {  	(v2sf) =	vpush v3, $0xF;
	(xrf0) =	vmin.scan.msk.u32 $0xffff, v60  }
0x6d0: {  	(v2sf) =	vpush v61, $0xF  }
0x6d1: {  	v3, _, _ =	vpop (xrf0)  }
0x6d2: {  	v62, _, _ =	vpop (xrf0);
	(v2sf) =	vpush v3, $0xF  }
0x6d3: {  	(v2sf) =	vpush v62, $0xF  }
0x6d4: {  	v3, _, _ =	vpop (xrf0)  }
0x6d5: {  	v63, _, _ =	vpop (xrf0);
	(v2sf) =	vpush v3, $0xF  }
0x6d6: {  	(v2sf) =	vpush v63, $0xF;
	_ =	sdelay $0x3  }
0x6d7: {  	s18 =	spop (v2sf)  }
0x6d8: {  	s22 =	spop (v2sf);
	s5 =	sxor.u32 $0x80000000, s18  }
0x6d9: {  	s7 =	sxor.u32 $0x80000000, s22;
	s23 =	spop (v2sf);
	p0 =	sgt.s32 s0, s5  }
0x6da: {  	s8 =	spop (v2sf);
	s5 =	smov.u32 @p0 s0;
	p0 =	slt.s32 s1, s7  }
0x6db: {  	s7 =	smov.u32 @p0 s1;
	s1 =	sxor.u32 $0x80000000, s8;
	s9 =	spop (v2sf);
	v3 =	vadd.s32 s4, v1  }
0x6dc: {  	p1 =	slt.s32 s7, s1;
	s24 =	spop (v2sf);
	s4 =	sxor.u32 $0x80000000, s23  }
0x6dd: {  	s1 =	smov.u32 @p1 s7;
	s0 =	sxor.u32 $0x80000000, s24;
	p0 =	sgt.s32 s5, s4  }
0x6de: {  	s25 =	spop (v2sf);
	s4 =	smov.u32 @p0 s5;
	s5 =	sxor.u32 $0x80000000, s9  }
0x6df: {  	p1 =	slt.s32 s1, s0;
	s28 =	spop (v2sf);
	p0 =	sgt.s32 s4, s5  }
0x6e0: {  	s0 =	smov.u32 @p1 s1;
	s7 =	sxor.u32 $0x80000000, s28;
	s5 =	smov.u32 @p0 s4;
	v3 =	vld.idx.msk [tilespmem:v3+s2+$0x0], $0xffff  }
0x6e1: {  	s4 =	sxor.u32 $0x80000000, s25;
	p1 =	slt.s32 s0, s7;
	s29 =	spop (v2sf)  }
0x6e2: {  	p0 =	sgt.s32 s5, s4;
	s7 =	smov.u32 @p1 s0;
	s30 =	spop (v2sf)  }
0x6e3: {  	s4 =	smov.u32 @p0 s5;
	s0 =	sxor.u32 $0x80000000, s29;
	s1 =	sxor.u32 $0x80000000, s30  }
0x6e4: {  	p0 =	sgt.s32 s4, s0;
	p1 =	slt.s32 s7, s1  }
0x6e5: {  	v3 =	vmul.f32 $2.880000000e+02, v3;
	s0 =	smov.u32 @p0 s4;
	s1 =	smov.u32 @p1 s7  }
0x6e6: {  	p0 =	seq.s32 s1, s0;
	s4 =	smov.u32 s1  }
0x6e7: {  	s31 =	rddreg [dreg:$0x11];
	v3 =	vtrunc.f32 v3;
	s4 =	simm.s32 @!p0 $0xFFFFFFFF  }
0x6e8: {  	v3 =	vcvt.f32.s32 v3;
	p0 =	seq.s32 s31, s4  }
.Ltmp26:
0x6e9: {  	_ = 	snop;
	(pc) =	sbr.rel @p0 .LBB2_49-.Ltmp26, $4  }
0x6ea: {  	v3 =	vmul.u32 $0x41, v3  }
0x6eb: {  	v4 =	vshll.u32 v4, $0x16  }
0x6ec: {  	s3 =	sand.u32 $0xFF0, s3;
	v3 =	vor.u32 v4, v3  }
0x6ed: {  	[tilespmem:s3+$0x3C00] =	vst v3  }
0x6ee: {  	s3 =	rddreg [dreg:$0x3]  }
0x6ef: {  	[tilespmem:s19], [sflag:$0x3] =	stream.linear.gather [hbm4b:s3+s2], $0x4800, $0x38;
	[tilespmem:$0x1E780] =	vst v63  }
0x6f0: {  	_ =	swait.ge [sflag:s17], $0x4800  }
0x6f1: {  	s5 =	simm.s32 $0x12000;
	s4 =	simm.s32 $0x4800;
	[sflag:s17] =	ssyncset.done $0x0  }
0x6f2: {  	s7 =	simm.s32 $0x1237C;
	s3 =	simm.s32 $0x12480;
	[sflag:s17] =	ssyncadd.s32 $0xFFFFB800  }
.LBB2_44:
0x6f3: {  	p0 =	sne.s32 s7, $0x104;
	v3 =	vld [tilespmem:s4+$0x61F0];
	_ =	sdelay $0x3  }
0x6f4: {  	s8 =	sshra.s32 s3, $0x2;
	s3 =	smov.u32 s7  }
0x6f5: {  	[tilespmem:s8+$0x61EF] =	vst v3  }
0x6f6: {  	v3 =	vld [tilespmem:s4+$0x61E0];
	_ =	sdelay $0x4  }
0x6f7: {  	[tilespmem:s8+$0x61DF] =	vst v3  }
0x6f8: {  	v3 =	vld [tilespmem:s4+$0x61D0];
	_ =	sdelay $0x4  }
0x6f9: {  	[tilespmem:s8+$0x61CF] =	vst v3  }
0x6fa: {  	v3 =	vld [tilespmem:s4+$0x61C0]  }
.Ltmp27:
0x6fb: {  	(pc) =	sbr.rel @p0 .LBB2_44-.Ltmp27, $3  }
0x6fc: {  	_ =	sdelay $0x1  }
0x6fd: {  	s5 =	sadd.s32 $0xFFFFFF00, s5  }
0x6fe: {  	s7 =	sadd.s32 $0xFFFFFEFC, s7;
	s4 =	sshra.s32 s5, $0x2;
	[tilespmem:s8+$0x61BF] =	vst v3  }
0x6ff: {  	v3 =	vld [tilespmem:s4+$0x61F0];
	_ =	sdelay $0x3  }
0x700: {  	s3 =	sshra.s32 s3, $0x2  }
0x701: {  	[tilespmem:s3+$0x61EF] =	vst v3  }
0x702: {  	v3 =	vld [tilespmem:s4+$0x61E0];
	_ =	sdelay $0x4  }
0x703: {  	[tilespmem:s3+$0x61DF] =	vst v3  }
0x704: {  	v3 =	vld [tilespmem:s4+$0x61D0];
	_ =	sdelay $0x4  }
0x705: {  	[tilespmem:s3+$0x61CF] =	vst v3  }
0x706: {  	p0 =	sne.s32 s1, s0;
	v3 =	vld [tilespmem:s4+$0x61C0]  }
.Ltmp28:
0x707: {  	_ = 	snop;
	(pc) =	sbr.rel @p0 .LBB2_49-.Ltmp28, $2  }
0x708: {  	_ =	sdelay $0x2  }
0x709: {  	[tilespmem:s3+$0x61BF] =	vst v3  }
0x70a: {  	s3 =	sshll.u32 s1, $0x8;
	s4 =	simm.s32 $0x6282  }
0x70b: {  	s3 =	sshra.s32 s3, $0x2;
	v4 =	vld [tilespmem:s4+$0x41]  }
0x70c: {  	v3 =	vld [tilespmem:s3+$0x4580]  }
0x70d: {  	v5 =	vld [tilespmem:s4+$0xFFFFFFBF]  }
0x70e: {  	v6 =	vld [tilespmem:s4+$0x0]  }
0x70f: {  	v7 =	vld [tilespmem:s4+$0xFFFFFF7E];
	_ =	sdelay $0x1  }
0x710: {  	v10 =	vld [tilespmem:s4+$0xFFFFFFCF];
	v4 =	vadd.f32 v4, v3  }
0x711: {  	v11 =	vld [tilespmem:s4+$0x10];
	v5 =	vadd.f32 v5, v3  }
0x712: {  	v6 =	vadd.f32 v6, v3;
	[tilespmem:s4+$0x41] =	vst v4;
	v4 =	vld [tilespmem:s4+$0x51]  }
0x713: {  	v3 =	vadd.f32 v3, v7;
	[tilespmem:s4+$0xFFFFFFBF] =	vst v5;
	v9 =	vld [tilespmem:s3+$0x4590]  }
0x714: {  	[tilespmem:s4+$0x0] =	vst v6;
	v5 =	vld [tilespmem:s3+$0x4590]  }
0x715: {  	[tilespmem:s4+$0xFFFFFF7E] =	vst v3;
	v3 =	vld [tilespmem:s3+$0x4590]  }
0x716: {  	v8 =	vld [tilespmem:s4+$0xFFFFFF8E]  }
0x717: {  	v6 =	vld [tilespmem:s3+$0x4590]  }
0x718: {  	v7 =	vld [tilespmem:s4+$0xFFFFFF9E];
	v4 =	vadd.f32 v9, v4  }
0x719: {  	v9 =	vld [tilespmem:s4+$0xFFFFFFDF]  }
0x71a: {  	v3 =	vadd.f32 v3, v11;
	v11 =	vld [tilespmem:s4+$0x20];
	[tilespmem:s4+$0x51] =	vst v4;
	v4 =	vadd.f32 v5, v10  }
0x71b: {  	v5 =	vld [tilespmem:s4+$0x61]  }
0x71c: {  	v6 =	vadd.f32 v6, v8;
	v10 =	vld [tilespmem:s3+$0x45A0];
	[tilespmem:s4+$0xFFFFFFCF] =	vst v4  }
0x71d: {  	[tilespmem:s4+$0x10] =	vst v3;
	v8 =	vld [tilespmem:s3+$0x45A0]  }
0x71e: {  	[tilespmem:s4+$0xFFFFFF8E] =	vst v6;
	v6 =	vld [tilespmem:s3+$0x45A0]  }
0x71f: {  	v12 =	vld [tilespmem:s3+$0x45A0]  }
0x720: {  	v3 =	vld [tilespmem:s4+$0xFFFFFFAE]  }
0x721: {  	v4 =	vld [tilespmem:s4+$0xFFFFFFEF];
	v10 =	vadd.f32 v10, v5  }
0x722: {  	v5 =	vld [tilespmem:s4+$0x30];
	v8 =	vadd.f32 v8, v9  }
0x723: {  	[tilespmem:s4+$0x61] =	vst v10;
	v10 =	vadd.f32 v6, v11;
	v6 =	vld [tilespmem:s4+$0x71]  }
0x724: {  	v11 =	vadd.f32 v12, v7;
	v9 =	vld [tilespmem:s3+$0x45B0];
	[tilespmem:s4+$0xFFFFFFDF] =	vst v8  }
0x725: {  	[tilespmem:s4+$0x20] =	vst v10;
	v7 =	vld [tilespmem:s3+$0x45B0]  }
0x726: {  	[tilespmem:s4+$0xFFFFFF9E] =	vst v11;
	v10 =	vld [tilespmem:s3+$0x45B0]  }
0x727: {  	s7 =	simm.s32 $0x0;
	s5 =	simm.s32 $0x6282;
	v8 =	vld [tilespmem:s3+$0x45B0]  }
.LBB2_47:
0x728: {  	v11 =	vld [tilespmem:s3+$0x4580];
	s4 =	sadd.s32 $0x104, s4  }
0x729: {  	s7 =	sadd.s32 $0x4, s7;
	v12 =	vld [tilespmem:s4+$0x41];
	v6 =	vadd.f32 v9, v6  }
0x72a: {  	p0 =	slt.u32 s7, $0x11C;
	v9 =	vld [tilespmem:s4+$0xFFFFFFBF];
	v4 =	vadd.f32 v7, v4  }
0x72b: {  	v7 =	vld [tilespmem:s4+$0x0];
	v5 =	vadd.f32 v10, v5;
	[tilespmem:s5+$0x71] =	vst v6  }
0x72c: {  	v6 =	vld [tilespmem:s4+$0xFFFFFF7E];
	v3 =	vadd.f32 v8, v3;
	[tilespmem:s5+$0xFFFFFFEF] =	vst v4  }
0x72d: {  	v4 =	vld [tilespmem:s4+$0xFFFFFF8E];
	[tilespmem:s5+$0x30] =	vst v5  }
0x72e: {  	v5 =	vld [tilespmem:s4+$0xFFFFFFCF];
	v8 =	vadd.f32 v12, v11;
	[tilespmem:s5+$0xFFFFFFAE] =	vst v3;
	s5 =	smov.u32 s4  }
0x72f: {  	v3 =	vadd.f32 v9, v11;
	v9 =	vld [tilespmem:s4+$0x10]  }
0x730: {  	v7 =	vadd.f32 v7, v11;
	[tilespmem:s4+$0x41] =	vst v8;
	v8 =	vld [tilespmem:s4+$0x51]  }
0x731: {  	v6 =	vadd.f32 v11, v6;
	[tilespmem:s4+$0xFFFFFFBF] =	vst v3;
	v3 =	vld [tilespmem:s3+$0x4590]  }
0x732: {  	v10 =	vld [tilespmem:s3+$0x4590];
	[tilespmem:s4+$0x0] =	vst v7  }
0x733: {  	[tilespmem:s4+$0xFFFFFF7E] =	vst v6;
	v6 =	vld [tilespmem:s3+$0x4590]  }
0x734: {  	v7 =	vld [tilespmem:s3+$0x4590]  }
0x735: {  	v11 =	vld [tilespmem:s4+$0xFFFFFF9E]  }
0x736: {  	v12 =	vld [tilespmem:s4+$0xFFFFFFDF];
	v3 =	vadd.f32 v3, v8  }
0x737: {  	v5 =	vadd.f32 v10, v5;
	v8 =	vld [tilespmem:s4+$0x20]  }
0x738: {  	v6 =	vadd.f32 v6, v9;
	[tilespmem:s4+$0x51] =	vst v3;
	v9 =	vld [tilespmem:s4+$0x61]  }
0x739: {  	v3 =	vadd.f32 v7, v4;
	[tilespmem:s4+$0xFFFFFFCF] =	vst v5;
	v5 =	vld [tilespmem:s3+$0x45A0]  }
0x73a: {  	v7 =	vld [tilespmem:s3+$0x45A0];
	[tilespmem:s4+$0x10] =	vst v6  }
0x73b: {  	[tilespmem:s4+$0xFFFFFF8E] =	vst v3;
	v6 =	vld [tilespmem:s3+$0x45A0]  }
0x73c: {  	v10 =	vld [tilespmem:s3+$0x45A0]  }
0x73d: {  	v3 =	vld [tilespmem:s4+$0xFFFFFFAE]  }
0x73e: {  	v4 =	vld [tilespmem:s4+$0xFFFFFFEF];
	v9 =	vadd.f32 v5, v9  }
0x73f: {  	v7 =	vadd.f32 v7, v12;
	v5 =	vld [tilespmem:s4+$0x30]  }
.Ltmp29:
0x740: {  	v8 =	vadd.f32 v6, v8;
	[tilespmem:s4+$0x61] =	vst v9;
	v6 =	vld [tilespmem:s4+$0x71];
	(pc) =	sbr.rel @p0 .LBB2_47-.Ltmp29, $4  }
0x741: {  	v10 =	vadd.f32 v10, v11;
	[tilespmem:s4+$0xFFFFFFDF] =	vst v7;
	v9 =	vld [tilespmem:s3+$0x45B0]  }
0x742: {  	v7 =	vld [tilespmem:s3+$0x45B0];
	[tilespmem:s4+$0x20] =	vst v8  }
0x743: {  	[tilespmem:s4+$0xFFFFFF9E] =	vst v10;
	v10 =	vld [tilespmem:s3+$0x45B0]  }
0x744: {  	v8 =	vld [tilespmem:s3+$0x45B0]  }
0x745: {  	_ = 	snop  }
0x746: {  	v6 =	vadd.f32 v9, v6  }
0x747: {  	v4 =	vadd.f32 v7, v4  }
0x748: {  	v5 =	vadd.f32 v10, v5;
	[tilespmem:s5+$0x71] =	vst v6  }
0x749: {  	v3 =	vadd.f32 v8, v3;
	[tilespmem:s5+$0xFFFFFFEF] =	vst v4  }
0x74a: {  	[tilespmem:s5+$0x30] =	vst v5  }
0x74b: {  	[tilespmem:s5+$0xFFFFFFAE] =	vst v3  }
.LBB2_49:
.Ltmp30:
0x74c: {  	(pc) =	sbr.rel .LBB2_50-.Ltmp30, $2  }
0x74d: {  	_ =	sdelay $0x2  }
0x74e: {  	s29 =	simm.s32 $0x0;
	p0 =	sne.s32 s1, s0  }
.LBB2_63:
0x74f: {  	_ =	sdelay $0x3  }
0x750: {  	v3 =	vld.idx.msk [tilespmem:v31+s19+$0x0], $0xffff  }
0x751: {  	[tilespmem:s9+$0x80] =	vst v32;
	v4 =	vadd.f32 v29, v27;
	v7 =	vld.idx.msk [tilespmem:v30+s26+$0x0], $0xffff  }
0x752: {  	v5 =	vld.idx.msk [tilespmem:v23+s19+$0x0], $0xffff  }
0x753: {  	v52 =	vadd.f32 v28, v26;
	v6 =	vld.idx.msk [tilespmem:v22+s26+$0x0], $0xffff;
	[tilespmem:s7+$0x80] =	vst v4  }
0x754: {  	v19 =	vld.idx.msk [tilespmem:v19+s19+$0x0], $0xffff  }
0x755: {  	[tilespmem:s8+$0x80] =	vst v52;
	v54 =	vld.idx.msk [tilespmem:v15+s26+$0x0], $0xffff  }
0x756: {  	v53 =	vadd.f32 v24, v25;
	v55 =	vld.idx.msk [tilespmem:v18+s19+$0x0], $0xffff  }
0x757: {  	v56 =	vld.idx.msk [tilespmem:v16+s26+$0x0], $0xffff  }
0x758: {  	v8 =	vld.idx.msk [tilespmem:v8+s26+$0x0], $0xffff;
	[tilespmem:s4+$0x100] =	vst v53;
	v5 =	vadd.f32 v6, v5  }
0x759: {  	v57 =	vld.idx.msk [tilespmem:v21+s19+$0x0], $0xffff  }
0x75a: {  	v58 =	vld.idx.msk [tilespmem:v17+s26+$0x0], $0xffff;
	[tilespmem:s9+$0x100] =	vst v5;
	v4 =	vadd.f32 v54, v19  }
0x75b: {  	v59 =	vld.idx.msk [tilespmem:v20+s19+$0x0], $0xffff  }
0x75c: {  	v6 =	vadd.f32 v56, v55;
	v14 =	vld.idx.msk [tilespmem:v14+s26+$0x0], $0xffff;
	[tilespmem:s7+$0x100] =	vst v4  }
0x75d: {  	v4 =	vld.idx.msk [tilespmem:v12+s19+$0x0], $0xffff  }
0x75e: {  	[tilespmem:s8+$0x100] =	vst v6;
	v60 =	vld.idx.msk [tilespmem:v10+s26+$0x0], $0xffff  }
0x75f: {  	v61 =	vld.idx.msk [tilespmem:v13+s19+$0x0], $0xffff  }
0x760: {  	v3 =	vadd.f32 v7, v3;
	v62 =	vld.idx.msk [tilespmem:v11+s26+$0x0], $0xffff  }
0x761: {  	v8 =	vadd.f32 v8, v9  }
0x762: {  	[tilespmem:s13+$0x180] =	vst v3;
	v3 =	vadd.f32 v14, v59  }
0x763: {  	[tilespmem:s1+$0x180] =	vst v8;
	v5 =	vadd.f32 v58, v57  }
0x764: {  	[tilespmem:s9+$0x180] =	vst v3;
	v3 =	vadd.f32 v60, v4  }
0x765: {  	[tilespmem:s4+$0x180] =	vst v5;
	v63 =	vadd.f32 v62, v61  }
0x766: {  	[tilespmem:s7+$0x180] =	vst v3  }
0x767: {  	[tilespmem:s8+$0x180] =	vst v63  }
.LBB2_64:
0x768: {  	s29 =	sadd.s32 $0x1, s29  }
0x769: {  	p1 =	sne.s32 s29, $0x8  }
.Ltmp31:
0x76a: {  	_ = 	snop;
	(pc) =	sbr.rel @!p1 .LBB2_65-.Ltmp31, $3  }
0x76b: {  	_ =	sdelay $0x1  }
0x76c: {  	s0 =	sadd.s32 s30, s11;
	s1 =	simm.s32 $0x14980  }
0x76d: {  	[hbm4b:s0+s20] =	stream.strided.scatter [tilespmem:s1], [sflag:$0x2], $0x9E00, s21, s20, $0x38;
	[tilespmem:$0x1E780] =	vst v63  }
.LBB2_50:
.Ltmp32:
0x76e: {  	p1 =	seq.s32 s29, $0x0;
	(pc) =	sbr.rel @p0 .LBB2_54-.Ltmp32, $4  }
0x76f: {  	s1 =	sshll.u32 s29, $0x3;
	s0 =	simm.s32 @!p1 $0x1  }
0x770: {  	s3 =	sor.u32 $0x1, s1;
	_ =	swait.ge @!p1 [sflag:s0], $0x9E00  }
0x771: {  	v4 =	vmov s1;
	s4 =	sor.u32 $0x2, s1;
	s5 =	sor.u32 $0x3, s1;
	[sflag:s0] =	ssyncset.done @!p1 $0x0  }
0x772: {  	v6 =	vmov s3;
	v5 =	vmov s4;
	v3 =	vmov s5;
	s3 =	simm.s32 $0x40;
	[sflag:s0] =	ssyncadd.s32 @!p1 $0xFFFF6200;
	s0 =	simm.s32 $0x100  }
0x773: {  	v7 =	vld [tilespmem:s3+$0x1E00]  }
0x774: {  	v8 =	vld [tilespmem:s3+$0x1DC0]  }
0x775: {  	v9 =	vld [tilespmem:s3+$0x1DD0]  }
0x776: {  	v10 =	vld [tilespmem:s3+$0x1DE0];
	_ =	sdelay $0x1  }
0x777: {  	v11 =	vld [tilespmem:s3+$0x1DF0];
	v12 =	vand.u32 $0xFFFF, v7  }
0x778: {  	v8 =	vand.u32 $0xFFFF, v8;
	v13 =	vadd.s32 v4, v12  }
0x779: {  	v9 =	vand.u32 $0xFFFF, v9;
	v14 =	vadd.s32 v4, v8  }
0x77a: {  	v10 =	vand.u32 $0xFFFF, v10;
	v15 =	vadd.s32 v4, v9  }
0x77b: {  	v16 =	vadd.s32 v4, v10  }
0x77c: {  	v7 =	vand.u32 $0xFFFF, v11  }
0x77d: {  	s15 =	simm.s32 $0x0;
	s4 =	simm.s32 $0x10;
	v11 =	vadd.s32 v4, v7;
	v13 =	vld.idx.msk [tilespmem:v13+s19+$0x0], $0xffff  }
0x77e: {  	s5 =	simm.s32 $0x20;
	s16 =	simm.s32 $0x40;
	s9 =	simm.s32 $0x0;
	v17 =	vadd.s32 v6, v12;
	v14 =	vld.idx.msk [tilespmem:v14+s19+$0x0], $0xffff  }
0x77f: {  	s0 =	sand.u32 $0x1FE00, s0;
	s10 =	simm.s32 $0x40;
	s17 =	simm.s32 $0x80;
	v18 =	vadd.s32 v6, v8;
	v15 =	vld.idx.msk [tilespmem:v15+s19+$0x0], $0xffff  }
0x780: {  	s23 =	simm.s32 $0x90;
	s8 =	sand.u32 $0x70, s5;
	s5 =	sand.u32 $0x70, s16;
	v19 =	vadd.s32 v6, v9;
	v16 =	vld.idx.msk [tilespmem:v16+s19+$0x0], $0xffff  }
0x781: {  	s3 =	sand.u32 $0x70, s15;
	s9 =	sand.u32 $0xFE00, s9;
	v24 =	vld [tilespmem:s23+$0x1DF0];
	s13 =	sor.u32 s5, s0;
	v20 =	vadd.s32 v6, v10  }
0x782: {  	s4 =	sand.u32 $0x70, s4;
	s10 =	sand.u32 $0x1FE00, s10;
	s5 =	sor.u32 s3, s9;
	v11 =	vld.idx.msk [tilespmem:v11+s19+$0x0], $0xffff;
	[tilespmem:s13+$0xAB80] =	vst v13  }
0x783: {  	s0 =	sand.u32 $0x1FE00, s17;
	s9 =	sor.u32 s4, s10;
	v21 =	vadd.s32 v6, v7;
	[tilespmem:s5+$0xAB80] =	vst v14;
	v13 =	vld.idx.msk [tilespmem:v17+s19+$0x0], $0xffff  }
0x784: {  	s7 =	simm.s32 $0x30;
	s18 =	simm.s32 $0xC0;
	s12 =	sor.u32 s8, s0;
	[tilespmem:s9+$0xAB80] =	vst v15;
	v14 =	vld.idx.msk [tilespmem:v18+s19+$0x0], $0xffff  }
0x785: {  	s22 =	sand.u32 $0x70, s7;
	s3 =	sand.u32 $0x1FE00, s18;
	[tilespmem:s12+$0xAB80] =	vst v16;
	v17 =	vld.idx.msk [tilespmem:v19+s19+$0x0], $0xffff  }
0x786: {  	s0 =	sor.u32 s22, s3;
	v16 =	vld.idx.msk [tilespmem:v20+s19+$0x0], $0xffff  }
0x787: {  	v15 =	vadd.s32 v5, v12;
	[tilespmem:s0+$0xAB80] =	vst v11;
	v18 =	vld [tilespmem:s23+$0x1E00]  }
0x788: {  	v23 =	vadd.s32 v5, v10;
	v11 =	vld.idx.msk [tilespmem:v21+s19+$0x0], $0xffff  }
0x789: {  	v25 =	vadd.s32 v5, v7;
	v19 =	vld [tilespmem:s23+$0x1DC0]  }
0x78a: {  	v20 =	vadd.s32 v5, v9;
	v21 =	vld [tilespmem:s23+$0x1DD0];
	[tilespmem:s13+$0xAC00] =	vst v13  }
0x78b: {  	v22 =	vld [tilespmem:s23+$0x1DE0];
	[tilespmem:s5+$0xAC00] =	vst v14  }
0x78c: {  	v14 =	vand.u32 $0xFFFF, v18;
	[tilespmem:s12+$0xAC00] =	vst v16;
	v13 =	vld.idx.msk [tilespmem:v15+s19+$0x0], $0xffff;
	v15 =	vadd.s32 v5, v8  }
0x78d: {  	[tilespmem:s0+$0xAC00] =	vst v11;
	v18 =	vadd.s32 v4, v14;
	v11 =	vld.idx.msk [tilespmem:v23+s19+$0x0], $0xffff  }
0x78e: {  	[tilespmem:s9+$0xAC00] =	vst v17;
	v23 =	vand.u32 $0xFFFF, v24;
	v24 =	vld.idx.msk [tilespmem:v25+s19+$0x0], $0xffff  }
0x78f: {  	v12 =	vadd.s32 v3, v12;
	v17 =	vand.u32 $0xFFFF, v19;
	v19 =	vld.idx.msk [tilespmem:v20+s19+$0x0], $0xffff;
	v20 =	vand.u32 $0xFFFF, v21  }
0x790: {  	v21 =	vand.u32 $0xFFFF, v22;
	v16 =	vadd.s32 v4, v20  }
0x791: {  	s24 =	simm.s32 $0x50;
	v22 =	vadd.s32 v4, v21;
	v15 =	vld.idx.msk [tilespmem:v15+s19+$0x0], $0xffff  }
0x792: {  	s3 =	sand.u32 $0x70, s24;
	s24 =	simm.s32 $0xE0;
	v9 =	vadd.s32 v3, v9;
	[tilespmem:s13+$0xAC80] =	vst v13;
	v18 =	vld.idx.msk [tilespmem:v18+s19+$0x0], $0xffff  }
0x793: {  	v13 =	vadd.s32 v4, v17;
	[tilespmem:s0+$0xAC80] =	vst v24;
	v24 =	vld [tilespmem:s24+$0x1DE0]  }
0x794: {  	v25 =	vadd.s32 v4, v23;
	v12 =	vld.idx.msk [tilespmem:v12+s19+$0x0], $0xffff  }
0x795: {  	s25 =	simm.s32 $0x60;
	s14 =	simm.s32 $0x140;
	v8 =	vadd.s32 v3, v8;
	v16 =	vld.idx.msk [tilespmem:v16+s19+$0x0], $0xffff  }
0x796: {  	s16 =	simm.s32 $0x240;
	s4 =	sand.u32 $0x70, s25;
	s17 =	simm.s32 $0x90;
	[tilespmem:s9+$0xAC80] =	vst v19;
	v22 =	vld.idx.msk [tilespmem:v22+s19+$0x0], $0xffff  }
0x797: {  	s7 =	sand.u32 $0x1FE00, s16;
	s16 =	simm.s32 $0x180;
	s8 =	sand.u32 $0x70, s17;
	v28 =	vadd.s32 v6, v20;
	[tilespmem:s12+$0xAC80] =	vst v11;
	v9 =	vld.idx.msk [tilespmem:v9+s19+$0x0], $0xffff  }
0x798: {  	s17 =	sand.u32 $0xFE00, s14;
	s16 =	sand.u32 $0x1FE00, s16;
	s14 =	sor.u32 s8, s7;
	v26 =	vadd.s32 v6, v14;
	v13 =	vld.idx.msk [tilespmem:v13+s19+$0x0], $0xffff;
	[tilespmem:s5+$0xAC80] =	vst v15  }
0x799: {  	s28 =	simm.s32 $0x70;
	s18 =	simm.s32 $0x1C0;
	s8 =	sor.u32 s4, s16;
	v10 =	vadd.s32 v3, v10;
	v15 =	vld.idx.msk [tilespmem:v25+s19+$0x0], $0xffff;
	[tilespmem:s14+$0xAB80] =	vst v18  }
0x79a: {  	s15 =	sand.u32 $0x70, s28;
	s23 =	sand.u32 $0x1FE00, s18;
	v8 =	vld.idx.msk [tilespmem:v8+s19+$0x0], $0xffff;
	[tilespmem:s8+$0xAB80] =	vst v16  }
0x79b: {  	s31 =	simm.s32 $0x80;
	s22 =	simm.s32 $0x200;
	s4 =	sor.u32 s15, s23;
	v27 =	vadd.s32 v6, v17;
	[tilespmem:s13+$0xAD00] =	vst v12;
	v12 =	vld [tilespmem:s24+$0x1DD0]  }
0x79c: {  	s10 =	sand.u32 $0x70, s31;
	s7 =	sor.u32 s3, s17;
	s3 =	sand.u32 $0x1FE00, s22;
	v19 =	vadd.s32 v6, v23;
	[tilespmem:s4+$0xAB80] =	vst v22;
	v16 =	vld.idx.msk [tilespmem:v28+s19+$0x0], $0xffff  }
0x79d: {  	s3 =	sor.u32 s10, s3;
	[tilespmem:s7+$0xAB80] =	vst v13;
	v13 =	vld.idx.msk [tilespmem:v26+s19+$0x0], $0xffff  }
0x79e: {  	v22 =	vadd.s32 v5, v14;
	[tilespmem:s3+$0xAB80] =	vst v15;
	v15 =	vld.idx.msk [tilespmem:v10+s19+$0x0], $0xffff  }
0x79f: {  	v25 =	vadd.s32 v6, v21;
	v10 =	vld [tilespmem:s24+$0x1E00]  }
0x7a0: {  	v29 =	vadd.s32 v3, v7;
	v18 =	vld.idx.msk [tilespmem:v27+s19+$0x0], $0xffff  }
0x7a1: {  	v11 =	vld.idx.msk [tilespmem:v19+s19+$0x0], $0xffff  }
0x7a2: {  	v28 =	vadd.s32 v5, v23;
	v26 =	vld [tilespmem:s24+$0x1DC0];
	[tilespmem:s14+$0xAC00] =	vst v13  }
0x7a3: {  	v13 =	vadd.s32 v5, v17;
	v19 =	vld.idx.msk [tilespmem:v22+s19+$0x0], $0xffff  }
0x7a4: {  	v14 =	vadd.s32 v3, v14;
	v25 =	vld.idx.msk [tilespmem:v25+s19+$0x0], $0xffff  }
0x7a5: {  	v27 =	vadd.s32 v5, v21;
	v7 =	vand.u32 $0xFFFF, v10;
	v10 =	vld.idx.msk [tilespmem:v29+s19+$0x0], $0xffff;
	[tilespmem:s7+$0xAC00] =	vst v18  }
0x7a6: {  	v22 =	vadd.s32 v5, v20;
	v18 =	vld [tilespmem:s24+$0x1DF0];
	[tilespmem:s3+$0xAC00] =	vst v11  }
0x7a7: {  	v30 =	vand.u32 $0xFFFF, v12;
	[tilespmem:s8+$0xAC00] =	vst v16;
	v16 =	vadd.s32 v4, v7;
	v28 =	vld.idx.msk [tilespmem:v28+s19+$0x0], $0xffff  }
0x7a8: {  	v26 =	vand.u32 $0xFFFF, v26;
	v11 =	vadd.s32 v4, v30;
	v13 =	vld.idx.msk [tilespmem:v13+s19+$0x0], $0xffff;
	[tilespmem:s14+$0xAC80] =	vst v19  }
0x7a9: {  	[tilespmem:s4+$0xAC00] =	vst v25;
	v19 =	vadd.s32 v4, v26;
	v12 =	vld.idx.msk [tilespmem:v14+s19+$0x0], $0xffff  }
0x7aa: {  	[tilespmem:s9+$0xAD00] =	vst v9;
	v29 =	vadd.s32 v3, v17;
	v14 =	vand.u32 $0xFFFF, v24;
	v24 =	vld.idx.msk [tilespmem:v27+s19+$0x0], $0xffff  }
0x7ab: {  	[tilespmem:s5+$0xAD00] =	vst v8;
	v22 =	vld.idx.msk [tilespmem:v22+s19+$0x0], $0xffff;
	v27 =	vand.u32 $0xFFFF, v18;
	v25 =	vadd.s32 v4, v14  }
0x7ac: {  	s28 =	simm.s32 $0xC0;
	s25 =	simm.s32 $0xB0;
	[tilespmem:s12+$0xAD00] =	vst v15;
	v32 =	vld.idx.msk [tilespmem:v16+s19+$0x0], $0xffff;
	v31 =	vadd.s32 v4, v27  }
0x7ad: {  	s16 =	sand.u32 $0x70, s25;
	s22 =	simm.s32 $0x280;
	s18 =	simm.s32 $0xD0;
	v33 =	vadd.s32 v3, v20;
	v9 =	vadd.s32 v3, v21;
	v34 =	vld.idx.msk [tilespmem:v11+s19+$0x0], $0xffff;
	[tilespmem:s3+$0xAC80] =	vst v28  }
0x7ae: {  	s25 =	simm.s32 $0x340;
	s10 =	sand.u32 $0x70, s28;
	s17 =	sand.u32 $0x70, s18;
	v8 =	vadd.s32 v3, v23;
	v35 =	vadd.s32 v6, v7;
	[tilespmem:s7+$0xAC80] =	vst v13;
	v21 =	vld.idx.msk [tilespmem:v19+s19+$0x0], $0xffff  }
0x7af: {  	s23 =	simm.s32 $0xE0;
	s18 =	simm.s32 $0x2C0;
	s5 =	simm.s32 $0x380;
	v17 =	vadd.s32 v5, v30;
	v36 =	vadd.s32 v6, v26;
	[tilespmem:s4+$0xAC80] =	vst v24;
	v24 =	vld.idx.msk [tilespmem:v29+s19+$0x0], $0xffff  }
0x7b0: {  	s9 =	simm.s32 $0xA0;
	s24 =	sand.u32 $0x1FE00, s5;
	v16 =	vadd.s32 v5, v26;
	v11 =	vadd.s32 v3, v30;
	[tilespmem:s14+$0xAD00] =	vst v12;
	s14 =	sand.u32 $0x70, s23;
	v23 =	vld.idx.msk [tilespmem:v25+s19+$0x0], $0xffff  }
0x7b1: {  	s13 =	sand.u32 $0xFE00, s22;
	s31 =	sand.u32 $0x70, s9;
	v18 =	vadd.s32 v6, v14;
	v19 =	vadd.s32 v6, v30;
	[tilespmem:s8+$0xAC80] =	vst v22;
	v22 =	vld.idx.msk [tilespmem:v31+s19+$0x0], $0xffff;
	s15 =	sor.u32 s14, s24  }
0x7b2: {  	s18 =	sand.u32 $0x1FE00, s18;
	s22 =	simm.s32 $0x300;
	s13 =	sor.u32 s31, s13;
	v20 =	vadd.s32 v6, v27;
	v15 =	vadd.s32 v5, v14;
	v25 =	vld.idx.msk [tilespmem:v33+s19+$0x0], $0xffff;
	[tilespmem:s15+$0xAB80] =	vst v32  }
0x7b3: {  	s28 =	sand.u32 $0x1FE00, s22;
	s31 =	sand.u32 $0x1FE00, s25;
	v13 =	vadd.s32 v5, v27;
	v12 =	vadd.s32 v3, v26;
	s14 =	sor.u32 s16, s18;
	v26 =	vld.idx.msk [tilespmem:v35+s19+$0x0], $0xffff;
	[tilespmem:s13+$0xAB80] =	vst v21  }
0x7b4: {  	s30 =	sor.u32 s10, s28;
	s17 =	sor.u32 s17, s31;
	[tilespmem:s14+$0xAB80] =	vst v34;
	v21 =	vadd.s32 v3, v14;
	v14 =	vadd.s32 v3, v27;
	v27 =	vld.idx.msk [tilespmem:v36+s19+$0x0], $0xffff  }
.LBB2_52:
0x7b5: {  	s10 =	sadd.s32 $0x60, s9  }
0x7b6: {  	s16 =	sadd.s32 $0x70, s9;
	v19 =	vld.idx.msk [tilespmem:v19+s19+$0x0], $0xffff;
	[tilespmem:s30+$0xAB80] =	vst v23;
	v23 =	vadd.s32 v5, v7;
	s12 =	smov.u32 s9;
	s9 =	sadd.s32 $0x50, s9  }
0x7b7: {  	s18 =	sand.u32 $0x70, s9;
	s10 =	sand.u32 $0x70, s10;
	s22 =	sadd.s32 $0x80, s12;
	v18 =	vld.idx.msk [tilespmem:v18+s19+$0x0], $0xffff;
	[tilespmem:s17+$0xAB80] =	vst v22  }
0x7b8: {  	s5 =	sadd.s32 $0x140, s5;
	s16 =	sand.u32 $0x70, s16;
	s22 =	sand.u32 $0x70, s22;
	v20 =	vld.idx.msk [tilespmem:v20+s19+$0x0], $0xffff;
	[tilespmem:s7+$0xAD00] =	vst v24  }
0x7b9: {  	s23 =	sshra.s32 s5, $0x2;
	s24 =	sadd.s32 $0xFFFFFF40, s5;
	s7 =	sadd.s32 $0xFFFFFF00, s5;
	[tilespmem:s8+$0xAD00] =	vst v25;
	v22 =	vld.idx.msk [tilespmem:v9+s19+$0x0], $0xffff;
	v9 =	vmov v21  }
0x7ba: {  	s25 =	sadd.s32 $0xFFFFFFC0, s5;
	s7 =	sand.u32 $0xFE00, s7;
	s8 =	sadd.s32 $0xFFFFFF80, s5;
	v21 =	vld [tilespmem:s23+$0x1E00];
	[tilespmem:s15+$0xAC00] =	vst v26  }
0x7bb: {  	s24 =	sand.u32 $0x1FE00, s24;
	s25 =	sand.u32 $0x1FE00, s25;
	s8 =	sand.u32 $0x1FE00, s8;
	[tilespmem:s13+$0xAC00] =	vst v27;
	v23 =	vld.idx.msk [tilespmem:v23+s19+$0x0], $0xffff  }
0x7bc: {  	s10 =	sor.u32 s10, s24;
	s18 =	sor.u32 s18, s7;
	s16 =	sor.u32 s16, s8;
	v24 =	vld [tilespmem:s23+$0x1DC0];
	[tilespmem:s14+$0xAC00] =	vst v19  }
0x7bd: {  	p2 =	slt.u32 s9, $0x26C0;
	s22 =	sor.u32 s22, s25;
	s7 =	smov.u32 s13;
	v19 =	vld [tilespmem:s23+$0x1DD0];
	[tilespmem:s30+$0xAC00] =	vst v18;
	v18 =	vadd.s32 v3, v7  }
0x7be: {  	s13 =	smov.u32 s18;
	s8 =	smov.u32 s14;
	s14 =	smov.u32 s10;
	v25 =	vld [tilespmem:s23+$0x1DE0];
	[tilespmem:s17+$0xAC00] =	vst v20  }
0x7bf: {  	v20 =	vld [tilespmem:s23+$0x1DF0];
	[tilespmem:s4+$0xAD00] =	vst v22;
	s4 =	smov.u32 s30;
	s30 =	smov.u32 s16  }
0x7c0: {  	v7 =	vand.u32 $0xFFFF, v21;
	v21 =	vld.idx.msk [tilespmem:v16+s19+$0x0], $0xffff;
	[tilespmem:s0+$0xAD00] =	vst v10;
	s0 =	smov.u32 s3;
	s3 =	smov.u32 s17;
	s17 =	smov.u32 s22  }
0x7c1: {  	v22 =	vand.u32 $0xFFFF, v24;
	v24 =	vadd.s32 v4, v7;
	v26 =	vld.idx.msk [tilespmem:v17+s19+$0x0], $0xffff;
	[tilespmem:s15+$0xAC80] =	vst v23  }
0x7c2: {  	v23 =	vadd.s32 v4, v22;
	v27 =	vadd.s32 v6, v22;
	v28 =	vand.u32 $0xFFFF, v19;
	v29 =	vld.idx.msk [tilespmem:v18+s19+$0x0], $0xffff  }
0x7c3: {  	v30 =	vadd.s32 v4, v28;
	v19 =	vadd.s32 v6, v28;
	v25 =	vand.u32 $0xFFFF, v25;
	v31 =	vld.idx.msk [tilespmem:v15+s19+$0x0], $0xffff  }
0x7c4: {  	v32 =	vadd.s32 v4, v25;
	v18 =	vadd.s32 v6, v25;
	v33 =	vand.u32 $0xFFFF, v20;
	v34 =	vld.idx.msk [tilespmem:v13+s19+$0x0], $0xffff  }
0x7c5: {  	v16 =	vadd.s32 v5, v22;
	v35 =	vadd.s32 v4, v33;
	v20 =	vadd.s32 v6, v33;
	v10 =	vld.idx.msk [tilespmem:v8+s19+$0x0], $0xffff  }
0x7c6: {  	v17 =	vadd.s32 v5, v28;
	v15 =	vadd.s32 v5, v25;
	v13 =	vadd.s32 v5, v33;
	v36 =	vld.idx.msk [tilespmem:v24+s19+$0x0], $0xffff  }
0x7c7: {  	v38 =	vadd.s32 v3, v22;
	v28 =	vadd.s32 v3, v28;
	v8 =	vmov v14;
	v37 =	vld.idx.msk [tilespmem:v23+s19+$0x0], $0xffff;
	[tilespmem:s7+$0xAC80] =	vst v21  }
0x7c8: {  	v39 =	vadd.s32 v6, v7;
	v21 =	vadd.s32 v3, v25;
	v30 =	vld.idx.msk [tilespmem:v30+s19+$0x0], $0xffff;
	[tilespmem:s15+$0xAD00] =	vst v29  }
0x7c9: {  	s10 =	sadd.s32 $0x90, s12;
	v14 =	vadd.s32 v3, v33;
	v23 =	vld.idx.msk [tilespmem:v32+s19+$0x0], $0xffff;
	[tilespmem:s8+$0xAC80] =	vst v26  }
.Ltmp33:
0x7ca: {  	s12 =	sand.u32 $0x1FE00, s5;
	s10 =	sand.u32 $0x70, s10;
	v22 =	vld.idx.msk [tilespmem:v35+s19+$0x0], $0xffff;
	[tilespmem:s4+$0xAC80] =	vst v31;
	(pc) =	sbr.rel @p2 .LBB2_52-.Ltmp33, $4  }
0x7cb: {  	s15 =	sor.u32 s10, s12;
	v24 =	vld.idx.msk [tilespmem:v12+s19+$0x0], $0xffff;
	[tilespmem:s3+$0xAC80] =	vst v34;
	v12 =	vmov v38  }
0x7cc: {  	[tilespmem:s15+$0xAB80] =	vst v36;
	v25 =	vld.idx.msk [tilespmem:v11+s19+$0x0], $0xffff;
	v11 =	vmov v28  }
0x7cd: {  	[tilespmem:s13+$0xAB80] =	vst v37;
	v26 =	vld.idx.msk [tilespmem:v39+s19+$0x0], $0xffff  }
0x7ce: {  	v27 =	vld.idx.msk [tilespmem:v27+s19+$0x0], $0xffff;
	[tilespmem:s14+$0xAB80] =	vst v30  }
0x7cf: {  	_ =	sdelay $0x1  }
0x7d0: {  	[tilespmem:s30+$0xAB80] =	vst v23;
	v4 =	vadd.s32 v5, v7  }
0x7d1: {  	[tilespmem:s17+$0xAB80] =	vst v22  }
0x7d2: {  	v58 =	vld.idx.msk [tilespmem:v19+s19+$0x0], $0xffff;
	[tilespmem:s0+$0xAD00] =	vst v10  }
0x7d3: {  	v6 =	vld.idx.msk [tilespmem:v18+s19+$0x0], $0xffff;
	[tilespmem:s7+$0xAD00] =	vst v24  }
0x7d4: {  	v59 =	vld.idx.msk [tilespmem:v20+s19+$0x0], $0xffff;
	[tilespmem:s15+$0xAC00] =	vst v26  }
0x7d5: {  	[tilespmem:s8+$0xAD00] =	vst v25;
	v4 =	vld.idx.msk [tilespmem:v4+s19+$0x0], $0xffff  }
0x7d6: {  	v9 =	vld.idx.msk [tilespmem:v9+s19+$0x0], $0xffff;
	v3 =	vadd.s32 v3, v7;
	[tilespmem:s13+$0xAC00] =	vst v27  }
0x7d7: {  	[tilespmem:s14+$0xAC00] =	vst v58;
	v60 =	vld.idx.msk [tilespmem:v16+s19+$0x0], $0xffff  }
0x7d8: {  	[tilespmem:s30+$0xAC00] =	vst v6;
	v61 =	vld.idx.msk [tilespmem:v17+s19+$0x0], $0xffff  }
0x7d9: {  	[tilespmem:s17+$0xAC00] =	vst v59;
	v62 =	vld.idx.msk [tilespmem:v15+s19+$0x0], $0xffff  }
0x7da: {  	v63 =	vld.idx.msk [tilespmem:v13+s19+$0x0], $0xffff;
	[tilespmem:s15+$0xAC80] =	vst v4  }
0x7db: {  	[tilespmem:s4+$0xAD00] =	vst v9;
	v3 =	vld.idx.msk [tilespmem:v3+s19+$0x0], $0xffff  }
0x7dc: {  	v8 =	vld.idx.msk [tilespmem:v8+s19+$0x0], $0xffff;
	[tilespmem:s13+$0xAC80] =	vst v60  }
0x7dd: {  	[tilespmem:s14+$0xAC80] =	vst v61;
	v5 =	vld.idx.msk [tilespmem:v12+s19+$0x0], $0xffff  }
0x7de: {  	[tilespmem:s30+$0xAC80] =	vst v62;
	v6 =	vld.idx.msk [tilespmem:v11+s19+$0x0], $0xffff  }
0x7df: {  	[tilespmem:s17+$0xAC80] =	vst v63;
	v7 =	vld.idx.msk [tilespmem:v21+s19+$0x0], $0xffff  }
0x7e0: {  	[tilespmem:s15+$0xAD00] =	vst v3;
	v3 =	vld.idx.msk [tilespmem:v14+s19+$0x0], $0xffff  }
.Ltmp34:
0x7e1: {  	[tilespmem:s3+$0xAD00] =	vst v8;
	(pc) =	sbr.rel .LBB2_57-.Ltmp34, $4  }
0x7e2: {  	[tilespmem:s13+$0xAD00] =	vst v5  }
0x7e3: {  	[tilespmem:s14+$0xAD00] =	vst v6  }
0x7e4: {  	[tilespmem:s30+$0xAD00] =	vst v7  }
0x7e5: {  	[tilespmem:s17+$0xAD00] =	vst v3  }
.LBB2_54:
0x7e6: {  	v8 =	vld [tilespmem:s3+$0x1E00];
	_ =	sdelay $0x3  }
0x7e7: {  	v7 =	vmul.u32 $0x1C1, v0  }
0x7e8: {  	v13 =	vand.u32 $0xFFFF, v8;
	v8 =	vshra.s32 v8, $0x10  }
0x7e9: {  	v9 =	vld [tilespmem:s3+$0x1DC0];
	v14 =	vadd.s32 v7, v8;
	v8 =	vadd.s32 v4, v13  }
0x7ea: {  	v10 =	vld [tilespmem:s3+$0x1DD0];
	v11 =	vadd.s32 v4, v14;
	_ =	sdelay $0x1  }
0x7eb: {  	v15 =	vld [tilespmem:s3+$0x1DE0]  }
0x7ec: {  	v16 =	vld [tilespmem:s3+$0x1DF0]  }
0x7ed: {  	v12 =	vshra.s32 v9, $0x10;
	v20 =	vand.u32 $0xFFFF, v9;
	v18 =	vld.idx.msk [tilespmem:v8+s19+$0x0], $0xffff  }
0x7ee: {  	v17 =	vadd.s32 v7, v12;
	v12 =	vshra.s32 v10, $0x10;
	v22 =	vadd.s32 v4, v20;
	v11 =	vld.idx.msk [tilespmem:v11+s26+$0x0], $0xffff  }
0x7ef: {  	v12 =	vadd.s32 v7, v12;
	v19 =	vadd.s32 v4, v17  }
0x7f0: {  	v21 =	vadd.s32 v4, v12  }
0x7f1: {  	s8 =	simm.s32 $0x90;
	v23 =	vadd.s32 v6, v13;
	v8 =	vshra.s32 v15, $0x10  }
0x7f2: {  	s17 =	simm.s32 $0x40;
	v33 =	vld [tilespmem:s8+$0x1DE0];
	v26 =	vand.u32 $0xFFFF, v10;
	v24 =	vadd.s32 v6, v14;
	v8 =	vadd.s32 v7, v8  }
0x7f3: {  	s0 =	sand.u32 $0x1FE00, s0;
	s3 =	sand.u32 $0x70, s17;
	v9 =	vshra.s32 v16, $0x10;
	v22 =	vld.idx.msk [tilespmem:v22+s19+$0x0], $0xffff;
	v25 =	vadd.s32 v4, v8;
	v10 =	vadd.f32 v11, v18  }
0x7f4: {  	s3 =	sor.u32 s3, s0;
	v9 =	vadd.s32 v7, v9;
	v19 =	vld.idx.msk [tilespmem:v19+s26+$0x0], $0xffff;
	v18 =	vadd.s32 v4, v26  }
0x7f5: {  	v21 =	vld.idx.msk [tilespmem:v21+s26+$0x0], $0xffff;
	v11 =	vand.u32 $0xFFFF, v15;
	v15 =	vadd.s32 v4, v9;
	[tilespmem:s3+$0xAB80] =	vst v10  }
0x7f6: {  	v10 =	vand.u32 $0xFFFF, v16;
	v16 =	vadd.s32 v4, v11;
	v23 =	vld.idx.msk [tilespmem:v23+s19+$0x0], $0xffff  }
0x7f7: {  	v27 =	vadd.s32 v4, v10;
	v24 =	vld.idx.msk [tilespmem:v24+s26+$0x0], $0xffff  }
0x7f8: {  	v28 =	vadd.s32 v6, v20;
	v25 =	vld.idx.msk [tilespmem:v25+s26+$0x0], $0xffff  }
0x7f9: {  	s18 =	simm.s32 $0x0;
	s4 =	simm.s32 $0x0;
	v29 =	vadd.s32 v6, v17;
	v18 =	vld.idx.msk [tilespmem:v18+s19+$0x0], $0xffff  }
0x7fa: {  	s4 =	sand.u32 $0xFE00, s4;
	s0 =	sand.u32 $0x70, s18;
	v19 =	vadd.f32 v19, v22;
	v22 =	vadd.s32 v5, v13;
	v15 =	vld.idx.msk [tilespmem:v15+s26+$0x0], $0xffff  }
0x7fb: {  	s14 =	sor.u32 s0, s4;
	v30 =	vadd.s32 v5, v14;
	v16 =	vld.idx.msk [tilespmem:v16+s19+$0x0], $0xffff  }
0x7fc: {  	v31 =	vadd.s32 v6, v26;
	[tilespmem:s14+$0xAB80] =	vst v19;
	v27 =	vld.idx.msk [tilespmem:v27+s19+$0x0], $0xffff;
	v19 =	vadd.f32 v24, v23  }
0x7fd: {  	s22 =	simm.s32 $0x10;
	s23 =	simm.s32 $0x40;
	v23 =	vadd.s32 v6, v12;
	v24 =	vld.idx.msk [tilespmem:v28+s19+$0x0], $0xffff  }
0x7fe: {  	s0 =	sand.u32 $0x70, s22;
	s4 =	sand.u32 $0x1FE00, s23;
	v28 =	vadd.s32 v6, v11;
	v18 =	vadd.f32 v21, v18;
	v21 =	vld.idx.msk [tilespmem:v29+s26+$0x0], $0xffff;
	[tilespmem:s3+$0xAC00] =	vst v19  }
0x7ff: {  	s5 =	simm.s32 $0x20;
	s7 =	simm.s32 $0x80;
	s15 =	sor.u32 s0, s4;
	v19 =	vadd.s32 v6, v8;
	v22 =	vld.idx.msk [tilespmem:v22+s19+$0x0], $0xffff  }
0x800: {  	s24 =	sand.u32 $0x70, s5;
	s25 =	sand.u32 $0x1FE00, s7;
	v16 =	vadd.f32 v25, v16;
	[tilespmem:s15+$0xAB80] =	vst v18;
	v18 =	vld.idx.msk [tilespmem:v30+s26+$0x0], $0xffff  }
0x801: {  	s17 =	sor.u32 s24, s25;
	v29 =	vadd.s32 v6, v10;
	v30 =	vld.idx.msk [tilespmem:v31+s19+$0x0], $0xffff  }
0x802: {  	s28 =	simm.s32 $0x30;
	s31 =	simm.s32 $0xC0;
	v25 =	vadd.s32 v6, v9;
	[tilespmem:s17+$0xAB80] =	vst v16;
	v16 =	vld.idx.msk [tilespmem:v23+s26+$0x0], $0xffff  }
0x803: {  	s5 =	sand.u32 $0x70, s28;
	s7 =	sand.u32 $0x1FE00, s31;
	v31 =	vadd.s32 v5, v20;
	v15 =	vadd.f32 v15, v27;
	v27 =	vld.idx.msk [tilespmem:v28+s19+$0x0], $0xffff  }
0x804: {  	s30 =	sor.u32 s5, s7;
	v23 =	vadd.s32 v5, v17;
	v19 =	vld.idx.msk [tilespmem:v19+s26+$0x0], $0xffff  }
0x805: {  	[tilespmem:s30+$0xAB80] =	vst v15;
	v15 =	vadd.f32 v21, v24;
	v28 =	vld [tilespmem:s8+$0x1E00]  }
0x806: {  	v13 =	vadd.s32 v3, v13;
	v21 =	vld.idx.msk [tilespmem:v29+s19+$0x0], $0xffff  }
0x807: {  	v14 =	vadd.s32 v3, v14;
	[tilespmem:s14+$0xAC00] =	vst v15;
	v15 =	vld.idx.msk [tilespmem:v25+s26+$0x0], $0xffff  }
0x808: {  	v18 =	vadd.f32 v18, v22;
	v25 =	vld.idx.msk [tilespmem:v31+s19+$0x0], $0xffff  }
0x809: {  	v24 =	vadd.s32 v5, v26;
	v23 =	vld.idx.msk [tilespmem:v23+s26+$0x0], $0xffff  }
0x80a: {  	v22 =	vadd.s32 v5, v12;
	v16 =	vadd.f32 v16, v30;
	[tilespmem:s3+$0xAC80] =	vst v18;
	v30 =	vld [tilespmem:s8+$0x1DC0]  }
0x80b: {  	v13 =	vld.idx.msk [tilespmem:v13+s19+$0x0], $0xffff  }
0x80c: {  	v29 =	vadd.s32 v5, v8;
	v14 =	vld.idx.msk [tilespmem:v14+s26+$0x0], $0xffff  }
0x80d: {  	v31 =	vadd.s32 v5, v10;
	v19 =	vadd.f32 v19, v27;
	v27 =	vld [tilespmem:s8+$0x1DD0];
	[tilespmem:s15+$0xAC00] =	vst v16  }
0x80e: {  	v32 =	vadd.s32 v5, v9;
	v16 =	vld.idx.msk [tilespmem:v24+s19+$0x0], $0xffff  }
0x80f: {  	v18 =	vld.idx.msk [tilespmem:v22+s26+$0x0], $0xffff;
	v22 =	vadd.s32 v5, v11;
	v15 =	vadd.f32 v15, v21  }
0x810: {  	v20 =	vadd.s32 v3, v20;
	[tilespmem:s17+$0xAC00] =	vst v19;
	v19 =	vld [tilespmem:s8+$0x1DF0];
	v21 =	vadd.f32 v23, v25;
	v23 =	vshra.s32 v28, $0x10  }
0x811: {  	v17 =	vadd.s32 v3, v17;
	v24 =	vand.u32 $0xFFFF, v28;
	[tilespmem:s30+$0xAC00] =	vst v15;
	v25 =	vadd.s32 v7, v23;
	v23 =	vld.idx.msk [tilespmem:v29+s26+$0x0], $0xffff  }
0x812: {  	v15 =	vadd.s32 v4, v24;
	v29 =	vld.idx.msk [tilespmem:v31+s19+$0x0], $0xffff  }
0x813: {  	v26 =	vadd.s32 v3, v26;
	v31 =	vld.idx.msk [tilespmem:v32+s26+$0x0], $0xffff  }
0x814: {  	v12 =	vadd.s32 v3, v12;
	v28 =	vadd.s32 v4, v25;
	[tilespmem:s14+$0xAC80] =	vst v21;
	v22 =	vld.idx.msk [tilespmem:v22+s19+$0x0], $0xffff  }
0x815: {  	v40 =	vand.u32 $0xFFFF, v27;
	v21 =	vshra.s32 v30, $0x10;
	v16 =	vadd.f32 v18, v16;
	v56 =	vld.idx.msk [tilespmem:v20+s19+$0x0], $0xffff  }
0x816: {  	v41 =	vadd.s32 v4, v40;
	v21 =	vadd.s32 v7, v21;
	v18 =	vshra.s32 v27, $0x10;
	v35 =	vld.idx.msk [tilespmem:v17+s26+$0x0], $0xffff  }
0x817: {  	v34 =	vadd.s32 v7, v18;
	v18 =	vshra.s32 v33, $0x10;
	v17 =	vadd.s32 v4, v21;
	v15 =	vld.idx.msk [tilespmem:v15+s19+$0x0], $0xffff;
	[tilespmem:s15+$0xAC80] =	vst v16  }
0x818: {  	v36 =	vadd.s32 v7, v18;
	v18 =	vshra.s32 v19, $0x10;
	v20 =	vadd.s32 v4, v34;
	v26 =	vld.idx.msk [tilespmem:v26+s19+$0x0], $0xffff  }
0x819: {  	v37 =	vadd.s32 v7, v18;
	v16 =	vadd.s32 v4, v36;
	v18 =	vld.idx.msk [tilespmem:v28+s26+$0x0], $0xffff  }
0x81a: {  	v12 =	vld.idx.msk [tilespmem:v12+s26+$0x0], $0xffff;
	v28 =	vand.u32 $0xFFFF, v30;
	v30 =	vadd.s32 v4, v37  }
0x81b: {  	v38 =	vadd.s32 v4, v28;
	v22 =	vadd.f32 v23, v22;
	v23 =	vld.idx.msk [tilespmem:v41+s19+$0x0], $0xffff  }
0x81c: {  	v39 =	vadd.s32 v6, v24;
	v17 =	vld.idx.msk [tilespmem:v17+s26+$0x0], $0xffff  }
0x81d: {  	s9 =	simm.s32 $0x90;
	s0 =	simm.s32 $0x240;
	v27 =	vadd.s32 v6, v25;
	v33 =	vand.u32 $0xFFFF, v33;
	v20 =	vld.idx.msk [tilespmem:v20+s26+$0x0], $0xffff  }
0x81e: {  	s4 =	sand.u32 $0x70, s9;
	s10 =	sand.u32 $0x1FE00, s0;
	v43 =	vand.u32 $0xFFFF, v19;
	v42 =	vld.idx.msk [tilespmem:v16+s26+$0x0], $0xffff;
	v16 =	vadd.s32 v4, v33;
	v15 =	vadd.f32 v18, v15  }
0x81f: {  	s13 =	sor.u32 s4, s10;
	v19 =	vld.idx.msk [tilespmem:v30+s26+$0x0], $0xffff;
	v18 =	vadd.s32 v4, v43  }
0x820: {  	v11 =	vadd.s32 v3, v11;
	v13 =	vadd.f32 v14, v13;
	v30 =	vld.idx.msk [tilespmem:v38+s19+$0x0], $0xffff;
	[tilespmem:s13+$0xAB80] =	vst v15  }
0x821: {  	v45 =	vadd.s32 v5, v25;
	v15 =	vadd.s32 v3, v8;
	v14 =	vld.idx.msk [tilespmem:v39+s19+$0x0], $0xffff  }
0x822: {  	[tilespmem:s3+$0xAD00] =	vst v13;
	v8 =	vadd.s32 v3, v9;
	v9 =	vadd.s32 v3, v10;
	v10 =	vld.idx.msk [tilespmem:v27+s26+$0x0], $0xffff  }
0x823: {  	v13 =	vadd.s32 v6, v21;
	v47 =	vadd.s32 v5, v21;
	v58 =	vadd.s32 v6, v28;
	v59 =	vld.idx.msk [tilespmem:v16+s19+$0x0], $0xffff  }
0x824: {  	s12 =	simm.s32 $0x140;
	s4 =	simm.s32 $0x50;
	v48 =	vadd.s32 v6, v43;
	[tilespmem:s17+$0xAC80] =	vst v22;
	v16 =	vadd.f32 v31, v29;
	v29 =	vld.idx.msk [tilespmem:v18+s19+$0x0], $0xffff  }
0x825: {  	s16 =	sand.u32 $0x70, s4;
	s3 =	sand.u32 $0xFE00, s12;
	v57 =	vadd.s32 v6, v36;
	v18 =	vadd.s32 v5, v24;
	v17 =	vadd.f32 v17, v30;
	v30 =	vld.idx.msk [tilespmem:v11+s19+$0x0], $0xffff  }
0x826: {  	s3 =	sor.u32 s16, s3;
	v44 =	vadd.s32 v6, v37;
	v32 =	vadd.f32 v35, v56;
	[tilespmem:s30+$0xAC80] =	vst v16;
	v46 =	vld.idx.msk [tilespmem:v15+s26+$0x0], $0xffff  }
0x827: {  	v31 =	vadd.s32 v6, v40;
	v9 =	vld.idx.msk [tilespmem:v9+s19+$0x0], $0xffff;
	[tilespmem:s3+$0xAB80] =	vst v17;
	v10 =	vadd.f32 v10, v14  }
0x828: {  	s18 =	simm.s32 $0x60;
	s22 =	simm.s32 $0x180;
	[tilespmem:s14+$0xAD00] =	vst v32;
	v12 =	vadd.f32 v12, v26;
	v27 =	vadd.s32 v6, v34;
	v39 =	vld.idx.msk [tilespmem:v58+s19+$0x0], $0xffff  }
0x829: {  	s5 =	sand.u32 $0x70, s18;
	s7 =	sand.u32 $0x1FE00, s22;
	v11 =	vadd.s32 v6, v33;
	v14 =	vadd.f32 v20, v23;
	v13 =	vld.idx.msk [tilespmem:v13+s26+$0x0], $0xffff;
	[tilespmem:s13+$0xAC00] =	vst v10  }
0x82a: {  	s9 =	simm.s32 $0x1C0;
	s7 =	sor.u32 s5, s7;
	s8 =	simm.s32 $0x70;
	v49 =	vadd.s32 v5, v28;
	v22 =	vadd.s32 v5, v34;
	[tilespmem:s15+$0xAD00] =	vst v12;
	v50 =	vld.idx.msk [tilespmem:v18+s19+$0x0], $0xffff  }
0x82b: {  	s24 =	sand.u32 $0x1FE00, s9;
	s23 =	sand.u32 $0x70, s8;
	v12 =	vadd.s32 v3, v33;
	v41 =	vadd.f32 v42, v59;
	[tilespmem:s7+$0xAB80] =	vst v14;
	v60 =	vld.idx.msk [tilespmem:v45+s26+$0x0], $0xffff  }
0x82c: {  	s25 =	simm.s32 $0x80;
	s10 =	simm.s32 $0x200;
	s8 =	sor.u32 s23, s24;
	v16 =	vadd.s32 v5, v37;
	v15 =	vadd.s32 v5, v36;
	v23 =	vadd.s32 v5, v40;
	v61 =	vld.idx.msk [tilespmem:v31+s19+$0x0], $0xffff  }
0x82d: {  	s28 =	sand.u32 $0x70, s25;
	s31 =	sand.u32 $0x1FE00, s10;
	v20 =	vadd.s32 v5, v33;
	v19 =	vadd.f32 v19, v29;
	[tilespmem:s8+$0xAB80] =	vst v41;
	v62 =	vld.idx.msk [tilespmem:v27+s26+$0x0], $0xffff  }
0x82e: {  	s9 =	sor.u32 s28, s31;
	v17 =	vadd.s32 v3, v21;
	v21 =	vadd.s32 v3, v28;
	v27 =	vld.idx.msk [tilespmem:v11+s19+$0x0], $0xffff;
	v30 =	vadd.f32 v46, v30  }
0x82f: {  	v14 =	vadd.s32 v3, v34;
	[tilespmem:s9+$0xAB80] =	vst v19;
	v29 =	vld.idx.msk [tilespmem:v57+s26+$0x0], $0xffff;
	v13 =	vadd.f32 v13, v39  }
0x830: {  	v10 =	vadd.s32 v3, v36;
	v31 =	vadd.s32 v3, v24;
	v26 =	vld.idx.msk [tilespmem:v48+s19+$0x0], $0xffff;
	[tilespmem:s17+$0xAD00] =	vst v30  }
0x831: {  	v28 =	vld.idx.msk [tilespmem:v44+s26+$0x0], $0xffff;
	v30 =	vadd.s32 v3, v25;
	[tilespmem:s3+$0xAC00] =	vst v13;
	v63 =	vadd.f32 v60, v50  }
0x832: {  	v18 =	vadd.s32 v5, v43;
	v11 =	vadd.s32 v3, v37;
	v19 =	vadd.s32 v3, v40;
	v24 =	vld.idx.msk [tilespmem:v49+s19+$0x0], $0xffff  }
0x833: {  	v13 =	vadd.s32 v3, v43;
	v32 =	vadd.f32 v62, v61;
	v25 =	vld.idx.msk [tilespmem:v47+s26+$0x0], $0xffff;
	[tilespmem:s13+$0xAC80] =	vst v63  }
.LBB2_55:
0x834: {  	s5 =	sadd.s32 $0x60, s4  }
0x835: {  	s10 =	sadd.s32 $0x70, s4;
	v31 =	vld.idx.msk [tilespmem:v31+s19+$0x0], $0xffff;
	s17 =	smov.u32 s4;
	s4 =	sadd.s32 $0x50, s4  }
0x836: {  	v27 =	vadd.f32 v29, v27;
	s12 =	sand.u32 $0x70, s4;
	s5 =	sand.u32 $0x70, s5;
	s14 =	sadd.s32 $0x80, s17;
	[tilespmem:s7+$0xAC00] =	vst v32;
	v29 =	vld.idx.msk [tilespmem:v30+s26+$0x0], $0xffff  }
0x837: {  	s0 =	sadd.s32 $0x140, s0;
	s10 =	sand.u32 $0x70, s10;
	s16 =	sand.u32 $0x70, s14;
	v23 =	vld.idx.msk [tilespmem:v23+s19+$0x0], $0xffff  }
0x838: {  	s18 =	sshra.s32 s0, $0x2;
	s15 =	sadd.s32 $0xFFFFFF40, s0;
	s14 =	sadd.s32 $0xFFFFFF00, s0;
	v26 =	vadd.f32 v28, v26;
	v22 =	vld.idx.msk [tilespmem:v22+s26+$0x0], $0xffff;
	[tilespmem:s8+$0xAC00] =	vst v27  }
0x839: {  	s22 =	sadd.s32 $0xFFFFFF80, s0;
	s23 =	sadd.s32 $0xFFFFFFC0, s0;
	s14 =	sand.u32 $0xFE00, s14;
	v27 =	vld [tilespmem:s18+$0x1E00]  }
0x83a: {  	s24 =	sand.u32 $0x1FE00, s15;
	s22 =	sand.u32 $0x1FE00, s22;
	s23 =	sand.u32 $0x1FE00, s23;
	v24 =	vadd.f32 v25, v24;
	v28 =	vld [tilespmem:s18+$0x1DC0];
	[tilespmem:s9+$0xAC00] =	vst v26  }
0x83b: {  	s15 =	sor.u32 s12, s14;
	s14 =	sor.u32 s5, s24;
	s5 =	sor.u32 s10, s22;
	v26 =	vld [tilespmem:s18+$0x1DD0]  }
0x83c: {  	p2 =	slt.u32 s4, $0x26C0;
	s12 =	sor.u32 s16, s23;
	v25 =	vadd.f32 v29, v31;
	v30 =	vld [tilespmem:s18+$0x1DE0];
	[tilespmem:s3+$0xAC80] =	vst v24  }
0x83d: {  	v29 =	vld [tilespmem:s18+$0x1DF0]  }
0x83e: {  	v22 =	vadd.f32 v22, v23;
	v24 =	vand.u32 $0xFFFF, v27;
	v27 =	vshra.s32 v27, $0x10;
	v31 =	vld.idx.msk [tilespmem:v20+s19+$0x0], $0xffff;
	[tilespmem:s13+$0xAD00] =	vst v25  }
0x83f: {  	v20 =	vshra.s32 v28, $0x10;
	v25 =	vadd.s32 v7, v27;
	v23 =	vadd.s32 v4, v24;
	v27 =	vld.idx.msk [tilespmem:v15+s26+$0x0], $0xffff  }
0x840: {  	v32 =	vadd.s32 v7, v20;
	v15 =	vshra.s32 v26, $0x10;
	v20 =	vadd.s32 v4, v25;
	[tilespmem:s7+$0xAC80] =	vst v22;
	v33 =	vld.idx.msk [tilespmem:v18+s19+$0x0], $0xffff  }
0x841: {  	v28 =	vand.u32 $0xFFFF, v28;
	v34 =	vadd.s32 v7, v15;
	v15 =	vshra.s32 v30, $0x10;
	v35 =	vld.idx.msk [tilespmem:v16+s26+$0x0], $0xffff  }
0x842: {  	v26 =	vand.u32 $0xFFFF, v26;
	v36 =	vadd.s32 v7, v15;
	v15 =	vshra.s32 v29, $0x10;
	v37 =	vld.idx.msk [tilespmem:v21+s19+$0x0], $0xffff  }
0x843: {  	v30 =	vand.u32 $0xFFFF, v30;
	v29 =	vand.u32 $0xFFFF, v29;
	v38 =	vadd.s32 v7, v15;
	v39 =	vld.idx.msk [tilespmem:v17+s26+$0x0], $0xffff  }
0x844: {  	v16 =	vadd.s32 v4, v34;
	v15 =	vadd.s32 v4, v32;
	v17 =	vadd.s32 v4, v36;
	v18 =	vld.idx.msk [tilespmem:v23+s19+$0x0], $0xffff  }
0x845: {  	v40 =	vadd.s32 v4, v26;
	v21 =	vadd.s32 v4, v28;
	v41 =	vadd.s32 v4, v38;
	v20 =	vld.idx.msk [tilespmem:v20+s26+$0x0], $0xffff  }
0x846: {  	v42 =	vadd.s32 v6, v32;
	v43 =	vadd.s32 v4, v30;
	v44 =	vadd.s32 v4, v29;
	v45 =	vld.idx.msk [tilespmem:v19+s19+$0x0], $0xffff  }
0x847: {  	v46 =	vadd.s32 v6, v34;
	v47 =	vadd.s32 v6, v36;
	v48 =	vadd.s32 v6, v38;
	v49 =	vld.idx.msk [tilespmem:v14+s26+$0x0], $0xffff  }
0x848: {  	v50 =	vadd.s32 v6, v28;
	v51 =	vadd.s32 v6, v26;
	v52 =	vadd.s32 v6, v30;
	v53 =	vld.idx.msk [tilespmem:v8+s26+$0x0], $0xffff  }
0x849: {  	v55 =	vadd.s32 v5, v32;
	v56 =	vadd.s32 v6, v29;
	v19 =	vadd.s32 v6, v24;
	v54 =	vld.idx.msk [tilespmem:v15+s26+$0x0], $0xffff  }
0x84a: {  	s10 =	sadd.s32 $0x90, s17;
	v58 =	vadd.s32 v6, v25;
	v22 =	vadd.s32 v5, v34;
	v15 =	vadd.s32 v5, v36;
	v57 =	vld.idx.msk [tilespmem:v16+s26+$0x0], $0xffff  }
0x84b: {  	s10 =	sand.u32 $0x70, s10;
	s13 =	sand.u32 $0x1FE00, s0;
	v59 =	vadd.s32 v5, v28;
	v16 =	vadd.s32 v5, v38;
	v14 =	vadd.f32 v20, v18;
	v60 =	vld.idx.msk [tilespmem:v17+s26+$0x0], $0xffff  }
0x84c: {  	s13 =	sor.u32 s10, s13;
	v23 =	vadd.s32 v5, v26;
	v20 =	vadd.s32 v5, v30;
	v18 =	vadd.s32 v5, v29;
	v41 =	vld.idx.msk [tilespmem:v41+s26+$0x0], $0xffff  }
0x84d: {  	v27 =	vadd.f32 v27, v31;
	v31 =	vadd.f32 v35, v33;
	v8 =	vmov v11;
	v61 =	vld.idx.msk [tilespmem:v21+s19+$0x0], $0xffff;
	[tilespmem:s13+$0xAB80] =	vst v14  }
0x84e: {  	v17 =	vadd.s32 v3, v32;
	v32 =	vadd.s32 v3, v36;
	v14 =	vadd.s32 v3, v34;
	v33 =	vld.idx.msk [tilespmem:v19+s19+$0x0], $0xffff  }
0x84f: {  	v11 =	vadd.s32 v3, v38;
	v21 =	vadd.s32 v3, v28;
	v28 =	vld.idx.msk [tilespmem:v58+s26+$0x0], $0xffff;
	[tilespmem:s8+$0xAC80] =	vst v27  }
0x850: {  	v19 =	vadd.s32 v3, v26;
	v26 =	vadd.s32 v3, v30;
	v27 =	vld.idx.msk [tilespmem:v40+s19+$0x0], $0xffff;
	[tilespmem:s9+$0xAC80] =	vst v31  }
0x851: {  	v29 =	vadd.s32 v3, v29;
	v34 =	vadd.f32 v49, v45;
	v31 =	vadd.f32 v39, v37;
	v30 =	vld.idx.msk [tilespmem:v43+s19+$0x0], $0xffff  }
0x852: {  	v36 =	vadd.f32 v53, v9;
	v35 =	vld.idx.msk [tilespmem:v44+s19+$0x0], $0xffff  }
0x853: {  	v37 =	vadd.s32 v5, v24;
	v9 =	vadd.f32 v54, v61;
	[tilespmem:s3+$0xAD00] =	vst v31;
	v31 =	vld.idx.msk [tilespmem:v12+s19+$0x0], $0xffff;
	v12 =	vmov v26;
	s3 =	smov.u32 s15  }
0x854: {  	v26 =	vadd.s32 v5, v25;
	[tilespmem:s7+$0xAD00] =	vst v34;
	v34 =	vld.idx.msk [tilespmem:v10+s26+$0x0], $0xffff;
	v10 =	vmov v32;
	s7 =	smov.u32 s14  }
0x855: {  	v28 =	vadd.f32 v28, v33;
	[tilespmem:s3+$0xAB80] =	vst v9;
	v9 =	vld.idx.msk [tilespmem:v13+s19+$0x0], $0xffff;
	v13 =	vmov v29  }
0x856: {  	v27 =	vadd.f32 v57, v27;
	v29 =	vld.idx.msk [tilespmem:v50+s19+$0x0], $0xffff;
	[tilespmem:s30+$0xAD00] =	vst v36;
	s30 =	smov.u32 s9;
	s9 =	smov.u32 s12  }
0x857: {  	v30 =	vadd.f32 v60, v30;
	v32 =	vld.idx.msk [tilespmem:v42+s26+$0x0], $0xffff;
	[tilespmem:s13+$0xAC00] =	vst v28  }
0x858: {  	[tilespmem:s7+$0xAB80] =	vst v27;
	v27 =	vadd.f32 v41, v35;
	v33 =	vld.idx.msk [tilespmem:v37+s19+$0x0], $0xffff  }
0x859: {  	[tilespmem:s5+$0xAB80] =	vst v30;
	v35 =	vld.idx.msk [tilespmem:v26+s26+$0x0], $0xffff  }
0x85a: {  	v26 =	vadd.f32 v34, v31;
	v36 =	vld.idx.msk [tilespmem:v51+s19+$0x0], $0xffff;
	[tilespmem:s9+$0xAB80] =	vst v27  }
0x85b: {  	v34 =	vld.idx.msk [tilespmem:v46+s26+$0x0], $0xffff  }
0x85c: {  	v27 =	vld.idx.msk [tilespmem:v52+s19+$0x0], $0xffff;
	[tilespmem:s8+$0xAD00] =	vst v26;
	s8 =	smov.u32 s5  }
.Ltmp35:
0x85d: {  	v31 =	vadd.s32 v3, v24;
	v28 =	vadd.f32 v32, v29;
	v29 =	vld.idx.msk [tilespmem:v47+s26+$0x0], $0xffff;
	(pc) =	sbr.rel @p2 .LBB2_55-.Ltmp35, $4  }
0x85e: {  	v30 =	vadd.s32 v3, v25;
	v26 =	vld.idx.msk [tilespmem:v56+s19+$0x0], $0xffff  }
0x85f: {  	v33 =	vadd.f32 v35, v33;
	[tilespmem:s3+$0xAC00] =	vst v28;
	v28 =	vld.idx.msk [tilespmem:v48+s26+$0x0], $0xffff  }
0x860: {  	v24 =	vld.idx.msk [tilespmem:v59+s19+$0x0], $0xffff  }
0x861: {  	v32 =	vadd.f32 v34, v36;
	v25 =	vld.idx.msk [tilespmem:v55+s26+$0x0], $0xffff;
	[tilespmem:s13+$0xAC80] =	vst v33  }
0x862: {  	_ =	sdelay $0x3  }
0x863: {  	v3 =	vld.idx.msk [tilespmem:v31+s19+$0x0], $0xffff  }
0x864: {  	v4 =	vadd.f32 v29, v27;
	v7 =	vld.idx.msk [tilespmem:v30+s26+$0x0], $0xffff;
	[tilespmem:s7+$0xAC00] =	vst v32  }
0x865: {  	v5 =	vld.idx.msk [tilespmem:v23+s19+$0x0], $0xffff  }
0x866: {  	v6 =	vld.idx.msk [tilespmem:v22+s26+$0x0], $0xffff;
	[tilespmem:s8+$0xAC00] =	vst v4;
	v52 =	vadd.f32 v28, v26  }
0x867: {  	v20 =	vld.idx.msk [tilespmem:v20+s19+$0x0], $0xffff  }
0x868: {  	v54 =	vld.idx.msk [tilespmem:v15+s26+$0x0], $0xffff;
	[tilespmem:s9+$0xAC00] =	vst v52  }
0x869: {  	v53 =	vadd.f32 v25, v24;
	v55 =	vld.idx.msk [tilespmem:v18+s19+$0x0], $0xffff  }
0x86a: {  	v56 =	vld.idx.msk [tilespmem:v16+s26+$0x0], $0xffff  }
0x86b: {  	v8 =	vld.idx.msk [tilespmem:v8+s26+$0x0], $0xffff;
	[tilespmem:s3+$0xAC80] =	vst v53;
	v5 =	vadd.f32 v6, v5  }
0x86c: {  	v57 =	vld.idx.msk [tilespmem:v21+s19+$0x0], $0xffff  }
0x86d: {  	v58 =	vld.idx.msk [tilespmem:v17+s26+$0x0], $0xffff;
	v4 =	vadd.f32 v54, v20;
	[tilespmem:s7+$0xAC80] =	vst v5  }
0x86e: {  	v59 =	vld.idx.msk [tilespmem:v19+s19+$0x0], $0xffff  }
0x86f: {  	v14 =	vld.idx.msk [tilespmem:v14+s26+$0x0], $0xffff;
	v6 =	vadd.f32 v56, v55;
	[tilespmem:s8+$0xAC80] =	vst v4  }
0x870: {  	v4 =	vld.idx.msk [tilespmem:v12+s19+$0x0], $0xffff  }
0x871: {  	v60 =	vld.idx.msk [tilespmem:v10+s26+$0x0], $0xffff;
	[tilespmem:s9+$0xAC80] =	vst v6  }
0x872: {  	v61 =	vld.idx.msk [tilespmem:v13+s19+$0x0], $0xffff  }
0x873: {  	v3 =	vadd.f32 v7, v3;
	v62 =	vld.idx.msk [tilespmem:v11+s26+$0x0], $0xffff  }
0x874: {  	v8 =	vadd.f32 v8, v9  }
0x875: {  	[tilespmem:s13+$0xAD00] =	vst v3;
	v3 =	vadd.f32 v14, v59  }
0x876: {  	[tilespmem:s30+$0xAD00] =	vst v8;
	v5 =	vadd.f32 v58, v57  }
0x877: {  	[tilespmem:s7+$0xAD00] =	vst v3;
	v3 =	vadd.f32 v60, v4  }
0x878: {  	[tilespmem:s3+$0xAD00] =	vst v5;
	v63 =	vadd.f32 v62, v61  }
0x879: {  	[tilespmem:s8+$0xAD00] =	vst v3  }
0x87a: {  	[tilespmem:s9+$0xAD00] =	vst v63  }
.LBB2_57:
0x87b: {  	s0 =	rddreg [dreg:$0xe]  }
0x87c: {  	s0 =	sadd.s32 s0, s29  }
0x87d: {  	s30 =	smul.u32 $0x2780, s0;
	_ =	sdelay $0x1  }
0x87e: {  	s3 =	simm.s32 $0xAB80;
	s0 =	sadd.s32 s6, s30  }
0x87f: {  	[hbm4b:s0+s20] =	stream.strided.scatter [tilespmem:s3], [sflag:$0x1], $0x9E00, s21, s20, $0x38;
	[tilespmem:$0x1E780] =	vst v63  }
.Ltmp36:
0x880: {  	_ = 	snop;
	(pc) =	sbr.rel @p0 .LBB2_61-.Ltmp36, $4  }
0x881: {  	s0 =	simm.s32 @!p1 $0x2  }
0x882: {  	s25 =	sor.u32 $0x4, s1;
	s28 =	sor.u32 $0x5, s1;
	_ =	swait.ge @!p1 [sflag:s0], $0x9E00  }
0x883: {  	s4 =	sor.u32 $0x6, s1;
	s31 =	sor.u32 $0x7, s1;
	v4 =	vmov s25;
	[sflag:s0] =	ssyncset.done @!p1 $0x0  }
0x884: {  	s1 =	simm.s32 $0x40;
	v6 =	vmov s28;
	v5 =	vmov s4;
	v3 =	vmov s31;
	[sflag:s0] =	ssyncadd.s32 @!p1 $0xFFFF6200;
	s0 =	simm.s32 $0x100  }
0x885: {  	v7 =	vld [tilespmem:s1+$0x1E00]  }
0x886: {  	v8 =	vld [tilespmem:s1+$0x1DC0]  }
0x887: {  	v9 =	vld [tilespmem:s1+$0x1DD0]  }
0x888: {  	v10 =	vld [tilespmem:s1+$0x1DE0];
	_ =	sdelay $0x1  }
0x889: {  	v11 =	vld [tilespmem:s1+$0x1DF0];
	v12 =	vand.u32 $0xFFFF, v7  }
0x88a: {  	v8 =	vand.u32 $0xFFFF, v8;
	v13 =	vadd.s32 v4, v12  }
0x88b: {  	v9 =	vand.u32 $0xFFFF, v9;
	v14 =	vadd.s32 v4, v8  }
0x88c: {  	v10 =	vand.u32 $0xFFFF, v10;
	v15 =	vadd.s32 v4, v9  }
0x88d: {  	v16 =	vadd.s32 v4, v10  }
0x88e: {  	v7 =	vand.u32 $0xFFFF, v11  }
0x88f: {  	s16 =	simm.s32 $0x0;
	v11 =	vadd.s32 v4, v7;
	v13 =	vld.idx.msk [tilespmem:v13+s19+$0x0], $0xffff  }
0x890: {  	s3 =	simm.s32 $0x10;
	s4 =	simm.s32 $0x20;
	s7 =	simm.s32 $0x40;
	v17 =	vadd.s32 v6, v12;
	v14 =	vld.idx.msk [tilespmem:v14+s19+$0x0], $0xffff  }
0x891: {  	s8 =	simm.s32 $0x0;
	s0 =	sand.u32 $0x1FE00, s0;
	s9 =	simm.s32 $0x40;
	v18 =	vadd.s32 v6, v8;
	v15 =	vld.idx.msk [tilespmem:v15+s19+$0x0], $0xffff  }
0x892: {  	s17 =	simm.s32 $0x80;
	s22 =	simm.s32 $0x90;
	s7 =	sand.u32 $0x70, s7;
	v19 =	vadd.s32 v6, v9;
	v16 =	vld.idx.msk [tilespmem:v16+s19+$0x0], $0xffff  }
0x893: {  	s1 =	sand.u32 $0x70, s16;
	s8 =	sand.u32 $0xFE00, s8;
	v24 =	vld [tilespmem:s22+$0x1DF0];
	s0 =	sor.u32 s7, s0;
	v20 =	vadd.s32 v6, v10  }
0x894: {  	s3 =	sand.u32 $0x70, s3;
	s9 =	sand.u32 $0x1FE00, s9;
	s8 =	sor.u32 s1, s8;
	v11 =	vld.idx.msk [tilespmem:v11+s19+$0x0], $0xffff;
	[tilespmem:s0+$0x14980] =	vst v13  }
0x895: {  	s4 =	sand.u32 $0x70, s4;
	s7 =	sand.u32 $0x1FE00, s17;
	s3 =	sor.u32 s3, s9;
	v21 =	vadd.s32 v6, v7;
	[tilespmem:s8+$0x14980] =	vst v14;
	v13 =	vld.idx.msk [tilespmem:v17+s19+$0x0], $0xffff  }
0x896: {  	s5 =	simm.s32 $0x30;
	s18 =	simm.s32 $0xC0;
	s7 =	sor.u32 s4, s7;
	[tilespmem:s3+$0x14980] =	vst v15;
	v14 =	vld.idx.msk [tilespmem:v18+s19+$0x0], $0xffff  }
0x897: {  	s5 =	sand.u32 $0x70, s5;
	s1 =	sand.u32 $0x1FE00, s18;
	[tilespmem:s7+$0x14980] =	vst v16;
	v17 =	vld.idx.msk [tilespmem:v19+s19+$0x0], $0xffff  }
0x898: {  	s10 =	sor.u32 s5, s1;
	v16 =	vld.idx.msk [tilespmem:v20+s19+$0x0], $0xffff  }
0x899: {  	v15 =	vadd.s32 v5, v12;
	[tilespmem:s10+$0x14980] =	vst v11;
	v18 =	vld [tilespmem:s22+$0x1E00]  }
0x89a: {  	v23 =	vadd.s32 v5, v10;
	v11 =	vld.idx.msk [tilespmem:v21+s19+$0x0], $0xffff  }
0x89b: {  	s1 =	sadd.s32 $0x14980, s0;
	v25 =	vadd.s32 v5, v7;
	v19 =	vld [tilespmem:s22+$0x1DC0]  }
0x89c: {  	s4 =	sadd.s32 $0x14980, s8;
	v20 =	vadd.s32 v5, v9;
	v21 =	vld [tilespmem:s22+$0x1DD0];
	[tilespmem:s1+$0x80] =	vst v13  }
0x89d: {  	v22 =	vld [tilespmem:s22+$0x1DE0];
	s9 =	sadd.s32 $0x14980, s7;
	[tilespmem:s4+$0x80] =	vst v14  }
0x89e: {  	s0 =	sadd.s32 $0x14980, s10;
	v14 =	vand.u32 $0xFFFF, v18;
	[tilespmem:s9+$0x80] =	vst v16;
	v13 =	vld.idx.msk [tilespmem:v15+s19+$0x0], $0xffff;
	v15 =	vadd.s32 v5, v8  }
0x89f: {  	s5 =	sadd.s32 $0x14980, s3;
	[tilespmem:s0+$0x80] =	vst v11;
	v18 =	vadd.s32 v4, v14;
	v11 =	vld.idx.msk [tilespmem:v23+s19+$0x0], $0xffff  }
0x8a0: {  	[tilespmem:s5+$0x80] =	vst v17;
	v23 =	vand.u32 $0xFFFF, v24;
	v24 =	vld.idx.msk [tilespmem:v25+s19+$0x0], $0xffff  }
0x8a1: {  	v12 =	vadd.s32 v3, v12;
	v17 =	vand.u32 $0xFFFF, v19;
	v19 =	vld.idx.msk [tilespmem:v20+s19+$0x0], $0xffff;
	v20 =	vand.u32 $0xFFFF, v21  }
0x8a2: {  	v16 =	vadd.s32 v4, v20  }
0x8a3: {  	s23 =	simm.s32 $0x50;
	v15 =	vld.idx.msk [tilespmem:v15+s19+$0x0], $0xffff;
	[tilespmem:s1+$0x100] =	vst v13;
	v13 =	vadd.s32 v4, v17  }
0x8a4: {  	s3 =	sand.u32 $0x70, s23;
	s23 =	simm.s32 $0xE0;
	v21 =	vand.u32 $0xFFFF, v22;
	v25 =	vadd.s32 v4, v23;
	v18 =	vld.idx.msk [tilespmem:v18+s19+$0x0], $0xffff  }
0x8a5: {  	v22 =	vadd.s32 v4, v21;
	[tilespmem:s0+$0x100] =	vst v24;
	v24 =	vld [tilespmem:s23+$0x1DE0]  }
0x8a6: {  	v9 =	vadd.s32 v3, v9;
	v12 =	vld.idx.msk [tilespmem:v12+s19+$0x0], $0xffff  }
0x8a7: {  	s24 =	simm.s32 $0x60;
	v8 =	vadd.s32 v3, v8;
	v16 =	vld.idx.msk [tilespmem:v16+s19+$0x0], $0xffff  }
0x8a8: {  	s25 =	simm.s32 $0x70;
	s28 =	simm.s32 $0x80;
	s12 =	simm.s32 $0x240;
	v26 =	vadd.s32 v6, v14;
	v13 =	vld.idx.msk [tilespmem:v13+s19+$0x0], $0xffff  }
0x8a9: {  	s13 =	simm.s32 $0x90;
	s14 =	simm.s32 $0x140;
	s15 =	simm.s32 $0x180;
	v10 =	vadd.s32 v3, v10;
	[tilespmem:s4+$0x100] =	vst v15;
	v15 =	vld.idx.msk [tilespmem:v25+s19+$0x0], $0xffff  }
0x8aa: {  	s13 =	sand.u32 $0x70, s13;
	s12 =	sand.u32 $0x1FE00, s12;
	s14 =	sand.u32 $0xFE00, s14;
	[tilespmem:s5+$0x100] =	vst v19;
	v22 =	vld.idx.msk [tilespmem:v22+s19+$0x0], $0xffff  }
0x8ab: {  	s16 =	simm.s32 $0x1C0;
	s12 =	sor.u32 s13, s12;
	s17 =	simm.s32 $0x200;
	v28 =	vadd.s32 v6, v20;
	[tilespmem:s9+$0x100] =	vst v11;
	v9 =	vld.idx.msk [tilespmem:v9+s19+$0x0], $0xffff  }
0x8ac: {  	s18 =	sand.u32 $0x70, s28;
	s3 =	sor.u32 s3, s14;
	s22 =	sand.u32 $0x1FE00, s17;
	[tilespmem:s12+$0x14980] =	vst v18;
	v8 =	vld.idx.msk [tilespmem:v8+s19+$0x0], $0xffff  }
0x8ad: {  	s15 =	sand.u32 $0x1FE00, s15;
	s7 =	sand.u32 $0x70, s24;
	s10 =	sor.u32 s18, s22;
	[tilespmem:s3+$0x14980] =	vst v13;
	v13 =	vld.idx.msk [tilespmem:v26+s19+$0x0], $0xffff  }
0x8ae: {  	s13 =	sand.u32 $0x1FE00, s16;
	s8 =	sand.u32 $0x70, s25;
	s15 =	sor.u32 s7, s15;
	v27 =	vadd.s32 v6, v17;
	[tilespmem:s10+$0x14980] =	vst v15;
	v15 =	vld.idx.msk [tilespmem:v10+s19+$0x0], $0xffff  }
0x8af: {  	s13 =	sor.u32 s8, s13;
	v19 =	vadd.s32 v6, v23;
	[tilespmem:s15+$0x14980] =	vst v16;
	v10 =	vld [tilespmem:s23+$0x1E00]  }
0x8b0: {  	[tilespmem:s13+$0x14980] =	vst v22;
	v22 =	vadd.s32 v5, v14;
	v16 =	vld.idx.msk [tilespmem:v28+s19+$0x0], $0xffff  }
0x8b1: {  	v25 =	vadd.s32 v6, v21;
	[tilespmem:s1+$0x180] =	vst v12;
	v12 =	vld [tilespmem:s23+$0x1DD0]  }
0x8b2: {  	v29 =	vadd.s32 v3, v7;
	v26 =	vld [tilespmem:s23+$0x1DC0]  }
0x8b3: {  	s12 =	sadd.s32 $0x14980, s12;
	v18 =	vld.idx.msk [tilespmem:v27+s19+$0x0], $0xffff  }
0x8b4: {  	s8 =	sadd.s32 $0x14980, s15;
	v11 =	vld.idx.msk [tilespmem:v19+s19+$0x0], $0xffff;
	[tilespmem:s12+$0x80] =	vst v13;
	v13 =	vadd.s32 v5, v17;
	v7 =	vand.u32 $0xFFFF, v10  }
0x8b5: {  	[tilespmem:s8+$0x80] =	vst v16;
	v19 =	vld.idx.msk [tilespmem:v22+s19+$0x0], $0xffff;
	v16 =	vadd.s32 v4, v7  }
0x8b6: {  	v14 =	vadd.s32 v3, v14;
	v25 =	vld.idx.msk [tilespmem:v25+s19+$0x0], $0xffff  }
0x8b7: {  	s7 =	sadd.s32 $0x14980, s3;
	v27 =	vadd.s32 v5, v21;
	v10 =	vld.idx.msk [tilespmem:v29+s19+$0x0], $0xffff  }
0x8b8: {  	s1 =	sadd.s32 $0x14980, s10;
	v28 =	vadd.s32 v5, v23;
	[tilespmem:s7+$0x80] =	vst v18;
	v18 =	vld [tilespmem:s23+$0x1DF0]  }
0x8b9: {  	v30 =	vand.u32 $0xFFFF, v12;
	v22 =	vadd.s32 v5, v20;
	[tilespmem:s1+$0x80] =	vst v11;
	v13 =	vld.idx.msk [tilespmem:v13+s19+$0x0], $0xffff  }
0x8ba: {  	s3 =	sadd.s32 $0x14980, s13;
	v26 =	vand.u32 $0xFFFF, v26;
	v11 =	vadd.s32 v4, v30;
	[tilespmem:s12+$0x100] =	vst v19;
	v32 =	vld.idx.msk [tilespmem:v16+s19+$0x0], $0xffff  }
0x8bb: {  	[tilespmem:s3+$0x80] =	vst v25;
	v19 =	vadd.s32 v4, v26;
	v12 =	vld.idx.msk [tilespmem:v14+s19+$0x0], $0xffff  }
0x8bc: {  	[tilespmem:s5+$0x180] =	vst v9;
	v29 =	vadd.s32 v3, v17;
	v14 =	vand.u32 $0xFFFF, v24;
	v24 =	vld.idx.msk [tilespmem:v27+s19+$0x0], $0xffff  }
0x8bd: {  	s18 =	simm.s32 $0xE0;
	s13 =	simm.s32 $0x380;
	[tilespmem:s4+$0x180] =	vst v8;
	v35 =	vadd.s32 v6, v7;
	v28 =	vld.idx.msk [tilespmem:v28+s19+$0x0], $0xffff  }
0x8be: {  	s16 =	simm.s32 $0x2C0;
	s18 =	sand.u32 $0x70, s18;
	s22 =	sand.u32 $0x1FE00, s13;
	[tilespmem:s9+$0x180] =	vst v15;
	v22 =	vld.idx.msk [tilespmem:v22+s19+$0x0], $0xffff;
	v27 =	vand.u32 $0xFFFF, v18;
	v25 =	vadd.s32 v4, v14  }
0x8bf: {  	s28 =	simm.s32 $0xD0;
	s16 =	sand.u32 $0x1FE00, s16;
	v33 =	vadd.s32 v3, v20;
	s31 =	sor.u32 s18, s22;
	v34 =	vld.idx.msk [tilespmem:v11+s19+$0x0], $0xffff;
	v31 =	vadd.s32 v4, v27;
	[tilespmem:s7+$0x100] =	vst v13  }
0x8c0: {  	s24 =	simm.s32 $0xB0;
	s25 =	simm.s32 $0xC0;
	s17 =	simm.s32 $0x340;
	v9 =	vadd.s32 v3, v21;
	v8 =	vadd.s32 v3, v23;
	v21 =	vld.idx.msk [tilespmem:v19+s19+$0x0], $0xffff;
	[tilespmem:s31+$0x14980] =	vst v32  }
0x8c1: {  	s10 =	sand.u32 $0x70, s24;
	s24 =	simm.s32 $0x280;
	s4 =	simm.s32 $0xA0;
	v17 =	vadd.s32 v5, v30;
	v36 =	vadd.s32 v6, v26;
	[tilespmem:s3+$0x100] =	vst v24;
	v24 =	vld.idx.msk [tilespmem:v29+s19+$0x0], $0xffff  }
0x8c2: {  	s5 =	sand.u32 $0x70, s25;
	s15 =	sand.u32 $0xFE00, s24;
	s14 =	sand.u32 $0x70, s4;
	v16 =	vadd.s32 v5, v26;
	[tilespmem:s12+$0x180] =	vst v12;
	v12 =	vadd.s32 v3, v26;
	v26 =	vld.idx.msk [tilespmem:v35+s19+$0x0], $0xffff  }
0x8c3: {  	s25 =	simm.s32 $0x300;
	s16 =	sor.u32 s10, s16;
	s14 =	sor.u32 s14, s15;
	v11 =	vadd.s32 v3, v30;
	[tilespmem:s1+$0x100] =	vst v28;
	v19 =	vadd.s32 v6, v30;
	v23 =	vld.idx.msk [tilespmem:v25+s19+$0x0], $0xffff  }
0x8c4: {  	s23 =	sand.u32 $0x70, s28;
	s28 =	sand.u32 $0x1FE00, s17;
	v18 =	vadd.s32 v6, v14;
	v20 =	vadd.s32 v6, v27;
	[tilespmem:s8+$0x100] =	vst v22;
	s12 =	sand.u32 $0x1FE00, s25;
	v22 =	vld.idx.msk [tilespmem:v31+s19+$0x0], $0xffff  }
0x8c5: {  	s9 =	sadd.s32 $0x14980, s14;
	v15 =	vadd.s32 v5, v14;
	v13 =	vadd.s32 v5, v27;
	v25 =	vld.idx.msk [tilespmem:v33+s19+$0x0], $0xffff;
	s12 =	sor.u32 s5, s12;
	s5 =	sor.u32 s23, s28;
	[tilespmem:s14+$0x14980] =	vst v21  }
0x8c6: {  	[tilespmem:s16+$0x14980] =	vst v34;
	s17 =	sadd.s32 $0x14980, s12;
	s15 =	sadd.s32 $0x14980, s5;
	s14 =	sadd.s32 $0x14980, s16;
	v21 =	vadd.s32 v3, v14;
	v14 =	vadd.s32 v3, v27;
	v27 =	vld.idx.msk [tilespmem:v36+s19+$0x0], $0xffff  }
.LBB2_59:
0x8c7: {  	s10 =	sadd.s32 $0x60, s4  }
0x8c8: {  	s16 =	sadd.s32 $0x70, s4;
	v19 =	vld.idx.msk [tilespmem:v19+s19+$0x0], $0xffff;
	[tilespmem:s12+$0x14980] =	vst v23;
	v23 =	vadd.s32 v5, v7;
	s24 =	smov.u32 s4;
	s4 =	sadd.s32 $0x50, s4  }
0x8c9: {  	s12 =	sand.u32 $0x70, s4;
	s10 =	sand.u32 $0x70, s10;
	s18 =	sadd.s32 $0x80, s24;
	v18 =	vld.idx.msk [tilespmem:v18+s19+$0x0], $0xffff;
	[tilespmem:s5+$0x14980] =	vst v22  }
0x8ca: {  	s13 =	sadd.s32 $0x140, s13;
	s5 =	sand.u32 $0x70, s16;
	s16 =	sand.u32 $0x70, s18;
	v20 =	vld.idx.msk [tilespmem:v20+s19+$0x0], $0xffff;
	[tilespmem:s7+$0x180] =	vst v24  }
0x8cb: {  	s31 =	sadd.s32 $0x14980, s31;
	s7 =	sshra.s32 s13, $0x2;
	s18 =	sadd.s32 $0xFFFFFF00, s13;
	[tilespmem:s8+$0x180] =	vst v25;
	v22 =	vld.idx.msk [tilespmem:v9+s19+$0x0], $0xffff;
	v9 =	vmov v21  }
0x8cc: {  	s22 =	sadd.s32 $0xFFFFFF80, s13;
	s23 =	sadd.s32 $0xFFFFFFC0, s13;
	s8 =	sadd.s32 $0xFFFFFF40, s13;
	v21 =	vld [tilespmem:s7+$0x1E00];
	[tilespmem:s31+$0x80] =	vst v26  }
0x8cd: {  	s22 =	sand.u32 $0x1FE00, s22;
	s18 =	sand.u32 $0xFE00, s18;
	s8 =	sand.u32 $0x1FE00, s8;
	[tilespmem:s9+$0x80] =	vst v27;
	v23 =	vld.idx.msk [tilespmem:v23+s19+$0x0], $0xffff  }
0x8ce: {  	s28 =	sor.u32 s12, s18;
	s25 =	sor.u32 s10, s8;
	s8 =	sand.u32 $0x1FE00, s23;
	v24 =	vld [tilespmem:s7+$0x1DC0];
	[tilespmem:s14+$0x80] =	vst v19  }
0x8cf: {  	s12 =	sor.u32 s5, s22;
	s10 =	sadd.s32 $0x14980, s28;
	s5 =	sor.u32 s16, s8;
	v19 =	vld [tilespmem:s7+$0x1DD0];
	[tilespmem:s17+$0x80] =	vst v18;
	v18 =	vadd.s32 v3, v7  }
0x8d0: {  	s18 =	sadd.s32 $0x14980, s12;
	s16 =	sadd.s32 $0x14980, s25;
	s22 =	sadd.s32 $0x14980, s5;
	v25 =	vld [tilespmem:s7+$0x1DE0];
	[tilespmem:s15+$0x80] =	vst v20  }
0x8d1: {  	p1 =	slt.u32 s4, $0x26C0;
	v20 =	vld [tilespmem:s7+$0x1DF0];
	[tilespmem:s3+$0x180] =	vst v22;
	s7 =	smov.u32 s9;
	s9 =	smov.u32 s10  }
0x8d2: {  	s8 =	smov.u32 s14;
	s14 =	smov.u32 s16;
	v7 =	vand.u32 $0xFFFF, v21;
	s3 =	smov.u32 s17;
	v21 =	vld.idx.msk [tilespmem:v16+s19+$0x0], $0xffff;
	[tilespmem:s0+$0x180] =	vst v10  }
0x8d3: {  	s17 =	smov.u32 s18;
	s0 =	smov.u32 s1;
	s1 =	smov.u32 s15;
	v22 =	vand.u32 $0xFFFF, v24;
	v24 =	vadd.s32 v4, v7;
	v26 =	vld.idx.msk [tilespmem:v17+s19+$0x0], $0xffff;
	[tilespmem:s31+$0x100] =	vst v23  }
0x8d4: {  	s15 =	smov.u32 s22;
	v23 =	vadd.s32 v4, v22;
	v27 =	vadd.s32 v6, v22;
	v28 =	vand.u32 $0xFFFF, v19;
	v29 =	vld.idx.msk [tilespmem:v18+s19+$0x0], $0xffff  }
0x8d5: {  	v30 =	vadd.s32 v4, v28;
	v19 =	vadd.s32 v6, v28;
	v25 =	vand.u32 $0xFFFF, v25;
	v31 =	vld.idx.msk [tilespmem:v15+s19+$0x0], $0xffff  }
0x8d6: {  	v32 =	vadd.s32 v4, v25;
	v18 =	vadd.s32 v6, v25;
	v33 =	vand.u32 $0xFFFF, v20;
	v34 =	vld.idx.msk [tilespmem:v13+s19+$0x0], $0xffff  }
0x8d7: {  	v16 =	vadd.s32 v5, v22;
	v35 =	vadd.s32 v4, v33;
	v20 =	vadd.s32 v6, v33;
	v10 =	vld.idx.msk [tilespmem:v8+s19+$0x0], $0xffff  }
0x8d8: {  	v17 =	vadd.s32 v5, v28;
	v15 =	vadd.s32 v5, v25;
	v13 =	vadd.s32 v5, v33;
	v36 =	vld.idx.msk [tilespmem:v24+s19+$0x0], $0xffff  }
0x8d9: {  	v38 =	vadd.s32 v3, v22;
	v28 =	vadd.s32 v3, v28;
	v8 =	vmov v14;
	v37 =	vld.idx.msk [tilespmem:v23+s19+$0x0], $0xffff;
	[tilespmem:s7+$0x100] =	vst v21  }
0x8da: {  	v39 =	vadd.s32 v6, v7;
	v21 =	vadd.s32 v3, v25;
	v30 =	vld.idx.msk [tilespmem:v30+s19+$0x0], $0xffff;
	[tilespmem:s31+$0x180] =	vst v29  }
0x8db: {  	s10 =	sadd.s32 $0x90, s24;
	v14 =	vadd.s32 v3, v33;
	v23 =	vld.idx.msk [tilespmem:v32+s19+$0x0], $0xffff;
	[tilespmem:s8+$0x100] =	vst v26  }
.Ltmp37:
0x8dc: {  	s16 =	sand.u32 $0x1FE00, s13;
	s10 =	sand.u32 $0x70, s10;
	v22 =	vld.idx.msk [tilespmem:v35+s19+$0x0], $0xffff;
	[tilespmem:s3+$0x100] =	vst v31;
	(pc) =	sbr.rel @p1 .LBB2_59-.Ltmp37, $4  }
0x8dd: {  	s31 =	sor.u32 s10, s16;
	v24 =	vld.idx.msk [tilespmem:v12+s19+$0x0], $0xffff;
	[tilespmem:s1+$0x100] =	vst v34;
	v12 =	vmov v38  }
0x8de: {  	[tilespmem:s31+$0x14980] =	vst v36;
	v25 =	vld.idx.msk [tilespmem:v11+s19+$0x0], $0xffff;
	v11 =	vmov v28  }
0x8df: {  	[tilespmem:s28+$0x14980] =	vst v37;
	v26 =	vld.idx.msk [tilespmem:v39+s19+$0x0], $0xffff  }
0x8e0: {  	v27 =	vld.idx.msk [tilespmem:v27+s19+$0x0], $0xffff;
	[tilespmem:s25+$0x14980] =	vst v30  }
0x8e1: {  	_ =	sdelay $0x1  }
0x8e2: {  	[tilespmem:s12+$0x14980] =	vst v23;
	v4 =	vadd.s32 v5, v7  }
0x8e3: {  	[tilespmem:s5+$0x14980] =	vst v22  }
0x8e4: {  	v58 =	vld.idx.msk [tilespmem:v19+s19+$0x0], $0xffff;
	[tilespmem:s0+$0x180] =	vst v10  }
0x8e5: {  	s4 =	sadd.s32 $0x14980, s31;
	v6 =	vld.idx.msk [tilespmem:v18+s19+$0x0], $0xffff;
	[tilespmem:s7+$0x180] =	vst v24  }
0x8e6: {  	v59 =	vld.idx.msk [tilespmem:v20+s19+$0x0], $0xffff;
	[tilespmem:s4+$0x80] =	vst v26  }
0x8e7: {  	[tilespmem:s8+$0x180] =	vst v25;
	v4 =	vld.idx.msk [tilespmem:v4+s19+$0x0], $0xffff  }
0x8e8: {  	v9 =	vld.idx.msk [tilespmem:v9+s19+$0x0], $0xffff;
	v3 =	vadd.s32 v3, v7;
	[tilespmem:s9+$0x80] =	vst v27  }
0x8e9: {  	[tilespmem:s14+$0x80] =	vst v58;
	v60 =	vld.idx.msk [tilespmem:v16+s19+$0x0], $0xffff  }
0x8ea: {  	[tilespmem:s17+$0x80] =	vst v6;
	v61 =	vld.idx.msk [tilespmem:v17+s19+$0x0], $0xffff  }
0x8eb: {  	[tilespmem:s15+$0x80] =	vst v59;
	v62 =	vld.idx.msk [tilespmem:v15+s19+$0x0], $0xffff  }
0x8ec: {  	v63 =	vld.idx.msk [tilespmem:v13+s19+$0x0], $0xffff;
	[tilespmem:s4+$0x100] =	vst v4  }
0x8ed: {  	[tilespmem:s3+$0x180] =	vst v9;
	v3 =	vld.idx.msk [tilespmem:v3+s19+$0x0], $0xffff  }
0x8ee: {  	v8 =	vld.idx.msk [tilespmem:v8+s19+$0x0], $0xffff;
	[tilespmem:s9+$0x100] =	vst v60  }
0x8ef: {  	[tilespmem:s14+$0x100] =	vst v61;
	v5 =	vld.idx.msk [tilespmem:v12+s19+$0x0], $0xffff  }
0x8f0: {  	[tilespmem:s17+$0x100] =	vst v62;
	v6 =	vld.idx.msk [tilespmem:v11+s19+$0x0], $0xffff  }
0x8f1: {  	[tilespmem:s15+$0x100] =	vst v63;
	v7 =	vld.idx.msk [tilespmem:v21+s19+$0x0], $0xffff  }
0x8f2: {  	[tilespmem:s4+$0x180] =	vst v3;
	v3 =	vld.idx.msk [tilespmem:v14+s19+$0x0], $0xffff  }
.Ltmp38:
0x8f3: {  	[tilespmem:s1+$0x180] =	vst v8;
	(pc) =	sbr.rel .LBB2_64-.Ltmp38, $4  }
0x8f4: {  	[tilespmem:s9+$0x180] =	vst v5  }
0x8f5: {  	[tilespmem:s14+$0x180] =	vst v6  }
0x8f6: {  	[tilespmem:s17+$0x180] =	vst v7  }
0x8f7: {  	[tilespmem:s15+$0x180] =	vst v3  }
.LBB2_61:
0x8f8: {  	v8 =	vld [tilespmem:s1+$0x1E00];
	_ =	sdelay $0x3  }
0x8f9: {  	v7 =	vmul.u32 $0x1C1, v0  }
0x8fa: {  	v13 =	vand.u32 $0xFFFF, v8;
	v8 =	vshra.s32 v8, $0x10  }
0x8fb: {  	v9 =	vld [tilespmem:s1+$0x1DC0];
	v14 =	vadd.s32 v7, v8;
	v8 =	vadd.s32 v4, v13  }
0x8fc: {  	v10 =	vld [tilespmem:s1+$0x1DD0];
	v11 =	vadd.s32 v4, v14;
	_ =	sdelay $0x1  }
0x8fd: {  	v15 =	vld [tilespmem:s1+$0x1DE0]  }
0x8fe: {  	v16 =	vld [tilespmem:s1+$0x1DF0]  }
0x8ff: {  	v12 =	vshra.s32 v9, $0x10;
	v20 =	vand.u32 $0xFFFF, v9;
	v18 =	vld.idx.msk [tilespmem:v8+s19+$0x0], $0xffff  }
0x900: {  	v17 =	vadd.s32 v7, v12;
	v12 =	vshra.s32 v10, $0x10;
	v22 =	vadd.s32 v4, v20;
	v11 =	vld.idx.msk [tilespmem:v11+s26+$0x0], $0xffff  }
0x901: {  	v12 =	vadd.s32 v7, v12;
	v19 =	vadd.s32 v4, v17  }
0x902: {  	v21 =	vadd.s32 v4, v12  }
0x903: {  	s12 =	simm.s32 $0x90;
	v23 =	vadd.s32 v6, v13;
	v8 =	vshra.s32 v15, $0x10  }
0x904: {  	s16 =	simm.s32 $0x40;
	v32 =	vld [tilespmem:s12+$0x1DE0];
	v26 =	vand.u32 $0xFFFF, v10;
	v24 =	vadd.s32 v6, v14;
	v8 =	vadd.s32 v7, v8  }
0x905: {  	s0 =	sand.u32 $0x1FE00, s0;
	s1 =	sand.u32 $0x70, s16;
	v9 =	vshra.s32 v16, $0x10;
	v22 =	vld.idx.msk [tilespmem:v22+s19+$0x0], $0xffff;
	v25 =	vadd.s32 v4, v8;
	v10 =	vadd.f32 v11, v18  }
0x906: {  	s0 =	sor.u32 s1, s0;
	v9 =	vadd.s32 v7, v9;
	v19 =	vld.idx.msk [tilespmem:v19+s26+$0x0], $0xffff;
	v18 =	vadd.s32 v4, v26  }
0x907: {  	v21 =	vld.idx.msk [tilespmem:v21+s26+$0x0], $0xffff;
	v11 =	vand.u32 $0xFFFF, v15;
	v15 =	vadd.s32 v4, v9;
	[tilespmem:s0+$0x14980] =	vst v10  }
0x908: {  	v10 =	vand.u32 $0xFFFF, v16;
	v16 =	vadd.s32 v4, v11;
	v23 =	vld.idx.msk [tilespmem:v23+s19+$0x0], $0xffff  }
0x909: {  	v27 =	vadd.s32 v4, v10;
	v24 =	vld.idx.msk [tilespmem:v24+s26+$0x0], $0xffff  }
0x90a: {  	v28 =	vadd.s32 v6, v20;
	v25 =	vld.idx.msk [tilespmem:v25+s26+$0x0], $0xffff  }
0x90b: {  	s17 =	simm.s32 $0x0;
	s3 =	simm.s32 $0x0;
	v29 =	vadd.s32 v6, v17;
	v18 =	vld.idx.msk [tilespmem:v18+s19+$0x0], $0xffff  }
0x90c: {  	s3 =	sand.u32 $0xFE00, s3;
	s1 =	sand.u32 $0x70, s17;
	v19 =	vadd.f32 v19, v22;
	v22 =	vadd.s32 v5, v13;
	v15 =	vld.idx.msk [tilespmem:v15+s26+$0x0], $0xffff  }
0x90d: {  	s1 =	sor.u32 s1, s3;
	v30 =	vadd.s32 v5, v14;
	v16 =	vld.idx.msk [tilespmem:v16+s19+$0x0], $0xffff  }
0x90e: {  	v31 =	vadd.s32 v6, v26;
	[tilespmem:s1+$0x14980] =	vst v19;
	v27 =	vld.idx.msk [tilespmem:v27+s19+$0x0], $0xffff;
	v19 =	vadd.f32 v24, v23  }
0x90f: {  	s4 =	simm.s32 $0x10;
	s5 =	simm.s32 $0x40;
	s18 =	sadd.s32 $0x14980, s0;
	v23 =	vadd.s32 v6, v12;
	v24 =	vld.idx.msk [tilespmem:v28+s19+$0x0], $0xffff  }
0x910: {  	s22 =	sand.u32 $0x70, s4;
	s23 =	sand.u32 $0x1FE00, s5;
	v28 =	vadd.s32 v6, v11;
	v18 =	vadd.f32 v21, v18;
	v21 =	vld.idx.msk [tilespmem:v29+s26+$0x0], $0xffff;
	[tilespmem:s18+$0x80] =	vst v19  }
0x911: {  	s24 =	simm.s32 $0x20;
	s7 =	simm.s32 $0x80;
	s0 =	sor.u32 s22, s23;
	v19 =	vadd.s32 v6, v8;
	v22 =	vld.idx.msk [tilespmem:v22+s19+$0x0], $0xffff  }
0x912: {  	s25 =	sand.u32 $0x70, s24;
	s28 =	sand.u32 $0x1FE00, s7;
	v29 =	vadd.s32 v6, v10;
	v16 =	vadd.f32 v25, v16;
	[tilespmem:s0+$0x14980] =	vst v18;
	v18 =	vld.idx.msk [tilespmem:v30+s26+$0x0], $0xffff  }
0x913: {  	s31 =	simm.s32 $0x30;
	s8 =	simm.s32 $0xC0;
	s9 =	sor.u32 s25, s28;
	v30 =	vld.idx.msk [tilespmem:v31+s19+$0x0], $0xffff  }
0x914: {  	s7 =	sand.u32 $0x70, s31;
	s10 =	sand.u32 $0x1FE00, s8;
	v25 =	vadd.s32 v6, v9;
	v15 =	vadd.f32 v15, v27;
	[tilespmem:s9+$0x14980] =	vst v16;
	v16 =	vld.idx.msk [tilespmem:v23+s26+$0x0], $0xffff  }
0x915: {  	s8 =	sor.u32 s7, s10;
	v31 =	vadd.s32 v5, v20;
	v27 =	vld.idx.msk [tilespmem:v28+s19+$0x0], $0xffff  }
0x916: {  	v23 =	vadd.s32 v5, v17;
	[tilespmem:s8+$0x14980] =	vst v15;
	v19 =	vld.idx.msk [tilespmem:v19+s26+$0x0], $0xffff  }
0x917: {  	v13 =	vadd.s32 v3, v13;
	v15 =	vadd.f32 v21, v24;
	v21 =	vld.idx.msk [tilespmem:v29+s19+$0x0], $0xffff  }
0x918: {  	s4 =	sadd.s32 $0x14980, s1;
	v14 =	vadd.s32 v3, v14;
	v29 =	vld [tilespmem:s12+$0x1DC0]  }
0x919: {  	v24 =	vadd.s32 v5, v26;
	[tilespmem:s4+$0x80] =	vst v15;
	v15 =	vld.idx.msk [tilespmem:v25+s26+$0x0], $0xffff;
	v18 =	vadd.f32 v18, v22  }
0x91a: {  	v25 =	vld.idx.msk [tilespmem:v31+s19+$0x0], $0xffff  }
0x91b: {  	v22 =	vadd.s32 v5, v12;
	v23 =	vld.idx.msk [tilespmem:v23+s26+$0x0], $0xffff;
	v16 =	vadd.f32 v16, v30;
	[tilespmem:s18+$0x100] =	vst v18  }
0x91c: {  	s5 =	sadd.s32 $0x14980, s0;
	v13 =	vld.idx.msk [tilespmem:v13+s19+$0x0], $0xffff  }
0x91d: {  	v14 =	vld.idx.msk [tilespmem:v14+s26+$0x0], $0xffff;
	[tilespmem:s5+$0x80] =	vst v16  }
0x91e: {  	v30 =	vadd.s32 v5, v10;
	v16 =	vld.idx.msk [tilespmem:v24+s19+$0x0], $0xffff  }
0x91f: {  	v31 =	vadd.s32 v5, v9;
	v19 =	vadd.f32 v19, v27;
	v24 =	vld [tilespmem:s12+$0x1E00]  }
0x920: {  	s7 =	sadd.s32 $0x14980, s9;
	v18 =	vld.idx.msk [tilespmem:v22+s26+$0x0], $0xffff;
	v22 =	vadd.s32 v5, v11;
	v15 =	vadd.f32 v15, v21  }
0x921: {  	s1 =	sadd.s32 $0x14980, s8;
	v28 =	vadd.s32 v5, v8;
	v27 =	vld [tilespmem:s12+$0x1DD0];
	[tilespmem:s7+$0x80] =	vst v19  }
0x922: {  	v20 =	vadd.s32 v3, v20;
	v19 =	vld [tilespmem:s12+$0x1DF0];
	[tilespmem:s1+$0x80] =	vst v15  }
0x923: {  	v17 =	vadd.s32 v3, v17;
	v26 =	vadd.s32 v3, v26;
	v30 =	vld.idx.msk [tilespmem:v30+s19+$0x0], $0xffff  }
0x924: {  	v21 =	vadd.f32 v23, v25;
	v31 =	vld.idx.msk [tilespmem:v31+s26+$0x0], $0xffff;
	v25 =	vand.u32 $0xFFFF, v24;
	v23 =	vshra.s32 v24, $0x10  }
0x925: {  	v22 =	vld.idx.msk [tilespmem:v22+s19+$0x0], $0xffff;
	v24 =	vadd.s32 v7, v23;
	v15 =	vadd.s32 v4, v25  }
0x926: {  	[tilespmem:s4+$0x100] =	vst v21;
	v21 =	vshra.s32 v29, $0x10;
	v16 =	vadd.f32 v18, v16;
	v23 =	vld.idx.msk [tilespmem:v28+s26+$0x0], $0xffff;
	v28 =	vadd.s32 v4, v24  }
0x927: {  	v12 =	vadd.s32 v3, v12;
	v21 =	vadd.s32 v7, v21;
	v20 =	vld.idx.msk [tilespmem:v20+s19+$0x0], $0xffff  }
0x928: {  	v40 =	vand.u32 $0xFFFF, v27;
	v18 =	vshra.s32 v27, $0x10;
	v34 =	vld.idx.msk [tilespmem:v17+s26+$0x0], $0xffff;
	v17 =	vadd.s32 v4, v21;
	[tilespmem:s5+$0x100] =	vst v16  }
0x929: {  	v41 =	vadd.s32 v4, v40;
	v33 =	vadd.s32 v7, v18;
	v18 =	vshra.s32 v32, $0x10;
	v26 =	vld.idx.msk [tilespmem:v26+s19+$0x0], $0xffff  }
0x92a: {  	v35 =	vadd.s32 v7, v18;
	v18 =	vshra.s32 v19, $0x10;
	v36 =	vadd.s32 v4, v33;
	v15 =	vld.idx.msk [tilespmem:v15+s19+$0x0], $0xffff  }
0x92b: {  	v37 =	vadd.s32 v7, v18;
	v16 =	vadd.s32 v4, v35;
	v18 =	vld.idx.msk [tilespmem:v28+s26+$0x0], $0xffff  }
0x92c: {  	v11 =	vadd.s32 v3, v11;
	v12 =	vld.idx.msk [tilespmem:v12+s26+$0x0], $0xffff;
	v28 =	vand.u32 $0xFFFF, v29  }
0x92d: {  	v17 =	vld.idx.msk [tilespmem:v17+s26+$0x0], $0xffff;
	v38 =	vadd.s32 v4, v28  }
0x92e: {  	v39 =	vadd.s32 v6, v25;
	v22 =	vadd.f32 v23, v22;
	v23 =	vld.idx.msk [tilespmem:v41+s19+$0x0], $0xffff  }
0x92f: {  	s13 =	simm.s32 $0x90;
	s0 =	simm.s32 $0x240;
	v55 =	vadd.s32 v6, v24;
	v27 =	vld.idx.msk [tilespmem:v36+s26+$0x0], $0xffff  }
0x930: {  	s14 =	sand.u32 $0x1FE00, s0;
	s8 =	sand.u32 $0x70, s13;
	v32 =	vand.u32 $0xFFFF, v32;
	v29 =	vadd.s32 v4, v37;
	v42 =	vld.idx.msk [tilespmem:v16+s26+$0x0], $0xffff;
	[tilespmem:s7+$0x100] =	vst v22;
	v15 =	vadd.f32 v18, v15  }
0x931: {  	s8 =	sor.u32 s8, s14;
	v43 =	vand.u32 $0xFFFF, v19;
	v16 =	vadd.s32 v4, v32;
	v45 =	vld.idx.msk [tilespmem:v11+s19+$0x0], $0xffff  }
0x932: {  	v13 =	vadd.f32 v14, v13;
	v18 =	vadd.s32 v4, v43;
	v19 =	vld.idx.msk [tilespmem:v38+s19+$0x0], $0xffff;
	[tilespmem:s8+$0x14980] =	vst v15  }
0x933: {  	v15 =	vadd.s32 v3, v8;
	v14 =	vld.idx.msk [tilespmem:v39+s19+$0x0], $0xffff  }
0x934: {  	[tilespmem:s18+$0x180] =	vst v13;
	v8 =	vadd.s32 v3, v9;
	v9 =	vadd.s32 v3, v10;
	v10 =	vld.idx.msk [tilespmem:v55+s26+$0x0], $0xffff  }
0x935: {  	v13 =	vadd.s32 v6, v21;
	v48 =	vadd.s32 v5, v21;
	v58 =	vadd.s32 v6, v28;
	v29 =	vld.idx.msk [tilespmem:v29+s26+$0x0], $0xffff  }
0x936: {  	s15 =	simm.s32 $0x140;
	s3 =	simm.s32 $0x50;
	v49 =	vadd.s32 v6, v43;
	v56 =	vadd.s32 v6, v33;
	v59 =	vld.idx.msk [tilespmem:v16+s19+$0x0], $0xffff;
	v16 =	vadd.f32 v31, v30  }
0x937: {  	s10 =	sand.u32 $0x70, s3;
	s9 =	sand.u32 $0xFE00, s15;
	v46 =	vadd.s32 v5, v24;
	v30 =	vld.idx.msk [tilespmem:v18+s19+$0x0], $0xffff;
	v18 =	vadd.s32 v5, v25;
	v17 =	vadd.f32 v17, v19  }
0x938: {  	s9 =	sor.u32 s10, s9;
	v57 =	vadd.s32 v6, v35;
	v20 =	vadd.f32 v34, v20;
	[tilespmem:s1+$0x100] =	vst v16;
	v47 =	vld.idx.msk [tilespmem:v15+s26+$0x0], $0xffff  }
0x939: {  	v31 =	vadd.s32 v6, v40;
	v9 =	vld.idx.msk [tilespmem:v9+s19+$0x0], $0xffff;
	[tilespmem:s9+$0x14980] =	vst v17;
	v10 =	vadd.f32 v10, v14  }
0x93a: {  	s16 =	simm.s32 $0x60;
	s13 =	sadd.s32 $0x14980, s8;
	s12 =	simm.s32 $0x180;
	v44 =	vadd.s32 v6, v37;
	[tilespmem:s4+$0x180] =	vst v20;
	v12 =	vadd.f32 v12, v26;
	v39 =	vld.idx.msk [tilespmem:v58+s19+$0x0], $0xffff  }
0x93b: {  	s17 =	sand.u32 $0x70, s16;
	s18 =	sand.u32 $0x1FE00, s12;
	v11 =	vadd.s32 v6, v32;
	v14 =	vadd.f32 v27, v23;
	v13 =	vld.idx.msk [tilespmem:v13+s26+$0x0], $0xffff;
	[tilespmem:s13+$0x80] =	vst v10  }
0x93c: {  	s22 =	simm.s32 $0x70;
	s14 =	simm.s32 $0x1C0;
	v20 =	vadd.s32 v3, v40;
	v22 =	vadd.s32 v5, v33;
	[tilespmem:s5+$0x180] =	vst v12;
	s8 =	sor.u32 s17, s18;
	v51 =	vld.idx.msk [tilespmem:v18+s19+$0x0], $0xffff  }
0x93d: {  	s23 =	sand.u32 $0x70, s22;
	s24 =	sand.u32 $0x1FE00, s14;
	v50 =	vadd.s32 v5, v28;
	v27 =	vadd.f32 v42, v59;
	[tilespmem:s8+$0x14980] =	vst v14;
	v60 =	vld.idx.msk [tilespmem:v46+s26+$0x0], $0xffff  }
0x93e: {  	s25 =	simm.s32 $0x80;
	s15 =	simm.s32 $0x200;
	s10 =	sor.u32 s23, s24;
	v12 =	vadd.s32 v3, v32;
	v16 =	vadd.s32 v5, v37;
	v19 =	vadd.s32 v5, v32;
	v61 =	vld.idx.msk [tilespmem:v31+s19+$0x0], $0xffff  }
0x93f: {  	s28 =	sand.u32 $0x70, s25;
	s31 =	sand.u32 $0x1FE00, s15;
	v15 =	vadd.s32 v5, v35;
	v29 =	vadd.f32 v29, v30;
	[tilespmem:s10+$0x14980] =	vst v27;
	v62 =	vld.idx.msk [tilespmem:v56+s26+$0x0], $0xffff  }
0x940: {  	s12 =	sor.u32 s28, s31;
	v23 =	vadd.s32 v5, v40;
	v17 =	vadd.s32 v3, v21;
	v27 =	vld.idx.msk [tilespmem:v11+s19+$0x0], $0xffff;
	v30 =	vadd.f32 v47, v45  }
0x941: {  	v21 =	vadd.s32 v3, v28;
	[tilespmem:s12+$0x14980] =	vst v29;
	v29 =	vld.idx.msk [tilespmem:v57+s26+$0x0], $0xffff;
	v13 =	vadd.f32 v13, v39  }
0x942: {  	s4 =	sadd.s32 $0x14980, s9;
	v14 =	vadd.s32 v3, v33;
	v31 =	vadd.s32 v3, v25;
	v26 =	vld.idx.msk [tilespmem:v49+s19+$0x0], $0xffff;
	[tilespmem:s7+$0x180] =	vst v30  }
0x943: {  	v28 =	vld.idx.msk [tilespmem:v44+s26+$0x0], $0xffff;
	v30 =	vadd.s32 v3, v24;
	[tilespmem:s4+$0x80] =	vst v13;
	v63 =	vadd.f32 v60, v51  }
0x944: {  	v10 =	vadd.s32 v3, v35;
	v18 =	vadd.s32 v5, v43;
	v11 =	vadd.s32 v3, v37;
	v25 =	vld.idx.msk [tilespmem:v50+s19+$0x0], $0xffff  }
0x945: {  	s9 =	sadd.s32 $0x14980, s8;
	s8 =	sadd.s32 $0x14980, s12;
	s7 =	sadd.s32 $0x14980, s10;
	v13 =	vadd.s32 v3, v43;
	v32 =	vadd.f32 v62, v61;
	v24 =	vld.idx.msk [tilespmem:v48+s26+$0x0], $0xffff;
	[tilespmem:s13+$0x100] =	vst v63  }
.LBB2_62:
0x946: {  	s5 =	sadd.s32 $0x60, s3  }
0x947: {  	s10 =	sadd.s32 $0x70, s3;
	v31 =	vld.idx.msk [tilespmem:v31+s19+$0x0], $0xffff;
	s31 =	smov.u32 s3;
	s3 =	sadd.s32 $0x50, s3  }
0x948: {  	v27 =	vadd.f32 v29, v27;
	s12 =	sand.u32 $0x70, s3;
	s5 =	sand.u32 $0x70, s5;
	s14 =	sadd.s32 $0x80, s31;
	[tilespmem:s9+$0x80] =	vst v32;
	v29 =	vld.idx.msk [tilespmem:v30+s26+$0x0], $0xffff  }
0x949: {  	s0 =	sadd.s32 $0x140, s0;
	s10 =	sand.u32 $0x70, s10;
	s15 =	sand.u32 $0x70, s14;
	v23 =	vld.idx.msk [tilespmem:v23+s19+$0x0], $0xffff  }
0x94a: {  	v26 =	vadd.f32 v28, v26;
	s16 =	sshra.s32 s0, $0x2;
	s17 =	sadd.s32 $0xFFFFFF40, s0;
	s14 =	sadd.s32 $0xFFFFFF00, s0;
	v22 =	vld.idx.msk [tilespmem:v22+s26+$0x0], $0xffff;
	[tilespmem:s7+$0x80] =	vst v27  }
0x94b: {  	s18 =	sadd.s32 $0xFFFFFF80, s0;
	s22 =	sadd.s32 $0xFFFFFFC0, s0;
	s14 =	sand.u32 $0xFE00, s14;
	v27 =	vld [tilespmem:s16+$0x1E00]  }
0x94c: {  	v24 =	vadd.f32 v24, v25;
	s17 =	sand.u32 $0x1FE00, s17;
	s18 =	sand.u32 $0x1FE00, s18;
	s22 =	sand.u32 $0x1FE00, s22;
	v28 =	vld [tilespmem:s16+$0x1DC0];
	[tilespmem:s8+$0x80] =	vst v26  }
0x94d: {  	s17 =	sor.u32 s5, s17;
	s12 =	sor.u32 s12, s14;
	s14 =	sor.u32 s10, s18;
	v26 =	vld [tilespmem:s16+$0x1DD0]  }
0x94e: {  	s15 =	sor.u32 s15, s22;
	s25 =	sadd.s32 $0x14980, s17;
	s28 =	sadd.s32 $0x14980, s12;
	v25 =	vadd.f32 v29, v31;
	v30 =	vld [tilespmem:s16+$0x1DE0];
	[tilespmem:s4+$0x100] =	vst v24  }
0x94f: {  	p1 =	slt.u32 s3, $0x26C0;
	s24 =	sadd.s32 $0x14980, s15;
	s5 =	sadd.s32 $0x14980, s14;
	v29 =	vld [tilespmem:s16+$0x1DF0]  }
0x950: {  	v22 =	vadd.f32 v22, v23;
	v24 =	vand.u32 $0xFFFF, v27;
	v27 =	vshra.s32 v27, $0x10;
	v31 =	vld.idx.msk [tilespmem:v19+s19+$0x0], $0xffff;
	[tilespmem:s13+$0x180] =	vst v25  }
0x951: {  	v19 =	vshra.s32 v28, $0x10;
	v25 =	vadd.s32 v7, v27;
	v23 =	vadd.s32 v4, v24;
	v27 =	vld.idx.msk [tilespmem:v15+s26+$0x0], $0xffff  }
0x952: {  	v32 =	vadd.s32 v7, v19;
	v15 =	vshra.s32 v26, $0x10;
	v19 =	vadd.s32 v4, v25;
	[tilespmem:s9+$0x100] =	vst v22;
	v33 =	vld.idx.msk [tilespmem:v18+s19+$0x0], $0xffff  }
0x953: {  	v28 =	vand.u32 $0xFFFF, v28;
	v34 =	vadd.s32 v7, v15;
	v15 =	vshra.s32 v30, $0x10;
	v35 =	vld.idx.msk [tilespmem:v16+s26+$0x0], $0xffff  }
0x954: {  	v26 =	vand.u32 $0xFFFF, v26;
	v36 =	vadd.s32 v7, v15;
	v15 =	vshra.s32 v29, $0x10;
	v37 =	vld.idx.msk [tilespmem:v21+s19+$0x0], $0xffff  }
0x955: {  	v30 =	vand.u32 $0xFFFF, v30;
	v29 =	vand.u32 $0xFFFF, v29;
	v38 =	vadd.s32 v7, v15;
	v39 =	vld.idx.msk [tilespmem:v17+s26+$0x0], $0xffff  }
0x956: {  	v16 =	vadd.s32 v4, v34;
	v15 =	vadd.s32 v4, v32;
	v17 =	vadd.s32 v4, v36;
	v18 =	vld.idx.msk [tilespmem:v23+s19+$0x0], $0xffff  }
0x957: {  	v40 =	vadd.s32 v4, v26;
	v21 =	vadd.s32 v4, v28;
	v41 =	vadd.s32 v4, v38;
	v19 =	vld.idx.msk [tilespmem:v19+s26+$0x0], $0xffff  }
0x958: {  	v42 =	vadd.s32 v6, v32;
	v43 =	vadd.s32 v4, v30;
	v44 =	vadd.s32 v4, v29;
	v45 =	vld.idx.msk [tilespmem:v20+s19+$0x0], $0xffff  }
0x959: {  	v46 =	vadd.s32 v6, v34;
	v47 =	vadd.s32 v6, v36;
	v48 =	vadd.s32 v6, v38;
	v49 =	vld.idx.msk [tilespmem:v14+s26+$0x0], $0xffff  }
0x95a: {  	v50 =	vadd.s32 v6, v28;
	v51 =	vadd.s32 v6, v26;
	v52 =	vadd.s32 v6, v30;
	v53 =	vld.idx.msk [tilespmem:v8+s26+$0x0], $0xffff  }
0x95b: {  	v55 =	vadd.s32 v5, v32;
	v56 =	vadd.s32 v6, v29;
	v20 =	vadd.s32 v6, v24;
	v54 =	vld.idx.msk [tilespmem:v15+s26+$0x0], $0xffff  }
0x95c: {  	s10 =	sadd.s32 $0x90, s31;
	v58 =	vadd.s32 v6, v25;
	v22 =	vadd.s32 v5, v34;
	v15 =	vadd.s32 v5, v36;
	v57 =	vld.idx.msk [tilespmem:v16+s26+$0x0], $0xffff  }
0x95d: {  	s10 =	sand.u32 $0x70, s10;
	s13 =	sand.u32 $0x1FE00, s0;
	v59 =	vadd.s32 v5, v28;
	v16 =	vadd.s32 v5, v38;
	v14 =	vadd.f32 v19, v18;
	v60 =	vld.idx.msk [tilespmem:v17+s26+$0x0], $0xffff  }
0x95e: {  	s10 =	sor.u32 s10, s13;
	v23 =	vadd.s32 v5, v26;
	v19 =	vadd.s32 v5, v30;
	v18 =	vadd.s32 v5, v29;
	v41 =	vld.idx.msk [tilespmem:v41+s26+$0x0], $0xffff  }
0x95f: {  	v27 =	vadd.f32 v27, v31;
	v31 =	vadd.f32 v35, v33;
	v8 =	vmov v11;
	v61 =	vld.idx.msk [tilespmem:v21+s19+$0x0], $0xffff;
	[tilespmem:s10+$0x14980] =	vst v14  }
0x960: {  	v17 =	vadd.s32 v3, v32;
	v32 =	vadd.s32 v3, v36;
	v14 =	vadd.s32 v3, v34;
	v33 =	vld.idx.msk [tilespmem:v20+s19+$0x0], $0xffff  }
0x961: {  	v11 =	vadd.s32 v3, v38;
	v21 =	vadd.s32 v3, v28;
	v28 =	vld.idx.msk [tilespmem:v58+s26+$0x0], $0xffff;
	[tilespmem:s7+$0x100] =	vst v27  }
0x962: {  	v20 =	vadd.s32 v3, v26;
	v26 =	vadd.s32 v3, v30;
	v27 =	vld.idx.msk [tilespmem:v40+s19+$0x0], $0xffff;
	[tilespmem:s8+$0x100] =	vst v31  }
0x963: {  	v29 =	vadd.s32 v3, v29;
	v34 =	vadd.f32 v49, v45;
	v31 =	vadd.f32 v39, v37;
	v30 =	vld.idx.msk [tilespmem:v43+s19+$0x0], $0xffff  }
0x964: {  	v36 =	vadd.f32 v53, v9;
	v35 =	vld.idx.msk [tilespmem:v44+s19+$0x0], $0xffff  }
0x965: {  	v37 =	vadd.s32 v5, v24;
	v9 =	vadd.f32 v54, v61;
	[tilespmem:s4+$0x180] =	vst v31;
	v31 =	vld.idx.msk [tilespmem:v12+s19+$0x0], $0xffff;
	v12 =	vmov v26;
	s4 =	smov.u32 s28  }
0x966: {  	v26 =	vadd.s32 v5, v25;
	[tilespmem:s9+$0x180] =	vst v34;
	v34 =	vld.idx.msk [tilespmem:v10+s26+$0x0], $0xffff;
	v10 =	vmov v32;
	s9 =	smov.u32 s25  }
0x967: {  	v28 =	vadd.f32 v28, v33;
	[tilespmem:s12+$0x14980] =	vst v9;
	v9 =	vld.idx.msk [tilespmem:v13+s19+$0x0], $0xffff;
	v13 =	vmov v29  }
0x968: {  	s13 =	sadd.s32 $0x14980, s10;
	v27 =	vadd.f32 v57, v27;
	v29 =	vld.idx.msk [tilespmem:v50+s19+$0x0], $0xffff;
	[tilespmem:s1+$0x180] =	vst v36;
	s1 =	smov.u32 s8;
	s8 =	smov.u32 s24  }
0x969: {  	v30 =	vadd.f32 v60, v30;
	v32 =	vld.idx.msk [tilespmem:v42+s26+$0x0], $0xffff;
	[tilespmem:s13+$0x80] =	vst v28  }
0x96a: {  	[tilespmem:s17+$0x14980] =	vst v27;
	v27 =	vadd.f32 v41, v35;
	v33 =	vld.idx.msk [tilespmem:v37+s19+$0x0], $0xffff  }
0x96b: {  	[tilespmem:s14+$0x14980] =	vst v30;
	v35 =	vld.idx.msk [tilespmem:v26+s26+$0x0], $0xffff  }
0x96c: {  	v26 =	vadd.f32 v34, v31;
	v36 =	vld.idx.msk [tilespmem:v51+s19+$0x0], $0xffff;
	[tilespmem:s15+$0x14980] =	vst v27  }
0x96d: {  	v34 =	vld.idx.msk [tilespmem:v46+s26+$0x0], $0xffff  }
0x96e: {  	v27 =	vld.idx.msk [tilespmem:v52+s19+$0x0], $0xffff;
	[tilespmem:s7+$0x180] =	vst v26;
	s7 =	smov.u32 s5  }
.Ltmp39:
0x96f: {  	v31 =	vadd.s32 v3, v24;
	v28 =	vadd.f32 v32, v29;
	v29 =	vld.idx.msk [tilespmem:v47+s26+$0x0], $0xffff;
	(pc) =	sbr.rel @p1 .LBB2_62-.Ltmp39, $4  }
0x970: {  	v30 =	vadd.s32 v3, v25;
	v26 =	vld.idx.msk [tilespmem:v56+s19+$0x0], $0xffff  }
0x971: {  	v33 =	vadd.f32 v35, v33;
	[tilespmem:s4+$0x80] =	vst v28;
	v28 =	vld.idx.msk [tilespmem:v48+s26+$0x0], $0xffff  }
0x972: {  	v25 =	vld.idx.msk [tilespmem:v59+s19+$0x0], $0xffff  }
0x973: {  	v32 =	vadd.f32 v34, v36;
	v24 =	vld.idx.msk [tilespmem:v55+s26+$0x0], $0xffff;
	[tilespmem:s13+$0x100] =	vst v33  }
.Ltmp40:
0x974: {  	_ = 	snop;
	(pc) =	sbr.rel .LBB2_63-.Ltmp40, $1  }
0x975: {  	_ =	sdelay $0x3  }
.LBB2_66:
0x976: {  	_ =	sfence.sel $0x180000  }
0x977: {  	[bflag:$0x0] =	sbarrier.arrive $0xFFFF  }
0x978: {  	_ =	strace $0x90000047  }
0x979: {  	s0 =	stileid.u32;
	[bflag:$0x2] =	sbarrier.arrive $0xFFFF  }
0x97a: {  	p0 =	sne.s32 s0, $0x0;
	s0 =	rddreg [dreg:$0x2]  }
0x97b: {  	s0 =	sadd.s32 @!p0 $0x100000, s0  }
0x97c: {  	[sflag:s0] =	ssyncadd.tile.s32 @!p0 $0x1;
	_ =	shalt  }
.Lfunc_end2:
_tile_overlayer_lowered:
.L_overlay_start_2:
0x97d: {  	(tag) =	ssettag $0x2  }
0x97e: {  	s0 =	rddreg [dreg:$0x0];
	s2 =	stileid.u32  }
0x97f: {  	s1 =	rddreg [dreg:$0x1];
	p0 =	sne.s32 s2, $0x0  }
0x980: {  	s3 =	rddreg [dreg:$0x2];
	[bflag:$0x3] =	sbarrier.arrive $0xFFFF;
	s2 =	simm.s32 @!p0 $0x1C03  }
0x981: {  	[timem:s3], [sflag:s2] =	dma.local @!p0 [hbm:s0], s1  }
0x982: {  	s0 =	simm.s32 @!p0 $0x3  }
0x983: {  	_ =	swait.ge @!p0 [sflag:s0], s1  }
0x984: {  	s1 =	ssub.s32 @!p0 $0x0, s1;
	[sflag:s0] =	ssyncset.done @!p0 $0x0  }
0x985: {  	[sflag:s0] =	ssyncadd.s32 @!p0 s1  }
0x986: {  	[bflag:$0x3] =	sbarrier.arrive $0xFFFF  }
0x987: {  	_ =	shalt  }

// kernel: sparse-core-data-format-call.cloned.1.call-start
scs
called_computation_lowered:
.L_overlay_start_0:
0x0: {  	s2 =	sld [smem:$0x3FD9]  }
0x1: {  	s3 =	sld [smem:$0x3FFE];
	_ =	sdelay $0x1  }
0x2: {  	s1 =	srdreg.scid  }
0x3: {  	s0 =	sand.u32 $0x1, s1  }
0x4: {  	s18 =	sshll.u32 s0, $0xA;
	s2 =	sadd.s32 s3, s2  }
0x5: {  	s2 =	sadd.s32 s2, s18  }
0x6: {  	[smem:$0x3FC5] =	sst s2  }
0x7: {  	_ = 	snop  }
0x8: {  	s2 =	sld [smem:$0x3FD0];
	(tm) =	ssettm $0x1  }
0x9: {  	s19 =	sld [smem:$0x3FFB];
	_ =	sdelay $0x3  }
0xa: {  	_ =	strace s19  }
0xb: {  	s3 =	sld [smem:$0x3FFC];
	_ =	sdelay $0x3  }
0xc: {  	_ =	strace s3  }
0xd: {  	s3 =	sld [smem:$0x3FFD];
	_ =	sdelay $0x3  }
0xe: {  	_ =	strace s3  }
0xf: {  	_ =	strace $0x8FFFFFFF  }
0x10: {  	s20 =	sld [smem:$0x3FDB];
	_ =	sdelay $0x1  }
0x11: {  	s4 =	simm.s32 $_scs_section_size  }
0x12: {  	s5 =	simm.s32 $_size__tile_overlayer_lowered;
	s6 =	simm.s32 $_tile_overlayer_lowered  }
0x13: {  	s23 =	simm.s32 $0x1BFF;
	s22 =	sshll.u32 s6, $0x1;
	s3 =	sadd.s32 s4, s20  }
0x14: {  	s7 =	simm.s32 $0x0;
	s21 =	sshll.u32 s5, $0x1;
	s5 =	sadd.s32 s22, s3  }
0x15: {  	[timem:s7], [sflag:s23] =	dma.local [hbm:s5], s21  }
0x16: {  	_ =	swait.ge [sflag:s23], s21  }
0x17: {  	s4 =	ssub.s32 $0x0, s21;
	[sflag:s23] =	ssyncset.done $0x0  }
0x18: {  	[sflag:s23] =	ssyncadd.s32 s4;
	_ =	sdelay $0x1  }
0x19: {  	s24 =	simm.s32 $0x1B8B  }
0x1a: {  	_ =	swait.ge [sflag:s24], $0x1  }
0x1b: {  	[sflag:s24] =	ssyncset.done $0x0  }
0x1c: {  	s26 =	simm.s32 $0x1B8E;
	s25 =	sld [smem:$0x3FFE];
	[sflag:s24] =	ssyncadd.s32 $0xFFFFFFFF  }
0x1d: {  	s27 =	simm.s32 $execute0_lowered;
	[smem:$0x3FD2] =	sst s26  }
0x1e: {  	s5 =	sshll.u32 s27, $0x1;
	_ =	strace $0x80000049;
	[dreg:$0x1] =	wrdreg $0xFFFFFFFF  }
0x1f: {  	s28 =	simm.s32 $_size_execute0_lowered;
	s3 =	sadd.s32 s3, s5;
	[dreg:$0x0] =	wrdreg $0x0  }
0x20: {  	s5 =	sshll.u32 s28, $0x1;
	[dreg:$0x2] =	wrdreg s3  }
0x21: {  	[dreg:$0x3] =	wrdreg s5  }
0x22: {  	[dreg:$0x4] =	wrdreg $0xC0  }
0x23: {  	_ =	task [dreg:s7], $0x5FFFF  }
0x24: {  	[dreg:$0x1] =	wrdreg $0xFFFFFFFF  }
0x25: {  	[dreg:$0x0] =	wrdreg $0x60  }
0x26: {  	[dreg:$0x2] =	wrdreg s25  }
0x27: {  	[dreg:$0x3] =	wrdreg s2  }
0x28: {  	[dreg:$0x4] =	wrdreg $0x9  }
0x29: {  	_ =	task.clear_ibuf [dreg:s7], $0x5FFFF;
	_ =	strace $0x90000049  }
0x2a: {  	s29 =	simm.s32 $0x9;
	_ =	strace $0x8000004B  }
0x2b: {  	_ =	swait.ge [sflag:s29], $0x1  }
0x2c: {  	[sflag:s29] =	ssyncadd.s32 $0xFFFFFFFF  }
0x2d: {  	_ =	strace $0x9000004B  }
0x2e: {  	_ =	sfence  }
0x2f: {  	s30 =	sld [smem:$0x0];
	_ =	sdelay $0x2  }
0x30: {  	s31 =	sshll.u32 s1, $0xD;
	s1 =	sshrl.u32 s1, $0x2  }
0x31: {  	s3 =	sand.u32 $0x4000, s31;
	s1 =	sadd.s32 s1, s30  }
0x32: {  	s0 =	sor.u32 s3, s0;
	s1 =	sshll.u32 s1, $0x11  }
0x33: {  	s0 =	sor.u32 s1, s0  }
0x34: {  	s0 =	sadd.s32 $0x8F2B, s0  }
0x35: {  	[sflag:s0] =	ssyncadd.remote.s32 $0x1  }
0x36: {  	_ =	sfence.sel $0xFFFF  }
0x37: {  	[dreg:$0x0] =	wrdreg $0xFFFFFFFF;
	(pc) =	sbr.abs _section_cstart, $3  }
0x38: {  	[dreg:$0x1] =	wrdreg $0xFFFFFFFF  }
0x39: {  	_ =	task.clear_ibuf [dreg:s7], $0x2FFFF;
	_ =	strace $0x9FFFFFFF  }
0x3a: {  	(tm) =	ssettm $0x7FFFFFFF  }
0x3b: {  	_ =	shalt  }
tec
execute0_lowered:
.L_overlay_start_1:
0x0: {  	(tag) =	ssettag $0x1  }
0x1: {  	s0 =	srdreg.scid  }
0x2: {  	s1 =	sshll.u32 s0, $0x4  }
0x3: {  	s6 =	rddreg [dreg:$0x0];
	s0 =	stileid.u32;
	s1 =	sand.u32 $0x10, s1  }
0x4: {  	s3 =	rddreg [dreg:$0x1];
	s1 =	sor.u32 s0, s1  }
0x5: {  	s5 =	simm.s32 $0x1;
	s31 =	simm.s32 $0x2;
	s2 =	sshll.u32 s1, $0x1  }
0x6: {  	s14 =	simm.s32 $0x0;
	s8 =	simm.s32 $0x2780;
	s4 =	ssub.s32 $0x40, s2  }
0x7: {  	s9 =	simm.s32 $0x0;
	s15 =	simm.s32 $0x0;
	s30 =	sand.u32 $0x3E, s4  }
0x8: {  	s16 =	simm.s32 $0x0;
	s10 =	simm.s32 $0x0;
	p0 =	sne.s32 s30, $0x0  }
.Ltmp0:
0x9: {  	s7 =	sshrl.u32 s4, $0x6;
	s5 =	simm.s32 @!p0 $0x0;
	(pc) =	sbr.rel .LBB1_1-.Ltmp0, $4  }
0xa: {  	s11 =	simm.s32 $0x0;
	s1 =	rddreg [dreg:$0x2];
	s5 =	sadd.s32 s5, s7  }
0xb: {  	_ =	strace $0x8000004A;
	s4 =	simm.s32 $0x1;
	s5 =	smul.u32 $0x4F, s5  }
0xc: {  	s13 =	simm.s32 $0x0;
	s6 =	sadd.s32 $0x1400, s6;
	[sflag:s4] =	ssyncpa.u1 $0x0  }
0xd: {  	s12 =	smov.u32 s2;
	[sflag:s31] =	ssyncpa.u1 $0x0;
	s7 =	sadd.s32 $0x1, s5  }
.LBB1_7:
0xe: {  	s17 =	sadd.s32 $0x80, s10  }
0xf: {  	s14 =	sadd.s32 $0x40, s11;
	s18 =	smov.u32 s11;
	p1 =	sgt.s32 s17, $0x270F  }
0x10: {  	s18 =	smov.u32 @p1 s14  }
0x11: {  	s20 =	smov.u32 s12;
	s14 =	sadd.s32 $0x40, s12;
	p2 =	sgt.s32 s18, $0x3F  }
0x12: {  	s20 =	smov.u32 @p2 s14  }
0x13: {  	s17 =	simm.s32 @p1 $0x0;
	p1 =	sgt.s32 s20, $0x3F  }
0x14: {  	p0 =	slt.u32 s13, $0x2;
	s20 =	smov.u32 @p1 s2;
	p1 =	sne.s32 s13, s7  }
.Ltmp1:
0x15: {  	s19 =	simm.s32 @!p0 $0x2;
	(pc) =	sbr.rel @!p1 .LBB1_8-.Ltmp1, $4  }
0x16: {  	s15 =	smov.u32 s11;
	s16 =	smov.u32 s12;
	_ =	swait.ge @!p0 [sflag:s19], $0x4000  }
0x17: {  	s9 =	sadd.s32 $0x4000, s9;
	[sflag:s19] =	ssyncset.done @!p0 $0x0;
	s18 =	simm.s32 @p2 $0x0  }
0x18: {  	s14 =	smov.u32 s10;
	[sflag:s19] =	ssyncadd.s32 @!p0 $0xFFFFC000;
	s10 =	smov.u32 s17  }
0x19: {  	s11 =	smov.u32 s18;
	s13 =	sadd.s32 $0x1, s13;
	s12 =	smov.u32 s20  }
.LBB1_1:
0x1a: {  	p0 =	sge.u32 s13, s5  }
0x1b: {  	s17 =	sshrl.u32 @!p0 s11, $0x3  }
0x1c: {  	s18 =	sshll.u32 @!p0 s10, $0x3;
	s17 =	smul.u32 @!p0 $0x13C00, s17  }
0x1d: {  	s19 =	sshll.u32 @!p0 s11, $0x7;
	s18 =	sand.u32 @!p0 $0xFFFFFC00, s18  }
0x1e: {  	s17 =	sadd.s32 @!p0 s17, s18;
	s18 =	sand.u32 @!p0 $0x380, s19  }
0x1f: {  	s19 =	sand.u32 @!p0 $0x7F, s10;
	s17 =	sor.u32 @!p0 s18, s17  }
0x20: {  	s18 =	sor.u32 @!p0 s19, s17  }
0x21: {  	s19 =	smulhi.u32 @!p0 $0xCF6474A9, s18  }
0x22: {  	s17 =	smulhi.u32 @!p0 $0xCF6474A9, s17  }
0x23: {  	s19 =	sshrl.u32 @!p0 s19, $0xD  }
0x24: {  	s31 =	sadd.s32 $0xFFFFFFFF, s13;
	s17 =	sshrl.u32 @!p0 s17, $0xD;
	s19 =	smul.u32 @!p0 $0x2780, s19  }
0x25: {  	s20 =	sxor.u32 @!p0 $0xFFFFFFFF, s13;
	s21 =	smul.u32 @!p0 $0x13C00, s12;
	s17 =	sand.u32 @!p0 $0x3F, s17  }
0x26: {  	s20 =	sshll.u32 @!p0 s20, $0xE;
	s17 =	smul.u32 @!p0 $0x4F0, s17;
	s18 =	ssub.s32 @!p0 s18, s19  }
0x27: {  	s19 =	sand.u32 @!p0 $0x4000, s20;
	s20 =	sadd.s32 @!p0 s6, s21;
	s21 =	sand.u32 @!p0 $0x7, s18  }
0x28: {  	s18 =	sshrl.u32 @!p0 s18, $0x3;
	s17 =	sadd.s32 @!p0 s17, s20;
	s20 =	sshll.u32 @!p0 s21, $0x12  }
0x29: {  	s17 =	sadd.s32 @!p0 s18, s17;
	s18 =	sor.u32 @!p0 $0x400, s20;
	s20 =	simm.s32 @!p0 $0x13C00  }
0x2a: {  	[tilespmem:s19], [sflag:$0x1] =	stream.strided.gather @!p0 [hbm4b:s17+s18], $0x4000, s20, s18, $0x38;
	[tilespmem:$0x10000] =	vst v63  }
0x2b: {  	p0 =	sge.u32 s31, s5  }
.Ltmp2:
0x2c: {  	_ = 	snop;
	(pc) =	sbr.rel @p0 .LBB1_7-.Ltmp2, $1  }
0x2d: {  	_ =	sdelay $0x3  }
0x2e: {  	s17 =	sshll.u32 s9, $0x2  }
0x2f: {  	_ =	swait.ge [sflag:s4], $0x4000;
	s18 =	sshll.u32 s13, $0xE;
	s20 =	simm.s32 $0x0  }
0x30: {  	p1 =	por $0x1, $0x1;
	s17 =	sand.u32 $0x10000, s17;
	[sflag:s4] =	ssyncset.done $0x0  }
0x31: {  	s18 =	sand.u32 $0x4000, s18;
	s19 =	sshrl.u32 s17, $0x2;
	[sflag:s4] =	ssyncadd.s32 $0xFFFFC000  }
0x32: {  	s17 =	sor.u32 $0x8000, s18;
	s18 =	sadd.s32 $0x70, s19;
	s19 =	sadd.s32 $0x8040, s19  }
.LBB1_3:
0x33: {  	s20 =	sshll.u32 s20, $0x2  }
0x34: {  	s21 =	sshra.s32 s20, $0x2  }
0x35: {  	s20 =	sadd.s32 s21, s18  }
0x36: {  	v1 =	vmov s20;
	_ =	sdelay $0x3  }
0x37: {  	s20 =	simm.s32 $0x0  }
0x38: {  	s21 =	sadd.s32 s21, s19;
	v7 =	vld.idx.msk [tilespmem:v1+s20+$0x0 ss:$0x1], $0xffff  }
0x39: {  	v0 =	vmov s21;
	v8 =	vld.idx.msk [tilespmem:v1+s20+$0xFFFFFF90 ss:$0x1], $0xffff  }
0x3a: {  	v6 =	vld.idx.msk [tilespmem:v1+s20+$0xFFFFFFA0 ss:$0x1], $0xffff  }
0x3b: {  	v5 =	vld.idx.msk [tilespmem:v1+s20+$0xFFFFFFB0 ss:$0x1], $0xffff  }
0x3c: {  	v4 =	vld.idx.msk [tilespmem:v1+s20+$0xFFFFFFC0 ss:$0x1], $0xffff  }
0x3d: {  	v2 =	vld.idx.msk [tilespmem:v1+s20+$0xFFFFFFD0 ss:$0x1], $0xffff  }
0x3e: {  	v3 =	vld.idx.msk [tilespmem:v1+s20+$0xFFFFFFE0 ss:$0x1], $0xffff;
	[tilespmem:v0+s20+$0x30 ss:$0x1] =	vst.idx.msk $0xffff, v7  }
0x3f: {  	p0 =	por p1, p1;
	s22 =	simm.s32 $0x400;
	s21 =	simm.s32 $0x80;
	[tilespmem:v0+s20+$0xFFFFFFC0 ss:$0x1] =	vst.idx.msk $0xffff, v8;
	v7 =	vld.idx.msk [tilespmem:v1+s20+$0xFFFFFFF0 ss:$0x1], $0xffff  }
.LBB1_4:
0x40: {  	p1 =	sne.s32 s22, $0x7E00;
	v8 =	vld.idx.msk [tilespmem:v1+s21+$0x0 ss:$0x1], $0xffff;
	[tilespmem:v0+s20+$0xFFFFFFD0 ss:$0x1] =	vst.idx.msk $0xffff, v6  }
0x41: {  	v9 =	vld.idx.msk [tilespmem:v1+s21+$0xFFFFFF90 ss:$0x1], $0xffff;
	[tilespmem:v0+s20+$0xFFFFFFE0 ss:$0x1] =	vst.idx.msk $0xffff, v5  }
0x42: {  	v6 =	vld.idx.msk [tilespmem:v1+s21+$0xFFFFFFA0 ss:$0x1], $0xffff;
	[tilespmem:v0+s20+$0xFFFFFFF0 ss:$0x1] =	vst.idx.msk $0xffff, v4  }
.Ltmp3:
0x43: {  	v5 =	vld.idx.msk [tilespmem:v1+s21+$0xFFFFFFB0 ss:$0x1], $0xffff;
	[tilespmem:v0+s20+$0x0 ss:$0x1] =	vst.idx.msk $0xffff, v2;
	(pc) =	sbr.rel @p1 .LBB1_4-.Ltmp3, $4  }
0x44: {  	v4 =	vld.idx.msk [tilespmem:v1+s21+$0xFFFFFFC0 ss:$0x1], $0xffff;
	[tilespmem:v0+s20+$0x10 ss:$0x1] =	vst.idx.msk $0xffff, v3  }
0x45: {  	v2 =	vld.idx.msk [tilespmem:v1+s21+$0xFFFFFFD0 ss:$0x1], $0xffff;
	[tilespmem:v0+s20+$0x20 ss:$0x1] =	vst.idx.msk $0xffff, v7;
	s20 =	smov.u32 s21  }
0x46: {  	v3 =	vld.idx.msk [tilespmem:v1+s20+$0xFFFFFFE0 ss:$0x1], $0xffff;
	[tilespmem:v0+s20+$0x30 ss:$0x1] =	vst.idx.msk $0xffff, v8  }
0x47: {  	s21 =	sshra.s32 s22, $0x2;
	s22 =	sadd.s32 $0x200, s22;
	[tilespmem:v0+s20+$0xFFFFFFC0 ss:$0x1] =	vst.idx.msk $0xffff, v9;
	v7 =	vld.idx.msk [tilespmem:v1+s20+$0xFFFFFFF0 ss:$0x1], $0xffff  }
0x48: {  	_ =	sdelay $0x3  }
0x49: {  	[tilespmem:v0+s20+$0xFFFFFFD0 ss:$0x1] =	vst.idx.msk $0xffff, v6  }
0x4a: {  	v56 =	vld.idx.msk [tilespmem:v1+s21+$0x0 ss:$0x1], $0xffff;
	[tilespmem:v0+s20+$0xFFFFFFE0 ss:$0x1] =	vst.idx.msk $0xffff, v5  }
0x4b: {  	v57 =	vld.idx.msk [tilespmem:v1+s21+$0xFFFFFF90 ss:$0x1], $0xffff;
	[tilespmem:v0+s20+$0xFFFFFFF0 ss:$0x1] =	vst.idx.msk $0xffff, v4  }
0x4c: {  	v58 =	vld.idx.msk [tilespmem:v1+s21+$0xFFFFFFA0 ss:$0x1], $0xffff;
	[tilespmem:v0+s20+$0x0 ss:$0x1] =	vst.idx.msk $0xffff, v2  }
0x4d: {  	v59 =	vld.idx.msk [tilespmem:v1+s21+$0xFFFFFFB0 ss:$0x1], $0xffff;
	[tilespmem:v0+s20+$0x10 ss:$0x1] =	vst.idx.msk $0xffff, v3  }
0x4e: {  	v60 =	vld.idx.msk [tilespmem:v1+s21+$0xFFFFFFC0 ss:$0x1], $0xffff;
	[tilespmem:v0+s20+$0x20 ss:$0x1] =	vst.idx.msk $0xffff, v7  }
0x4f: {  	v61 =	vld.idx.msk [tilespmem:v1+s21+$0xFFFFFFD0 ss:$0x1], $0xffff;
	[tilespmem:v0+s21+$0x30 ss:$0x1] =	vst.idx.msk $0xffff, v56  }
0x50: {  	v62 =	vld.idx.msk [tilespmem:v1+s21+$0xFFFFFFE0 ss:$0x1], $0xffff;
	[tilespmem:v0+s21+$0xFFFFFFC0 ss:$0x1] =	vst.idx.msk $0xffff, v57  }
0x51: {  	v63 =	vld.idx.msk [tilespmem:v1+s21+$0xFFFFFFF0 ss:$0x1], $0xffff;
	[tilespmem:v0+s21+$0xFFFFFFD0 ss:$0x1] =	vst.idx.msk $0xffff, v58  }
.Ltmp4:
0x52: {  	[tilespmem:v0+s21+$0xFFFFFFE0 ss:$0x1] =	vst.idx.msk $0xffff, v59;
	(pc) =	sbr.rel @p0 .LBB1_3-.Ltmp4, $4  }
0x53: {  	[tilespmem:v0+s21+$0xFFFFFFF0 ss:$0x1] =	vst.idx.msk $0xffff, v60  }
0x54: {  	[tilespmem:v0+s21+$0x0 ss:$0x1] =	vst.idx.msk $0xffff, v61  }
0x55: {  	[tilespmem:v0+s21+$0x10 ss:$0x1] =	vst.idx.msk $0xffff, v62  }
0x56: {  	p1 =	por $0x0, $0x0;
	s20 =	simm.s32 $0x2000;
	[tilespmem:v0+s21+$0x20 ss:$0x1] =	vst.idx.msk $0xffff, v63  }
0x57: {  	s18 =	smulhi.u32 $0xCF6474A9, s14;
	_ =	sdelay $0x1  }
0x58: {  	s16 =	smul.u32 $0x13C00, s16;
	s18 =	sshrl.u32 s18, $0xD  }
0x59: {  	s18 =	smul.u32 $0x2780, s18  }
0x5a: {  	s15 =	smul.u32 $0x4F0, s15  }
.Ltmp5:
0x5b: {  	s29 =	ssub.s32 s14, s18;
	(pc) =	sbr.rel .LBB1_7-.Ltmp5, $4  }
0x5c: {  	s16 =	sadd.s32 s3, s16;
	s18 =	sand.u32 $0x7, s29  }
0x5d: {  	s15 =	sadd.s32 s15, s16;
	s14 =	sshrl.u32 s29, $0x3;
	s30 =	sshll.u32 s18, $0x12  }
0x5e: {  	s14 =	sadd.s32 s14, s15;
	s31 =	sor.u32 $0x80, s30  }
0x5f: {  	[hbm4b:s14+s31] =	stream.strided.scatter [tilespmem:s17], [sflag:$0x2], $0x4000, s8, s31, $0x38;
	[tilespmem:$0x10000] =	vst v63  }
.LBB1_8:
0x60: {  	_ =	sfence.sel $0x180000  }
0x61: {  	s2 =	simm.s32 $0x1;
	[bflag:$0x0] =	sbarrier.arrive $0xFFFF  }
0x62: {  	s31 =	simm.s32 $0x2;
	[sflag:s2] =	ssyncpa.u1 $0x1  }
0x63: {  	[sflag:s31] =	ssyncpa.u1 $0x1  }
0x64: {  	p0 =	sne.s32 s0, $0x0;
	_ =	strace $0x9000004A  }
0x65: {  	s0 =	sadd.s32 @!p0 $0x100000, s1;
	[bflag:$0x2] =	sbarrier.arrive $0xFFFF  }
0x66: {  	[sflag:s0] =	ssyncadd.tile.s32 @!p0 $0x1;
	_ =	shalt  }
.Lfunc_end1:
_tile_overlayer_lowered:
.L_overlay_start_2:
0x67: {  	(tag) =	ssettag $0x2  }
0x68: {  	s0 =	rddreg [dreg:$0x0];
	s2 =	stileid.u32  }
0x69: {  	s1 =	rddreg [dreg:$0x1];
	p0 =	sne.s32 s2, $0x0  }
0x6a: {  	s3 =	rddreg [dreg:$0x2];
	[bflag:$0x3] =	sbarrier.arrive $0xFFFF;
	s2 =	simm.s32 @!p0 $0x1C01  }
0x6b: {  	[timem:s3], [sflag:s2] =	dma.local @!p0 [hbm:s0], s1  }
0x6c: {  	s0 =	simm.s32 @!p0 $0x1  }
0x6d: {  	_ =	swait.ge @!p0 [sflag:s0], s1  }
0x6e: {  	s1 =	ssub.s32 @!p0 $0x0, s1;
	[sflag:s0] =	ssyncset.done @!p0 $0x0  }
0x6f: {  	[sflag:s0] =	ssyncadd.s32 @!p0 s1  }
0x70: {  	[bflag:$0x3] =	sbarrier.arrive $0xFFFF  }
0x71: {  	_ =	shalt  }

</sc_bundles>
